<compile_context>
chip_gen: v7x
topology: tpu7x:2x2x1
jax: 0.10.2.dev20260603
libtpu: 0.0.44.dev20260713+nightly
codegen_flags: <defaults>
</compile_context>

<pallas_src>
import functools

import jax
import jax.numpy as jnp
from jax import lax
from jax.experimental import pallas as pl
from jax.experimental.pallas import tpu as pltpu
from jax.experimental.pallas import tpu_sc as plsc

_SC_PARAMS = pltpu.CompilerParams(use_tc_tiling_on_sc=False)

_NC = 2
_NS = 16
_NW = _NC * _NS
_CHUNK = 128
_DEG_W = 16



@functools.lru_cache(maxsize=None)
def _sc_segment_sum(n_pad: int, cpt: int, d: int):
    rpt = n_pad // _NS
    mesh = plsc.VectorSubcoreMesh(core_axis_name="c", subcore_axis_name="s")

    @functools.partial(
        pl.kernel,
        out_type=jax.ShapeDtypeStruct((_NC, n_pad, d), jnp.float32),
        mesh=mesh,
        scratch_types=[
            pltpu.VMEM((cpt, _CHUNK), jnp.int32),
            pltpu.VMEM((cpt, _CHUNK), jnp.int32),
            pltpu.VMEM((8, _CHUNK, d), jnp.float32),
            pltpu.VMEM((64, d), jnp.float32),
            pltpu.VMEM_SHARED((n_pad, d), jnp.float32),
            pltpu.SemaphoreType.DMA((8,)),
        ],
        compiler_params=_SC_PARAMS,
    )
    def kern(g_hbm, ei_hbm, out_hbm,
             src_v, dst_v, rows_v, zero_v, acc_sh, sem_g):
        cid = lax.axis_index("c")
        sid = lax.axis_index("s")
        w = cid * _NS + sid

        pltpu.sync_copy(ei_hbm.at[0, w], src_v)
        pltpu.sync_copy(ei_hbm.at[1, w], dst_v)

        zvec = jnp.zeros((16,), jnp.float32)

        @pl.loop(0, 64)
        def _(r):
            @pl.loop(0, d, step=16)
            def _(c0):
                zero_v[r, pl.ds(c0, 16)] = zvec

        base = sid * rpt

        @pl.loop(0, rpt, step=64)
        def _(r0):
            pltpu.sync_copy(zero_v, acc_sh.at[pl.ds(base + r0, 64)])

        plsc.subcore_barrier()

        for u in range(4):
            pltpu.async_copy(g_hbm.at[src_v.at[u]], rows_v.at[u], sem_g.at[u])

        @pl.loop(0, cpt, step=8)
        def _(k0):
            for u in range(8):
                k = k0 + u
                bn = (u + 4) % 8
                pltpu.make_async_copy(g_hbm.at[src_v.at[k]], rows_v.at[u],
                                      sem_g.at[u]).wait()

                @pl.when(k + 4 < cpt)
                def _():
                    pltpu.async_copy(g_hbm.at[src_v.at[k + 4]], rows_v.at[bn],
                                     sem_g.at[bn])

                pltpu.sync_copy(rows_v.at[u], acc_sh.at[dst_v.at[k]], add=True)

        plsc.subcore_barrier()
        pltpu.sync_copy(acc_sh.at[pl.ds(base, rpt)],
                        out_hbm.at[cid, pl.ds(base, rpt)])

    return kern


def _rsqrt_vec(v):
    i = lax.bitcast_convert_type(v, jnp.int32)
    y = lax.bitcast_convert_type(jnp.int32(0x5F3759DF) - (i >> 1), jnp.float32)
    y = y * (1.5 - 0.5 * v * y * y)
    y = y * (1.5 - 0.5 * v * y * y)
    y = y * (1.5 - 0.5 * v * y * y)
    return y


@functools.lru_cache(maxsize=None)
def _sc_degree_dinv(n_pad: int, cpt: int):
    d = _DEG_W
    rpt = n_pad // _NS
    half = rpt // 2
    mesh = plsc.VectorSubcoreMesh(core_axis_name="c", subcore_axis_name="s")

    @functools.partial(
        pl.kernel,
        out_type=jax.ShapeDtypeStruct((n_pad // 2, 128), jnp.float32),
        mesh=mesh,
        scratch_types=[
            pltpu.VMEM((2 * cpt, _CHUNK), jnp.int32),
            pltpu.VMEM((_CHUNK, d), jnp.float32),
            pltpu.VMEM((64, d), jnp.float32),
            pltpu.VMEM((rpt, d), jnp.float32),
            pltpu.VMEM((half, 128), jnp.float32),
            pltpu.VMEM_SHARED((n_pad, d), jnp.float32),
        ],
        compiler_params=_SC_PARAMS,
    )
    def kern(ei_hbm, out_hbm, dst_v, ones_v, zero_v, deg_v, dinv_v,
             acc_sh):
        cid = lax.axis_index("c")
        sid = lax.axis_index("s")

        @pl.when(cid == 0)
        def _():
            pltpu.sync_copy(ei_hbm.at[1, 2 * sid], dst_v.at[pl.ds(0, cpt)])
            pltpu.sync_copy(ei_hbm.at[1, 2 * sid + 1], dst_v.at[pl.ds(cpt, cpt)])

            zvec = jnp.zeros((16,), jnp.float32)
            ovec = jnp.ones((16,), jnp.float32)

            @pl.loop(0, _CHUNK)
            def _(r):
                ones_v[r, pl.ds(0, 16)] = ovec

            @pl.loop(0, 64)
            def _(r):
                zero_v[r, pl.ds(0, 16)] = zvec

            base = sid * rpt

            @pl.loop(0, rpt, step=64)
            def _(r0):
                pltpu.sync_copy(zero_v, acc_sh.at[pl.ds(base + r0, 64)])

            plsc.subcore_barrier()

            @pl.loop(0, 2 * cpt)
            def _(k):
                pltpu.sync_copy(ones_v, acc_sh.at[dst_v.at[k]], add=True)

            plsc.subcore_barrier()

            pltpu.sync_copy(acc_sh.at[pl.ds(base, rpt)], deg_v)

            @pl.loop(0, half)
            def _(r2):
                ye = _rsqrt_vec(deg_v[2 * r2, pl.ds(0, 16)] + 1.0)
                yo = _rsqrt_vec(deg_v[2 * r2 + 1, pl.ds(0, 16)] + 1.0)
                for q in range(4):
                    dinv_v[r2, pl.ds(16 * q, 16)] = ye
                for q in range(4, 8):
                    dinv_v[r2, pl.ds(16 * q, 16)] = yo

            pltpu.sync_copy(dinv_v, out_hbm.at[pl.ds(sid * half, half)])

    return kern



_MM = dict(preferred_element_type=jnp.float32, precision=lax.Precision.HIGHEST)
_R2 = 1024


def _h1_body(x_ref, w_ref, o_ref):
    o_ref[...] = jnp.dot(x_ref[...], w_ref[...], **_MM)


def _scale_body(h_ref, d_ref, g_ref):
    g_ref[...] = d_ref[...] * h_ref[...]


def _layer_body(p_ref, g_ref, b_ref, w_ref, d_ref, o_ref):
    dinv = d_ref[...]
    s = p_ref[0] + p_ref[1] + g_ref[...]
    o = jnp.maximum(dinv * s + b_ref[...], 0.0)
    o_ref[...] = dinv * jnp.dot(o, w_ref[...], **_MM)


def _final_body(p_ref, g_ref, b_ref, d_ref, o_ref):
    o_ref[...] = d_ref[...] * (p_ref[0] + p_ref[1] + g_ref[...]) + b_ref[...]


def _tc_h1(xpair, W1_bd):
    n2 = xpair.shape[0]
    return pl.pallas_call(
        _h1_body,
        grid=(n2 // _R2,),
        in_specs=[
            pl.BlockSpec((_R2, 256), lambda i: (i, 0)),
            pl.BlockSpec((256, 128), lambda i: (0, 0)),
        ],
        out_specs=pl.BlockSpec((_R2, 128), lambda i: (i, 0)),
        out_shape=jax.ShapeDtypeStruct((n2, 128), jnp.float32),
    )(xpair, W1_bd)


def _tc_scale(hp, d128):
    n2 = hp.shape[0]
    return pl.pallas_call(
        _scale_body,
        grid=(n2 // _R2,),
        in_specs=[
            pl.BlockSpec((_R2, 128), lambda i: (i, 0)),
            pl.BlockSpec((_R2, 128), lambda i: (i, 0)),
        ],
        out_specs=pl.BlockSpec((_R2, 128), lambda i: (i, 0)),
        out_shape=jax.ShapeDtypeStruct((n2, 128), jnp.float32),
    )(hp, d128)


def _tc_layer(p, g, b, W_bd, d128):
    n2 = g.shape[0]
    return pl.pallas_call(
        _layer_body,
        grid=(n2 // _R2,),
        in_specs=[
            pl.BlockSpec((2, _R2, 128), lambda i: (0, i, 0)),
            pl.BlockSpec((_R2, 128), lambda i: (i, 0)),
            pl.BlockSpec((1, 128), lambda i: (0, 0)),
            pl.BlockSpec((128, 128), lambda i: (0, 0)),
            pl.BlockSpec((_R2, 128), lambda i: (i, 0)),
        ],
        out_specs=pl.BlockSpec((_R2, 128), lambda i: (i, 0)),
        out_shape=jax.ShapeDtypeStruct((n2, 128), jnp.float32),
    )(p, g, b, W_bd, d128)


def _tc_final(p, g, b, d128):
    n2 = g.shape[0]
    return pl.pallas_call(
        _final_body,
        grid=(n2 // _R2,),
        in_specs=[
            pl.BlockSpec((2, _R2, 128), lambda i: (0, i, 0)),
            pl.BlockSpec((_R2, 128), lambda i: (i, 0)),
            pl.BlockSpec((1, 128), lambda i: (0, 0)),
            pl.BlockSpec((_R2, 128), lambda i: (i, 0)),
        ],
        out_specs=pl.BlockSpec((_R2, 128), lambda i: (i, 0)),
        out_shape=jax.ShapeDtypeStruct((n2, 128), jnp.float32),
    )(p, g, b, d128)


def _blockdiag(W):
    r, c = W.shape
    return (jnp.zeros((2 * r, 2 * c), jnp.float32)
            .at[:r, :c].set(W).at[r:, c:].set(W))



def kernel(x, edge_index, W1, b1, W2, b2, W3, b3):
    n = x.shape[0]
    e = edge_index.shape[1]
    n_pad = -(-n // 1024) * 1024
    n2 = n_pad // 2
    cpt = -(-e // (_NW * _CHUNK))
    cpt = -(-cpt // 8) * 8
    e_pad = _NW * cpt * _CHUNK

    spare = n_pad - n
    if spare > 0:
        fill = n + jnp.arange(e_pad - e, dtype=jnp.int32) % spare
    else:
        fill = jnp.full((e_pad - e,), n_pad - 1, jnp.int32)
    eip = jnp.concatenate(
        [edge_index.astype(jnp.int32), jnp.broadcast_to(fill, (2, e_pad - e))],
        axis=1).reshape(2, _NW, cpt, _CHUNK)

    xpair = (jnp.zeros((n2, 256), jnp.float32)
             .at[:n // 2].set(x.reshape(n // 2, 256)))
    W1_bd = _blockdiag(W1)
    W2_bd = _blockdiag(W2)
    W3_bd = _blockdiag(jnp.zeros((64, 64), jnp.float32).at[:, :6].set(W3))
    b1_bd = jnp.concatenate([b1, b1]).reshape(1, 128)
    b2_bd = jnp.concatenate([b2, b2]).reshape(1, 128)
    b3p = jnp.zeros((64,), jnp.float32).at[:6].set(b3)
    b3_bd = jnp.concatenate([b3p, b3p]).reshape(1, 128)

    d128 = _sc_degree_dinv(n_pad, cpt)(eip)

    agg = _sc_segment_sum(n_pad, cpt, 64)
    h1p = _tc_h1(xpair, W1_bd)
    g1p = _tc_scale(h1p, d128)
    p1 = agg(g1p.reshape(n_pad, 64), eip)
    g2p = _tc_layer(p1.reshape(2, n2, 128), g1p, b1_bd, W2_bd, d128)
    p2 = agg(g2p.reshape(n_pad, 64), eip)
    g3p = _tc_layer(p2.reshape(2, n2, 128), g2p, b2_bd, W3_bd, d128)
    p3 = agg(g3p.reshape(n_pad, 64), eip)
    outp = _tc_final(p3.reshape(2, n2, 128), g3p, b3_bd, d128)
    out12 = jnp.concatenate([outp[:, :6], outp[:, 64:70]], axis=1)
    return out12.reshape(n_pad, 6)[:n]

# --- scband reference (transcript-rebuilt; emitter-appended) ---
"""Pipeline reference for scband-gcn-26164940767481 (READ-ONLY COPY).

The authoritative reference and input builder live on the scoring server;
editing this copy changes nothing except your own understanding.
"""

import jax, jax.numpy as jnp
import numpy as np

N_NODES = 10000
N_EDGES = 320000


def _gcn_conv(x, edge_index, W, b):
    N = x.shape[0]
    # add self loops (PyG GCNConv default add_self_loops=True)
    loop = jnp.arange(N, dtype=edge_index.dtype)
    src = jnp.concatenate([edge_index[0], loop])
    dst = jnp.concatenate([edge_index[1], loop])
    # linear transform first
    x = x @ W
    # symmetric normalization: deg computed over dst (col) with unit edge weights
    ones = jnp.ones_like(dst, dtype=x.dtype)
    deg = jax.ops.segment_sum(ones, dst, num_segments=N)
    deg_inv_sqrt = jnp.where(deg > 0, jax.lax.rsqrt(deg), 0.0)
    norm = deg_inv_sqrt[src] * deg_inv_sqrt[dst]
    # gather messages from src, scale, scatter-add to dst
    msg = x[src] * norm[:, None]
    out = jax.ops.segment_sum(msg, dst, num_segments=N)
    return out + b


def setup_inputs(seed: int = 0) -> dict:
    key = jax.random.key(seed)
    k_x, k_e, k1, k2, k3 = jax.random.split(key, 5)
    x = jax.random.normal(k_x, (N_NODES, 128), dtype=jnp.float32)
    edge_index = jax.random.randint(k_e, (2, N_EDGES), 0, N_NODES, dtype=jnp.int64)
    # glorot-style init for GCNConv weights, zero bias (PyG default)
    def glorot(k, fan_in, fan_out):
        limit = float(np.sqrt(6.0 / (fan_in + fan_out)))
        return jax.random.uniform(k, (fan_in, fan_out), minval=-limit, maxval=limit, dtype=jnp.float32)
    W1 = glorot(k1, 128, 64)
    b1 = jnp.zeros((64,), dtype=jnp.float32)
    W2 = glorot(k2, 64, 64)
    b2 = jnp.zeros((64,), dtype=jnp.float32)
    W3 = glorot(k3, 64, 6)
    b3 = jnp.zeros((6,), dtype=jnp.float32)
    return {"x": x, "edge_index": edge_index, "W1": W1, "b1": b1, "W2": W2, "b2": b2, "W3": W3, "b3": b3}


def reference(x, edge_index, W1, b1, W2, b2, W3, b3):
    h = _gcn_conv(x, edge_index, W1, b1)
    h = jax.nn.relu(h)
    h = _gcn_conv(h, edge_index, W2, b2)
    h = jax.nn.relu(h)
    h = _gcn_conv(h, edge_index, W3, b3)
    return h

if __name__ == "__main__":
    import jax
    _d = setup_inputs()
    print(jax.jit(kernel)(*tuple(_d.values())))

</pallas_src>

<mosaic_0001>
#map = affine_map<(d0, d1) -> (0, 0)>
#map1 = affine_map<(d0, d1) -> (0, 0, 0, 0)>
#map2 = affine_map<(d0, d1) -> (0, 0, 0)>
module attributes {stable_mosaic.version = 14 : i64} {
  func.func @kern(%arg0: i32, %arg1: i32, %arg2: memref<10240x64xf32, #tpu.memory_space<hbm>>, %arg3: memref<2x32x80x128xi32, #tpu.memory_space<hbm>>, %arg4: memref<2x10240x64xf32, #tpu.memory_space<hbm>>, %arg5: memref<80x128xi32, #tpu.memory_space<vmem>>, %arg6: memref<80x128xi32, #tpu.memory_space<vmem>>, %arg7: memref<8x128x64xf32, #tpu.memory_space<vmem>>, %arg8: memref<64x64xf32, #tpu.memory_space<vmem>>, %arg9: memref<10240x64xf32, #tpu.memory_space<vmem_shared>>, %arg10: memref<8x!tpu.dma_semaphore, #tpu.memory_space<semaphore_mem>>) attributes {dimension_semantics = [#tpu.dimension_semantics<core_parallel>, #tpu.dimension_semantics<subcore_parallel>], iteration_bounds = array<i64: 2, 16>, scalar_prefetch = 0 : i64, scratch_operands = 6 : i64, tpu.core_type = #tpu.core_type<sc_vector_subcore>, window_params = [{transform_indices = #map}, {transform_indices = #map1}, {transform_indices = #map2}]} {
    %mul3A = arith.constant 16 : i32
    %mul3A_0 = arith.muli %arg0, %mul3A : i32
    %add3A = arith.addi %mul3A_0, %arg1 : i32
    %run_scoped3A = arith.constant 0 : i32
    "tpu.region"() ({
      %run_scoped3A_79 = tpu.sem_alloc : memref<!tpu.dma_semaphore, #tpu.memory_space<semaphore_mem>>
      %dma_start3A_80 = arith.constant 0 : i32
      %dma_start3A_81 = arith.constant 0 : i32
      %dma_start3A_82 = tpu.memref_slice %arg3[%run_scoped3A, %add3A, %dma_start3A_80, %dma_start3A_81] : memref<2x32x80x128xi32, #tpu.memory_space<hbm>> -> memref<1x1x80x128xi32, #tpu.memory_space<hbm>>
      %dma_start3A_83 = tpu.memref_squeeze %dma_start3A_82 : memref<1x1x80x128xi32, #tpu.memory_space<hbm>> -> memref<80x128xi32, #tpu.memory_space<hbm>>
      %dma_start3A_84 = arith.constant 0 : i32
      %dma_start3A_85 = arith.constant 0 : i32
      %dma_start3A_86 = tpu.memref_slice %arg3[%run_scoped3A, %add3A, %dma_start3A_84, %dma_start3A_85] : memref<2x32x80x128xi32, #tpu.memory_space<hbm>> -> memref<1x1x80x128xi32, #tpu.memory_space<hbm>>
      %dma_start3A_87 = tpu.memref_squeeze %dma_start3A_86 : memref<1x1x80x128xi32, #tpu.memory_space<hbm>> -> memref<80x128xi32, #tpu.memory_space<hbm>>
      tpu.enqueue_dma source(%dma_start3A_87 : memref<80x128xi32, #tpu.memory_space<hbm>>) target(%arg5 : memref<80x128xi32, #tpu.memory_space<vmem>>) target_semaphore(%run_scoped3A_79 : memref<!tpu.dma_semaphore, #tpu.memory_space<semaphore_mem>>)
      %dma_wait3A = arith.constant 0 : i32
      %dma_wait3A_88 = arith.constant 0 : i32
      %dma_wait3A_89 = tpu.memref_slice %arg3[%run_scoped3A, %add3A, %dma_wait3A, %dma_wait3A_88] : memref<2x32x80x128xi32, #tpu.memory_space<hbm>> -> memref<1x1x80x128xi32, #tpu.memory_space<hbm>>
      %dma_wait3A_90 = tpu.memref_squeeze %dma_wait3A_89 : memref<1x1x80x128xi32, #tpu.memory_space<hbm>> -> memref<80x128xi32, #tpu.memory_space<hbm>>
      %dma_wait3A_91 = arith.constant 0 : i32
      %dma_wait3A_92 = arith.constant 0 : i32
      %dma_wait3A_93 = tpu.memref_slice %arg3[%run_scoped3A, %add3A, %dma_wait3A_91, %dma_wait3A_92] : memref<2x32x80x128xi32, #tpu.memory_space<hbm>> -> memref<1x1x80x128xi32, #tpu.memory_space<hbm>>
      %dma_wait3A_94 = tpu.memref_squeeze %dma_wait3A_93 : memref<1x1x80x128xi32, #tpu.memory_space<hbm>> -> memref<80x128xi32, #tpu.memory_space<hbm>>
      tpu.wait_dma2 semaphore(%run_scoped3A_79 : memref<!tpu.dma_semaphore, #tpu.memory_space<semaphore_mem>>) src(%dma_wait3A_94 : memref<80x128xi32, #tpu.memory_space<hbm>>) dst(%arg5 : memref<80x128xi32, #tpu.memory_space<vmem>>)
      tpu.yield
    }) : () -> ()
    %run_scoped3A_1 = arith.constant 1 : i32
    "tpu.region"() ({
      %run_scoped3A_79 = tpu.sem_alloc : memref<!tpu.dma_semaphore, #tpu.memory_space<semaphore_mem>>
      %dma_start3A_80 = arith.constant 0 : i32
      %dma_start3A_81 = arith.constant 0 : i32
      %dma_start3A_82 = tpu.memref_slice %arg3[%run_scoped3A_1, %add3A, %dma_start3A_80, %dma_start3A_81] : memref<2x32x80x128xi32, #tpu.memory_space<hbm>> -> memref<1x1x80x128xi32, #tpu.memory_space<hbm>>
      %dma_start3A_83 = tpu.memref_squeeze %dma_start3A_82 : memref<1x1x80x128xi32, #tpu.memory_space<hbm>> -> memref<80x128xi32, #tpu.memory_space<hbm>>
      %dma_start3A_84 = arith.constant 0 : i32
      %dma_start3A_85 = arith.constant 0 : i32
      %dma_start3A_86 = tpu.memref_slice %arg3[%run_scoped3A_1, %add3A, %dma_start3A_84, %dma_start3A_85] : memref<2x32x80x128xi32, #tpu.memory_space<hbm>> -> memref<1x1x80x128xi32, #tpu.memory_space<hbm>>
      %dma_start3A_87 = tpu.memref_squeeze %dma_start3A_86 : memref<1x1x80x128xi32, #tpu.memory_space<hbm>> -> memref<80x128xi32, #tpu.memory_space<hbm>>
      tpu.enqueue_dma source(%dma_start3A_87 : memref<80x128xi32, #tpu.memory_space<hbm>>) target(%arg6 : memref<80x128xi32, #tpu.memory_space<vmem>>) target_semaphore(%run_scoped3A_79 : memref<!tpu.dma_semaphore, #tpu.memory_space<semaphore_mem>>)
      %dma_wait3A = arith.constant 0 : i32
      %dma_wait3A_88 = arith.constant 0 : i32
      %dma_wait3A_89 = tpu.memref_slice %arg3[%run_scoped3A_1, %add3A, %dma_wait3A, %dma_wait3A_88] : memref<2x32x80x128xi32, #tpu.memory_space<hbm>> -> memref<1x1x80x128xi32, #tpu.memory_space<hbm>>
      %dma_wait3A_90 = tpu.memref_squeeze %dma_wait3A_89 : memref<1x1x80x128xi32, #tpu.memory_space<hbm>> -> memref<80x128xi32, #tpu.memory_space<hbm>>
      %dma_wait3A_91 = arith.constant 0 : i32
      %dma_wait3A_92 = arith.constant 0 : i32
      %dma_wait3A_93 = tpu.memref_slice %arg3[%run_scoped3A_1, %add3A, %dma_wait3A_91, %dma_wait3A_92] : memref<2x32x80x128xi32, #tpu.memory_space<hbm>> -> memref<1x1x80x128xi32, #tpu.memory_space<hbm>>
      %dma_wait3A_94 = tpu.memref_squeeze %dma_wait3A_93 : memref<1x1x80x128xi32, #tpu.memory_space<hbm>> -> memref<80x128xi32, #tpu.memory_space<hbm>>
      tpu.wait_dma2 semaphore(%run_scoped3A_79 : memref<!tpu.dma_semaphore, #tpu.memory_space<semaphore_mem>>) src(%dma_wait3A_94 : memref<80x128xi32, #tpu.memory_space<hbm>>) dst(%arg6 : memref<80x128xi32, #tpu.memory_space<vmem>>)
      tpu.yield
    }) : () -> ()
    %broadcast_in_dim3A = arith.constant 0.000000e+00 : f32
    %broadcast_in_dim3A_2 = vector.broadcast %broadcast_in_dim3A : f32 to vector<16xf32>
    %scan3A = arith.constant 0 : i32
    %scan3A_3 = arith.constant 64 : i32
    %scan3A_4 = arith.addi %scan3A, %scan3A_3 : i32
    %scan3A_5 = arith.constant 1 : i32
    scf.for %scan3A_79 = %scan3A to %scan3A_4 step %scan3A_5  : i32 {
      %mul3A_80 = arith.constant 1 : i32
      %mul3A_81 = arith.muli %scan3A_79, %mul3A_80 : i32
      %add3A_82 = arith.constant 0 : i32
      %add3A_83 = arith.addi %add3A_82, %mul3A_81 : i32
      %scan3A_84 = arith.constant 0 : i32
      %scan3A_85 = arith.constant 4 : i32
      %scan3A_86 = arith.addi %scan3A_84, %scan3A_85 : i32
      %scan3A_87 = arith.constant 1 : i32
      scf.for %scan3A_89 = %scan3A_84 to %scan3A_86 step %scan3A_87  : i32 {
        %mul3A_90 = arith.constant 16 : i32
        %mul3A_91 = arith.muli %scan3A_89, %mul3A_90 : i32
        %add3A_92 = arith.constant 0 : i32
        %add3A_93 = arith.addi %add3A_92, %mul3A_91 : i32
        %swap3A = arith.index_cast %add3A_83 : i32 to index
        %swap3A_94 = arith.index_cast %add3A_93 : i32 to index
        %swap3A_95 = tpu.vector_load %arg8[%swap3A, %swap3A_94] {strides = array<i32>} : memref<64x64xf32, #tpu.memory_space<vmem>>, vector<1x16xf32>,
        %swap3A_96 = vector.shape_cast %swap3A_95 : vector<1x16xf32> to vector<16xf32>
        %swap3A_97 = vector.shape_cast %broadcast_in_dim3A_2 : vector<16xf32> to vector<1x16xf32>
        tpu.vector_store %arg8[%swap3A, %swap3A_94], %swap3A_97 {strides = array<i32>} : memref<64x64xf32, #tpu.memory_space<vmem>>, vector<1x16xf32>,
      }
      %scan3A_88 = arith.constant 4 : i32
    }
    %scan3A_6 = arith.constant 64 : i32
    %mul3A_7 = arith.constant 640 : i32
    %mul3A_8 = arith.muli %arg1, %mul3A_7 : i32
    %scan3A_9 = arith.constant 0 : i32
    %scan3A_10 = arith.constant 10 : i32
    %scan3A_11 = arith.addi %scan3A_9, %scan3A_10 : i32
    %scan3A_12 = arith.constant 1 : i32
    scf.for %scan3A_79 = %scan3A_9 to %scan3A_11 step %scan3A_12  : i32 {
      %mul3A_80 = arith.constant 64 : i32
      %mul3A_81 = arith.muli %scan3A_79, %mul3A_80 : i32
      %add3A_82 = arith.constant 0 : i32
      %add3A_83 = arith.addi %add3A_82, %mul3A_81 : i32
      %add3A_84 = arith.addi %mul3A_8, %add3A_83 : i32
      "tpu.region"() ({
        %run_scoped3A_85 = tpu.sem_alloc : memref<!tpu.dma_semaphore, #tpu.memory_space<semaphore_mem>>
        %dma_start3A_86 = arith.constant 0 : i32
        %dma_start3A_87 = tpu.memref_slice %arg9[%add3A_84, %dma_start3A_86] : memref<10240x64xf32, #tpu.memory_space<vmem_shared>> -> memref<64x64xf32, #tpu.memory_space<vmem_shared>>
        %dma_start3A_88 = arith.constant 0 : i32
        %dma_start3A_89 = tpu.memref_slice %arg9[%add3A_84, %dma_start3A_88] : memref<10240x64xf32, #tpu.memory_space<vmem_shared>> -> memref<64x64xf32, #tpu.memory_space<vmem_shared>>
        tpu.enqueue_dma source(%arg8 : memref<64x64xf32, #tpu.memory_space<vmem>>) target(%dma_start3A_89 : memref<64x64xf32, #tpu.memory_space<vmem_shared>>) target_semaphore(%run_scoped3A_85 : memref<!tpu.dma_semaphore, #tpu.memory_space<semaphore_mem>>)
        %dma_wait3A = arith.constant 0 : i32
        %dma_wait3A_90 = tpu.memref_slice %arg9[%add3A_84, %dma_wait3A] : memref<10240x64xf32, #tpu.memory_space<vmem_shared>> -> memref<64x64xf32, #tpu.memory_space<vmem_shared>>
        %dma_wait3A_91 = arith.constant 0 : i32
        %dma_wait3A_92 = tpu.memref_slice %arg9[%add3A_84, %dma_wait3A_91] : memref<10240x64xf32, #tpu.memory_space<vmem_shared>> -> memref<64x64xf32, #tpu.memory_space<vmem_shared>>
        tpu.wait_dma2 semaphore(%run_scoped3A_85 : memref<!tpu.dma_semaphore, #tpu.memory_space<semaphore_mem>>) src(%arg8 : memref<64x64xf32, #tpu.memory_space<vmem>>) dst(%dma_wait3A_92 : memref<64x64xf32, #tpu.memory_space<vmem_shared>>)
        tpu.yield
      }) : () -> ()
    }
    %scan3A_13 = arith.constant 10 : i32
    %barrier3A = arith.constant 0 : index
    tpu.barrier barrier_id(%barrier3A)
    %dma_start3A = arith.constant 0 : i32
    %dma_start3A_14 = arith.constant 0 : i32
    %dma_start3A_15 = arith.constant 0 : i32
    %dma_start3A_16 = arith.constant 0 : i32
    %dma_start3A_17 = arith.constant 0 : i32
    %dma_start3A_18 = tpu.memref_slice %arg7[%dma_start3A_14, %dma_start3A_16, %dma_start3A_17] : memref<8x128x64xf32, #tpu.memory_space<vmem>> -> memref<1x128x64xf32, #tpu.memory_space<vmem>>
    %dma_start3A_19 = tpu.memref_squeeze %dma_start3A_18 : memref<1x128x64xf32, #tpu.memory_space<vmem>> -> memref<128x64xf32, #tpu.memory_space<vmem>>
    %dma_start3A_20 = arith.constant 0 : i32
    %dma_start3A_21 = tpu.memref_slice %arg5[%dma_start3A, %dma_start3A_20] : memref<80x128xi32, #tpu.memory_space<vmem>> -> memref<1x128xi32, #tpu.memory_space<vmem>>
    %dma_start3A_22 = tpu.memref_squeeze %dma_start3A_21 : memref<1x128xi32, #tpu.memory_space<vmem>> -> memref<128xi32, #tpu.memory_space<vmem>>
    %dma_start3A_23 = arith.constant 0 : i32
    %dma_start3A_24 = arith.constant 0 : i32
    %dma_start3A_25 = tpu.memref_slice %arg2[%dma_start3A_23, %dma_start3A_24] : memref<10240x64xf32, #tpu.memory_space<hbm>> -> memref<10240x64xf32, #tpu.memory_space<hbm>>
    %dma_start3A_26 = tpu.memref_slice %arg10[%dma_start3A_15] : memref<8x!tpu.dma_semaphore, #tpu.memory_space<semaphore_mem>> -> memref<1x!tpu.dma_semaphore, #tpu.memory_space<semaphore_mem>>
    %dma_start3A_27 = tpu.memref_squeeze %dma_start3A_26 : memref<1x!tpu.dma_semaphore, #tpu.memory_space<semaphore_mem>> -> memref<!tpu.dma_semaphore, #tpu.memory_space<semaphore_mem>>
    tpu.enqueue_indirect_dma source(%dma_start3A_25 : memref<10240x64xf32, #tpu.memory_space<hbm>>) target(%dma_start3A_19 : memref<128x64xf32, #tpu.memory_space<vmem>>) offsets(%dma_start3A_22 : memref<128xi32, #tpu.memory_space<vmem>>) semaphore(%dma_start3A_27 : memref<!tpu.dma_semaphore, #tpu.memory_space<semaphore_mem>>)
    %dma_start3A_28 = arith.constant 1 : i32
    %dma_start3A_29 = arith.constant 1 : i32
    %dma_start3A_30 = arith.constant 1 : i32
    %dma_start3A_31 = arith.constant 0 : i32
    %dma_start3A_32 = arith.constant 0 : i32
    %dma_start3A_33 = tpu.memref_slice %arg7[%dma_start3A_29, %dma_start3A_31, %dma_start3A_32] : memref<8x128x64xf32, #tpu.memory_space<vmem>> -> memref<1x128x64xf32, #tpu.memory_space<vmem>>
    %dma_start3A_34 = tpu.memref_squeeze %dma_start3A_33 : memref<1x128x64xf32, #tpu.memory_space<vmem>> -> memref<128x64xf32, #tpu.memory_space<vmem>>
    %dma_start3A_35 = arith.constant 0 : i32
    %dma_start3A_36 = tpu.memref_slice %arg5[%dma_start3A_28, %dma_start3A_35] : memref<80x128xi32, #tpu.memory_space<vmem>> -> memref<1x128xi32, #tpu.memory_space<vmem>>
    %dma_start3A_37 = tpu.memref_squeeze %dma_start3A_36 : memref<1x128xi32, #tpu.memory_space<vmem>> -> memref<128xi32, #tpu.memory_space<vmem>>
    %dma_start3A_38 = arith.constant 0 : i32
    %dma_start3A_39 = arith.constant 0 : i32
    %dma_start3A_40 = tpu.memref_slice %arg2[%dma_start3A_38, %dma_start3A_39] : memref<10240x64xf32, #tpu.memory_space<hbm>> -> memref<10240x64xf32, #tpu.memory_space<hbm>>
    %dma_start3A_41 = tpu.memref_slice %arg10[%dma_start3A_30] : memref<8x!tpu.dma_semaphore, #tpu.memory_space<semaphore_mem>> -> memref<1x!tpu.dma_semaphore, #tpu.memory_space<semaphore_mem>>
    %dma_start3A_42 = tpu.memref_squeeze %dma_start3A_41 : memref<1x!tpu.dma_semaphore, #tpu.memory_space<semaphore_mem>> -> memref<!tpu.dma_semaphore, #tpu.memory_space<semaphore_mem>>
    tpu.enqueue_indirect_dma source(%dma_start3A_40 : memref<10240x64xf32, #tpu.memory_space<hbm>>) target(%dma_start3A_34 : memref<128x64xf32, #tpu.memory_space<vmem>>) offsets(%dma_start3A_37 : memref<128xi32, #tpu.memory_space<vmem>>) semaphore(%dma_start3A_42 : memref<!tpu.dma_semaphore, #tpu.memory_space<semaphore_mem>>)
    %dma_start3A_43 = arith.constant 2 : i32
    %dma_start3A_44 = arith.constant 2 : i32
    %dma_start3A_45 = arith.constant 2 : i32
    %dma_start3A_46 = arith.constant 0 : i32
    %dma_start3A_47 = arith.constant 0 : i32
    %dma_start3A_48 = tpu.memref_slice %arg7[%dma_start3A_44, %dma_start3A_46, %dma_start3A_47] : memref<8x128x64xf32, #tpu.memory_space<vmem>> -> memref<1x128x64xf32, #tpu.memory_space<vmem>>
    %dma_start3A_49 = tpu.memref_squeeze %dma_start3A_48 : memref<1x128x64xf32, #tpu.memory_space<vmem>> -> memref<128x64xf32, #tpu.memory_space<vmem>>
    %dma_start3A_50 = arith.constant 0 : i32
    %dma_start3A_51 = tpu.memref_slice %arg5[%dma_start3A_43, %dma_start3A_50] : memref<80x128xi32, #tpu.memory_space<vmem>> -> memref<1x128xi32, #tpu.memory_space<vmem>>
    %dma_start3A_52 = tpu.memref_squeeze %dma_start3A_51 : memref<1x128xi32, #tpu.memory_space<vmem>> -> memref<128xi32, #tpu.memory_space<vmem>>
    %dma_start3A_53 = arith.constant 0 : i32
    %dma_start3A_54 = arith.constant 0 : i32
    %dma_start3A_55 = tpu.memref_slice %arg2[%dma_start3A_53, %dma_start3A_54] : memref<10240x64xf32, #tpu.memory_space<hbm>> -> memref<10240x64xf32, #tpu.memory_space<hbm>>
    %dma_start3A_56 = tpu.memref_slice %arg10[%dma_start3A_45] : memref<8x!tpu.dma_semaphore, #tpu.memory_space<semaphore_mem>> -> memref<1x!tpu.dma_semaphore, #tpu.memory_space<semaphore_mem>>
    %dma_start3A_57 = tpu.memref_squeeze %dma_start3A_56 : memref<1x!tpu.dma_semaphore, #tpu.memory_space<semaphore_mem>> -> memref<!tpu.dma_semaphore, #tpu.memory_space<semaphore_mem>>
    tpu.enqueue_indirect_dma source(%dma_start3A_55 : memref<10240x64xf32, #tpu.memory_space<hbm>>) target(%dma_start3A_49 : memref<128x64xf32, #tpu.memory_space<vmem>>) offsets(%dma_start3A_52 : memref<128xi32, #tpu.memory_space<vmem>>) semaphore(%dma_start3A_57 : memref<!tpu.dma_semaphore, #tpu.memory_space<semaphore_mem>>)
    %dma_start3A_58 = arith.constant 3 : i32
    %dma_start3A_59 = arith.constant 3 : i32
    %dma_start3A_60 = arith.constant 3 : i32
    %dma_start3A_61 = arith.constant 0 : i32
    %dma_start3A_62 = arith.constant 0 : i32
    %dma_start3A_63 = tpu.memref_slice %arg7[%dma_start3A_59, %dma_start3A_61, %dma_start3A_62] : memref<8x128x64xf32, #tpu.memory_space<vmem>> -> memref<1x128x64xf32, #tpu.memory_space<vmem>>
    %dma_start3A_64 = tpu.memref_squeeze %dma_start3A_63 : memref<1x128x64xf32, #tpu.memory_space<vmem>> -> memref<128x64xf32, #tpu.memory_space<vmem>>
    %dma_start3A_65 = arith.constant 0 : i32
    %dma_start3A_66 = tpu.memref_slice %arg5[%dma_start3A_58, %dma_start3A_65] : memref<80x128xi32, #tpu.memory_space<vmem>> -> memref<1x128xi32, #tpu.memory_space<vmem>>
    %dma_start3A_67 = tpu.memref_squeeze %dma_start3A_66 : memref<1x128xi32, #tpu.memory_space<vmem>> -> memref<128xi32, #tpu.memory_space<vmem>>
    %dma_start3A_68 = arith.constant 0 : i32
    %dma_start3A_69 = arith.constant 0 : i32
    %dma_start3A_70 = tpu.memref_slice %arg2[%dma_start3A_68, %dma_start3A_69] : memref<10240x64xf32, #tpu.memory_space<hbm>> -> memref<10240x64xf32, #tpu.memory_space<hbm>>
    %dma_start3A_71 = tpu.memref_slice %arg10[%dma_start3A_60] : memref<8x!tpu.dma_semaphore, #tpu.memory_space<semaphore_mem>> -> memref<1x!tpu.dma_semaphore, #tpu.memory_space<semaphore_mem>>
    %dma_start3A_72 = tpu.memref_squeeze %dma_start3A_71 : memref<1x!tpu.dma_semaphore, #tpu.memory_space<semaphore_mem>> -> memref<!tpu.dma_semaphore, #tpu.memory_space<semaphore_mem>>
    tpu.enqueue_indirect_dma source(%dma_start3A_70 : memref<10240x64xf32, #tpu.memory_space<hbm>>) target(%dma_start3A_64 : memref<128x64xf32, #tpu.memory_space<vmem>>) offsets(%dma_start3A_67 : memref<128xi32, #tpu.memory_space<vmem>>) semaphore(%dma_start3A_72 : memref<!tpu.dma_semaphore, #tpu.memory_space<semaphore_mem>>)
    %scan3A_73 = arith.constant 0 : i32
    %scan3A_74 = arith.constant 10 : i32
    %scan3A_75 = arith.addi %scan3A_73, %scan3A_74 : i32
    %scan3A_76 = arith.constant 1 : i32
    scf.for %scan3A_79 = %scan3A_73 to %scan3A_75 step %scan3A_76  : i32 {
      %mul3A_80 = arith.constant 8 : i32
      %mul3A_81 = arith.muli %scan3A_79, %mul3A_80 : i32
      %add3A_82 = arith.constant 0 : i32
      %add3A_83 = arith.addi %add3A_82, %mul3A_81 : i32
      %add3A_84 = arith.constant 0 : i32
      %add3A_85 = arith.addi %add3A_83, %add3A_84 : i32
      %dma_wait3A = arith.constant 0 : i32
      %dma_wait3A_86 = arith.constant 0 : i32
      %dma_wait3A_87 = arith.constant 0 : i32
      %dma_wait3A_88 = arith.constant 0 : i32
      %dma_wait3A_89 = tpu.memref_slice %arg7[%dma_wait3A, %dma_wait3A_87, %dma_wait3A_88] : memref<8x128x64xf32, #tpu.memory_space<vmem>> -> memref<1x128x64xf32, #tpu.memory_space<vmem>>
      %dma_wait3A_90 = tpu.memref_squeeze %dma_wait3A_89 : memref<1x128x64xf32, #tpu.memory_space<vmem>> -> memref<128x64xf32, #tpu.memory_space<vmem>>
      %dma_wait3A_91 = arith.constant 0 : i32
      %dma_wait3A_92 = tpu.memref_slice %arg5[%add3A_85, %dma_wait3A_91] : memref<80x128xi32, #tpu.memory_space<vmem>> -> memref<1x128xi32, #tpu.memory_space<vmem>>
      %dma_wait3A_93 = tpu.memref_squeeze %dma_wait3A_92 : memref<1x128xi32, #tpu.memory_space<vmem>> -> memref<128xi32, #tpu.memory_space<vmem>>
      %dma_wait3A_94 = arith.constant 0 : i32
      %dma_wait3A_95 = arith.constant 0 : i32
      %dma_wait3A_96 = tpu.memref_slice %arg2[%dma_wait3A_94, %dma_wait3A_95] : memref<10240x64xf32, #tpu.memory_space<hbm>> -> memref<10240x64xf32, #tpu.memory_space<hbm>>
      %dma_wait3A_97 = tpu.memref_slice %arg10[%dma_wait3A_86] : memref<8x!tpu.dma_semaphore, #tpu.memory_space<semaphore_mem>> -> memref<1x!tpu.dma_semaphore, #tpu.memory_space<semaphore_mem>>
      %dma_wait3A_98 = tpu.memref_squeeze %dma_wait3A_97 : memref<1x!tpu.dma_semaphore, #tpu.memory_space<semaphore_mem>> -> memref<!tpu.dma_semaphore, #tpu.memory_space<semaphore_mem>>
      tpu.wait_indirect_dma semaphore(%dma_wait3A_98 : memref<!tpu.dma_semaphore, #tpu.memory_space<semaphore_mem>>) src(%dma_wait3A_96 : memref<10240x64xf32, #tpu.memory_space<hbm>>) dst(%dma_wait3A_90 : memref<128x64xf32, #tpu.memory_space<vmem>>)
      %add3A_99 = arith.constant 4 : i32
      %add3A_100 = arith.addi %add3A_85, %add3A_99 : i32
      %lt3A = arith.constant 80 : i32
      %lt3A_101 = arith.cmpi slt, %add3A_100, %lt3A : i32
      %convert_element_type3A = arith.extui %lt3A_101 : i1 to i32
      %cond3A = arith.constant 0 : i32
      %cond3A_102 = arith.cmpi ne, %convert_element_type3A, %cond3A : i32
      scf.if %cond3A_102 {
        %add3A_272 = arith.constant 4 : i32
        %add3A_273 = arith.addi %add3A_85, %add3A_272 : i32
        %dma_start3A_274 = arith.constant 4 : i32
        %dma_start3A_275 = arith.constant 4 : i32
        %dma_start3A_276 = arith.constant 0 : i32
        %dma_start3A_277 = arith.constant 0 : i32
        %dma_start3A_278 = tpu.memref_slice %arg7[%dma_start3A_274, %dma_start3A_276, %dma_start3A_277] : memref<8x128x64xf32, #tpu.memory_space<vmem>> -> memref<1x128x64xf32, #tpu.memory_space<vmem>>
        %dma_start3A_279 = tpu.memref_squeeze %dma_start3A_278 : memref<1x128x64xf32, #tpu.memory_space<vmem>> -> memref<128x64xf32, #tpu.memory_space<vmem>>
        %dma_start3A_280 = arith.constant 0 : i32
        %dma_start3A_281 = tpu.memref_slice %arg5[%add3A_273, %dma_start3A_280] : memref<80x128xi32, #tpu.memory_space<vmem>> -> memref<1x128xi32, #tpu.memory_space<vmem>>
        %dma_start3A_282 = tpu.memref_squeeze %dma_start3A_281 : memref<1x128xi32, #tpu.memory_space<vmem>> -> memref<128xi32, #tpu.memory_space<vmem>>
        %dma_start3A_283 = arith.constant 0 : i32
        %dma_start3A_284 = arith.constant 0 : i32
        %dma_start3A_285 = tpu.memref_slice %arg2[%dma_start3A_283, %dma_start3A_284] : memref<10240x64xf32, #tpu.memory_space<hbm>> -> memref<10240x64xf32, #tpu.memory_space<hbm>>
        %dma_start3A_286 = tpu.memref_slice %arg10[%dma_start3A_275] : memref<8x!tpu.dma_semaphore, #tpu.memory_space<semaphore_mem>> -> memref<1x!tpu.dma_semaphore, #tpu.memory_space<semaphore_mem>>
        %dma_start3A_287 = tpu.memref_squeeze %dma_start3A_286 : memref<1x!tpu.dma_semaphore, #tpu.memory_space<semaphore_mem>> -> memref<!tpu.dma_semaphore, #tpu.memory_space<semaphore_mem>>
        tpu.enqueue_indirect_dma source(%dma_start3A_285 : memref<10240x64xf32, #tpu.memory_space<hbm>>) target(%dma_start3A_279 : memref<128x64xf32, #tpu.memory_space<vmem>>) offsets(%dma_start3A_282 : memref<128xi32, #tpu.memory_space<vmem>>) semaphore(%dma_start3A_287 : memref<!tpu.dma_semaphore, #tpu.memory_space<semaphore_mem>>)
      } else {
      }
      %run_scoped3A_103 = arith.constant 0 : i32
      "tpu.region"() ({
        %run_scoped3A_272 = tpu.sem_alloc : memref<!tpu.dma_semaphore, #tpu.memory_space<semaphore_mem>>
        %dma_start3A_273 = arith.constant 0 : i32
        %dma_start3A_274 = arith.constant 0 : i32
        %dma_start3A_275 = tpu.memref_slice %arg7[%run_scoped3A_103, %dma_start3A_273, %dma_start3A_274] : memref<8x128x64xf32, #tpu.memory_space<vmem>> -> memref<1x128x64xf32, #tpu.memory_space<vmem>>
        %dma_start3A_276 = tpu.memref_squeeze %dma_start3A_275 : memref<1x128x64xf32, #tpu.memory_space<vmem>> -> memref<128x64xf32, #tpu.memory_space<vmem>>
        %dma_start3A_277 = arith.constant 0 : i32
        %dma_start3A_278 = tpu.memref_slice %arg6[%add3A_85, %dma_start3A_277] : memref<80x128xi32, #tpu.memory_space<vmem>> -> memref<1x128xi32, #tpu.memory_space<vmem>>
        %dma_start3A_279 = tpu.memref_squeeze %dma_start3A_278 : memref<1x128xi32, #tpu.memory_space<vmem>> -> memref<128xi32, #tpu.memory_space<vmem>>
        %dma_start3A_280 = arith.constant 0 : i32
        %dma_start3A_281 = arith.constant 0 : i32
        %dma_start3A_282 = tpu.memref_slice %arg9[%dma_start3A_280, %dma_start3A_281] : memref<10240x64xf32, #tpu.memory_space<vmem_shared>> -> memref<10240x64xf32, #tpu.memory_space<vmem_shared>>
        tpu.enqueue_indirect_dma source(%dma_start3A_276 : memref<128x64xf32, #tpu.memory_space<vmem>>) target(%dma_start3A_282 : memref<10240x64xf32, #tpu.memory_space<vmem_shared>>) offsets(%dma_start3A_279 : memref<128xi32, #tpu.memory_space<vmem>>) semaphore(%run_scoped3A_272 : memref<!tpu.dma_semaphore, #tpu.memory_space<semaphore_mem>>) {add = true}
        %dma_wait3A_283 = arith.constant 0 : i32
        %dma_wait3A_284 = arith.constant 0 : i32
        %dma_wait3A_285 = tpu.memref_slice %arg7[%run_scoped3A_103, %dma_wait3A_283, %dma_wait3A_284] : memref<8x128x64xf32, #tpu.memory_space<vmem>> -> memref<1x128x64xf32, #tpu.memory_space<vmem>>
        %dma_wait3A_286 = tpu.memref_squeeze %dma_wait3A_285 : memref<1x128x64xf32, #tpu.memory_space<vmem>> -> memref<128x64xf32, #tpu.memory_space<vmem>>
        %dma_wait3A_287 = arith.constant 0 : i32
        %dma_wait3A_288 = tpu.memref_slice %arg6[%add3A_85, %dma_wait3A_287] : memref<80x128xi32, #tpu.memory_space<vmem>> -> memref<1x128xi32, #tpu.memory_space<vmem>>
        %dma_wait3A_289 = tpu.memref_squeeze %dma_wait3A_288 : memref<1x128xi32, #tpu.memory_space<vmem>> -> memref<128xi32, #tpu.memory_space<vmem>>
        %dma_wait3A_290 = arith.constant 0 : i32
        %dma_wait3A_291 = arith.constant 0 : i32
        %dma_wait3A_292 = tpu.memref_slice %arg9[%dma_wait3A_290, %dma_wait3A_291] : memref<10240x64xf32, #tpu.memory_space<vmem_shared>> -> memref<10240x64xf32, #tpu.memory_space<vmem_shared>>
        tpu.wait_indirect_dma semaphore(%run_scoped3A_272 : memref<!tpu.dma_semaphore, #tpu.memory_space<semaphore_mem>>) src(%dma_wait3A_286 : memref<128x64xf32, #tpu.memory_space<vmem>>) dst(%dma_wait3A_292 : memref<10240x64xf32, #tpu.memory_space<vmem_shared>>)
        tpu.yield
      }) : () -> ()
      %add3A_104 = arith.constant 1 : i32
      %add3A_105 = arith.addi %add3A_83, %add3A_104 : i32
      %dma_wait3A_106 = arith.constant 1 : i32
      %dma_wait3A_107 = arith.constant 1 : i32
      %dma_wait3A_108 = arith.constant 0 : i32
      %dma_wait3A_109 = arith.constant 0 : i32
      %dma_wait3A_110 = tpu.memref_slice %arg7[%dma_wait3A_106, %dma_wait3A_108, %dma_wait3A_109] : memref<8x128x64xf32, #tpu.memory_space<vmem>> -> memref<1x128x64xf32, #tpu.memory_space<vmem>>
      %dma_wait3A_111 = tpu.memref_squeeze %dma_wait3A_110 : memref<1x128x64xf32, #tpu.memory_space<vmem>> -> memref<128x64xf32, #tpu.memory_space<vmem>>
      %dma_wait3A_112 = arith.constant 0 : i32
      %dma_wait3A_113 = tpu.memref_slice %arg5[%add3A_105, %dma_wait3A_112] : memref<80x128xi32, #tpu.memory_space<vmem>> -> memref<1x128xi32, #tpu.memory_space<vmem>>
      %dma_wait3A_114 = tpu.memref_squeeze %dma_wait3A_113 : memref<1x128xi32, #tpu.memory_space<vmem>> -> memref<128xi32, #tpu.memory_space<vmem>>
      %dma_wait3A_115 = arith.constant 0 : i32
      %dma_wait3A_116 = arith.constant 0 : i32
      %dma_wait3A_117 = tpu.memref_slice %arg2[%dma_wait3A_115, %dma_wait3A_116] : memref<10240x64xf32, #tpu.memory_space<hbm>> -> memref<10240x64xf32, #tpu.memory_space<hbm>>
      %dma_wait3A_118 = tpu.memref_slice %arg10[%dma_wait3A_107] : memref<8x!tpu.dma_semaphore, #tpu.memory_space<semaphore_mem>> -> memref<1x!tpu.dma_semaphore, #tpu.memory_space<semaphore_mem>>
      %dma_wait3A_119 = tpu.memref_squeeze %dma_wait3A_118 : memref<1x!tpu.dma_semaphore, #tpu.memory_space<semaphore_mem>> -> memref<!tpu.dma_semaphore, #tpu.memory_space<semaphore_mem>>
      tpu.wait_indirect_dma semaphore(%dma_wait3A_119 : memref<!tpu.dma_semaphore, #tpu.memory_space<semaphore_mem>>) src(%dma_wait3A_117 : memref<10240x64xf32, #tpu.memory_space<hbm>>) dst(%dma_wait3A_111 : memref<128x64xf32, #tpu.memory_space<vmem>>)
      %add3A_120 = arith.constant 4 : i32
      %add3A_121 = arith.addi %add3A_105, %add3A_120 : i32
      %lt3A_122 = arith.constant 80 : i32
      %lt3A_123 = arith.cmpi slt, %add3A_121, %lt3A_122 : i32
      %convert_element_type3A_124 = arith.extui %lt3A_123 : i1 to i32
      %cond3A_125 = arith.constant 0 : i32
      %cond3A_126 = arith.cmpi ne, %convert_element_type3A_124, %cond3A_125 : i32
      scf.if %cond3A_126 {
        %add3A_272 = arith.constant 4 : i32
        %add3A_273 = arith.addi %add3A_105, %add3A_272 : i32
        %dma_start3A_274 = arith.constant 5 : i32
        %dma_start3A_275 = arith.constant 5 : i32
        %dma_start3A_276 = arith.constant 0 : i32
        %dma_start3A_277 = arith.constant 0 : i32
        %dma_start3A_278 = tpu.memref_slice %arg7[%dma_start3A_274, %dma_start3A_276, %dma_start3A_277] : memref<8x128x64xf32, #tpu.memory_space<vmem>> -> memref<1x128x64xf32, #tpu.memory_space<vmem>>
        %dma_start3A_279 = tpu.memref_squeeze %dma_start3A_278 : memref<1x128x64xf32, #tpu.memory_space<vmem>> -> memref<128x64xf32, #tpu.memory_space<vmem>>
        %dma_start3A_280 = arith.constant 0 : i32
        %dma_start3A_281 = tpu.memref_slice %arg5[%add3A_273, %dma_start3A_280] : memref<80x128xi32, #tpu.memory_space<vmem>> -> memref<1x128xi32, #tpu.memory_space<vmem>>
        %dma_start3A_282 = tpu.memref_squeeze %dma_start3A_281 : memref<1x128xi32, #tpu.memory_space<vmem>> -> memref<128xi32, #tpu.memory_space<vmem>>
        %dma_start3A_283 = arith.constant 0 : i32
        %dma_start3A_284 = arith.constant 0 : i32
        %dma_start3A_285 = tpu.memref_slice %arg2[%dma_start3A_283, %dma_start3A_284] : memref<10240x64xf32, #tpu.memory_space<hbm>> -> memref<10240x64xf32, #tpu.memory_space<hbm>>
        %dma_start3A_286 = tpu.memref_slice %arg10[%dma_start3A_275] : memref<8x!tpu.dma_semaphore, #tpu.memory_space<semaphore_mem>> -> memref<1x!tpu.dma_semaphore, #tpu.memory_space<semaphore_mem>>
        %dma_start3A_287 = tpu.memref_squeeze %dma_start3A_286 : memref<1x!tpu.dma_semaphore, #tpu.memory_space<semaphore_mem>> -> memref<!tpu.dma_semaphore, #tpu.memory_space<semaphore_mem>>
        tpu.enqueue_indirect_dma source(%dma_start3A_285 : memref<10240x64xf32, #tpu.memory_space<hbm>>) target(%dma_start3A_279 : memref<128x64xf32, #tpu.memory_space<vmem>>) offsets(%dma_start3A_282 : memref<128xi32, #tpu.memory_space<vmem>>) semaphore(%dma_start3A_287 : memref<!tpu.dma_semaphore, #tpu.memory_space<semaphore_mem>>)
      } else {
      }
      %run_scoped3A_127 = arith.constant 1 : i32
      "tpu.region"() ({
        %run_scoped3A_272 = tpu.sem_alloc : memref<!tpu.dma_semaphore, #tpu.memory_space<semaphore_mem>>
        %dma_start3A_273 = arith.constant 0 : i32
        %dma_start3A_274 = arith.constant 0 : i32
        %dma_start3A_275 = tpu.memref_slice %arg7[%run_scoped3A_127, %dma_start3A_273, %dma_start3A_274] : memref<8x128x64xf32, #tpu.memory_space<vmem>> -> memref<1x128x64xf32, #tpu.memory_space<vmem>>
        %dma_start3A_276 = tpu.memref_squeeze %dma_start3A_275 : memref<1x128x64xf32, #tpu.memory_space<vmem>> -> memref<128x64xf32, #tpu.memory_space<vmem>>
        %dma_start3A_277 = arith.constant 0 : i32
        %dma_start3A_278 = tpu.memref_slice %arg6[%add3A_105, %dma_start3A_277] : memref<80x128xi32, #tpu.memory_space<vmem>> -> memref<1x128xi32, #tpu.memory_space<vmem>>
        %dma_start3A_279 = tpu.memref_squeeze %dma_start3A_278 : memref<1x128xi32, #tpu.memory_space<vmem>> -> memref<128xi32, #tpu.memory_space<vmem>>
        %dma_start3A_280 = arith.constant 0 : i32
        %dma_start3A_281 = arith.constant 0 : i32
        %dma_start3A_282 = tpu.memref_slice %arg9[%dma_start3A_280, %dma_start3A_281] : memref<10240x64xf32, #tpu.memory_space<vmem_shared>> -> memref<10240x64xf32, #tpu.memory_space<vmem_shared>>
        tpu.enqueue_indirect_dma source(%dma_start3A_276 : memref<128x64xf32, #tpu.memory_space<vmem>>) target(%dma_start3A_282 : memref<10240x64xf32, #tpu.memory_space<vmem_shared>>) offsets(%dma_start3A_279 : memref<128xi32, #tpu.memory_space<vmem>>) semaphore(%run_scoped3A_272 : memref<!tpu.dma_semaphore, #tpu.memory_space<semaphore_mem>>) {add = true}
        %dma_wait3A_283 = arith.constant 0 : i32
        %dma_wait3A_284 = arith.constant 0 : i32
        %dma_wait3A_285 = tpu.memref_slice %arg7[%run_scoped3A_127, %dma_wait3A_283, %dma_wait3A_284] : memref<8x128x64xf32, #tpu.memory_space<vmem>> -> memref<1x128x64xf32, #tpu.memory_space<vmem>>
        %dma_wait3A_286 = tpu.memref_squeeze %dma_wait3A_285 : memref<1x128x64xf32, #tpu.memory_space<vmem>> -> memref<128x64xf32, #tpu.memory_space<vmem>>
        %dma_wait3A_287 = arith.constant 0 : i32
        %dma_wait3A_288 = tpu.memref_slice %arg6[%add3A_105, %dma_wait3A_287] : memref<80x128xi32, #tpu.memory_space<vmem>> -> memref<1x128xi32, #tpu.memory_space<vmem>>
        %dma_wait3A_289 = tpu.memref_squeeze %dma_wait3A_288 : memref<1x128xi32, #tpu.memory_space<vmem>> -> memref<128xi32, #tpu.memory_space<vmem>>
        %dma_wait3A_290 = arith.constant 0 : i32
        %dma_wait3A_291 = arith.constant 0 : i32
        %dma_wait3A_292 = tpu.memref_slice %arg9[%dma_wait3A_290, %dma_wait3A_291] : memref<10240x64xf32, #tpu.memory_space<vmem_shared>> -> memref<10240x64xf32, #tpu.memory_space<vmem_shared>>
        tpu.wait_indirect_dma semaphore(%run_scoped3A_272 : memref<!tpu.dma_semaphore, #tpu.memory_space<semaphore_mem>>) src(%dma_wait3A_286 : memref<128x64xf32, #tpu.memory_space<vmem>>) dst(%dma_wait3A_292 : memref<10240x64xf32, #tpu.memory_space<vmem_shared>>)
        tpu.yield
      }) : () -> ()
      %add3A_128 = arith.constant 2 : i32
      %add3A_129 = arith.addi %add3A_83, %add3A_128 : i32
      %dma_wait3A_130 = arith.constant 2 : i32
      %dma_wait3A_131 = arith.constant 2 : i32
      %dma_wait3A_132 = arith.constant 0 : i32
      %dma_wait3A_133 = arith.constant 0 : i32
      %dma_wait3A_134 = tpu.memref_slice %arg7[%dma_wait3A_130, %dma_wait3A_132, %dma_wait3A_133] : memref<8x128x64xf32, #tpu.memory_space<vmem>> -> memref<1x128x64xf32, #tpu.memory_space<vmem>>
      %dma_wait3A_135 = tpu.memref_squeeze %dma_wait3A_134 : memref<1x128x64xf32, #tpu.memory_space<vmem>> -> memref<128x64xf32, #tpu.memory_space<vmem>>
      %dma_wait3A_136 = arith.constant 0 : i32
      %dma_wait3A_137 = tpu.memref_slice %arg5[%add3A_129, %dma_wait3A_136] : memref<80x128xi32, #tpu.memory_space<vmem>> -> memref<1x128xi32, #tpu.memory_space<vmem>>
      %dma_wait3A_138 = tpu.memref_squeeze %dma_wait3A_137 : memref<1x128xi32, #tpu.memory_space<vmem>> -> memref<128xi32, #tpu.memory_space<vmem>>
      %dma_wait3A_139 = arith.constant 0 : i32
      %dma_wait3A_140 = arith.constant 0 : i32
      %dma_wait3A_141 = tpu.memref_slice %arg2[%dma_wait3A_139, %dma_wait3A_140] : memref<10240x64xf32, #tpu.memory_space<hbm>> -> memref<10240x64xf32, #tpu.memory_space<hbm>>
      %dma_wait3A_142 = tpu.memref_slice %arg10[%dma_wait3A_131] : memref<8x!tpu.dma_semaphore, #tpu.memory_space<semaphore_mem>> -> memref<1x!tpu.dma_semaphore, #tpu.memory_space<semaphore_mem>>
      %dma_wait3A_143 = tpu.memref_squeeze %dma_wait3A_142 : memref<1x!tpu.dma_semaphore, #tpu.memory_space<semaphore_mem>> -> memref<!tpu.dma_semaphore, #tpu.memory_space<semaphore_mem>>
      tpu.wait_indirect_dma semaphore(%dma_wait3A_143 : memref<!tpu.dma_semaphore, #tpu.memory_space<semaphore_mem>>) src(%dma_wait3A_141 : memref<10240x64xf32, #tpu.memory_space<hbm>>) dst(%dma_wait3A_135 : memref<128x64xf32, #tpu.memory_space<vmem>>)
      %add3A_144 = arith.constant 4 : i32
      %add3A_145 = arith.addi %add3A_129, %add3A_144 : i32
      %lt3A_146 = arith.constant 80 : i32
      %lt3A_147 = arith.cmpi slt, %add3A_145, %lt3A_146 : i32
      %convert_element_type3A_148 = arith.extui %lt3A_147 : i1 to i32
      %cond3A_149 = arith.constant 0 : i32
      %cond3A_150 = arith.cmpi ne, %convert_element_type3A_148, %cond3A_149 : i32
      scf.if %cond3A_150 {
        %add3A_272 = arith.constant 4 : i32
        %add3A_273 = arith.addi %add3A_129, %add3A_272 : i32
        %dma_start3A_274 = arith.constant 6 : i32
        %dma_start3A_275 = arith.constant 6 : i32
        %dma_start3A_276 = arith.constant 0 : i32
        %dma_start3A_277 = arith.constant 0 : i32
        %dma_start3A_278 = tpu.memref_slice %arg7[%dma_start3A_274, %dma_start3A_276, %dma_start3A_277] : memref<8x128x64xf32, #tpu.memory_space<vmem>> -> memref<1x128x64xf32, #tpu.memory_space<vmem>>
        %dma_start3A_279 = tpu.memref_squeeze %dma_start3A_278 : memref<1x128x64xf32, #tpu.memory_space<vmem>> -> memref<128x64xf32, #tpu.memory_space<vmem>>
        %dma_start3A_280 = arith.constant 0 : i32
        %dma_start3A_281 = tpu.memref_slice %arg5[%add3A_273, %dma_start3A_280] : memref<80x128xi32, #tpu.memory_space<vmem>> -> memref<1x128xi32, #tpu.memory_space<vmem>>
        %dma_start3A_282 = tpu.memref_squeeze %dma_start3A_281 : memref<1x128xi32, #tpu.memory_space<vmem>> -> memref<128xi32, #tpu.memory_space<vmem>>
        %dma_start3A_283 = arith.constant 0 : i32
        %dma_start3A_284 = arith.constant 0 : i32
        %dma_start3A_285 = tpu.memref_slice %arg2[%dma_start3A_283, %dma_start3A_284] : memref<10240x64xf32, #tpu.memory_space<hbm>> -> memref<10240x64xf32, #tpu.memory_space<hbm>>
        %dma_start3A_286 = tpu.memref_slice %arg10[%dma_start3A_275] : memref<8x!tpu.dma_semaphore, #tpu.memory_space<semaphore_mem>> -> memref<1x!tpu.dma_semaphore, #tpu.memory_space<semaphore_mem>>
        %dma_start3A_287 = tpu.memref_squeeze %dma_start3A_286 : memref<1x!tpu.dma_semaphore, #tpu.memory_space<semaphore_mem>> -> memref<!tpu.dma_semaphore, #tpu.memory_space<semaphore_mem>>
        tpu.enqueue_indirect_dma source(%dma_start3A_285 : memref<10240x64xf32, #tpu.memory_space<hbm>>) target(%dma_start3A_279 : memref<128x64xf32, #tpu.memory_space<vmem>>) offsets(%dma_start3A_282 : memref<128xi32, #tpu.memory_space<vmem>>) semaphore(%dma_start3A_287 : memref<!tpu.dma_semaphore, #tpu.memory_space<semaphore_mem>>)
      } else {
      }
      %run_scoped3A_151 = arith.constant 2 : i32
      "tpu.region"() ({
        %run_scoped3A_272 = tpu.sem_alloc : memref<!tpu.dma_semaphore, #tpu.memory_space<semaphore_mem>>
        %dma_start3A_273 = arith.constant 0 : i32
        %dma_start3A_274 = arith.constant 0 : i32
        %dma_start3A_275 = tpu.memref_slice %arg7[%run_scoped3A_151, %dma_start3A_273, %dma_start3A_274] : memref<8x128x64xf32, #tpu.memory_space<vmem>> -> memref<1x128x64xf32, #tpu.memory_space<vmem>>
        %dma_start3A_276 = tpu.memref_squeeze %dma_start3A_275 : memref<1x128x64xf32, #tpu.memory_space<vmem>> -> memref<128x64xf32, #tpu.memory_space<vmem>>
        %dma_start3A_277 = arith.constant 0 : i32
        %dma_start3A_278 = tpu.memref_slice %arg6[%add3A_129, %dma_start3A_277] : memref<80x128xi32, #tpu.memory_space<vmem>> -> memref<1x128xi32, #tpu.memory_space<vmem>>
        %dma_start3A_279 = tpu.memref_squeeze %dma_start3A_278 : memref<1x128xi32, #tpu.memory_space<vmem>> -> memref<128xi32, #tpu.memory_space<vmem>>
        %dma_start3A_280 = arith.constant 0 : i32
        %dma_start3A_281 = arith.constant 0 : i32
        %dma_start3A_282 = tpu.memref_slice %arg9[%dma_start3A_280, %dma_start3A_281] : memref<10240x64xf32, #tpu.memory_space<vmem_shared>> -> memref<10240x64xf32, #tpu.memory_space<vmem_shared>>
        tpu.enqueue_indirect_dma source(%dma_start3A_276 : memref<128x64xf32, #tpu.memory_space<vmem>>) target(%dma_start3A_282 : memref<10240x64xf32, #tpu.memory_space<vmem_shared>>) offsets(%dma_start3A_279 : memref<128xi32, #tpu.memory_space<vmem>>) semaphore(%run_scoped3A_272 : memref<!tpu.dma_semaphore, #tpu.memory_space<semaphore_mem>>) {add = true}
        %dma_wait3A_283 = arith.constant 0 : i32
        %dma_wait3A_284 = arith.constant 0 : i32
        %dma_wait3A_285 = tpu.memref_slice %arg7[%run_scoped3A_151, %dma_wait3A_283, %dma_wait3A_284] : memref<8x128x64xf32, #tpu.memory_space<vmem>> -> memref<1x128x64xf32, #tpu.memory_space<vmem>>
        %dma_wait3A_286 = tpu.memref_squeeze %dma_wait3A_285 : memref<1x128x64xf32, #tpu.memory_space<vmem>> -> memref<128x64xf32, #tpu.memory_space<vmem>>
        %dma_wait3A_287 = arith.constant 0 : i32
        %dma_wait3A_288 = tpu.memref_slice %arg6[%add3A_129, %dma_wait3A_287] : memref<80x128xi32, #tpu.memory_space<vmem>> -> memref<1x128xi32, #tpu.memory_space<vmem>>
        %dma_wait3A_289 = tpu.memref_squeeze %dma_wait3A_288 : memref<1x128xi32, #tpu.memory_space<vmem>> -> memref<128xi32, #tpu.memory_space<vmem>>
        %dma_wait3A_290 = arith.constant 0 : i32
        %dma_wait3A_291 = arith.constant 0 : i32
        %dma_wait3A_292 = tpu.memref_slice %arg9[%dma_wait3A_290, %dma_wait3A_291] : memref<10240x64xf32, #tpu.memory_space<vmem_shared>> -> memref<10240x64xf32, #tpu.memory_space<vmem_shared>>
        tpu.wait_indirect_dma semaphore(%run_scoped3A_272 : memref<!tpu.dma_semaphore, #tpu.memory_space<semaphore_mem>>) src(%dma_wait3A_286 : memref<128x64xf32, #tpu.memory_space<vmem>>) dst(%dma_wait3A_292 : memref<10240x64xf32, #tpu.memory_space<vmem_shared>>)
        tpu.yield
      }) : () -> ()
      %add3A_152 = arith.constant 3 : i32
      %add3A_153 = arith.addi %add3A_83, %add3A_152 : i32
      %dma_wait3A_154 = arith.constant 3 : i32
      %dma_wait3A_155 = arith.constant 3 : i32
      %dma_wait3A_156 = arith.constant 0 : i32
      %dma_wait3A_157 = arith.constant 0 : i32
      %dma_wait3A_158 = tpu.memref_slice %arg7[%dma_wait3A_154, %dma_wait3A_156, %dma_wait3A_157] : memref<8x128x64xf32, #tpu.memory_space<vmem>> -> memref<1x128x64xf32, #tpu.memory_space<vmem>>
      %dma_wait3A_159 = tpu.memref_squeeze %dma_wait3A_158 : memref<1x128x64xf32, #tpu.memory_space<vmem>> -> memref<128x64xf32, #tpu.memory_space<vmem>>
      %dma_wait3A_160 = arith.constant 0 : i32
      %dma_wait3A_161 = tpu.memref_slice %arg5[%add3A_153, %dma_wait3A_160] : memref<80x128xi32, #tpu.memory_space<vmem>> -> memref<1x128xi32, #tpu.memory_space<vmem>>
      %dma_wait3A_162 = tpu.memref_squeeze %dma_wait3A_161 : memref<1x128xi32, #tpu.memory_space<vmem>> -> memref<128xi32, #tpu.memory_space<vmem>>
      %dma_wait3A_163 = arith.constant 0 : i32
      %dma_wait3A_164 = arith.constant 0 : i32
      %dma_wait3A_165 = tpu.memref_slice %arg2[%dma_wait3A_163, %dma_wait3A_164] : memref<10240x64xf32, #tpu.memory_space<hbm>> -> memref<10240x64xf32, #tpu.memory_space<hbm>>
      %dma_wait3A_166 = tpu.memref_slice %arg10[%dma_wait3A_155] : memref<8x!tpu.dma_semaphore, #tpu.memory_space<semaphore_mem>> -> memref<1x!tpu.dma_semaphore, #tpu.memory_space<semaphore_mem>>
      %dma_wait3A_167 = tpu.memref_squeeze %dma_wait3A_166 : memref<1x!tpu.dma_semaphore, #tpu.memory_space<semaphore_mem>> -> memref<!tpu.dma_semaphore, #tpu.memory_space<semaphore_mem>>
      tpu.wait_indirect_dma semaphore(%dma_wait3A_167 : memref<!tpu.dma_semaphore, #tpu.memory_space<semaphore_mem>>) src(%dma_wait3A_165 : memref<10240x64xf32, #tpu.memory_space<hbm>>) dst(%dma_wait3A_159 : memref<128x64xf32, #tpu.memory_space<vmem>>)
      %add3A_168 = arith.constant 4 : i32
      %add3A_169 = arith.addi %add3A_153, %add3A_168 : i32
      %lt3A_170 = arith.constant 80 : i32
      %lt3A_171 = arith.cmpi slt, %add3A_169, %lt3A_170 : i32
      %convert_element_type3A_172 = arith.extui %lt3A_171 : i1 to i32
      %cond3A_173 = arith.constant 0 : i32
      %cond3A_174 = arith.cmpi ne, %convert_element_type3A_172, %cond3A_173 : i32
      scf.if %cond3A_174 {
        %add3A_272 = arith.constant 4 : i32
        %add3A_273 = arith.addi %add3A_153, %add3A_272 : i32
        %dma_start3A_274 = arith.constant 7 : i32
        %dma_start3A_275 = arith.constant 7 : i32
        %dma_start3A_276 = arith.constant 0 : i32
        %dma_start3A_277 = arith.constant 0 : i32
        %dma_start3A_278 = tpu.memref_slice %arg7[%dma_start3A_274, %dma_start3A_276, %dma_start3A_277] : memref<8x128x64xf32, #tpu.memory_space<vmem>> -> memref<1x128x64xf32, #tpu.memory_space<vmem>>
        %dma_start3A_279 = tpu.memref_squeeze %dma_start3A_278 : memref<1x128x64xf32, #tpu.memory_space<vmem>> -> memref<128x64xf32, #tpu.memory_space<vmem>>
        %dma_start3A_280 = arith.constant 0 : i32
        %dma_start3A_281 = tpu.memref_slice %arg5[%add3A_273, %dma_start3A_280] : memref<80x128xi32, #tpu.memory_space<vmem>> -> memref<1x128xi32, #tpu.memory_space<vmem>>
        %dma_start3A_282 = tpu.memref_squeeze %dma_start3A_281 : memref<1x128xi32, #tpu.memory_space<vmem>> -> memref<128xi32, #tpu.memory_space<vmem>>
        %dma_start3A_283 = arith.constant 0 : i32
        %dma_start3A_284 = arith.constant 0 : i32
        %dma_start3A_285 = tpu.memref_slice %arg2[%dma_start3A_283, %dma_start3A_284] : memref<10240x64xf32, #tpu.memory_space<hbm>> -> memref<10240x64xf32, #tpu.memory_space<hbm>>
        %dma_start3A_286 = tpu.memref_slice %arg10[%dma_start3A_275] : memref<8x!tpu.dma_semaphore, #tpu.memory_space<semaphore_mem>> -> memref<1x!tpu.dma_semaphore, #tpu.memory_space<semaphore_mem>>
        %dma_start3A_287 = tpu.memref_squeeze %dma_start3A_286 : memref<1x!tpu.dma_semaphore, #tpu.memory_space<semaphore_mem>> -> memref<!tpu.dma_semaphore, #tpu.memory_space<semaphore_mem>>
        tpu.enqueue_indirect_dma source(%dma_start3A_285 : memref<10240x64xf32, #tpu.memory_space<hbm>>) target(%dma_start3A_279 : memref<128x64xf32, #tpu.memory_space<vmem>>) offsets(%dma_start3A_282 : memref<128xi32, #tpu.memory_space<vmem>>) semaphore(%dma_start3A_287 : memref<!tpu.dma_semaphore, #tpu.memory_space<semaphore_mem>>)
      } else {
      }
      %run_scoped3A_175 = arith.constant 3 : i32
      "tpu.region"() ({
        %run_scoped3A_272 = tpu.sem_alloc : memref<!tpu.dma_semaphore, #tpu.memory_space<semaphore_mem>>
        %dma_start3A_273 = arith.constant 0 : i32
        %dma_start3A_274 = arith.constant 0 : i32
        %dma_start3A_275 = tpu.memref_slice %arg7[%run_scoped3A_175, %dma_start3A_273, %dma_start3A_274] : memref<8x128x64xf32, #tpu.memory_space<vmem>> -> memref<1x128x64xf32, #tpu.memory_space<vmem>>
        %dma_start3A_276 = tpu.memref_squeeze %dma_start3A_275 : memref<1x128x64xf32, #tpu.memory_space<vmem>> -> memref<128x64xf32, #tpu.memory_space<vmem>>
        %dma_start3A_277 = arith.constant 0 : i32
        %dma_start3A_278 = tpu.memref_slice %arg6[%add3A_153, %dma_start3A_277] : memref<80x128xi32, #tpu.memory_space<vmem>> -> memref<1x128xi32, #tpu.memory_space<vmem>>
        %dma_start3A_279 = tpu.memref_squeeze %dma_start3A_278 : memref<1x128xi32, #tpu.memory_space<vmem>> -> memref<128xi32, #tpu.memory_space<vmem>>
        %dma_start3A_280 = arith.constant 0 : i32
        %dma_start3A_281 = arith.constant 0 : i32
        %dma_start3A_282 = tpu.memref_slice %arg9[%dma_start3A_280, %dma_start3A_281] : memref<10240x64xf32, #tpu.memory_space<vmem_shared>> -> memref<10240x64xf32, #tpu.memory_space<vmem_shared>>
        tpu.enqueue_indirect_dma source(%dma_start3A_276 : memref<128x64xf32, #tpu.memory_space<vmem>>) target(%dma_start3A_282 : memref<10240x64xf32, #tpu.memory_space<vmem_shared>>) offsets(%dma_start3A_279 : memref<128xi32, #tpu.memory_space<vmem>>) semaphore(%run_scoped3A_272 : memref<!tpu.dma_semaphore, #tpu.memory_space<semaphore_mem>>) {add = true}
        %dma_wait3A_283 = arith.constant 0 : i32
        %dma_wait3A_284 = arith.constant 0 : i32
        %dma_wait3A_285 = tpu.memref_slice %arg7[%run_scoped3A_175, %dma_wait3A_283, %dma_wait3A_284] : memref<8x128x64xf32, #tpu.memory_space<vmem>> -> memref<1x128x64xf32, #tpu.memory_space<vmem>>
        %dma_wait3A_286 = tpu.memref_squeeze %dma_wait3A_285 : memref<1x128x64xf32, #tpu.memory_space<vmem>> -> memref<128x64xf32, #tpu.memory_space<vmem>>
        %dma_wait3A_287 = arith.constant 0 : i32
        %dma_wait3A_288 = tpu.memref_slice %arg6[%add3A_153, %dma_wait3A_287] : memref<80x128xi32, #tpu.memory_space<vmem>> -> memref<1x128xi32, #tpu.memory_space<vmem>>
        %dma_wait3A_289 = tpu.memref_squeeze %dma_wait3A_288 : memref<1x128xi32, #tpu.memory_space<vmem>> -> memref<128xi32, #tpu.memory_space<vmem>>
        %dma_wait3A_290 = arith.constant 0 : i32
        %dma_wait3A_291 = arith.constant 0 : i32
        %dma_wait3A_292 = tpu.memref_slice %arg9[%dma_wait3A_290, %dma_wait3A_291] : memref<10240x64xf32, #tpu.memory_space<vmem_shared>> -> memref<10240x64xf32, #tpu.memory_space<vmem_shared>>
        tpu.wait_indirect_dma semaphore(%run_scoped3A_272 : memref<!tpu.dma_semaphore, #tpu.memory_space<semaphore_mem>>) src(%dma_wait3A_286 : memref<128x64xf32, #tpu.memory_space<vmem>>) dst(%dma_wait3A_292 : memref<10240x64xf32, #tpu.memory_space<vmem_shared>>)
        tpu.yield
      }) : () -> ()
      %add3A_176 = arith.constant 4 : i32
      %add3A_177 = arith.addi %add3A_83, %add3A_176 : i32
      %dma_wait3A_178 = arith.constant 4 : i32
      %dma_wait3A_179 = arith.constant 4 : i32
      %dma_wait3A_180 = arith.constant 0 : i32
      %dma_wait3A_181 = arith.constant 0 : i32
      %dma_wait3A_182 = tpu.memref_slice %arg7[%dma_wait3A_178, %dma_wait3A_180, %dma_wait3A_181] : memref<8x128x64xf32, #tpu.memory_space<vmem>> -> memref<1x128x64xf32, #tpu.memory_space<vmem>>
      %dma_wait3A_183 = tpu.memref_squeeze %dma_wait3A_182 : memref<1x128x64xf32, #tpu.memory_space<vmem>> -> memref<128x64xf32, #tpu.memory_space<vmem>>
      %dma_wait3A_184 = arith.constant 0 : i32
      %dma_wait3A_185 = tpu.memref_slice %arg5[%add3A_177, %dma_wait3A_184] : memref<80x128xi32, #tpu.memory_space<vmem>> -> memref<1x128xi32, #tpu.memory_space<vmem>>
      %dma_wait3A_186 = tpu.memref_squeeze %dma_wait3A_185 : memref<1x128xi32, #tpu.memory_space<vmem>> -> memref<128xi32, #tpu.memory_space<vmem>>
      %dma_wait3A_187 = arith.constant 0 : i32
      %dma_wait3A_188 = arith.constant 0 : i32
      %dma_wait3A_189 = tpu.memref_slice %arg2[%dma_wait3A_187, %dma_wait3A_188] : memref<10240x64xf32, #tpu.memory_space<hbm>> -> memref<10240x64xf32, #tpu.memory_space<hbm>>
      %dma_wait3A_190 = tpu.memref_slice %arg10[%dma_wait3A_179] : memref<8x!tpu.dma_semaphore, #tpu.memory_space<semaphore_mem>> -> memref<1x!tpu.dma_semaphore, #tpu.memory_space<semaphore_mem>>
      %dma_wait3A_191 = tpu.memref_squeeze %dma_wait3A_190 : memref<1x!tpu.dma_semaphore, #tpu.memory_space<semaphore_mem>> -> memref<!tpu.dma_semaphore, #tpu.memory_space<semaphore_mem>>
      tpu.wait_indirect_dma semaphore(%dma_wait3A_191 : memref<!tpu.dma_semaphore, #tpu.memory_space<semaphore_mem>>) src(%dma_wait3A_189 : memref<10240x64xf32, #tpu.memory_space<hbm>>) dst(%dma_wait3A_183 : memref<128x64xf32, #tpu.memory_space<vmem>>)
      %add3A_192 = arith.constant 4 : i32
      %add3A_193 = arith.addi %add3A_177, %add3A_192 : i32
      %lt3A_194 = arith.constant 80 : i32
      %lt3A_195 = arith.cmpi slt, %add3A_193, %lt3A_194 : i32
      %convert_element_type3A_196 = arith.extui %lt3A_195 : i1 to i32
      %cond3A_197 = arith.constant 0 : i32
      %cond3A_198 = arith.cmpi ne, %convert_element_type3A_196, %cond3A_197 : i32
      scf.if %cond3A_198 {
        %add3A_272 = arith.constant 4 : i32
        %add3A_273 = arith.addi %add3A_177, %add3A_272 : i32
        %dma_start3A_274 = arith.constant 0 : i32
        %dma_start3A_275 = arith.constant 0 : i32
        %dma_start3A_276 = arith.constant 0 : i32
        %dma_start3A_277 = arith.constant 0 : i32
        %dma_start3A_278 = tpu.memref_slice %arg7[%dma_start3A_274, %dma_start3A_276, %dma_start3A_277] : memref<8x128x64xf32, #tpu.memory_space<vmem>> -> memref<1x128x64xf32, #tpu.memory_space<vmem>>
        %dma_start3A_279 = tpu.memref_squeeze %dma_start3A_278 : memref<1x128x64xf32, #tpu.memory_space<vmem>> -> memref<128x64xf32, #tpu.memory_space<vmem>>
        %dma_start3A_280 = arith.constant 0 : i32
        %dma_start3A_281 = tpu.memref_slice %arg5[%add3A_273, %dma_start3A_280] : memref<80x128xi32, #tpu.memory_space<vmem>> -> memref<1x128xi32, #tpu.memory_space<vmem>>
        %dma_start3A_282 = tpu.memref_squeeze %dma_start3A_281 : memref<1x128xi32, #tpu.memory_space<vmem>> -> memref<128xi32, #tpu.memory_space<vmem>>
        %dma_start3A_283 = arith.constant 0 : i32
        %dma_start3A_284 = arith.constant 0 : i32
        %dma_start3A_285 = tpu.memref_slice %arg2[%dma_start3A_283, %dma_start3A_284] : memref<10240x64xf32, #tpu.memory_space<hbm>> -> memref<10240x64xf32, #tpu.memory_space<hbm>>
        %dma_start3A_286 = tpu.memref_slice %arg10[%dma_start3A_275] : memref<8x!tpu.dma_semaphore, #tpu.memory_space<semaphore_mem>> -> memref<1x!tpu.dma_semaphore, #tpu.memory_space<semaphore_mem>>
        %dma_start3A_287 = tpu.memref_squeeze %dma_start3A_286 : memref<1x!tpu.dma_semaphore, #tpu.memory_space<semaphore_mem>> -> memref<!tpu.dma_semaphore, #tpu.memory_space<semaphore_mem>>
        tpu.enqueue_indirect_dma source(%dma_start3A_285 : memref<10240x64xf32, #tpu.memory_space<hbm>>) target(%dma_start3A_279 : memref<128x64xf32, #tpu.memory_space<vmem>>) offsets(%dma_start3A_282 : memref<128xi32, #tpu.memory_space<vmem>>) semaphore(%dma_start3A_287 : memref<!tpu.dma_semaphore, #tpu.memory_space<semaphore_mem>>)
      } else {
      }
      %run_scoped3A_199 = arith.constant 4 : i32
      "tpu.region"() ({
        %run_scoped3A_272 = tpu.sem_alloc : memref<!tpu.dma_semaphore, #tpu.memory_space<semaphore_mem>>
        %dma_start3A_273 = arith.constant 0 : i32
        %dma_start3A_274 = arith.constant 0 : i32
        %dma_start3A_275 = tpu.memref_slice %arg7[%run_scoped3A_199, %dma_start3A_273, %dma_start3A_274] : memref<8x128x64xf32, #tpu.memory_space<vmem>> -> memref<1x128x64xf32, #tpu.memory_space<vmem>>
        %dma_start3A_276 = tpu.memref_squeeze %dma_start3A_275 : memref<1x128x64xf32, #tpu.memory_space<vmem>> -> memref<128x64xf32, #tpu.memory_space<vmem>>
        %dma_start3A_277 = arith.constant 0 : i32
        %dma_start3A_278 = tpu.memref_slice %arg6[%add3A_177, %dma_start3A_277] : memref<80x128xi32, #tpu.memory_space<vmem>> -> memref<1x128xi32, #tpu.memory_space<vmem>>
        %dma_start3A_279 = tpu.memref_squeeze %dma_start3A_278 : memref<1x128xi32, #tpu.memory_space<vmem>> -> memref<128xi32, #tpu.memory_space<vmem>>
        %dma_start3A_280 = arith.constant 0 : i32
        %dma_start3A_281 = arith.constant 0 : i32
        %dma_start3A_282 = tpu.memref_slice %arg9[%dma_start3A_280, %dma_start3A_281] : memref<10240x64xf32, #tpu.memory_space<vmem_shared>> -> memref<10240x64xf32, #tpu.memory_space<vmem_shared>>
        tpu.enqueue_indirect_dma source(%dma_start3A_276 : memref<128x64xf32, #tpu.memory_space<vmem>>) target(%dma_start3A_282 : memref<10240x64xf32, #tpu.memory_space<vmem_shared>>) offsets(%dma_start3A_279 : memref<128xi32, #tpu.memory_space<vmem>>) semaphore(%run_scoped3A_272 : memref<!tpu.dma_semaphore, #tpu.memory_space<semaphore_mem>>) {add = true}
        %dma_wait3A_283 = arith.constant 0 : i32
        %dma_wait3A_284 = arith.constant 0 : i32
        %dma_wait3A_285 = tpu.memref_slice %arg7[%run_scoped3A_199, %dma_wait3A_283, %dma_wait3A_284] : memref<8x128x64xf32, #tpu.memory_space<vmem>> -> memref<1x128x64xf32, #tpu.memory_space<vmem>>
        %dma_wait3A_286 = tpu.memref_squeeze %dma_wait3A_285 : memref<1x128x64xf32, #tpu.memory_space<vmem>> -> memref<128x64xf32, #tpu.memory_space<vmem>>
        %dma_wait3A_287 = arith.constant 0 : i32
        %dma_wait3A_288 = tpu.memref_slice %arg6[%add3A_177, %dma_wait3A_287] : memref<80x128xi32, #tpu.memory_space<vmem>> -> memref<1x128xi32, #tpu.memory_space<vmem>>
        %dma_wait3A_289 = tpu.memref_squeeze %dma_wait3A_288 : memref<1x128xi32, #tpu.memory_space<vmem>> -> memref<128xi32, #tpu.memory_space<vmem>>
        %dma_wait3A_290 = arith.constant 0 : i32
        %dma_wait3A_291 = arith.constant 0 : i32
        %dma_wait3A_292 = tpu.memref_slice %arg9[%dma_wait3A_290, %dma_wait3A_291] : memref<10240x64xf32, #tpu.memory_space<vmem_shared>> -> memref<10240x64xf32, #tpu.memory_space<vmem_shared>>
        tpu.wait_indirect_dma semaphore(%run_scoped3A_272 : memref<!tpu.dma_semaphore, #tpu.memory_space<semaphore_mem>>) src(%dma_wait3A_286 : memref<128x64xf32, #tpu.memory_space<vmem>>) dst(%dma_wait3A_292 : memref<10240x64xf32, #tpu.memory_space<vmem_shared>>)
        tpu.yield
      }) : () -> ()
      %add3A_200 = arith.constant 5 : i32
      %add3A_201 = arith.addi %add3A_83, %add3A_200 : i32
      %dma_wait3A_202 = arith.constant 5 : i32
      %dma_wait3A_203 = arith.constant 5 : i32
      %dma_wait3A_204 = arith.constant 0 : i32
      %dma_wait3A_205 = arith.constant 0 : i32
      %dma_wait3A_206 = tpu.memref_slice %arg7[%dma_wait3A_202, %dma_wait3A_204, %dma_wait3A_205] : memref<8x128x64xf32, #tpu.memory_space<vmem>> -> memref<1x128x64xf32, #tpu.memory_space<vmem>>
      %dma_wait3A_207 = tpu.memref_squeeze %dma_wait3A_206 : memref<1x128x64xf32, #tpu.memory_space<vmem>> -> memref<128x64xf32, #tpu.memory_space<vmem>>
      %dma_wait3A_208 = arith.constant 0 : i32
      %dma_wait3A_209 = tpu.memref_slice %arg5[%add3A_201, %dma_wait3A_208] : memref<80x128xi32, #tpu.memory_space<vmem>> -> memref<1x128xi32, #tpu.memory_space<vmem>>
      %dma_wait3A_210 = tpu.memref_squeeze %dma_wait3A_209 : memref<1x128xi32, #tpu.memory_space<vmem>> -> memref<128xi32, #tpu.memory_space<vmem>>
      %dma_wait3A_211 = arith.constant 0 : i32
      %dma_wait3A_212 = arith.constant 0 : i32
      %dma_wait3A_213 = tpu.memref_slice %arg2[%dma_wait3A_211, %dma_wait3A_212] : memref<10240x64xf32, #tpu.memory_space<hbm>> -> memref<10240x64xf32, #tpu.memory_space<hbm>>
      %dma_wait3A_214 = tpu.memref_slice %arg10[%dma_wait3A_203] : memref<8x!tpu.dma_semaphore, #tpu.memory_space<semaphore_mem>> -> memref<1x!tpu.dma_semaphore, #tpu.memory_space<semaphore_mem>>
      %dma_wait3A_215 = tpu.memref_squeeze %dma_wait3A_214 : memref<1x!tpu.dma_semaphore, #tpu.memory_space<semaphore_mem>> -> memref<!tpu.dma_semaphore, #tpu.memory_space<semaphore_mem>>
      tpu.wait_indirect_dma semaphore(%dma_wait3A_215 : memref<!tpu.dma_semaphore, #tpu.memory_space<semaphore_mem>>) src(%dma_wait3A_213 : memref<10240x64xf32, #tpu.memory_space<hbm>>) dst(%dma_wait3A_207 : memref<128x64xf32, #tpu.memory_space<vmem>>)
      %add3A_216 = arith.constant 4 : i32
      %add3A_217 = arith.addi %add3A_201, %add3A_216 : i32
      %lt3A_218 = arith.constant 80 : i32
      %lt3A_219 = arith.cmpi slt, %add3A_217, %lt3A_218 : i32
      %convert_element_type3A_220 = arith.extui %lt3A_219 : i1 to i32
      %cond3A_221 = arith.constant 0 : i32
      %cond3A_222 = arith.cmpi ne, %convert_element_type3A_220, %cond3A_221 : i32
      scf.if %cond3A_222 {
        %add3A_272 = arith.constant 4 : i32
        %add3A_273 = arith.addi %add3A_201, %add3A_272 : i32
        %dma_start3A_274 = arith.constant 1 : i32
        %dma_start3A_275 = arith.constant 1 : i32
        %dma_start3A_276 = arith.constant 0 : i32
        %dma_start3A_277 = arith.constant 0 : i32
        %dma_start3A_278 = tpu.memref_slice %arg7[%dma_start3A_274, %dma_start3A_276, %dma_start3A_277] : memref<8x128x64xf32, #tpu.memory_space<vmem>> -> memref<1x128x64xf32, #tpu.memory_space<vmem>>
        %dma_start3A_279 = tpu.memref_squeeze %dma_start3A_278 : memref<1x128x64xf32, #tpu.memory_space<vmem>> -> memref<128x64xf32, #tpu.memory_space<vmem>>
        %dma_start3A_280 = arith.constant 0 : i32
        %dma_start3A_281 = tpu.memref_slice %arg5[%add3A_273, %dma_start3A_280] : memref<80x128xi32, #tpu.memory_space<vmem>> -> memref<1x128xi32, #tpu.memory_space<vmem>>
        %dma_start3A_282 = tpu.memref_squeeze %dma_start3A_281 : memref<1x128xi32, #tpu.memory_space<vmem>> -> memref<128xi32, #tpu.memory_space<vmem>>
        %dma_start3A_283 = arith.constant 0 : i32
        %dma_start3A_284 = arith.constant 0 : i32
        %dma_start3A_285 = tpu.memref_slice %arg2[%dma_start3A_283, %dma_start3A_284] : memref<10240x64xf32, #tpu.memory_space<hbm>> -> memref<10240x64xf32, #tpu.memory_space<hbm>>
        %dma_start3A_286 = tpu.memref_slice %arg10[%dma_start3A_275] : memref<8x!tpu.dma_semaphore, #tpu.memory_space<semaphore_mem>> -> memref<1x!tpu.dma_semaphore, #tpu.memory_space<semaphore_mem>>
        %dma_start3A_287 = tpu.memref_squeeze %dma_start3A_286 : memref<1x!tpu.dma_semaphore, #tpu.memory_space<semaphore_mem>> -> memref<!tpu.dma_semaphore, #tpu.memory_space<semaphore_mem>>
        tpu.enqueue_indirect_dma source(%dma_start3A_285 : memref<10240x64xf32, #tpu.memory_space<hbm>>) target(%dma_start3A_279 : memref<128x64xf32, #tpu.memory_space<vmem>>) offsets(%dma_start3A_282 : memref<128xi32, #tpu.memory_space<vmem>>) semaphore(%dma_start3A_287 : memref<!tpu.dma_semaphore, #tpu.memory_space<semaphore_mem>>)
      } else {
      }
      %run_scoped3A_223 = arith.constant 5 : i32
      "tpu.region"() ({
        %run_scoped3A_272 = tpu.sem_alloc : memref<!tpu.dma_semaphore, #tpu.memory_space<semaphore_mem>>
        %dma_start3A_273 = arith.constant 0 : i32
        %dma_start3A_274 = arith.constant 0 : i32
        %dma_start3A_275 = tpu.memref_slice %arg7[%run_scoped3A_223, %dma_start3A_273, %dma_start3A_274] : memref<8x128x64xf32, #tpu.memory_space<vmem>> -> memref<1x128x64xf32, #tpu.memory_space<vmem>>
        %dma_start3A_276 = tpu.memref_squeeze %dma_start3A_275 : memref<1x128x64xf32, #tpu.memory_space<vmem>> -> memref<128x64xf32, #tpu.memory_space<vmem>>
        %dma_start3A_277 = arith.constant 0 : i32
        %dma_start3A_278 = tpu.memref_slice %arg6[%add3A_201, %dma_start3A_277] : memref<80x128xi32, #tpu.memory_space<vmem>> -> memref<1x128xi32, #tpu.memory_space<vmem>>
        %dma_start3A_279 = tpu.memref_squeeze %dma_start3A_278 : memref<1x128xi32, #tpu.memory_space<vmem>> -> memref<128xi32, #tpu.memory_space<vmem>>
        %dma_start3A_280 = arith.constant 0 : i32
        %dma_start3A_281 = arith.constant 0 : i32
        %dma_start3A_282 = tpu.memref_slice %arg9[%dma_start3A_280, %dma_start3A_281] : memref<10240x64xf32, #tpu.memory_space<vmem_shared>> -> memref<10240x64xf32, #tpu.memory_space<vmem_shared>>
        tpu.enqueue_indirect_dma source(%dma_start3A_276 : memref<128x64xf32, #tpu.memory_space<vmem>>) target(%dma_start3A_282 : memref<10240x64xf32, #tpu.memory_space<vmem_shared>>) offsets(%dma_start3A_279 : memref<128xi32, #tpu.memory_space<vmem>>) semaphore(%run_scoped3A_272 : memref<!tpu.dma_semaphore, #tpu.memory_space<semaphore_mem>>) {add = true}
        %dma_wait3A_283 = arith.constant 0 : i32
        %dma_wait3A_284 = arith.constant 0 : i32
        %dma_wait3A_285 = tpu.memref_slice %arg7[%run_scoped3A_223, %dma_wait3A_283, %dma_wait3A_284] : memref<8x128x64xf32, #tpu.memory_space<vmem>> -> memref<1x128x64xf32, #tpu.memory_space<vmem>>
        %dma_wait3A_286 = tpu.memref_squeeze %dma_wait3A_285 : memref<1x128x64xf32, #tpu.memory_space<vmem>> -> memref<128x64xf32, #tpu.memory_space<vmem>>
        %dma_wait3A_287 = arith.constant 0 : i32
        %dma_wait3A_288 = tpu.memref_slice %arg6[%add3A_201, %dma_wait3A_287] : memref<80x128xi32, #tpu.memory_space<vmem>> -> memref<1x128xi32, #tpu.memory_space<vmem>>
        %dma_wait3A_289 = tpu.memref_squeeze %dma_wait3A_288 : memref<1x128xi32, #tpu.memory_space<vmem>> -> memref<128xi32, #tpu.memory_space<vmem>>
        %dma_wait3A_290 = arith.constant 0 : i32
        %dma_wait3A_291 = arith.constant 0 : i32
        %dma_wait3A_292 = tpu.memref_slice %arg9[%dma_wait3A_290, %dma_wait3A_291] : memref<10240x64xf32, #tpu.memory_space<vmem_shared>> -> memref<10240x64xf32, #tpu.memory_space<vmem_shared>>
        tpu.wait_indirect_dma semaphore(%run_scoped3A_272 : memref<!tpu.dma_semaphore, #tpu.memory_space<semaphore_mem>>) src(%dma_wait3A_286 : memref<128x64xf32, #tpu.memory_space<vmem>>) dst(%dma_wait3A_292 : memref<10240x64xf32, #tpu.memory_space<vmem_shared>>)
        tpu.yield
      }) : () -> ()
      %add3A_224 = arith.constant 6 : i32
      %add3A_225 = arith.addi %add3A_83, %add3A_224 : i32
      %dma_wait3A_226 = arith.constant 6 : i32
      %dma_wait3A_227 = arith.constant 6 : i32
      %dma_wait3A_228 = arith.constant 0 : i32
      %dma_wait3A_229 = arith.constant 0 : i32
      %dma_wait3A_230 = tpu.memref_slice %arg7[%dma_wait3A_226, %dma_wait3A_228, %dma_wait3A_229] : memref<8x128x64xf32, #tpu.memory_space<vmem>> -> memref<1x128x64xf32, #tpu.memory_space<vmem>>
      %dma_wait3A_231 = tpu.memref_squeeze %dma_wait3A_230 : memref<1x128x64xf32, #tpu.memory_space<vmem>> -> memref<128x64xf32, #tpu.memory_space<vmem>>
      %dma_wait3A_232 = arith.constant 0 : i32
      %dma_wait3A_233 = tpu.memref_slice %arg5[%add3A_225, %dma_wait3A_232] : memref<80x128xi32, #tpu.memory_space<vmem>> -> memref<1x128xi32, #tpu.memory_space<vmem>>
      %dma_wait3A_234 = tpu.memref_squeeze %dma_wait3A_233 : memref<1x128xi32, #tpu.memory_space<vmem>> -> memref<128xi32, #tpu.memory_space<vmem>>
      %dma_wait3A_235 = arith.constant 0 : i32
      %dma_wait3A_236 = arith.constant 0 : i32
      %dma_wait3A_237 = tpu.memref_slice %arg2[%dma_wait3A_235, %dma_wait3A_236] : memref<10240x64xf32, #tpu.memory_space<hbm>> -> memref<10240x64xf32, #tpu.memory_space<hbm>>
      %dma_wait3A_238 = tpu.memref_slice %arg10[%dma_wait3A_227] : memref<8x!tpu.dma_semaphore, #tpu.memory_space<semaphore_mem>> -> memref<1x!tpu.dma_semaphore, #tpu.memory_space<semaphore_mem>>
      %dma_wait3A_239 = tpu.memref_squeeze %dma_wait3A_238 : memref<1x!tpu.dma_semaphore, #tpu.memory_space<semaphore_mem>> -> memref<!tpu.dma_semaphore, #tpu.memory_space<semaphore_mem>>
      tpu.wait_indirect_dma semaphore(%dma_wait3A_239 : memref<!tpu.dma_semaphore, #tpu.memory_space<semaphore_mem>>) src(%dma_wait3A_237 : memref<10240x64xf32, #tpu.memory_space<hbm>>) dst(%dma_wait3A_231 : memref<128x64xf32, #tpu.memory_space<vmem>>)
      %add3A_240 = arith.constant 4 : i32
      %add3A_241 = arith.addi %add3A_225, %add3A_240 : i32
      %lt3A_242 = arith.constant 80 : i32
      %lt3A_243 = arith.cmpi slt, %add3A_241, %lt3A_242 : i32
      %convert_element_type3A_244 = arith.extui %lt3A_243 : i1 to i32
      %cond3A_245 = arith.constant 0 : i32
      %cond3A_246 = arith.cmpi ne, %convert_element_type3A_244, %cond3A_245 : i32
      scf.if %cond3A_246 {
        %add3A_272 = arith.constant 4 : i32
        %add3A_273 = arith.addi %add3A_225, %add3A_272 : i32
        %dma_start3A_274 = arith.constant 2 : i32
        %dma_start3A_275 = arith.constant 2 : i32
        %dma_start3A_276 = arith.constant 0 : i32
        %dma_start3A_277 = arith.constant 0 : i32
        %dma_start3A_278 = tpu.memref_slice %arg7[%dma_start3A_274, %dma_start3A_276, %dma_start3A_277] : memref<8x128x64xf32, #tpu.memory_space<vmem>> -> memref<1x128x64xf32, #tpu.memory_space<vmem>>
        %dma_start3A_279 = tpu.memref_squeeze %dma_start3A_278 : memref<1x128x64xf32, #tpu.memory_space<vmem>> -> memref<128x64xf32, #tpu.memory_space<vmem>>
        %dma_start3A_280 = arith.constant 0 : i32
        %dma_start3A_281 = tpu.memref_slice %arg5[%add3A_273, %dma_start3A_280] : memref<80x128xi32, #tpu.memory_space<vmem>> -> memref<1x128xi32, #tpu.memory_space<vmem>>
        %dma_start3A_282 = tpu.memref_squeeze %dma_start3A_281 : memref<1x128xi32, #tpu.memory_space<vmem>> -> memref<128xi32, #tpu.memory_space<vmem>>
        %dma_start3A_283 = arith.constant 0 : i32
        %dma_start3A_284 = arith.constant 0 : i32
        %dma_start3A_285 = tpu.memref_slice %arg2[%dma_start3A_283, %dma_start3A_284] : memref<10240x64xf32, #tpu.memory_space<hbm>> -> memref<10240x64xf32, #tpu.memory_space<hbm>>
        %dma_start3A_286 = tpu.memref_slice %arg10[%dma_start3A_275] : memref<8x!tpu.dma_semaphore, #tpu.memory_space<semaphore_mem>> -> memref<1x!tpu.dma_semaphore, #tpu.memory_space<semaphore_mem>>
        %dma_start3A_287 = tpu.memref_squeeze %dma_start3A_286 : memref<1x!tpu.dma_semaphore, #tpu.memory_space<semaphore_mem>> -> memref<!tpu.dma_semaphore, #tpu.memory_space<semaphore_mem>>
        tpu.enqueue_indirect_dma source(%dma_start3A_285 : memref<10240x64xf32, #tpu.memory_space<hbm>>) target(%dma_start3A_279 : memref<128x64xf32, #tpu.memory_space<vmem>>) offsets(%dma_start3A_282 : memref<128xi32, #tpu.memory_space<vmem>>) semaphore(%dma_start3A_287 : memref<!tpu.dma_semaphore, #tpu.memory_space<semaphore_mem>>)
      } else {
      }
      %run_scoped3A_247 = arith.constant 6 : i32
      "tpu.region"() ({
        %run_scoped3A_272 = tpu.sem_alloc : memref<!tpu.dma_semaphore, #tpu.memory_space<semaphore_mem>>
        %dma_start3A_273 = arith.constant 0 : i32
        %dma_start3A_274 = arith.constant 0 : i32
        %dma_start3A_275 = tpu.memref_slice %arg7[%run_scoped3A_247, %dma_start3A_273, %dma_start3A_274] : memref<8x128x64xf32, #tpu.memory_space<vmem>> -> memref<1x128x64xf32, #tpu.memory_space<vmem>>
        %dma_start3A_276 = tpu.memref_squeeze %dma_start3A_275 : memref<1x128x64xf32, #tpu.memory_space<vmem>> -> memref<128x64xf32, #tpu.memory_space<vmem>>
        %dma_start3A_277 = arith.constant 0 : i32
        %dma_start3A_278 = tpu.memref_slice %arg6[%add3A_225, %dma_start3A_277] : memref<80x128xi32, #tpu.memory_space<vmem>> -> memref<1x128xi32, #tpu.memory_space<vmem>>
        %dma_start3A_279 = tpu.memref_squeeze %dma_start3A_278 : memref<1x128xi32, #tpu.memory_space<vmem>> -> memref<128xi32, #tpu.memory_space<vmem>>
        %dma_start3A_280 = arith.constant 0 : i32
        %dma_start3A_281 = arith.constant 0 : i32
        %dma_start3A_282 = tpu.memref_slice %arg9[%dma_start3A_280, %dma_start3A_281] : memref<10240x64xf32, #tpu.memory_space<vmem_shared>> -> memref<10240x64xf32, #tpu.memory_space<vmem_shared>>
        tpu.enqueue_indirect_dma source(%dma_start3A_276 : memref<128x64xf32, #tpu.memory_space<vmem>>) target(%dma_start3A_282 : memref<10240x64xf32, #tpu.memory_space<vmem_shared>>) offsets(%dma_start3A_279 : memref<128xi32, #tpu.memory_space<vmem>>) semaphore(%run_scoped3A_272 : memref<!tpu.dma_semaphore, #tpu.memory_space<semaphore_mem>>) {add = true}
        %dma_wait3A_283 = arith.constant 0 : i32
        %dma_wait3A_284 = arith.constant 0 : i32
        %dma_wait3A_285 = tpu.memref_slice %arg7[%run_scoped3A_247, %dma_wait3A_283, %dma_wait3A_284] : memref<8x128x64xf32, #tpu.memory_space<vmem>> -> memref<1x128x64xf32, #tpu.memory_space<vmem>>
        %dma_wait3A_286 = tpu.memref_squeeze %dma_wait3A_285 : memref<1x128x64xf32, #tpu.memory_space<vmem>> -> memref<128x64xf32, #tpu.memory_space<vmem>>
        %dma_wait3A_287 = arith.constant 0 : i32
        %dma_wait3A_288 = tpu.memref_slice %arg6[%add3A_225, %dma_wait3A_287] : memref<80x128xi32, #tpu.memory_space<vmem>> -> memref<1x128xi32, #tpu.memory_space<vmem>>
        %dma_wait3A_289 = tpu.memref_squeeze %dma_wait3A_288 : memref<1x128xi32, #tpu.memory_space<vmem>> -> memref<128xi32, #tpu.memory_space<vmem>>
        %dma_wait3A_290 = arith.constant 0 : i32
        %dma_wait3A_291 = arith.constant 0 : i32
        %dma_wait3A_292 = tpu.memref_slice %arg9[%dma_wait3A_290, %dma_wait3A_291] : memref<10240x64xf32, #tpu.memory_space<vmem_shared>> -> memref<10240x64xf32, #tpu.memory_space<vmem_shared>>
        tpu.wait_indirect_dma semaphore(%run_scoped3A_272 : memref<!tpu.dma_semaphore, #tpu.memory_space<semaphore_mem>>) src(%dma_wait3A_286 : memref<128x64xf32, #tpu.memory_space<vmem>>) dst(%dma_wait3A_292 : memref<10240x64xf32, #tpu.memory_space<vmem_shared>>)
        tpu.yield
      }) : () -> ()
      %add3A_248 = arith.constant 7 : i32
      %add3A_249 = arith.addi %add3A_83, %add3A_248 : i32
      %dma_wait3A_250 = arith.constant 7 : i32
      %dma_wait3A_251 = arith.constant 7 : i32
      %dma_wait3A_252 = arith.constant 0 : i32
      %dma_wait3A_253 = arith.constant 0 : i32
      %dma_wait3A_254 = tpu.memref_slice %arg7[%dma_wait3A_250, %dma_wait3A_252, %dma_wait3A_253] : memref<8x128x64xf32, #tpu.memory_space<vmem>> -> memref<1x128x64xf32, #tpu.memory_space<vmem>>
      %dma_wait3A_255 = tpu.memref_squeeze %dma_wait3A_254 : memref<1x128x64xf32, #tpu.memory_space<vmem>> -> memref<128x64xf32, #tpu.memory_space<vmem>>
      %dma_wait3A_256 = arith.constant 0 : i32
      %dma_wait3A_257 = tpu.memref_slice %arg5[%add3A_249, %dma_wait3A_256] : memref<80x128xi32, #tpu.memory_space<vmem>> -> memref<1x128xi32, #tpu.memory_space<vmem>>
      %dma_wait3A_258 = tpu.memref_squeeze %dma_wait3A_257 : memref<1x128xi32, #tpu.memory_space<vmem>> -> memref<128xi32, #tpu.memory_space<vmem>>
      %dma_wait3A_259 = arith.constant 0 : i32
      %dma_wait3A_260 = arith.constant 0 : i32
      %dma_wait3A_261 = tpu.memref_slice %arg2[%dma_wait3A_259, %dma_wait3A_260] : memref<10240x64xf32, #tpu.memory_space<hbm>> -> memref<10240x64xf32, #tpu.memory_space<hbm>>
      %dma_wait3A_262 = tpu.memref_slice %arg10[%dma_wait3A_251] : memref<8x!tpu.dma_semaphore, #tpu.memory_space<semaphore_mem>> -> memref<1x!tpu.dma_semaphore, #tpu.memory_space<semaphore_mem>>
      %dma_wait3A_263 = tpu.memref_squeeze %dma_wait3A_262 : memref<1x!tpu.dma_semaphore, #tpu.memory_space<semaphore_mem>> -> memref<!tpu.dma_semaphore, #tpu.memory_space<semaphore_mem>>
      tpu.wait_indirect_dma semaphore(%dma_wait3A_263 : memref<!tpu.dma_semaphore, #tpu.memory_space<semaphore_mem>>) src(%dma_wait3A_261 : memref<10240x64xf32, #tpu.memory_space<hbm>>) dst(%dma_wait3A_255 : memref<128x64xf32, #tpu.memory_space<vmem>>)
      %add3A_264 = arith.constant 4 : i32
      %add3A_265 = arith.addi %add3A_249, %add3A_264 : i32
      %lt3A_266 = arith.constant 80 : i32
      %lt3A_267 = arith.cmpi slt, %add3A_265, %lt3A_266 : i32
      %convert_element_type3A_268 = arith.extui %lt3A_267 : i1 to i32
      %cond3A_269 = arith.constant 0 : i32
      %cond3A_270 = arith.cmpi ne, %convert_element_type3A_268, %cond3A_269 : i32
      scf.if %cond3A_270 {
        %add3A_272 = arith.constant 4 : i32
        %add3A_273 = arith.addi %add3A_249, %add3A_272 : i32
        %dma_start3A_274 = arith.constant 3 : i32
        %dma_start3A_275 = arith.constant 3 : i32
        %dma_start3A_276 = arith.constant 0 : i32
        %dma_start3A_277 = arith.constant 0 : i32
        %dma_start3A_278 = tpu.memref_slice %arg7[%dma_start3A_274, %dma_start3A_276, %dma_start3A_277] : memref<8x128x64xf32, #tpu.memory_space<vmem>> -> memref<1x128x64xf32, #tpu.memory_space<vmem>>
        %dma_start3A_279 = tpu.memref_squeeze %dma_start3A_278 : memref<1x128x64xf32, #tpu.memory_space<vmem>> -> memref<128x64xf32, #tpu.memory_space<vmem>>
        %dma_start3A_280 = arith.constant 0 : i32
        %dma_start3A_281 = tpu.memref_slice %arg5[%add3A_273, %dma_start3A_280] : memref<80x128xi32, #tpu.memory_space<vmem>> -> memref<1x128xi32, #tpu.memory_space<vmem>>
        %dma_start3A_282 = tpu.memref_squeeze %dma_start3A_281 : memref<1x128xi32, #tpu.memory_space<vmem>> -> memref<128xi32, #tpu.memory_space<vmem>>
        %dma_start3A_283 = arith.constant 0 : i32
        %dma_start3A_284 = arith.constant 0 : i32
        %dma_start3A_285 = tpu.memref_slice %arg2[%dma_start3A_283, %dma_start3A_284] : memref<10240x64xf32, #tpu.memory_space<hbm>> -> memref<10240x64xf32, #tpu.memory_space<hbm>>
        %dma_start3A_286 = tpu.memref_slice %arg10[%dma_start3A_275] : memref<8x!tpu.dma_semaphore, #tpu.memory_space<semaphore_mem>> -> memref<1x!tpu.dma_semaphore, #tpu.memory_space<semaphore_mem>>
        %dma_start3A_287 = tpu.memref_squeeze %dma_start3A_286 : memref<1x!tpu.dma_semaphore, #tpu.memory_space<semaphore_mem>> -> memref<!tpu.dma_semaphore, #tpu.memory_space<semaphore_mem>>
        tpu.enqueue_indirect_dma source(%dma_start3A_285 : memref<10240x64xf32, #tpu.memory_space<hbm>>) target(%dma_start3A_279 : memref<128x64xf32, #tpu.memory_space<vmem>>) offsets(%dma_start3A_282 : memref<128xi32, #tpu.memory_space<vmem>>) semaphore(%dma_start3A_287 : memref<!tpu.dma_semaphore, #tpu.memory_space<semaphore_mem>>)
      } else {
      }
      %run_scoped3A_271 = arith.constant 7 : i32
      "tpu.region"() ({
        %run_scoped3A_272 = tpu.sem_alloc : memref<!tpu.dma_semaphore, #tpu.memory_space<semaphore_mem>>
        %dma_start3A_273 = arith.constant 0 : i32
        %dma_start3A_274 = arith.constant 0 : i32
        %dma_start3A_275 = tpu.memref_slice %arg7[%run_scoped3A_271, %dma_start3A_273, %dma_start3A_274] : memref<8x128x64xf32, #tpu.memory_space<vmem>> -> memref<1x128x64xf32, #tpu.memory_space<vmem>>
        %dma_start3A_276 = tpu.memref_squeeze %dma_start3A_275 : memref<1x128x64xf32, #tpu.memory_space<vmem>> -> memref<128x64xf32, #tpu.memory_space<vmem>>
        %dma_start3A_277 = arith.constant 0 : i32
        %dma_start3A_278 = tpu.memref_slice %arg6[%add3A_249, %dma_start3A_277] : memref<80x128xi32, #tpu.memory_space<vmem>> -> memref<1x128xi32, #tpu.memory_space<vmem>>
        %dma_start3A_279 = tpu.memref_squeeze %dma_start3A_278 : memref<1x128xi32, #tpu.memory_space<vmem>> -> memref<128xi32, #tpu.memory_space<vmem>>
        %dma_start3A_280 = arith.constant 0 : i32
        %dma_start3A_281 = arith.constant 0 : i32
        %dma_start3A_282 = tpu.memref_slice %arg9[%dma_start3A_280, %dma_start3A_281] : memref<10240x64xf32, #tpu.memory_space<vmem_shared>> -> memref<10240x64xf32, #tpu.memory_space<vmem_shared>>
        tpu.enqueue_indirect_dma source(%dma_start3A_276 : memref<128x64xf32, #tpu.memory_space<vmem>>) target(%dma_start3A_282 : memref<10240x64xf32, #tpu.memory_space<vmem_shared>>) offsets(%dma_start3A_279 : memref<128xi32, #tpu.memory_space<vmem>>) semaphore(%run_scoped3A_272 : memref<!tpu.dma_semaphore, #tpu.memory_space<semaphore_mem>>) {add = true}
        %dma_wait3A_283 = arith.constant 0 : i32
        %dma_wait3A_284 = arith.constant 0 : i32
        %dma_wait3A_285 = tpu.memref_slice %arg7[%run_scoped3A_271, %dma_wait3A_283, %dma_wait3A_284] : memref<8x128x64xf32, #tpu.memory_space<vmem>> -> memref<1x128x64xf32, #tpu.memory_space<vmem>>
        %dma_wait3A_286 = tpu.memref_squeeze %dma_wait3A_285 : memref<1x128x64xf32, #tpu.memory_space<vmem>> -> memref<128x64xf32, #tpu.memory_space<vmem>>
        %dma_wait3A_287 = arith.constant 0 : i32
        %dma_wait3A_288 = tpu.memref_slice %arg6[%add3A_249, %dma_wait3A_287] : memref<80x128xi32, #tpu.memory_space<vmem>> -> memref<1x128xi32, #tpu.memory_space<vmem>>
        %dma_wait3A_289 = tpu.memref_squeeze %dma_wait3A_288 : memref<1x128xi32, #tpu.memory_space<vmem>> -> memref<128xi32, #tpu.memory_space<vmem>>
        %dma_wait3A_290 = arith.constant 0 : i32
        %dma_wait3A_291 = arith.constant 0 : i32
        %dma_wait3A_292 = tpu.memref_slice %arg9[%dma_wait3A_290, %dma_wait3A_291] : memref<10240x64xf32, #tpu.memory_space<vmem_shared>> -> memref<10240x64xf32, #tpu.memory_space<vmem_shared>>
        tpu.wait_indirect_dma semaphore(%run_scoped3A_272 : memref<!tpu.dma_semaphore, #tpu.memory_space<semaphore_mem>>) src(%dma_wait3A_286 : memref<128x64xf32, #tpu.memory_space<vmem>>) dst(%dma_wait3A_292 : memref<10240x64xf32, #tpu.memory_space<vmem_shared>>)
        tpu.yield
      }) : () -> ()
    }
    %scan3A_77 = arith.constant 10 : i32
    %barrier3A_78 = arith.constant 0 : index
    tpu.barrier barrier_id(%barrier3A_78)
    "tpu.region"() ({
      %run_scoped3A_79 = tpu.sem_alloc : memref<!tpu.dma_semaphore, #tpu.memory_space<semaphore_mem>>
      %dma_start3A_80 = arith.constant 0 : i32
      %dma_start3A_81 = tpu.memref_slice %arg4[%arg0, %mul3A_8, %dma_start3A_80] : memref<2x10240x64xf32, #tpu.memory_space<hbm>> -> memref<1x640x64xf32, #tpu.memory_space<hbm>>
      %dma_start3A_82 = tpu.memref_squeeze %dma_start3A_81 : memref<1x640x64xf32, #tpu.memory_space<hbm>> -> memref<640x64xf32, #tpu.memory_space<hbm>>
      %dma_start3A_83 = arith.constant 0 : i32
      %dma_start3A_84 = tpu.memref_slice %arg9[%mul3A_8, %dma_start3A_83] : memref<10240x64xf32, #tpu.memory_space<vmem_shared>> -> memref<640x64xf32, #tpu.memory_space<vmem_shared>>
      tpu.enqueue_dma source(%dma_start3A_84 : memref<640x64xf32, #tpu.memory_space<vmem_shared>>) target(%dma_start3A_82 : memref<640x64xf32, #tpu.memory_space<hbm>>) target_semaphore(%run_scoped3A_79 : memref<!tpu.dma_semaphore, #tpu.memory_space<semaphore_mem>>)
      %dma_wait3A = arith.constant 0 : i32
      %dma_wait3A_85 = tpu.memref_slice %arg4[%arg0, %mul3A_8, %dma_wait3A] : memref<2x10240x64xf32, #tpu.memory_space<hbm>> -> memref<1x640x64xf32, #tpu.memory_space<hbm>>
      %dma_wait3A_86 = tpu.memref_squeeze %dma_wait3A_85 : memref<1x640x64xf32, #tpu.memory_space<hbm>> -> memref<640x64xf32, #tpu.memory_space<hbm>>
      %dma_wait3A_87 = arith.constant 0 : i32
      %dma_wait3A_88 = tpu.memref_slice %arg9[%mul3A_8, %dma_wait3A_87] : memref<10240x64xf32, #tpu.memory_space<vmem_shared>> -> memref<640x64xf32, #tpu.memory_space<vmem_shared>>
      tpu.wait_dma2 semaphore(%run_scoped3A_79 : memref<!tpu.dma_semaphore, #tpu.memory_space<semaphore_mem>>) src(%dma_wait3A_88 : memref<640x64xf32, #tpu.memory_space<vmem_shared>>) dst(%dma_wait3A_86 : memref<640x64xf32, #tpu.memory_space<hbm>>)
      tpu.yield
    }) : () -> ()
    return
  }
}

#map = affine_map<(d0, d1) -> (0, 0)>
#map1 = affine_map<(d0, d1) -> (0, 0, 0, 0)>
#map2 = affine_map<(d0, d1) -> (0, 0, 0)>
module attributes {stable_mosaic.version = 14 : i64} {
  func.func @kern(%arg0: i32, %arg1: i32, %arg2: memref<10240x64xf32, #tpu.memory_space<hbm>>, %arg3: memref<2x32x80x128xi32, #tpu.memory_space<hbm>>, %arg4: memref<2x10240x64xf32, #tpu.memory_space<hbm>>, %arg5: memref<80x128xi32, #tpu.memory_space<vmem>>, %arg6: memref<80x128xi32, #tpu.memory_space<vmem>>, %arg7: memref<8x128x64xf32, #tpu.memory_space<vmem>>, %arg8: memref<64x64xf32, #tpu.memory_space<vmem>>, %arg9: memref<10240x64xf32, #tpu.memory_space<vmem_shared>>, %arg10: memref<8x!tpu.dma_semaphore, #tpu.memory_space<semaphore_mem>>) attributes {dimension_semantics = [#tpu.dimension_semantics<core_parallel>, #tpu.dimension_semantics<subcore_parallel>], iteration_bounds = array<i64: 2, 16>, scalar_prefetch = 0 : i64, scratch_operands = 6 : i64, tpu.core_type = #tpu.core_type<sc_vector_subcore>, window_params = [{transform_indices = #map}, {transform_indices = #map1}, {transform_indices = #map2}]} {
    %mul3A = arith.constant 16 : i32
    %mul3A_0 = arith.muli %arg0, %mul3A : i32
    %add3A = arith.addi %mul3A_0, %arg1 : i32
    %run_scoped3A = arith.constant 0 : i32
    "tpu.region"() ({
      %run_scoped3A_79 = tpu.sem_alloc : memref<!tpu.dma_semaphore, #tpu.memory_space<semaphore_mem>>
      %dma_start3A_80 = arith.constant 0 : i32
      %dma_start3A_81 = arith.constant 0 : i32
      %dma_start3A_82 = tpu.memref_slice %arg3[%run_scoped3A, %add3A, %dma_start3A_80, %dma_start3A_81] : memref<2x32x80x128xi32, #tpu.memory_space<hbm>> -> memref<1x1x80x128xi32, #tpu.memory_space<hbm>>
      %dma_start3A_83 = tpu.memref_squeeze %dma_start3A_82 : memref<1x1x80x128xi32, #tpu.memory_space<hbm>> -> memref<80x128xi32, #tpu.memory_space<hbm>>
      %dma_start3A_84 = arith.constant 0 : i32
      %dma_start3A_85 = arith.constant 0 : i32
      %dma_start3A_86 = tpu.memref_slice %arg3[%run_scoped3A, %add3A, %dma_start3A_84, %dma_start3A_85] : memref<2x32x80x128xi32, #tpu.memory_space<hbm>> -> memref<1x1x80x128xi32, #tpu.memory_space<hbm>>
      %dma_start3A_87 = tpu.memref_squeeze %dma_start3A_86 : memref<1x1x80x128xi32, #tpu.memory_space<hbm>> -> memref<80x128xi32, #tpu.memory_space<hbm>>
      tpu.enqueue_dma source(%dma_start3A_87 : memref<80x128xi32, #tpu.memory_space<hbm>>) target(%arg5 : memref<80x128xi32, #tpu.memory_space<vmem>>) target_semaphore(%run_scoped3A_79 : memref<!tpu.dma_semaphore, #tpu.memory_space<semaphore_mem>>)
      %dma_wait3A = arith.constant 0 : i32
      %dma_wait3A_88 = arith.constant 0 : i32
      %dma_wait3A_89 = tpu.memref_slice %arg3[%run_scoped3A, %add3A, %dma_wait3A, %dma_wait3A_88] : memref<2x32x80x128xi32, #tpu.memory_space<hbm>> -> memref<1x1x80x128xi32, #tpu.memory_space<hbm>>
      %dma_wait3A_90 = tpu.memref_squeeze %dma_wait3A_89 : memref<1x1x80x128xi32, #tpu.memory_space<hbm>> -> memref<80x128xi32, #tpu.memory_space<hbm>>
      %dma_wait3A_91 = arith.constant 0 : i32
      %dma_wait3A_92 = arith.constant 0 : i32
      %dma_wait3A_93 = tpu.memref_slice %arg3[%run_scoped3A, %add3A, %dma_wait3A_91, %dma_wait3A_92] : memref<2x32x80x128xi32, #tpu.memory_space<hbm>> -> memref<1x1x80x128xi32, #tpu.memory_space<hbm>>
      %dma_wait3A_94 = tpu.memref_squeeze %dma_wait3A_93 : memref<1x1x80x128xi32, #tpu.memory_space<hbm>> -> memref<80x128xi32, #tpu.memory_space<hbm>>
      tpu.wait_dma2 semaphore(%run_scoped3A_79 : memref<!tpu.dma_semaphore, #tpu.memory_space<semaphore_mem>>) src(%dma_wait3A_94 : memref<80x128xi32, #tpu.memory_space<hbm>>) dst(%arg5 : memref<80x128xi32, #tpu.memory_space<vmem>>)
      tpu.yield
    }) : () -> ()
    %run_scoped3A_1 = arith.constant 1 : i32
    "tpu.region"() ({
      %run_scoped3A_79 = tpu.sem_alloc : memref<!tpu.dma_semaphore, #tpu.memory_space<semaphore_mem>>
      %dma_start3A_80 = arith.constant 0 : i32
      %dma_start3A_81 = arith.constant 0 : i32
      %dma_start3A_82 = tpu.memref_slice %arg3[%run_scoped3A_1, %add3A, %dma_start3A_80, %dma_start3A_81] : memref<2x32x80x128xi32, #tpu.memory_space<hbm>> -> memref<1x1x80x128xi32, #tpu.memory_space<hbm>>
      %dma_start3A_83 = tpu.memref_squeeze %dma_start3A_82 : memref<1x1x80x128xi32, #tpu.memory_space<hbm>> -> memref<80x128xi32, #tpu.memory_space<hbm>>
      %dma_start3A_84 = arith.constant 0 : i32
      %dma_start3A_85 = arith.constant 0 : i32
      %dma_start3A_86 = tpu.memref_slice %arg3[%run_scoped3A_1, %add3A, %dma_start3A_84, %dma_start3A_85] : memref<2x32x80x128xi32, #tpu.memory_space<hbm>> -> memref<1x1x80x128xi32, #tpu.memory_space<hbm>>
      %dma_start3A_87 = tpu.memref_squeeze %dma_start3A_86 : memref<1x1x80x128xi32, #tpu.memory_space<hbm>> -> memref<80x128xi32, #tpu.memory_space<hbm>>
      tpu.enqueue_dma source(%dma_start3A_87 : memref<80x128xi32, #tpu.memory_space<hbm>>) target(%arg6 : memref<80x128xi32, #tpu.memory_space<vmem>>) target_semaphore(%run_scoped3A_79 : memref<!tpu.dma_semaphore, #tpu.memory_space<semaphore_mem>>)
      %dma_wait3A = arith.constant 0 : i32
      %dma_wait3A_88 = arith.constant 0 : i32
      %dma_wait3A_89 = tpu.memref_slice %arg3[%run_scoped3A_1, %add3A, %dma_wait3A, %dma_wait3A_88] : memref<2x32x80x128xi32, #tpu.memory_space<hbm>> -> memref<1x1x80x128xi32, #tpu.memory_space<hbm>>
      %dma_wait3A_90 = tpu.memref_squeeze %dma_wait3A_89 : memref<1x1x80x128xi32, #tpu.memory_space<hbm>> -> memref<80x128xi32, #tpu.memory_space<hbm>>
      %dma_wait3A_91 = arith.constant 0 : i32
      %dma_wait3A_92 = arith.constant 0 : i32
      %dma_wait3A_93 = tpu.memref_slice %arg3[%run_scoped3A_1, %add3A, %dma_wait3A_91, %dma_wait3A_92] : memref<2x32x80x128xi32, #tpu.memory_space<hbm>> -> memref<1x1x80x128xi32, #tpu.memory_space<hbm>>
      %dma_wait3A_94 = tpu.memref_squeeze %dma_wait3A_93 : memref<1x1x80x128xi32, #tpu.memory_space<hbm>> -> memref<80x128xi32, #tpu.memory_space<hbm>>
      tpu.wait_dma2 semaphore(%run_scoped3A_79 : memref<!tpu.dma_semaphore, #tpu.memory_space<semaphore_mem>>) src(%dma_wait3A_94 : memref<80x128xi32, #tpu.memory_space<hbm>>) dst(%arg6 : memref<80x128xi32, #tpu.memory_space<vmem>>)
      tpu.yield
    }) : () -> ()
    %broadcast_in_dim3A = arith.constant 0.000000e+00 : f32
    %broadcast_in_dim3A_2 = vector.broadcast %broadcast_in_dim3A : f32 to vector<16xf32>
    %scan3A = arith.constant 0 : i32
    %scan3A_3 = arith.constant 64 : i32
    %scan3A_4 = arith.addi %scan3A, %scan3A_3 : i32
    %scan3A_5 = arith.constant 1 : i32
    scf.for %scan3A_79 = %scan3A to %scan3A_4 step %scan3A_5  : i32 {
      %mul3A_80 = arith.constant 1 : i32
      %mul3A_81 = arith.muli %scan3A_79, %mul3A_80 : i32
      %add3A_82 = arith.constant 0 : i32
      %add3A_83 = arith.addi %add3A_82, %mul3A_81 : i32
      %scan3A_84 = arith.constant 0 : i32
      %scan3A_85 = arith.constant 4 : i32
      %scan3A_86 = arith.addi %scan3A_84, %scan3A_85 : i32
      %scan3A_87 = arith.constant 1 : i32
      scf.for %scan3A_89 = %scan3A_84 to %scan3A_86 step %scan3A_87  : i32 {
        %mul3A_90 = arith.constant 16 : i32
        %mul3A_91 = arith.muli %scan3A_89, %mul3A_90 : i32
        %add3A_92 = arith.constant 0 : i32
        %add3A_93 = arith.addi %add3A_92, %mul3A_91 : i32
        %swap3A = arith.index_cast %add3A_83 : i32 to index
        %swap3A_94 = arith.index_cast %add3A_93 : i32 to index
        %swap3A_95 = tpu.vector_load %arg8[%swap3A, %swap3A_94] {strides = array<i32>} : memref<64x64xf32, #tpu.memory_space<vmem>>, vector<1x16xf32>,
        %swap3A_96 = vector.shape_cast %swap3A_95 : vector<1x16xf32> to vector<16xf32>
        %swap3A_97 = vector.shape_cast %broadcast_in_dim3A_2 : vector<16xf32> to vector<1x16xf32>
        tpu.vector_store %arg8[%swap3A, %swap3A_94], %swap3A_97 {strides = array<i32>} : memref<64x64xf32, #tpu.memory_space<vmem>>, vector<1x16xf32>,
      }
      %scan3A_88 = arith.constant 4 : i32
    }
    %scan3A_6 = arith.constant 64 : i32
    %mul3A_7 = arith.constant 640 : i32
    %mul3A_8 = arith.muli %arg1, %mul3A_7 : i32
    %scan3A_9 = arith.constant 0 : i32
    %scan3A_10 = arith.constant 10 : i32
    %scan3A_11 = arith.addi %scan3A_9, %scan3A_10 : i32
    %scan3A_12 = arith.constant 1 : i32
    scf.for %scan3A_79 = %scan3A_9 to %scan3A_11 step %scan3A_12  : i32 {
      %mul3A_80 = arith.constant 64 : i32
      %mul3A_81 = arith.muli %scan3A_79, %mul3A_80 : i32
      %add3A_82 = arith.constant 0 : i32
      %add3A_83 = arith.addi %add3A_82, %mul3A_81 : i32
      %add3A_84 = arith.addi %mul3A_8, %add3A_83 : i32
      "tpu.region"() ({
        %run_scoped3A_85 = tpu.sem_alloc : memref<!tpu.dma_semaphore, #tpu.memory_space<semaphore_mem>>
        %dma_start3A_86 = arith.constant 0 : i32
        %dma_start3A_87 = tpu.memref_slice %arg9[%add3A_84, %dma_start3A_86] : memref<10240x64xf32, #tpu.memory_space<vmem_shared>> -> memref<64x64xf32, #tpu.memory_space<vmem_shared>>
        %dma_start3A_88 = arith.constant 0 : i32
        %dma_start3A_89 = tpu.memref_slice %arg9[%add3A_84, %dma_start3A_88] : memref<10240x64xf32, #tpu.memory_space<vmem_shared>> -> memref<64x64xf32, #tpu.memory_space<vmem_shared>>
        tpu.enqueue_dma source(%arg8 : memref<64x64xf32, #tpu.memory_space<vmem>>) target(%dma_start3A_89 : memref<64x64xf32, #tpu.memory_space<vmem_shared>>) target_semaphore(%run_scoped3A_85 : memref<!tpu.dma_semaphore, #tpu.memory_space<semaphore_mem>>)
        %dma_wait3A = arith.constant 0 : i32
        %dma_wait3A_90 = tpu.memref_slice %arg9[%add3A_84, %dma_wait3A] : memref<10240x64xf32, #tpu.memory_space<vmem_shared>> -> memref<64x64xf32, #tpu.memory_space<vmem_shared>>
        %dma_wait3A_91 = arith.constant 0 : i32
        %dma_wait3A_92 = tpu.memref_slice %arg9[%add3A_84, %dma_wait3A_91] : memref<10240x64xf32, #tpu.memory_space<vmem_shared>> -> memref<64x64xf32, #tpu.memory_space<vmem_shared>>
        tpu.wait_dma2 semaphore(%run_scoped3A_85 : memref<!tpu.dma_semaphore, #tpu.memory_space<semaphore_mem>>) src(%arg8 : memref<64x64xf32, #tpu.memory_space<vmem>>) dst(%dma_wait3A_92 : memref<64x64xf32, #tpu.memory_space<vmem_shared>>)
        tpu.yield
      }) : () -> ()
    }
    %scan3A_13 = arith.constant 10 : i32
    %barrier3A = arith.constant 0 : index
    tpu.barrier barrier_id(%barrier3A)
    %dma_start3A = arith.constant 0 : i32
    %dma_start3A_14 = arith.constant 0 : i32
    %dma_start3A_15 = arith.constant 0 : i32
    %dma_start3A_16 = arith.constant 0 : i32
    %dma_start3A_17 = arith.constant 0 : i32
    %dma_start3A_18 = tpu.memref_slice %arg7[%dma_start3A_14, %dma_start3A_16, %dma_start3A_17] : memref<8x128x64xf32, #tpu.memory_space<vmem>> -> memref<1x128x64xf32, #tpu.memory_space<vmem>>
    %dma_start3A_19 = tpu.memref_squeeze %dma_start3A_18 : memref<1x128x64xf32, #tpu.memory_space<vmem>> -> memref<128x64xf32, #tpu.memory_space<vmem>>
    %dma_start3A_20 = arith.constant 0 : i32
    %dma_start3A_21 = tpu.memref_slice %arg5[%dma_start3A, %dma_start3A_20] : memref<80x128xi32, #tpu.memory_space<vmem>> -> memref<1x128xi32, #tpu.memory_space<vmem>>
    %dma_start3A_22 = tpu.memref_squeeze %dma_start3A_21 : memref<1x128xi32, #tpu.memory_space<vmem>> -> memref<128xi32, #tpu.memory_space<vmem>>
    %dma_start3A_23 = arith.constant 0 : i32
    %dma_start3A_24 = arith.constant 0 : i32
    %dma_start3A_25 = tpu.memref_slice %arg2[%dma_start3A_23, %dma_start3A_24] : memref<10240x64xf32, #tpu.memory_space<hbm>> -> memref<10240x64xf32, #tpu.memory_space<hbm>>
    %dma_start3A_26 = tpu.memref_slice %arg10[%dma_start3A_15] : memref<8x!tpu.dma_semaphore, #tpu.memory_space<semaphore_mem>> -> memref<1x!tpu.dma_semaphore, #tpu.memory_space<semaphore_mem>>
    %dma_start3A_27 = tpu.memref_squeeze %dma_start3A_26 : memref<1x!tpu.dma_semaphore, #tpu.memory_space<semaphore_mem>> -> memref<!tpu.dma_semaphore, #tpu.memory_space<semaphore_mem>>
    tpu.enqueue_indirect_dma source(%dma_start3A_25 : memref<10240x64xf32, #tpu.memory_space<hbm>>) target(%dma_start3A_19 : memref<128x64xf32, #tpu.memory_space<vmem>>) offsets(%dma_start3A_22 : memref<128xi32, #tpu.memory_space<vmem>>) semaphore(%dma_start3A_27 : memref<!tpu.dma_semaphore, #tpu.memory_space<semaphore_mem>>)
    %dma_start3A_28 = arith.constant 1 : i32
    %dma_start3A_29 = arith.constant 1 : i32
    %dma_start3A_30 = arith.constant 1 : i32
    %dma_start3A_31 = arith.constant 0 : i32
    %dma_start3A_32 = arith.constant 0 : i32
    %dma_start3A_33 = tpu.memref_slice %arg7[%dma_start3A_29, %dma_start3A_31, %dma_start3A_32] : memref<8x128x64xf32, #tpu.memory_space<vmem>> -> memref<1x128x64xf32, #tpu.memory_space<vmem>>
    %dma_start3A_34 = tpu.memref_squeeze %dma_start3A_33 : memref<1x128x64xf32, #tpu.memory_space<vmem>> -> memref<128x64xf32, #tpu.memory_space<vmem>>
    %dma_start3A_35 = arith.constant 0 : i32
    %dma_start3A_36 = tpu.memref_slice %arg5[%dma_start3A_28, %dma_start3A_35] : memref<80x128xi32, #tpu.memory_space<vmem>> -> memref<1x128xi32, #tpu.memory_space<vmem>>
    %dma_start3A_37 = tpu.memref_squeeze %dma_start3A_36 : memref<1x128xi32, #tpu.memory_space<vmem>> -> memref<128xi32, #tpu.memory_space<vmem>>
    %dma_start3A_38 = arith.constant 0 : i32
    %dma_start3A_39 = arith.constant 0 : i32
    %dma_start3A_40 = tpu.memref_slice %arg2[%dma_start3A_38, %dma_start3A_39] : memref<10240x64xf32, #tpu.memory_space<hbm>> -> memref<10240x64xf32, #tpu.memory_space<hbm>>
    %dma_start3A_41 = tpu.memref_slice %arg10[%dma_start3A_30] : memref<8x!tpu.dma_semaphore, #tpu.memory_space<semaphore_mem>> -> memref<1x!tpu.dma_semaphore, #tpu.memory_space<semaphore_mem>>
    %dma_start3A_42 = tpu.memref_squeeze %dma_start3A_41 : memref<1x!tpu.dma_semaphore, #tpu.memory_space<semaphore_mem>> -> memref<!tpu.dma_semaphore, #tpu.memory_space<semaphore_mem>>
    tpu.enqueue_indirect_dma source(%dma_start3A_40 : memref<10240x64xf32, #tpu.memory_space<hbm>>) target(%dma_start3A_34 : memref<128x64xf32, #tpu.memory_space<vmem>>) offsets(%dma_start3A_37 : memref<128xi32, #tpu.memory_space<vmem>>) semaphore(%dma_start3A_42 : memref<!tpu.dma_semaphore, #tpu.memory_space<semaphore_mem>>)
    %dma_start3A_43 = arith.constant 2 : i32
    %dma_start3A_44 = arith.constant 2 : i32
    %dma_start3A_45 = arith.constant 2 : i32
    %dma_start3A_46 = arith.constant 0 : i32
    %dma_start3A_47 = arith.constant 0 : i32
    %dma_start3A_48 = tpu.memref_slice %arg7[%dma_start3A_44, %dma_start3A_46, %dma_start3A_47] : memref<8x128x64xf32, #tpu.memory_space<vmem>> -> memref<1x128x64xf32, #tpu.memory_space<vmem>>
    %dma_start3A_49 = tpu.memref_squeeze %dma_start3A_48 : memref<1x128x64xf32, #tpu.memory_space<vmem>> -> memref<128x64xf32, #tpu.memory_space<vmem>>
    %dma_start3A_50 = arith.constant 0 : i32
    %dma_start3A_51 = tpu.memref_slice %arg5[%dma_start3A_43, %dma_start3A_50] : memref<80x128xi32, #tpu.memory_space<vmem>> -> memref<1x128xi32, #tpu.memory_space<vmem>>
    %dma_start3A_52 = tpu.memref_squeeze %dma_start3A_51 : memref<1x128xi32, #tpu.memory_space<vmem>> -> memref<128xi32, #tpu.memory_space<vmem>>
    %dma_start3A_53 = arith.constant 0 : i32
    %dma_start3A_54 = arith.constant 0 : i32
    %dma_start3A_55 = tpu.memref_slice %arg2[%dma_start3A_53, %dma_start3A_54] : memref<10240x64xf32, #tpu.memory_space<hbm>> -> memref<10240x64xf32, #tpu.memory_space<hbm>>
    %dma_start3A_56 = tpu.memref_slice %arg10[%dma_start3A_45] : memref<8x!tpu.dma_semaphore, #tpu.memory_space<semaphore_mem>> -> memref<1x!tpu.dma_semaphore, #tpu.memory_space<semaphore_mem>>
    %dma_start3A_57 = tpu.memref_squeeze %dma_start3A_56 : memref<1x!tpu.dma_semaphore, #tpu.memory_space<semaphore_mem>> -> memref<!tpu.dma_semaphore, #tpu.memory_space<semaphore_mem>>
    tpu.enqueue_indirect_dma source(%dma_start3A_55 : memref<10240x64xf32, #tpu.memory_space<hbm>>) target(%dma_start3A_49 : memref<128x64xf32, #tpu.memory_space<vmem>>) offsets(%dma_start3A_52 : memref<128xi32, #tpu.memory_space<vmem>>) semaphore(%dma_start3A_57 : memref<!tpu.dma_semaphore, #tpu.memory_space<semaphore_mem>>)
    %dma_start3A_58 = arith.constant 3 : i32
    %dma_start3A_59 = arith.constant 3 : i32
    %dma_start3A_60 = arith.constant 3 : i32
    %dma_start3A_61 = arith.constant 0 : i32
    %dma_start3A_62 = arith.constant 0 : i32
    %dma_start3A_63 = tpu.memref_slice %arg7[%dma_start3A_59, %dma_start3A_61, %dma_start3A_62] : memref<8x128x64xf32, #tpu.memory_space<vmem>> -> memref<1x128x64xf32, #tpu.memory_space<vmem>>
    %dma_start3A_64 = tpu.memref_squeeze %dma_start3A_63 : memref<1x128x64xf32, #tpu.memory_space<vmem>> -> memref<128x64xf32, #tpu.memory_space<vmem>>
    %dma_start3A_65 = arith.constant 0 : i32
    %dma_start3A_66 = tpu.memref_slice %arg5[%dma_start3A_58, %dma_start3A_65] : memref<80x128xi32, #tpu.memory_space<vmem>> -> memref<1x128xi32, #tpu.memory_space<vmem>>
    %dma_start3A_67 = tpu.memref_squeeze %dma_start3A_66 : memref<1x128xi32, #tpu.memory_space<vmem>> -> memref<128xi32, #tpu.memory_space<vmem>>
    %dma_start3A_68 = arith.constant 0 : i32
    %dma_start3A_69 = arith.constant 0 : i32
    %dma_start3A_70 = tpu.memref_slice %arg2[%dma_start3A_68, %dma_start3A_69] : memref<10240x64xf32, #tpu.memory_space<hbm>> -> memref<10240x64xf32, #tpu.memory_space<hbm>>
    %dma_start3A_71 = tpu.memref_slice %arg10[%dma_start3A_60] : memref<8x!tpu.dma_semaphore, #tpu.memory_space<semaphore_mem>> -> memref<1x!tpu.dma_semaphore, #tpu.memory_space<semaphore_mem>>
    %dma_start3A_72 = tpu.memref_squeeze %dma_start3A_71 : memref<1x!tpu.dma_semaphore, #tpu.memory_space<semaphore_mem>> -> memref<!tpu.dma_semaphore, #tpu.memory_space<semaphore_mem>>
    tpu.enqueue_indirect_dma source(%dma_start3A_70 : memref<10240x64xf32, #tpu.memory_space<hbm>>) target(%dma_start3A_64 : memref<128x64xf32, #tpu.memory_space<vmem>>) offsets(%dma_start3A_67 : memref<128xi32, #tpu.memory_space<vmem>>) semaphore(%dma_start3A_72 : memref<!tpu.dma_semaphore, #tpu.memory_space<semaphore_mem>>)
    %scan3A_73 = arith.constant 0 : i32
    %scan3A_74 = arith.constant 10 : i32
    %scan3A_75 = arith.addi %scan3A_73, %scan3A_74 : i32
    %scan3A_76 = arith.constant 1 : i32
    scf.for %scan3A_79 = %scan3A_73 to %scan3A_75 step %scan3A_76  : i32 {
      %mul3A_80 = arith.constant 8 : i32
      %mul3A_81 = arith.muli %scan3A_79, %mul3A_80 : i32
      %add3A_82 = arith.constant 0 : i32
      %add3A_83 = arith.addi %add3A_82, %mul3A_81 : i32
      %add3A_84 = arith.constant 0 : i32
      %add3A_85 = arith.addi %add3A_83, %add3A_84 : i32
      %dma_wait3A = arith.constant 0 : i32
      %dma_wait3A_86 = arith.constant 0 : i32
      %dma_wait3A_87 = arith.constant 0 : i32
      %dma_wait3A_88 = arith.constant 0 : i32
      %dma_wait3A_89 = tpu.memref_slice %arg7[%dma_wait3A, %dma_wait3A_87, %dma_wait3A_88] : memref<8x128x64xf32, #tpu.memory_space<vmem>> -> memref<1x128x64xf32, #tpu.memory_space<vmem>>
      %dma_wait3A_90 = tpu.memref_squeeze %dma_wait3A_89 : memref<1x128x64xf32, #tpu.memory_space<vmem>> -> memref<128x64xf32, #tpu.memory_space<vmem>>
      %dma_wait3A_91 = arith.constant 0 : i32
      %dma_wait3A_92 = tpu.memref_slice %arg5[%add3A_85, %dma_wait3A_91] : memref<80x128xi32, #tpu.memory_space<vmem>> -> memref<1x128xi32, #tpu.memory_space<vmem>>
      %dma_wait3A_93 = tpu.memref_squeeze %dma_wait3A_92 : memref<1x128xi32, #tpu.memory_space<vmem>> -> memref<128xi32, #tpu.memory_space<vmem>>
      %dma_wait3A_94 = arith.constant 0 : i32
      %dma_wait3A_95 = arith.constant 0 : i32
      %dma_wait3A_96 = tpu.memref_slice %arg2[%dma_wait3A_94, %dma_wait3A_95] : memref<10240x64xf32, #tpu.memory_space<hbm>> -> memref<10240x64xf32, #tpu.memory_space<hbm>>
      %dma_wait3A_97 = tpu.memref_slice %arg10[%dma_wait3A_86] : memref<8x!tpu.dma_semaphore, #tpu.memory_space<semaphore_mem>> -> memref<1x!tpu.dma_semaphore, #tpu.memory_space<semaphore_mem>>
      %dma_wait3A_98 = tpu.memref_squeeze %dma_wait3A_97 : memref<1x!tpu.dma_semaphore, #tpu.memory_space<semaphore_mem>> -> memref<!tpu.dma_semaphore, #tpu.memory_space<semaphore_mem>>
      tpu.wait_indirect_dma semaphore(%dma_wait3A_98 : memref<!tpu.dma_semaphore, #tpu.memory_space<semaphore_mem>>) src(%dma_wait3A_96 : memref<10240x64xf32, #tpu.memory_space<hbm>>) dst(%dma_wait3A_90 : memref<128x64xf32, #tpu.memory_space<vmem>>)
      %add3A_99 = arith.constant 4 : i32
      %add3A_100 = arith.addi %add3A_85, %add3A_99 : i32
      %lt3A = arith.constant 80 : i32
      %lt3A_101 = arith.cmpi slt, %add3A_100, %lt3A : i32
      %convert_element_type3A = arith.extui %lt3A_101 : i1 to i32
      %cond3A = arith.constant 0 : i32
      %cond3A_102 = arith.cmpi ne, %convert_element_type3A, %cond3A : i32
      scf.if %cond3A_102 {
        %add3A_272 = arith.constant 4 : i32
        %add3A_273 = arith.addi %add3A_85, %add3A_272 : i32
        %dma_start3A_274 = arith.constant 4 : i32
        %dma_start3A_275 = arith.constant 4 : i32
        %dma_start3A_276 = arith.constant 0 : i32
        %dma_start3A_277 = arith.constant 0 : i32
        %dma_start3A_278 = tpu.memref_slice %arg7[%dma_start3A_274, %dma_start3A_276, %dma_start3A_277] : memref<8x128x64xf32, #tpu.memory_space<vmem>> -> memref<1x128x64xf32, #tpu.memory_space<vmem>>
        %dma_start3A_279 = tpu.memref_squeeze %dma_start3A_278 : memref<1x128x64xf32, #tpu.memory_space<vmem>> -> memref<128x64xf32, #tpu.memory_space<vmem>>
        %dma_start3A_280 = arith.constant 0 : i32
        %dma_start3A_281 = tpu.memref_slice %arg5[%add3A_273, %dma_start3A_280] : memref<80x128xi32, #tpu.memory_space<vmem>> -> memref<1x128xi32, #tpu.memory_space<vmem>>
        %dma_start3A_282 = tpu.memref_squeeze %dma_start3A_281 : memref<1x128xi32, #tpu.memory_space<vmem>> -> memref<128xi32, #tpu.memory_space<vmem>>
        %dma_start3A_283 = arith.constant 0 : i32
        %dma_start3A_284 = arith.constant 0 : i32
        %dma_start3A_285 = tpu.memref_slice %arg2[%dma_start3A_283, %dma_start3A_284] : memref<10240x64xf32, #tpu.memory_space<hbm>> -> memref<10240x64xf32, #tpu.memory_space<hbm>>
        %dma_start3A_286 = tpu.memref_slice %arg10[%dma_start3A_275] : memref<8x!tpu.dma_semaphore, #tpu.memory_space<semaphore_mem>> -> memref<1x!tpu.dma_semaphore, #tpu.memory_space<semaphore_mem>>
        %dma_start3A_287 = tpu.memref_squeeze %dma_start3A_286 : memref<1x!tpu.dma_semaphore, #tpu.memory_space<semaphore_mem>> -> memref<!tpu.dma_semaphore, #tpu.memory_space<semaphore_mem>>
        tpu.enqueue_indirect_dma source(%dma_start3A_285 : memref<10240x64xf32, #tpu.memory_space<hbm>>) target(%dma_start3A_279 : memref<128x64xf32, #tpu.memory_space<vmem>>) offsets(%dma_start3A_282 : memref<128xi32, #tpu.memory_space<vmem>>) semaphore(%dma_start3A_287 : memref<!tpu.dma_semaphore, #tpu.memory_space<semaphore_mem>>)
      } else {
      }
      %run_scoped3A_103 = arith.constant 0 : i32
      "tpu.region"() ({
        %run_scoped3A_272 = tpu.sem_alloc : memref<!tpu.dma_semaphore, #tpu.memory_space<semaphore_mem>>
        %dma_start3A_273 = arith.constant 0 : i32
        %dma_start3A_274 = arith.constant 0 : i32
        %dma_start3A_275 = tpu.memref_slice %arg7[%run_scoped3A_103, %dma_start3A_273, %dma_start3A_274] : memref<8x128x64xf32, #tpu.memory_space<vmem>> -> memref<1x128x64xf32, #tpu.memory_space<vmem>>
        %dma_start3A_276 = tpu.memref_squeeze %dma_start3A_275 : memref<1x128x64xf32, #tpu.memory_space<vmem>> -> memref<128x64xf32, #tpu.memory_space<vmem>>
        %dma_start3A_277 = arith.constant 0 : i32
        %dma_start3A_278 = tpu.memref_slice %arg6[%add3A_85, %dma_start3A_277] : memref<80x128xi32, #tpu.memory_space<vmem>> -> memref<1x128xi32, #tpu.memory_space<vmem>>
        %dma_start3A_279 = tpu.memref_squeeze %dma_start3A_278 : memref<1x128xi32, #tpu.memory_space<vmem>> -> memref<128xi32, #tpu.memory_space<vmem>>
        %dma_start3A_280 = arith.constant 0 : i32
        %dma_start3A_281 = arith.constant 0 : i32
        %dma_start3A_282 = tpu.memref_slice %arg9[%dma_start3A_280, %dma_start3A_281] : memref<10240x64xf32, #tpu.memory_space<vmem_shared>> -> memref<10240x64xf32, #tpu.memory_space<vmem_shared>>
        tpu.enqueue_indirect_dma source(%dma_start3A_276 : memref<128x64xf32, #tpu.memory_space<vmem>>) target(%dma_start3A_282 : memref<10240x64xf32, #tpu.memory_space<vmem_shared>>) offsets(%dma_start3A_279 : memref<128xi32, #tpu.memory_space<vmem>>) semaphore(%run_scoped3A_272 : memref<!tpu.dma_semaphore, #tpu.memory_space<semaphore_mem>>) {add = true}
        %dma_wait3A_283 = arith.constant 0 : i32
        %dma_wait3A_284 = arith.constant 0 : i32
        %dma_wait3A_285 = tpu.memref_slice %arg7[%run_scoped3A_103, %dma_wait3A_283, %dma_wait3A_284] : memref<8x128x64xf32, #tpu.memory_space<vmem>> -> memref<1x128x64xf32, #tpu.memory_space<vmem>>
        %dma_wait3A_286 = tpu.memref_squeeze %dma_wait3A_285 : memref<1x128x64xf32, #tpu.memory_space<vmem>> -> memref<128x64xf32, #tpu.memory_space<vmem>>
        %dma_wait3A_287 = arith.constant 0 : i32
        %dma_wait3A_288 = tpu.memref_slice %arg6[%add3A_85, %dma_wait3A_287] : memref<80x128xi32, #tpu.memory_space<vmem>> -> memref<1x128xi32, #tpu.memory_space<vmem>>
        %dma_wait3A_289 = tpu.memref_squeeze %dma_wait3A_288 : memref<1x128xi32, #tpu.memory_space<vmem>> -> memref<128xi32, #tpu.memory_space<vmem>>
        %dma_wait3A_290 = arith.constant 0 : i32
        %dma_wait3A_291 = arith.constant 0 : i32
        %dma_wait3A_292 = tpu.memref_slice %arg9[%dma_wait3A_290, %dma_wait3A_291] : memref<10240x64xf32, #tpu.memory_space<vmem_shared>> -> memref<10240x64xf32, #tpu.memory_space<vmem_shared>>
        tpu.wait_indirect_dma semaphore(%run_scoped3A_272 : memref<!tpu.dma_semaphore, #tpu.memory_space<semaphore_mem>>) src(%dma_wait3A_286 : memref<128x64xf32, #tpu.memory_space<vmem>>) dst(%dma_wait3A_292 : memref<10240x64xf32, #tpu.memory_space<vmem_shared>>)
        tpu.yield
      }) : () -> ()
      %add3A_104 = arith.constant 1 : i32
      %add3A_105 = arith.addi %add3A_83, %add3A_104 : i32
      %dma_wait3A_106 = arith.constant 1 : i32
      %dma_wait3A_107 = arith.constant 1 : i32
      %dma_wait3A_108 = arith.constant 0 : i32
      %dma_wait3A_109 = arith.constant 0 : i32
      %dma_wait3A_110 = tpu.memref_slice %arg7[%dma_wait3A_106, %dma_wait3A_108, %dma_wait3A_109] : memref<8x128x64xf32, #tpu.memory_space<vmem>> -> memref<1x128x64xf32, #tpu.memory_space<vmem>>
      %dma_wait3A_111 = tpu.memref_squeeze %dma_wait3A_110 : memref<1x128x64xf32, #tpu.memory_space<vmem>> -> memref<128x64xf32, #tpu.memory_space<vmem>>
      %dma_wait3A_112 = arith.constant 0 : i32
      %dma_wait3A_113 = tpu.memref_slice %arg5[%add3A_105, %dma_wait3A_112] : memref<80x128xi32, #tpu.memory_space<vmem>> -> memref<1x128xi32, #tpu.memory_space<vmem>>
      %dma_wait3A_114 = tpu.memref_squeeze %dma_wait3A_113 : memref<1x128xi32, #tpu.memory_space<vmem>> -> memref<128xi32, #tpu.memory_space<vmem>>
      %dma_wait3A_115 = arith.constant 0 : i32
      %dma_wait3A_116 = arith.constant 0 : i32
      %dma_wait3A_117 = tpu.memref_slice %arg2[%dma_wait3A_115, %dma_wait3A_116] : memref<10240x64xf32, #tpu.memory_space<hbm>> -> memref<10240x64xf32, #tpu.memory_space<hbm>>
      %dma_wait3A_118 = tpu.memref_slice %arg10[%dma_wait3A_107] : memref<8x!tpu.dma_semaphore, #tpu.memory_space<semaphore_mem>> -> memref<1x!tpu.dma_semaphore, #tpu.memory_space<semaphore_mem>>
      %dma_wait3A_119 = tpu.memref_squeeze %dma_wait3A_118 : memref<1x!tpu.dma_semaphore, #tpu.memory_space<semaphore_mem>> -> memref<!tpu.dma_semaphore, #tpu.memory_space<semaphore_mem>>
      tpu.wait_indirect_dma semaphore(%dma_wait3A_119 : memref<!tpu.dma_semaphore, #tpu.memory_space<semaphore_mem>>) src(%dma_wait3A_117 : memref<10240x64xf32, #tpu.memory_space<hbm>>) dst(%dma_wait3A_111 : memref<128x64xf32, #tpu.memory_space<vmem>>)
      %add3A_120 = arith.constant 4 : i32
      %add3A_121 = arith.addi %add3A_105, %add3A_120 : i32
      %lt3A_122 = arith.constant 80 : i32
      %lt3A_123 = arith.cmpi slt, %add3A_121, %lt3A_122 : i32
      %convert_element_type3A_124 = arith.extui %lt3A_123 : i1 to i32
      %cond3A_125 = arith.constant 0 : i32
      %cond3A_126 = arith.cmpi ne, %convert_element_type3A_124, %cond3A_125 : i32
      scf.if %cond3A_126 {
        %add3A_272 = arith.constant 4 : i32
        %add3A_273 = arith.addi %add3A_105, %add3A_272 : i32
        %dma_start3A_274 = arith.constant 5 : i32
        %dma_start3A_275 = arith.constant 5 : i32
        %dma_start3A_276 = arith.constant 0 : i32
        %dma_start3A_277 = arith.constant 0 : i32
        %dma_start3A_278 = tpu.memref_slice %arg7[%dma_start3A_274, %dma_start3A_276, %dma_start3A_277] : memref<8x128x64xf32, #tpu.memory_space<vmem>> -> memref<1x128x64xf32, #tpu.memory_space<vmem>>
        %dma_start3A_279 = tpu.memref_squeeze %dma_start3A_278 : memref<1x128x64xf32, #tpu.memory_space<vmem>> -> memref<128x64xf32, #tpu.memory_space<vmem>>
        %dma_start3A_280 = arith.constant 0 : i32
        %dma_start3A_281 = tpu.memref_slice %arg5[%add3A_273, %dma_start3A_280] : memref<80x128xi32, #tpu.memory_space<vmem>> -> memref<1x128xi32, #tpu.memory_space<vmem>>
        %dma_start3A_282 = tpu.memref_squeeze %dma_start3A_281 : memref<1x128xi32, #tpu.memory_space<vmem>> -> memref<128xi32, #tpu.memory_space<vmem>>
        %dma_start3A_283 = arith.constant 0 : i32
        %dma_start3A_284 = arith.constant 0 : i32
        %dma_start3A_285 = tpu.memref_slice %arg2[%dma_start3A_283, %dma_start3A_284] : memref<10240x64xf32, #tpu.memory_space<hbm>> -> memref<10240x64xf32, #tpu.memory_space<hbm>>
        %dma_start3A_286 = tpu.memref_slice %arg10[%dma_start3A_275] : memref<8x!tpu.dma_semaphore, #tpu.memory_space<semaphore_mem>> -> memref<1x!tpu.dma_semaphore, #tpu.memory_space<semaphore_mem>>
        %dma_start3A_287 = tpu.memref_squeeze %dma_start3A_286 : memref<1x!tpu.dma_semaphore, #tpu.memory_space<semaphore_mem>> -> memref<!tpu.dma_semaphore, #tpu.memory_space<semaphore_mem>>
        tpu.enqueue_indirect_dma source(%dma_start3A_285 : memref<10240x64xf32, #tpu.memory_space<hbm>>) target(%dma_start3A_279 : memref<128x64xf32, #tpu.memory_space<vmem>>) offsets(%dma_start3A_282 : memref<128xi32, #tpu.memory_space<vmem>>) semaphore(%dma_start3A_287 : memref<!tpu.dma_semaphore, #tpu.memory_space<semaphore_mem>>)
      } else {
      }
      %run_scoped3A_127 = arith.constant 1 : i32
      "tpu.region"() ({
        %run_scoped3A_272 = tpu.sem_alloc : memref<!tpu.dma_semaphore, #tpu.memory_space<semaphore_mem>>
        %dma_start3A_273 = arith.constant 0 : i32
        %dma_start3A_274 = arith.constant 0 : i32
        %dma_start3A_275 = tpu.memref_slice %arg7[%run_scoped3A_127, %dma_start3A_273, %dma_start3A_274] : memref<8x128x64xf32, #tpu.memory_space<vmem>> -> memref<1x128x64xf32, #tpu.memory_space<vmem>>
        %dma_start3A_276 = tpu.memref_squeeze %dma_start3A_275 : memref<1x128x64xf32, #tpu.memory_space<vmem>> -> memref<128x64xf32, #tpu.memory_space<vmem>>
        %dma_start3A_277 = arith.constant 0 : i32
        %dma_start3A_278 = tpu.memref_slice %arg6[%add3A_105, %dma_start3A_277] : memref<80x128xi32, #tpu.memory_space<vmem>> -> memref<1x128xi32, #tpu.memory_space<vmem>>
        %dma_start3A_279 = tpu.memref_squeeze %dma_start3A_278 : memref<1x128xi32, #tpu.memory_space<vmem>> -> memref<128xi32, #tpu.memory_space<vmem>>
        %dma_start3A_280 = arith.constant 0 : i32
        %dma_start3A_281 = arith.constant 0 : i32
        %dma_start3A_282 = tpu.memref_slice %arg9[%dma_start3A_280, %dma_start3A_281] : memref<10240x64xf32, #tpu.memory_space<vmem_shared>> -> memref<10240x64xf32, #tpu.memory_space<vmem_shared>>
        tpu.enqueue_indirect_dma source(%dma_start3A_276 : memref<128x64xf32, #tpu.memory_space<vmem>>) target(%dma_start3A_282 : memref<10240x64xf32, #tpu.memory_space<vmem_shared>>) offsets(%dma_start3A_279 : memref<128xi32, #tpu.memory_space<vmem>>) semaphore(%run_scoped3A_272 : memref<!tpu.dma_semaphore, #tpu.memory_space<semaphore_mem>>) {add = true}
        %dma_wait3A_283 = arith.constant 0 : i32
        %dma_wait3A_284 = arith.constant 0 : i32
        %dma_wait3A_285 = tpu.memref_slice %arg7[%run_scoped3A_127, %dma_wait3A_283, %dma_wait3A_284] : memref<8x128x64xf32, #tpu.memory_space<vmem>> -> memref<1x128x64xf32, #tpu.memory_space<vmem>>
        %dma_wait3A_286 = tpu.memref_squeeze %dma_wait3A_285 : memref<1x128x64xf32, #tpu.memory_space<vmem>> -> memref<128x64xf32, #tpu.memory_space<vmem>>
        %dma_wait3A_287 = arith.constant 0 : i32
        %dma_wait3A_288 = tpu.memref_slice %arg6[%add3A_105, %dma_wait3A_287] : memref<80x128xi32, #tpu.memory_space<vmem>> -> memref<1x128xi32, #tpu.memory_space<vmem>>
        %dma_wait3A_289 = tpu.memref_squeeze %dma_wait3A_288 : memref<1x128xi32, #tpu.memory_space<vmem>> -> memref<128xi32, #tpu.memory_space<vmem>>
        %dma_wait3A_290 = arith.constant 0 : i32
        %dma_wait3A_291 = arith.constant 0 : i32
        %dma_wait3A_292 = tpu.memref_slice %arg9[%dma_wait3A_290, %dma_wait3A_291] : memref<10240x64xf32, #tpu.memory_space<vmem_shared>> -> memref<10240x64xf32, #tpu.memory_space<vmem_shared>>
        tpu.wait_indirect_dma semaphore(%run_scoped3A_272 : memref<!tpu.dma_semaphore, #tpu.memory_space<semaphore_mem>>) src(%dma_wait3A_286 : memref<128x64xf32, #tpu.memory_space<vmem>>) dst(%dma_wait3A_292 : memref<10240x64xf32, #tpu.memory_space<vmem_shared>>)
        tpu.yield
      }) : () -> ()
      %add3A_128 = arith.constant 2 : i32
      %add3A_129 = arith.addi %add3A_83, %add3A_128 : i32
      %dma_wait3A_130 = arith.constant 2 : i32
      %dma_wait3A_131 = arith.constant 2 : i32
      %dma_wait3A_132 = arith.constant 0 : i32
      %dma_wait3A_133 = arith.constant 0 : i32
      %dma_wait3A_134 = tpu.memref_slice %arg7[%dma_wait3A_130, %dma_wait3A_132, %dma_wait3A_133] : memref<8x128x64xf32, #tpu.memory_space<vmem>> -> memref<1x128x64xf32, #tpu.memory_space<vmem>>
      %dma_wait3A_135 = tpu.memref_squeeze %dma_wait3A_134 : memref<1x128x64xf32, #tpu.memory_space<vmem>> -> memref<128x64xf32, #tpu.memory_space<vmem>>
      %dma_wait3A_136 = arith.constant 0 : i32
      %dma_wait3A_137 = tpu.memref_slice %arg5[%add3A_129, %dma_wait3A_136] : memref<80x128xi32, #tpu.memory_space<vmem>> -> memref<1x128xi32, #tpu.memory_space<vmem>>
      %dma_wait3A_138 = tpu.memref_squeeze %dma_wait3A_137 : memref<1x128xi32, #tpu.memory_space<vmem>> -> memref<128xi32, #tpu.memory_space<vmem>>
      %dma_wait3A_139 = arith.constant 0 : i32
      %dma_wait3A_140 = arith.constant 0 : i32
      %dma_wait3A_141 = tpu.memref_slice %arg2[%dma_wait3A_139, %dma_wait3A_140] : memref<10240x64xf32, #tpu.memory_space<hbm>> -> memref<10240x64xf32, #tpu.memory_space<hbm>>
      %dma_wait3A_142 = tpu.memref_slice %arg10[%dma_wait3A_131] : memref<8x!tpu.dma_semaphore, #tpu.memory_space<semaphore_mem>> -> memref<1x!tpu.dma_semaphore, #tpu.memory_space<semaphore_mem>>
      %dma_wait3A_143 = tpu.memref_squeeze %dma_wait3A_142 : memref<1x!tpu.dma_semaphore, #tpu.memory_space<semaphore_mem>> -> memref<!tpu.dma_semaphore, #tpu.memory_space<semaphore_mem>>
      tpu.wait_indirect_dma semaphore(%dma_wait3A_143 : memref<!tpu.dma_semaphore, #tpu.memory_space<semaphore_mem>>) src(%dma_wait3A_141 : memref<10240x64xf32, #tpu.memory_space<hbm>>) dst(%dma_wait3A_135 : memref<128x64xf32, #tpu.memory_space<vmem>>)
      %add3A_144 = arith.constant 4 : i32
      %add3A_145 = arith.addi %add3A_129, %add3A_144 : i32
      %lt3A_146 = arith.constant 80 : i32
      %lt3A_147 = arith.cmpi slt, %add3A_145, %lt3A_146 : i32
      %convert_element_type3A_148 = arith.extui %lt3A_147 : i1 to i32
      %cond3A_149 = arith.constant 0 : i32
      %cond3A_150 = arith.cmpi ne, %convert_element_type3A_148, %cond3A_149 : i32
      scf.if %cond3A_150 {
        %add3A_272 = arith.constant 4 : i32
        %add3A_273 = arith.addi %add3A_129, %add3A_272 : i32
        %dma_start3A_274 = arith.constant 6 : i32
        %dma_start3A_275 = arith.constant 6 : i32
        %dma_start3A_276 = arith.constant 0 : i32
        %dma_start3A_277 = arith.constant 0 : i32
        %dma_start3A_278 = tpu.memref_slice %arg7[%dma_start3A_274, %dma_start3A_276, %dma_start3A_277] : memref<8x128x64xf32, #tpu.memory_space<vmem>> -> memref<1x128x64xf32, #tpu.memory_space<vmem>>
        %dma_start3A_279 = tpu.memref_squeeze %dma_start3A_278 : memref<1x128x64xf32, #tpu.memory_space<vmem>> -> memref<128x64xf32, #tpu.memory_space<vmem>>
        %dma_start3A_280 = arith.constant 0 : i32
        %dma_start3A_281 = tpu.memref_slice %arg5[%add3A_273, %dma_start3A_280] : memref<80x128xi32, #tpu.memory_space<vmem>> -> memref<1x128xi32, #tpu.memory_space<vmem>>
        %dma_start3A_282 = tpu.memref_squeeze %dma_start3A_281 : memref<1x128xi32, #tpu.memory_space<vmem>> -> memref<128xi32, #tpu.memory_space<vmem>>
        %dma_start3A_283 = arith.constant 0 : i32
        %dma_start3A_284 = arith.constant 0 : i32
        %dma_start3A_285 = tpu.memref_slice %arg2[%dma_start3A_283, %dma_start3A_284] : memref<10240x64xf32, #tpu.memory_space<hbm>> -> memref<10240x64xf32, #tpu.memory_space<hbm>>
        %dma_start3A_286 = tpu.memref_slice %arg10[%dma_start3A_275] : memref<8x!tpu.dma_semaphore, #tpu.memory_space<semaphore_mem>> -> memref<1x!tpu.dma_semaphore, #tpu.memory_space<semaphore_mem>>
        %dma_start3A_287 = tpu.memref_squeeze %dma_start3A_286 : memref<1x!tpu.dma_semaphore, #tpu.memory_space<semaphore_mem>> -> memref<!tpu.dma_semaphore, #tpu.memory_space<semaphore_mem>>
        tpu.enqueue_indirect_dma source(%dma_start3A_285 : memref<10240x64xf32, #tpu.memory_space<hbm>>) target(%dma_start3A_279 : memref<128x64xf32, #tpu.memory_space<vmem>>) offsets(%dma_start3A_282 : memref<128xi32, #tpu.memory_space<vmem>>) semaphore(%dma_start3A_287 : memref<!tpu.dma_semaphore, #tpu.memory_space<semaphore_mem>>)
      } else {
      }
      %run_scoped3A_151 = arith.constant 2 : i32
      "tpu.region"() ({
        %run_scoped3A_272 = tpu.sem_alloc : memref<!tpu.dma_semaphore, #tpu.memory_space<semaphore_mem>>
        %dma_start3A_273 = arith.constant 0 : i32
        %dma_start3A_274 = arith.constant 0 : i32
        %dma_start3A_275 = tpu.memref_slice %arg7[%run_scoped3A_151, %dma_start3A_273, %dma_start3A_274] : memref<8x128x64xf32, #tpu.memory_space<vmem>> -> memref<1x128x64xf32, #tpu.memory_space<vmem>>
        %dma_start3A_276 = tpu.memref_squeeze %dma_start3A_275 : memref<1x128x64xf32, #tpu.memory_space<vmem>> -> memref<128x64xf32, #tpu.memory_space<vmem>>
        %dma_start3A_277 = arith.constant 0 : i32
        %dma_start3A_278 = tpu.memref_slice %arg6[%add3A_129, %dma_start3A_277] : memref<80x128xi32, #tpu.memory_space<vmem>> -> memref<1x128xi32, #tpu.memory_space<vmem>>
        %dma_start3A_279 = tpu.memref_squeeze %dma_start3A_278 : memref<1x128xi32, #tpu.memory_space<vmem>> -> memref<128xi32, #tpu.memory_space<vmem>>
        %dma_start3A_280 = arith.constant 0 : i32
        %dma_start3A_281 = arith.constant 0 : i32
        %dma_start3A_282 = tpu.memref_slice %arg9[%dma_start3A_280, %dma_start3A_281] : memref<10240x64xf32, #tpu.memory_space<vmem_shared>> -> memref<10240x64xf32, #tpu.memory_space<vmem_shared>>
        tpu.enqueue_indirect_dma source(%dma_start3A_276 : memref<128x64xf32, #tpu.memory_space<vmem>>) target(%dma_start3A_282 : memref<10240x64xf32, #tpu.memory_space<vmem_shared>>) offsets(%dma_start3A_279 : memref<128xi32, #tpu.memory_space<vmem>>) semaphore(%run_scoped3A_272 : memref<!tpu.dma_semaphore, #tpu.memory_space<semaphore_mem>>) {add = true}
        %dma_wait3A_283 = arith.constant 0 : i32
        %dma_wait3A_284 = arith.constant 0 : i32
        %dma_wait3A_285 = tpu.memref_slice %arg7[%run_scoped3A_151, %dma_wait3A_283, %dma_wait3A_284] : memref<8x128x64xf32, #tpu.memory_space<vmem>> -> memref<1x128x64xf32, #tpu.memory_space<vmem>>
        %dma_wait3A_286 = tpu.memref_squeeze %dma_wait3A_285 : memref<1x128x64xf32, #tpu.memory_space<vmem>> -> memref<128x64xf32, #tpu.memory_space<vmem>>
        %dma_wait3A_287 = arith.constant 0 : i32
        %dma_wait3A_288 = tpu.memref_slice %arg6[%add3A_129, %dma_wait3A_287] : memref<80x128xi32, #tpu.memory_space<vmem>> -> memref<1x128xi32, #tpu.memory_space<vmem>>
        %dma_wait3A_289 = tpu.memref_squeeze %dma_wait3A_288 : memref<1x128xi32, #tpu.memory_space<vmem>> -> memref<128xi32, #tpu.memory_space<vmem>>
        %dma_wait3A_290 = arith.constant 0 : i32
        %dma_wait3A_291 = arith.constant 0 : i32
        %dma_wait3A_292 = tpu.memref_slice %arg9[%dma_wait3A_290, %dma_wait3A_291] : memref<10240x64xf32, #tpu.memory_space<vmem_shared>> -> memref<10240x64xf32, #tpu.memory_space<vmem_shared>>
        tpu.wait_indirect_dma semaphore(%run_scoped3A_272 : memref<!tpu.dma_semaphore, #tpu.memory_space<semaphore_mem>>) src(%dma_wait3A_286 : memref<128x64xf32, #tpu.memory_space<vmem>>) dst(%dma_wait3A_292 : memref<10240x64xf32, #tpu.memory_space<vmem_shared>>)
        tpu.yield
      }) : () -> ()
      %add3A_152 = arith.constant 3 : i32
      %add3A_153 = arith.addi %add3A_83, %add3A_152 : i32
      %dma_wait3A_154 = arith.constant 3 : i32
      %dma_wait3A_155 = arith.constant 3 : i32
      %dma_wait3A_156 = arith.constant 0 : i32
      %dma_wait3A_157 = arith.constant 0 : i32
      %dma_wait3A_158 = tpu.memref_slice %arg7[%dma_wait3A_154, %dma_wait3A_156, %dma_wait3A_157] : memref<8x128x64xf32, #tpu.memory_space<vmem>> -> memref<1x128x64xf32, #tpu.memory_space<vmem>>
      %dma_wait3A_159 = tpu.memref_squeeze %dma_wait3A_158 : memref<1x128x64xf32, #tpu.memory_space<vmem>> -> memref<128x64xf32, #tpu.memory_space<vmem>>
      %dma_wait3A_160 = arith.constant 0 : i32
      %dma_wait3A_161 = tpu.memref_slice %arg5[%add3A_153, %dma_wait3A_160] : memref<80x128xi32, #tpu.memory_space<vmem>> -> memref<1x128xi32, #tpu.memory_space<vmem>>
      %dma_wait3A_162 = tpu.memref_squeeze %dma_wait3A_161 : memref<1x128xi32, #tpu.memory_space<vmem>> -> memref<128xi32, #tpu.memory_space<vmem>>
      %dma_wait3A_163 = arith.constant 0 : i32
      %dma_wait3A_164 = arith.constant 0 : i32
      %dma_wait3A_165 = tpu.memref_slice %arg2[%dma_wait3A_163, %dma_wait3A_164] : memref<10240x64xf32, #tpu.memory_space<hbm>> -> memref<10240x64xf32, #tpu.memory_space<hbm>>
      %dma_wait3A_166 = tpu.memref_slice %arg10[%dma_wait3A_155] : memref<8x!tpu.dma_semaphore, #tpu.memory_space<semaphore_mem>> -> memref<1x!tpu.dma_semaphore, #tpu.memory_space<semaphore_mem>>
      %dma_wait3A_167 = tpu.memref_squeeze %dma_wait3A_166 : memref<1x!tpu.dma_semaphore, #tpu.memory_space<semaphore_mem>> -> memref<!tpu.dma_semaphore, #tpu.memory_space<semaphore_mem>>
      tpu.wait_indirect_dma semaphore(%dma_wait3A_167 : memref<!tpu.dma_semaphore, #tpu.memory_space<semaphore_mem>>) src(%dma_wait3A_165 : memref<10240x64xf32, #tpu.memory_space<hbm>>) dst(%dma_wait3A_159 : memref<128x64xf32, #tpu.memory_space<vmem>>)
      %add3A_168 = arith.constant 4 : i32
      %add3A_169 = arith.addi %add3A_153, %add3A_168 : i32
      %lt3A_170 = arith.constant 80 : i32
      %lt3A_171 = arith.cmpi slt, %add3A_169, %lt3A_170 : i32
      %convert_element_type3A_172 = arith.extui %lt3A_171 : i1 to i32
      %cond3A_173 = arith.constant 0 : i32
      %cond3A_174 = arith.cmpi ne, %convert_element_type3A_172, %cond3A_173 : i32
      scf.if %cond3A_174 {
        %add3A_272 = arith.constant 4 : i32
        %add3A_273 = arith.addi %add3A_153, %add3A_272 : i32
        %dma_start3A_274 = arith.constant 7 : i32
        %dma_start3A_275 = arith.constant 7 : i32
        %dma_start3A_276 = arith.constant 0 : i32
        %dma_start3A_277 = arith.constant 0 : i32
        %dma_start3A_278 = tpu.memref_slice %arg7[%dma_start3A_274, %dma_start3A_276, %dma_start3A_277] : memref<8x128x64xf32, #tpu.memory_space<vmem>> -> memref<1x128x64xf32, #tpu.memory_space<vmem>>
        %dma_start3A_279 = tpu.memref_squeeze %dma_start3A_278 : memref<1x128x64xf32, #tpu.memory_space<vmem>> -> memref<128x64xf32, #tpu.memory_space<vmem>>
        %dma_start3A_280 = arith.constant 0 : i32
        %dma_start3A_281 = tpu.memref_slice %arg5[%add3A_273, %dma_start3A_280] : memref<80x128xi32, #tpu.memory_space<vmem>> -> memref<1x128xi32, #tpu.memory_space<vmem>>
        %dma_start3A_282 = tpu.memref_squeeze %dma_start3A_281 : memref<1x128xi32, #tpu.memory_space<vmem>> -> memref<128xi32, #tpu.memory_space<vmem>>
        %dma_start3A_283 = arith.constant 0 : i32
        %dma_start3A_284 = arith.constant 0 : i32
        %dma_start3A_285 = tpu.memref_slice %arg2[%dma_start3A_283, %dma_start3A_284] : memref<10240x64xf32, #tpu.memory_space<hbm>> -> memref<10240x64xf32, #tpu.memory_space<hbm>>
        %dma_start3A_286 = tpu.memref_slice %arg10[%dma_start3A_275] : memref<8x!tpu.dma_semaphore, #tpu.memory_space<semaphore_mem>> -> memref<1x!tpu.dma_semaphore, #tpu.memory_space<semaphore_mem>>
        %dma_start3A_287 = tpu.memref_squeeze %dma_start3A_286 : memref<1x!tpu.dma_semaphore, #tpu.memory_space<semaphore_mem>> -> memref<!tpu.dma_semaphore, #tpu.memory_space<semaphore_mem>>
        tpu.enqueue_indirect_dma source(%dma_start3A_285 : memref<10240x64xf32, #tpu.memory_space<hbm>>) target(%dma_start3A_279 : memref<128x64xf32, #tpu.memory_space<vmem>>) offsets(%dma_start3A_282 : memref<128xi32, #tpu.memory_space<vmem>>) semaphore(%dma_start3A_287 : memref<!tpu.dma_semaphore, #tpu.memory_space<semaphore_mem>>)
      } else {
      }
      %run_scoped3A_175 = arith.constant 3 : i32
      "tpu.region"() ({
        %run_scoped3A_272 = tpu.sem_alloc : memref<!tpu.dma_semaphore, #tpu.memory_space<semaphore_mem>>
        %dma_start3A_273 = arith.constant 0 : i32
        %dma_start3A_274 = arith.constant 0 : i32
        %dma_start3A_275 = tpu.memref_slice %arg7[%run_scoped3A_175, %dma_start3A_273, %dma_start3A_274] : memref<8x128x64xf32, #tpu.memory_space<vmem>> -> memref<1x128x64xf32, #tpu.memory_space<vmem>>
        %dma_start3A_276 = tpu.memref_squeeze %dma_start3A_275 : memref<1x128x64xf32, #tpu.memory_space<vmem>> -> memref<128x64xf32, #tpu.memory_space<vmem>>
        %dma_start3A_277 = arith.constant 0 : i32
        %dma_start3A_278 = tpu.memref_slice %arg6[%add3A_153, %dma_start3A_277] : memref<80x128xi32, #tpu.memory_space<vmem>> -> memref<1x128xi32, #tpu.memory_space<vmem>>
        %dma_start3A_279 = tpu.memref_squeeze %dma_start3A_278 : memref<1x128xi32, #tpu.memory_space<vmem>> -> memref<128xi32, #tpu.memory_space<vmem>>
        %dma_start3A_280 = arith.constant 0 : i32
        %dma_start3A_281 = arith.constant 0 : i32
        %dma_start3A_282 = tpu.memref_slice %arg9[%dma_start3A_280, %dma_start3A_281] : memref<10240x64xf32, #tpu.memory_space<vmem_shared>> -> memref<10240x64xf32, #tpu.memory_space<vmem_shared>>
        tpu.enqueue_indirect_dma source(%dma_start3A_276 : memref<128x64xf32, #tpu.memory_space<vmem>>) target(%dma_start3A_282 : memref<10240x64xf32, #tpu.memory_space<vmem_shared>>) offsets(%dma_start3A_279 : memref<128xi32, #tpu.memory_space<vmem>>) semaphore(%run_scoped3A_272 : memref<!tpu.dma_semaphore, #tpu.memory_space<semaphore_mem>>) {add = true}
        %dma_wait3A_283 = arith.constant 0 : i32
        %dma_wait3A_284 = arith.constant 0 : i32
        %dma_wait3A_285 = tpu.memref_slice %arg7[%run_scoped3A_175, %dma_wait3A_283, %dma_wait3A_284] : memref<8x128x64xf32, #tpu.memory_space<vmem>> -> memref<1x128x64xf32, #tpu.memory_space<vmem>>
        %dma_wait3A_286 = tpu.memref_squeeze %dma_wait3A_285 : memref<1x128x64xf32, #tpu.memory_space<vmem>> -> memref<128x64xf32, #tpu.memory_space<vmem>>
        %dma_wait3A_287 = arith.constant 0 : i32
        %dma_wait3A_288 = tpu.memref_slice %arg6[%add3A_153, %dma_wait3A_287] : memref<80x128xi32, #tpu.memory_space<vmem>> -> memref<1x128xi32, #tpu.memory_space<vmem>>
        %dma_wait3A_289 = tpu.memref_squeeze %dma_wait3A_288 : memref<1x128xi32, #tpu.memory_space<vmem>> -> memref<128xi32, #tpu.memory_space<vmem>>
        %dma_wait3A_290 = arith.constant 0 : i32
        %dma_wait3A_291 = arith.constant 0 : i32
        %dma_wait3A_292 = tpu.memref_slice %arg9[%dma_wait3A_290, %dma_wait3A_291] : memref<10240x64xf32, #tpu.memory_space<vmem_shared>> -> memref<10240x64xf32, #tpu.memory_space<vmem_shared>>
        tpu.wait_indirect_dma semaphore(%run_scoped3A_272 : memref<!tpu.dma_semaphore, #tpu.memory_space<semaphore_mem>>) src(%dma_wait3A_286 : memref<128x64xf32, #tpu.memory_space<vmem>>) dst(%dma_wait3A_292 : memref<10240x64xf32, #tpu.memory_space<vmem_shared>>)
        tpu.yield
      }) : () -> ()
      %add3A_176 = arith.constant 4 : i32
      %add3A_177 = arith.addi %add3A_83, %add3A_176 : i32
      %dma_wait3A_178 = arith.constant 4 : i32
      %dma_wait3A_179 = arith.constant 4 : i32
      %dma_wait3A_180 = arith.constant 0 : i32
      %dma_wait3A_181 = arith.constant 0 : i32
      %dma_wait3A_182 = tpu.memref_slice %arg7[%dma_wait3A_178, %dma_wait3A_180, %dma_wait3A_181] : memref<8x128x64xf32, #tpu.memory_space<vmem>> -> memref<1x128x64xf32, #tpu.memory_space<vmem>>
      %dma_wait3A_183 = tpu.memref_squeeze %dma_wait3A_182 : memref<1x128x64xf32, #tpu.memory_space<vmem>> -> memref<128x64xf32, #tpu.memory_space<vmem>>
      %dma_wait3A_184 = arith.constant 0 : i32
      %dma_wait3A_185 = tpu.memref_slice %arg5[%add3A_177, %dma_wait3A_184] : memref<80x128xi32, #tpu.memory_space<vmem>> -> memref<1x128xi32, #tpu.memory_space<vmem>>
      %dma_wait3A_186 = tpu.memref_squeeze %dma_wait3A_185 : memref<1x128xi32, #tpu.memory_space<vmem>> -> memref<128xi32, #tpu.memory_space<vmem>>
      %dma_wait3A_187 = arith.constant 0 : i32
      %dma_wait3A_188 = arith.constant 0 : i32
      %dma_wait3A_189 = tpu.memref_slice %arg2[%dma_wait3A_187, %dma_wait3A_188] : memref<10240x64xf32, #tpu.memory_space<hbm>> -> memref<10240x64xf32, #tpu.memory_space<hbm>>
      %dma_wait3A_190 = tpu.memref_slice %arg10[%dma_wait3A_179] : memref<8x!tpu.dma_semaphore, #tpu.memory_space<semaphore_mem>> -> memref<1x!tpu.dma_semaphore, #tpu.memory_space<semaphore_mem>>
      %dma_wait3A_191 = tpu.memref_squeeze %dma_wait3A_190 : memref<1x!tpu.dma_semaphore, #tpu.memory_space<semaphore_mem>> -> memref<!tpu.dma_semaphore, #tpu.memory_space<semaphore_mem>>
      tpu.wait_indirect_dma semaphore(%dma_wait3A_191 : memref<!tpu.dma_semaphore, #tpu.memory_space<semaphore_mem>>) src(%dma_wait3A_189 : memref<10240x64xf32, #tpu.memory_space<hbm>>) dst(%dma_wait3A_183 : memref<128x64xf32, #tpu.memory_space<vmem>>)
      %add3A_192 = arith.constant 4 : i32
      %add3A_193 = arith.addi %add3A_177, %add3A_192 : i32
      %lt3A_194 = arith.constant 80 : i32
      %lt3A_195 = arith.cmpi slt, %add3A_193, %lt3A_194 : i32
      %convert_element_type3A_196 = arith.extui %lt3A_195 : i1 to i32
      %cond3A_197 = arith.constant 0 : i32
      %cond3A_198 = arith.cmpi ne, %convert_element_type3A_196, %cond3A_197 : i32
      scf.if %cond3A_198 {
        %add3A_272 = arith.constant 4 : i32
        %add3A_273 = arith.addi %add3A_177, %add3A_272 : i32
        %dma_start3A_274 = arith.constant 0 : i32
        %dma_start3A_275 = arith.constant 0 : i32
        %dma_start3A_276 = arith.constant 0 : i32
        %dma_start3A_277 = arith.constant 0 : i32
        %dma_start3A_278 = tpu.memref_slice %arg7[%dma_start3A_274, %dma_start3A_276, %dma_start3A_277] : memref<8x128x64xf32, #tpu.memory_space<vmem>> -> memref<1x128x64xf32, #tpu.memory_space<vmem>>
        %dma_start3A_279 = tpu.memref_squeeze %dma_start3A_278 : memref<1x128x64xf32, #tpu.memory_space<vmem>> -> memref<128x64xf32, #tpu.memory_space<vmem>>
        %dma_start3A_280 = arith.constant 0 : i32
        %dma_start3A_281 = tpu.memref_slice %arg5[%add3A_273, %dma_start3A_280] : memref<80x128xi32, #tpu.memory_space<vmem>> -> memref<1x128xi32, #tpu.memory_space<vmem>>
        %dma_start3A_282 = tpu.memref_squeeze %dma_start3A_281 : memref<1x128xi32, #tpu.memory_space<vmem>> -> memref<128xi32, #tpu.memory_space<vmem>>
        %dma_start3A_283 = arith.constant 0 : i32
        %dma_start3A_284 = arith.constant 0 : i32
        %dma_start3A_285 = tpu.memref_slice %arg2[%dma_start3A_283, %dma_start3A_284] : memref<10240x64xf32, #tpu.memory_space<hbm>> -> memref<10240x64xf32, #tpu.memory_space<hbm>>
        %dma_start3A_286 = tpu.memref_slice %arg10[%dma_start3A_275] : memref<8x!tpu.dma_semaphore, #tpu.memory_space<semaphore_mem>> -> memref<1x!tpu.dma_semaphore, #tpu.memory_space<semaphore_mem>>
        %dma_start3A_287 = tpu.memref_squeeze %dma_start3A_286 : memref<1x!tpu.dma_semaphore, #tpu.memory_space<semaphore_mem>> -> memref<!tpu.dma_semaphore, #tpu.memory_space<semaphore_mem>>
        tpu.enqueue_indirect_dma source(%dma_start3A_285 : memref<10240x64xf32, #tpu.memory_space<hbm>>) target(%dma_start3A_279 : memref<128x64xf32, #tpu.memory_space<vmem>>) offsets(%dma_start3A_282 : memref<128xi32, #tpu.memory_space<vmem>>) semaphore(%dma_start3A_287 : memref<!tpu.dma_semaphore, #tpu.memory_space<semaphore_mem>>)
      } else {
      }
      %run_scoped3A_199 = arith.constant 4 : i32
      "tpu.region"() ({
        %run_scoped3A_272 = tpu.sem_alloc : memref<!tpu.dma_semaphore, #tpu.memory_space<semaphore_mem>>
        %dma_start3A_273 = arith.constant 0 : i32
        %dma_start3A_274 = arith.constant 0 : i32
        %dma_start3A_275 = tpu.memref_slice %arg7[%run_scoped3A_199, %dma_start3A_273, %dma_start3A_274] : memref<8x128x64xf32, #tpu.memory_space<vmem>> -> memref<1x128x64xf32, #tpu.memory_space<vmem>>
        %dma_start3A_276 = tpu.memref_squeeze %dma_start3A_275 : memref<1x128x64xf32, #tpu.memory_space<vmem>> -> memref<128x64xf32, #tpu.memory_space<vmem>>
        %dma_start3A_277 = arith.constant 0 : i32
        %dma_start3A_278 = tpu.memref_slice %arg6[%add3A_177, %dma_start3A_277] : memref<80x128xi32, #tpu.memory_space<vmem>> -> memref<1x128xi32, #tpu.memory_space<vmem>>
        %dma_start3A_279 = tpu.memref_squeeze %dma_start3A_278 : memref<1x128xi32, #tpu.memory_space<vmem>> -> memref<128xi32, #tpu.memory_space<vmem>>
        %dma_start3A_280 = arith.constant 0 : i32
        %dma_start3A_281 = arith.constant 0 : i32
        %dma_start3A_282 = tpu.memref_slice %arg9[%dma_start3A_280, %dma_start3A_281] : memref<10240x64xf32, #tpu.memory_space<vmem_shared>> -> memref<10240x64xf32, #tpu.memory_space<vmem_shared>>
        tpu.enqueue_indirect_dma source(%dma_start3A_276 : memref<128x64xf32, #tpu.memory_space<vmem>>) target(%dma_start3A_282 : memref<10240x64xf32, #tpu.memory_space<vmem_shared>>) offsets(%dma_start3A_279 : memref<128xi32, #tpu.memory_space<vmem>>) semaphore(%run_scoped3A_272 : memref<!tpu.dma_semaphore, #tpu.memory_space<semaphore_mem>>) {add = true}
        %dma_wait3A_283 = arith.constant 0 : i32
        %dma_wait3A_284 = arith.constant 0 : i32
        %dma_wait3A_285 = tpu.memref_slice %arg7[%run_scoped3A_199, %dma_wait3A_283, %dma_wait3A_284] : memref<8x128x64xf32, #tpu.memory_space<vmem>> -> memref<1x128x64xf32, #tpu.memory_space<vmem>>
        %dma_wait3A_286 = tpu.memref_squeeze %dma_wait3A_285 : memref<1x128x64xf32, #tpu.memory_space<vmem>> -> memref<128x64xf32, #tpu.memory_space<vmem>>
        %dma_wait3A_287 = arith.constant 0 : i32
        %dma_wait3A_288 = tpu.memref_slice %arg6[%add3A_177, %dma_wait3A_287] : memref<80x128xi32, #tpu.memory_space<vmem>> -> memref<1x128xi32, #tpu.memory_space<vmem>>
        %dma_wait3A_289 = tpu.memref_squeeze %dma_wait3A_288 : memref<1x128xi32, #tpu.memory_space<vmem>> -> memref<128xi32, #tpu.memory_space<vmem>>
        %dma_wait3A_290 = arith.constant 0 : i32
        %dma_wait3A_291 = arith.constant 0 : i32
        %dma_wait3A_292 = tpu.memref_slice %arg9[%dma_wait3A_290, %dma_wait3A_291] : memref<10240x64xf32, #tpu.memory_space<vmem_shared>> -> memref<10240x64xf32, #tpu.memory_space<vmem_shared>>
        tpu.wait_indirect_dma semaphore(%run_scoped3A_272 : memref<!tpu.dma_semaphore, #tpu.memory_space<semaphore_mem>>) src(%dma_wait3A_286 : memref<128x64xf32, #tpu.memory_space<vmem>>) dst(%dma_wait3A_292 : memref<10240x64xf32, #tpu.memory_space<vmem_shared>>)
        tpu.yield
      }) : () -> ()
      %add3A_200 = arith.constant 5 : i32
      %add3A_201 = arith.addi %add3A_83, %add3A_200 : i32
      %dma_wait3A_202 = arith.constant 5 : i32
      %dma_wait3A_203 = arith.constant 5 : i32
      %dma_wait3A_204 = arith.constant 0 : i32
      %dma_wait3A_205 = arith.constant 0 : i32
      %dma_wait3A_206 = tpu.memref_slice %arg7[%dma_wait3A_202, %dma_wait3A_204, %dma_wait3A_205] : memref<8x128x64xf32, #tpu.memory_space<vmem>> -> memref<1x128x64xf32, #tpu.memory_space<vmem>>
      %dma_wait3A_207 = tpu.memref_squeeze %dma_wait3A_206 : memref<1x128x64xf32, #tpu.memory_space<vmem>> -> memref<128x64xf32, #tpu.memory_space<vmem>>
      %dma_wait3A_208 = arith.constant 0 : i32
      %dma_wait3A_209 = tpu.memref_slice %arg5[%add3A_201, %dma_wait3A_208] : memref<80x128xi32, #tpu.memory_space<vmem>> -> memref<1x128xi32, #tpu.memory_space<vmem>>
      %dma_wait3A_210 = tpu.memref_squeeze %dma_wait3A_209 : memref<1x128xi32, #tpu.memory_space<vmem>> -> memref<128xi32, #tpu.memory_space<vmem>>
      %dma_wait3A_211 = arith.constant 0 : i32
      %dma_wait3A_212 = arith.constant 0 : i32
      %dma_wait3A_213 = tpu.memref_slice %arg2[%dma_wait3A_211, %dma_wait3A_212] : memref<10240x64xf32, #tpu.memory_space<hbm>> -> memref<10240x64xf32, #tpu.memory_space<hbm>>
      %dma_wait3A_214 = tpu.memref_slice %arg10[%dma_wait3A_203] : memref<8x!tpu.dma_semaphore, #tpu.memory_space<semaphore_mem>> -> memref<1x!tpu.dma_semaphore, #tpu.memory_space<semaphore_mem>>
      %dma_wait3A_215 = tpu.memref_squeeze %dma_wait3A_214 : memref<1x!tpu.dma_semaphore, #tpu.memory_space<semaphore_mem>> -> memref<!tpu.dma_semaphore, #tpu.memory_space<semaphore_mem>>
      tpu.wait_indirect_dma semaphore(%dma_wait3A_215 : memref<!tpu.dma_semaphore, #tpu.memory_space<semaphore_mem>>) src(%dma_wait3A_213 : memref<10240x64xf32, #tpu.memory_space<hbm>>) dst(%dma_wait3A_207 : memref<128x64xf32, #tpu.memory_space<vmem>>)
      %add3A_216 = arith.constant 4 : i32
      %add3A_217 = arith.addi %add3A_201, %add3A_216 : i32
      %lt3A_218 = arith.constant 80 : i32
      %lt3A_219 = arith.cmpi slt, %add3A_217, %lt3A_218 : i32
      %convert_element_type3A_220 = arith.extui %lt3A_219 : i1 to i32
      %cond3A_221 = arith.constant 0 : i32
      %cond3A_222 = arith.cmpi ne, %convert_element_type3A_220, %cond3A_221 : i32
      scf.if %cond3A_222 {
        %add3A_272 = arith.constant 4 : i32
        %add3A_273 = arith.addi %add3A_201, %add3A_272 : i32
        %dma_start3A_274 = arith.constant 1 : i32
        %dma_start3A_275 = arith.constant 1 : i32
        %dma_start3A_276 = arith.constant 0 : i32
        %dma_start3A_277 = arith.constant 0 : i32
        %dma_start3A_278 = tpu.memref_slice %arg7[%dma_start3A_274, %dma_start3A_276, %dma_start3A_277] : memref<8x128x64xf32, #tpu.memory_space<vmem>> -> memref<1x128x64xf32, #tpu.memory_space<vmem>>
        %dma_start3A_279 = tpu.memref_squeeze %dma_start3A_278 : memref<1x128x64xf32, #tpu.memory_space<vmem>> -> memref<128x64xf32, #tpu.memory_space<vmem>>
        %dma_start3A_280 = arith.constant 0 : i32
        %dma_start3A_281 = tpu.memref_slice %arg5[%add3A_273, %dma_start3A_280] : memref<80x128xi32, #tpu.memory_space<vmem>> -> memref<1x128xi32, #tpu.memory_space<vmem>>
        %dma_start3A_282 = tpu.memref_squeeze %dma_start3A_281 : memref<1x128xi32, #tpu.memory_space<vmem>> -> memref<128xi32, #tpu.memory_space<vmem>>
        %dma_start3A_283 = arith.constant 0 : i32
        %dma_start3A_284 = arith.constant 0 : i32
        %dma_start3A_285 = tpu.memref_slice %arg2[%dma_start3A_283, %dma_start3A_284] : memref<10240x64xf32, #tpu.memory_space<hbm>> -> memref<10240x64xf32, #tpu.memory_space<hbm>>
        %dma_start3A_286 = tpu.memref_slice %arg10[%dma_start3A_275] : memref<8x!tpu.dma_semaphore, #tpu.memory_space<semaphore_mem>> -> memref<1x!tpu.dma_semaphore, #tpu.memory_space<semaphore_mem>>
        %dma_start3A_287 = tpu.memref_squeeze %dma_start3A_286 : memref<1x!tpu.dma_semaphore, #tpu.memory_space<semaphore_mem>> -> memref<!tpu.dma_semaphore, #tpu.memory_space<semaphore_mem>>
        tpu.enqueue_indirect_dma source(%dma_start3A_285 : memref<10240x64xf32, #tpu.memory_space<hbm>>) target(%dma_start3A_279 : memref<128x64xf32, #tpu.memory_space<vmem>>) offsets(%dma_start3A_282 : memref<128xi32, #tpu.memory_space<vmem>>) semaphore(%dma_start3A_287 : memref<!tpu.dma_semaphore, #tpu.memory_space<semaphore_mem>>)
      } else {
      }
      %run_scoped3A_223 = arith.constant 5 : i32
      "tpu.region"() ({
        %run_scoped3A_272 = tpu.sem_alloc : memref<!tpu.dma_semaphore, #tpu.memory_space<semaphore_mem>>
        %dma_start3A_273 = arith.constant 0 : i32
        %dma_start3A_274 = arith.constant 0 : i32
        %dma_start3A_275 = tpu.memref_slice %arg7[%run_scoped3A_223, %dma_start3A_273, %dma_start3A_274] : memref<8x128x64xf32, #tpu.memory_space<vmem>> -> memref<1x128x64xf32, #tpu.memory_space<vmem>>
        %dma_start3A_276 = tpu.memref_squeeze %dma_start3A_275 : memref<1x128x64xf32, #tpu.memory_space<vmem>> -> memref<128x64xf32, #tpu.memory_space<vmem>>
        %dma_start3A_277 = arith.constant 0 : i32
        %dma_start3A_278 = tpu.memref_slice %arg6[%add3A_201, %dma_start3A_277] : memref<80x128xi32, #tpu.memory_space<vmem>> -> memref<1x128xi32, #tpu.memory_space<vmem>>
        %dma_start3A_279 = tpu.memref_squeeze %dma_start3A_278 : memref<1x128xi32, #tpu.memory_space<vmem>> -> memref<128xi32, #tpu.memory_space<vmem>>
        %dma_start3A_280 = arith.constant 0 : i32
        %dma_start3A_281 = arith.constant 0 : i32
        %dma_start3A_282 = tpu.memref_slice %arg9[%dma_start3A_280, %dma_start3A_281] : memref<10240x64xf32, #tpu.memory_space<vmem_shared>> -> memref<10240x64xf32, #tpu.memory_space<vmem_shared>>
        tpu.enqueue_indirect_dma source(%dma_start3A_276 : memref<128x64xf32, #tpu.memory_space<vmem>>) target(%dma_start3A_282 : memref<10240x64xf32, #tpu.memory_space<vmem_shared>>) offsets(%dma_start3A_279 : memref<128xi32, #tpu.memory_space<vmem>>) semaphore(%run_scoped3A_272 : memref<!tpu.dma_semaphore, #tpu.memory_space<semaphore_mem>>) {add = true}
        %dma_wait3A_283 = arith.constant 0 : i32
        %dma_wait3A_284 = arith.constant 0 : i32
        %dma_wait3A_285 = tpu.memref_slice %arg7[%run_scoped3A_223, %dma_wait3A_283, %dma_wait3A_284] : memref<8x128x64xf32, #tpu.memory_space<vmem>> -> memref<1x128x64xf32, #tpu.memory_space<vmem>>
        %dma_wait3A_286 = tpu.memref_squeeze %dma_wait3A_285 : memref<1x128x64xf32, #tpu.memory_space<vmem>> -> memref<128x64xf32, #tpu.memory_space<vmem>>
        %dma_wait3A_287 = arith.constant 0 : i32
        %dma_wait3A_288 = tpu.memref_slice %arg6[%add3A_201, %dma_wait3A_287] : memref<80x128xi32, #tpu.memory_space<vmem>> -> memref<1x128xi32, #tpu.memory_space<vmem>>
        %dma_wait3A_289 = tpu.memref_squeeze %dma_wait3A_288 : memref<1x128xi32, #tpu.memory_space<vmem>> -> memref<128xi32, #tpu.memory_space<vmem>>
        %dma_wait3A_290 = arith.constant 0 : i32
        %dma_wait3A_291 = arith.constant 0 : i32
        %dma_wait3A_292 = tpu.memref_slice %arg9[%dma_wait3A_290, %dma_wait3A_291] : memref<10240x64xf32, #tpu.memory_space<vmem_shared>> -> memref<10240x64xf32, #tpu.memory_space<vmem_shared>>
        tpu.wait_indirect_dma semaphore(%run_scoped3A_272 : memref<!tpu.dma_semaphore, #tpu.memory_space<semaphore_mem>>) src(%dma_wait3A_286 : memref<128x64xf32, #tpu.memory_space<vmem>>) dst(%dma_wait3A_292 : memref<10240x64xf32, #tpu.memory_space<vmem_shared>>)
        tpu.yield
      }) : () -> ()
      %add3A_224 = arith.constant 6 : i32
      %add3A_225 = arith.addi %add3A_83, %add3A_224 : i32
      %dma_wait3A_226 = arith.constant 6 : i32
      %dma_wait3A_227 = arith.constant 6 : i32
      %dma_wait3A_228 = arith.constant 0 : i32
      %dma_wait3A_229 = arith.constant 0 : i32
      %dma_wait3A_230 = tpu.memref_slice %arg7[%dma_wait3A_226, %dma_wait3A_228, %dma_wait3A_229] : memref<8x128x64xf32, #tpu.memory_space<vmem>> -> memref<1x128x64xf32, #tpu.memory_space<vmem>>
      %dma_wait3A_231 = tpu.memref_squeeze %dma_wait3A_230 : memref<1x128x64xf32, #tpu.memory_space<vmem>> -> memref<128x64xf32, #tpu.memory_space<vmem>>
      %dma_wait3A_232 = arith.constant 0 : i32
      %dma_wait3A_233 = tpu.memref_slice %arg5[%add3A_225, %dma_wait3A_232] : memref<80x128xi32, #tpu.memory_space<vmem>> -> memref<1x128xi32, #tpu.memory_space<vmem>>
      %dma_wait3A_234 = tpu.memref_squeeze %dma_wait3A_233 : memref<1x128xi32, #tpu.memory_space<vmem>> -> memref<128xi32, #tpu.memory_space<vmem>>
      %dma_wait3A_235 = arith.constant 0 : i32
      %dma_wait3A_236 = arith.constant 0 : i32
      %dma_wait3A_237 = tpu.memref_slice %arg2[%dma_wait3A_235, %dma_wait3A_236] : memref<10240x64xf32, #tpu.memory_space<hbm>> -> memref<10240x64xf32, #tpu.memory_space<hbm>>
      %dma_wait3A_238 = tpu.memref_slice %arg10[%dma_wait3A_227] : memref<8x!tpu.dma_semaphore, #tpu.memory_space<semaphore_mem>> -> memref<1x!tpu.dma_semaphore, #tpu.memory_space<semaphore_mem>>
      %dma_wait3A_239 = tpu.memref_squeeze %dma_wait3A_238 : memref<1x!tpu.dma_semaphore, #tpu.memory_space<semaphore_mem>> -> memref<!tpu.dma_semaphore, #tpu.memory_space<semaphore_mem>>
      tpu.wait_indirect_dma semaphore(%dma_wait3A_239 : memref<!tpu.dma_semaphore, #tpu.memory_space<semaphore_mem>>) src(%dma_wait3A_237 : memref<10240x64xf32, #tpu.memory_space<hbm>>) dst(%dma_wait3A_231 : memref<128x64xf32, #tpu.memory_space<vmem>>)
      %add3A_240 = arith.constant 4 : i32
      %add3A_241 = arith.addi %add3A_225, %add3A_240 : i32
      %lt3A_242 = arith.constant 80 : i32
      %lt3A_243 = arith.cmpi slt, %add3A_241, %lt3A_242 : i32
      %convert_element_type3A_244 = arith.extui %lt3A_243 : i1 to i32
      %cond3A_245 = arith.constant 0 : i32
      %cond3A_246 = arith.cmpi ne, %convert_element_type3A_244, %cond3A_245 : i32
      scf.if %cond3A_246 {
        %add3A_272 = arith.constant 4 : i32
        %add3A_273 = arith.addi %add3A_225, %add3A_272 : i32
        %dma_start3A_274 = arith.constant 2 : i32
        %dma_start3A_275 = arith.constant 2 : i32
        %dma_start3A_276 = arith.constant 0 : i32
        %dma_start3A_277 = arith.constant 0 : i32
        %dma_start3A_278 = tpu.memref_slice %arg7[%dma_start3A_274, %dma_start3A_276, %dma_start3A_277] : memref<8x128x64xf32, #tpu.memory_space<vmem>> -> memref<1x128x64xf32, #tpu.memory_space<vmem>>
        %dma_start3A_279 = tpu.memref_squeeze %dma_start3A_278 : memref<1x128x64xf32, #tpu.memory_space<vmem>> -> memref<128x64xf32, #tpu.memory_space<vmem>>
        %dma_start3A_280 = arith.constant 0 : i32
        %dma_start3A_281 = tpu.memref_slice %arg5[%add3A_273, %dma_start3A_280] : memref<80x128xi32, #tpu.memory_space<vmem>> -> memref<1x128xi32, #tpu.memory_space<vmem>>
        %dma_start3A_282 = tpu.memref_squeeze %dma_start3A_281 : memref<1x128xi32, #tpu.memory_space<vmem>> -> memref<128xi32, #tpu.memory_space<vmem>>
        %dma_start3A_283 = arith.constant 0 : i32
        %dma_start3A_284 = arith.constant 0 : i32
        %dma_start3A_285 = tpu.memref_slice %arg2[%dma_start3A_283, %dma_start3A_284] : memref<10240x64xf32, #tpu.memory_space<hbm>> -> memref<10240x64xf32, #tpu.memory_space<hbm>>
        %dma_start3A_286 = tpu.memref_slice %arg10[%dma_start3A_275] : memref<8x!tpu.dma_semaphore, #tpu.memory_space<semaphore_mem>> -> memref<1x!tpu.dma_semaphore, #tpu.memory_space<semaphore_mem>>
        %dma_start3A_287 = tpu.memref_squeeze %dma_start3A_286 : memref<1x!tpu.dma_semaphore, #tpu.memory_space<semaphore_mem>> -> memref<!tpu.dma_semaphore, #tpu.memory_space<semaphore_mem>>
        tpu.enqueue_indirect_dma source(%dma_start3A_285 : memref<10240x64xf32, #tpu.memory_space<hbm>>) target(%dma_start3A_279 : memref<128x64xf32, #tpu.memory_space<vmem>>) offsets(%dma_start3A_282 : memref<128xi32, #tpu.memory_space<vmem>>) semaphore(%dma_start3A_287 : memref<!tpu.dma_semaphore, #tpu.memory_space<semaphore_mem>>)
      } else {
      }
      %run_scoped3A_247 = arith.constant 6 : i32
      "tpu.region"() ({
        %run_scoped3A_272 = tpu.sem_alloc : memref<!tpu.dma_semaphore, #tpu.memory_space<semaphore_mem>>
        %dma_start3A_273 = arith.constant 0 : i32
        %dma_start3A_274 = arith.constant 0 : i32
        %dma_start3A_275 = tpu.memref_slice %arg7[%run_scoped3A_247, %dma_start3A_273, %dma_start3A_274] : memref<8x128x64xf32, #tpu.memory_space<vmem>> -> memref<1x128x64xf32, #tpu.memory_space<vmem>>
        %dma_start3A_276 = tpu.memref_squeeze %dma_start3A_275 : memref<1x128x64xf32, #tpu.memory_space<vmem>> -> memref<128x64xf32, #tpu.memory_space<vmem>>
        %dma_start3A_277 = arith.constant 0 : i32
        %dma_start3A_278 = tpu.memref_slice %arg6[%add3A_225, %dma_start3A_277] : memref<80x128xi32, #tpu.memory_space<vmem>> -> memref<1x128xi32, #tpu.memory_space<vmem>>
        %dma_start3A_279 = tpu.memref_squeeze %dma_start3A_278 : memref<1x128xi32, #tpu.memory_space<vmem>> -> memref<128xi32, #tpu.memory_space<vmem>>
        %dma_start3A_280 = arith.constant 0 : i32
        %dma_start3A_281 = arith.constant 0 : i32
        %dma_start3A_282 = tpu.memref_slice %arg9[%dma_start3A_280, %dma_start3A_281] : memref<10240x64xf32, #tpu.memory_space<vmem_shared>> -> memref<10240x64xf32, #tpu.memory_space<vmem_shared>>
        tpu.enqueue_indirect_dma source(%dma_start3A_276 : memref<128x64xf32, #tpu.memory_space<vmem>>) target(%dma_start3A_282 : memref<10240x64xf32, #tpu.memory_space<vmem_shared>>) offsets(%dma_start3A_279 : memref<128xi32, #tpu.memory_space<vmem>>) semaphore(%run_scoped3A_272 : memref<!tpu.dma_semaphore, #tpu.memory_space<semaphore_mem>>) {add = true}
        %dma_wait3A_283 = arith.constant 0 : i32
        %dma_wait3A_284 = arith.constant 0 : i32
        %dma_wait3A_285 = tpu.memref_slice %arg7[%run_scoped3A_247, %dma_wait3A_283, %dma_wait3A_284] : memref<8x128x64xf32, #tpu.memory_space<vmem>> -> memref<1x128x64xf32, #tpu.memory_space<vmem>>
        %dma_wait3A_286 = tpu.memref_squeeze %dma_wait3A_285 : memref<1x128x64xf32, #tpu.memory_space<vmem>> -> memref<128x64xf32, #tpu.memory_space<vmem>>
        %dma_wait3A_287 = arith.constant 0 : i32
        %dma_wait3A_288 = tpu.memref_slice %arg6[%add3A_225, %dma_wait3A_287] : memref<80x128xi32, #tpu.memory_space<vmem>> -> memref<1x128xi32, #tpu.memory_space<vmem>>
        %dma_wait3A_289 = tpu.memref_squeeze %dma_wait3A_288 : memref<1x128xi32, #tpu.memory_space<vmem>> -> memref<128xi32, #tpu.memory_space<vmem>>
        %dma_wait3A_290 = arith.constant 0 : i32
        %dma_wait3A_291 = arith.constant 0 : i32
        %dma_wait3A_292 = tpu.memref_slice %arg9[%dma_wait3A_290, %dma_wait3A_291] : memref<10240x64xf32, #tpu.memory_space<vmem_shared>> -> memref<10240x64xf32, #tpu.memory_space<vmem_shared>>
        tpu.wait_indirect_dma semaphore(%run_scoped3A_272 : memref<!tpu.dma_semaphore, #tpu.memory_space<semaphore_mem>>) src(%dma_wait3A_286 : memref<128x64xf32, #tpu.memory_space<vmem>>) dst(%dma_wait3A_292 : memref<10240x64xf32, #tpu.memory_space<vmem_shared>>)
        tpu.yield
      }) : () -> ()
      %add3A_248 = arith.constant 7 : i32
      %add3A_249 = arith.addi %add3A_83, %add3A_248 : i32
      %dma_wait3A_250 = arith.constant 7 : i32
      %dma_wait3A_251 = arith.constant 7 : i32
      %dma_wait3A_252 = arith.constant 0 : i32
      %dma_wait3A_253 = arith.constant 0 : i32
      %dma_wait3A_254 = tpu.memref_slice %arg7[%dma_wait3A_250, %dma_wait3A_252, %dma_wait3A_253] : memref<8x128x64xf32, #tpu.memory_space<vmem>> -> memref<1x128x64xf32, #tpu.memory_space<vmem>>
      %dma_wait3A_255 = tpu.memref_squeeze %dma_wait3A_254 : memref<1x128x64xf32, #tpu.memory_space<vmem>> -> memref<128x64xf32, #tpu.memory_space<vmem>>
      %dma_wait3A_256 = arith.constant 0 : i32
      %dma_wait3A_257 = tpu.memref_slice %arg5[%add3A_249, %dma_wait3A_256] : memref<80x128xi32, #tpu.memory_space<vmem>> -> memref<1x128xi32, #tpu.memory_space<vmem>>
      %dma_wait3A_258 = tpu.memref_squeeze %dma_wait3A_257 : memref<1x128xi32, #tpu.memory_space<vmem>> -> memref<128xi32, #tpu.memory_space<vmem>>
      %dma_wait3A_259 = arith.constant 0 : i32
      %dma_wait3A_260 = arith.constant 0 : i32
      %dma_wait3A_261 = tpu.memref_slice %arg2[%dma_wait3A_259, %dma_wait3A_260] : memref<10240x64xf32, #tpu.memory_space<hbm>> -> memref<10240x64xf32, #tpu.memory_space<hbm>>
      %dma_wait3A_262 = tpu.memref_slice %arg10[%dma_wait3A_251] : memref<8x!tpu.dma_semaphore, #tpu.memory_space<semaphore_mem>> -> memref<1x!tpu.dma_semaphore, #tpu.memory_space<semaphore_mem>>
      %dma_wait3A_263 = tpu.memref_squeeze %dma_wait3A_262 : memref<1x!tpu.dma_semaphore, #tpu.memory_space<semaphore_mem>> -> memref<!tpu.dma_semaphore, #tpu.memory_space<semaphore_mem>>
      tpu.wait_indirect_dma semaphore(%dma_wait3A_263 : memref<!tpu.dma_semaphore, #tpu.memory_space<semaphore_mem>>) src(%dma_wait3A_261 : memref<10240x64xf32, #tpu.memory_space<hbm>>) dst(%dma_wait3A_255 : memref<128x64xf32, #tpu.memory_space<vmem>>)
      %add3A_264 = arith.constant 4 : i32
      %add3A_265 = arith.addi %add3A_249, %add3A_264 : i32
      %lt3A_266 = arith.constant 80 : i32
      %lt3A_267 = arith.cmpi slt, %add3A_265, %lt3A_266 : i32
      %convert_element_type3A_268 = arith.extui %lt3A_267 : i1 to i32
      %cond3A_269 = arith.constant 0 : i32
      %cond3A_270 = arith.cmpi ne, %convert_element_type3A_268, %cond3A_269 : i32
      scf.if %cond3A_270 {
        %add3A_272 = arith.constant 4 : i32
        %add3A_273 = arith.addi %add3A_249, %add3A_272 : i32
        %dma_start3A_274 = arith.constant 3 : i32
        %dma_start3A_275 = arith.constant 3 : i32
        %dma_start3A_276 = arith.constant 0 : i32
        %dma_start3A_277 = arith.constant 0 : i32
        %dma_start3A_278 = tpu.memref_slice %arg7[%dma_start3A_274, %dma_start3A_276, %dma_start3A_277] : memref<8x128x64xf32, #tpu.memory_space<vmem>> -> memref<1x128x64xf32, #tpu.memory_space<vmem>>
        %dma_start3A_279 = tpu.memref_squeeze %dma_start3A_278 : memref<1x128x64xf32, #tpu.memory_space<vmem>> -> memref<128x64xf32, #tpu.memory_space<vmem>>
        %dma_start3A_280 = arith.constant 0 : i32
        %dma_start3A_281 = tpu.memref_slice %arg5[%add3A_273, %dma_start3A_280] : memref<80x128xi32, #tpu.memory_space<vmem>> -> memref<1x128xi32, #tpu.memory_space<vmem>>
        %dma_start3A_282 = tpu.memref_squeeze %dma_start3A_281 : memref<1x128xi32, #tpu.memory_space<vmem>> -> memref<128xi32, #tpu.memory_space<vmem>>
        %dma_start3A_283 = arith.constant 0 : i32
        %dma_start3A_284 = arith.constant 0 : i32
        %dma_start3A_285 = tpu.memref_slice %arg2[%dma_start3A_283, %dma_start3A_284] : memref<10240x64xf32, #tpu.memory_space<hbm>> -> memref<10240x64xf32, #tpu.memory_space<hbm>>
        %dma_start3A_286 = tpu.memref_slice %arg10[%dma_start3A_275] : memref<8x!tpu.dma_semaphore, #tpu.memory_space<semaphore_mem>> -> memref<1x!tpu.dma_semaphore, #tpu.memory_space<semaphore_mem>>
        %dma_start3A_287 = tpu.memref_squeeze %dma_start3A_286 : memref<1x!tpu.dma_semaphore, #tpu.memory_space<semaphore_mem>> -> memref<!tpu.dma_semaphore, #tpu.memory_space<semaphore_mem>>
        tpu.enqueue_indirect_dma source(%dma_start3A_285 : memref<10240x64xf32, #tpu.memory_space<hbm>>) target(%dma_start3A_279 : memref<128x64xf32, #tpu.memory_space<vmem>>) offsets(%dma_start3A_282 : memref<128xi32, #tpu.memory_space<vmem>>) semaphore(%dma_start3A_287 : memref<!tpu.dma_semaphore, #tpu.memory_space<semaphore_mem>>)
      } else {
      }
      %run_scoped3A_271 = arith.constant 7 : i32
      "tpu.region"() ({
        %run_scoped3A_272 = tpu.sem_alloc : memref<!tpu.dma_semaphore, #tpu.memory_space<semaphore_mem>>
        %dma_start3A_273 = arith.constant 0 : i32
        %dma_start3A_274 = arith.constant 0 : i32
        %dma_start3A_275 = tpu.memref_slice %arg7[%run_scoped3A_271, %dma_start3A_273, %dma_start3A_274] : memref<8x128x64xf32, #tpu.memory_space<vmem>> -> memref<1x128x64xf32, #tpu.memory_space<vmem>>
        %dma_start3A_276 = tpu.memref_squeeze %dma_start3A_275 : memref<1x128x64xf32, #tpu.memory_space<vmem>> -> memref<128x64xf32, #tpu.memory_space<vmem>>
        %dma_start3A_277 = arith.constant 0 : i32
        %dma_start3A_278 = tpu.memref_slice %arg6[%add3A_249, %dma_start3A_277] : memref<80x128xi32, #tpu.memory_space<vmem>> -> memref<1x128xi32, #tpu.memory_space<vmem>>
        %dma_start3A_279 = tpu.memref_squeeze %dma_start3A_278 : memref<1x128xi32, #tpu.memory_space<vmem>> -> memref<128xi32, #tpu.memory_space<vmem>>
        %dma_start3A_280 = arith.constant 0 : i32
        %dma_start3A_281 = arith.constant 0 : i32
        %dma_start3A_282 = tpu.memref_slice %arg9[%dma_start3A_280, %dma_start3A_281] : memref<10240x64xf32, #tpu.memory_space<vmem_shared>> -> memref<10240x64xf32, #tpu.memory_space<vmem_shared>>
        tpu.enqueue_indirect_dma source(%dma_start3A_276 : memref<128x64xf32, #tpu.memory_space<vmem>>) target(%dma_start3A_282 : memref<10240x64xf32, #tpu.memory_space<vmem_shared>>) offsets(%dma_start3A_279 : memref<128xi32, #tpu.memory_space<vmem>>) semaphore(%run_scoped3A_272 : memref<!tpu.dma_semaphore, #tpu.memory_space<semaphore_mem>>) {add = true}
        %dma_wait3A_283 = arith.constant 0 : i32
        %dma_wait3A_284 = arith.constant 0 : i32
        %dma_wait3A_285 = tpu.memref_slice %arg7[%run_scoped3A_271, %dma_wait3A_283, %dma_wait3A_284] : memref<8x128x64xf32, #tpu.memory_space<vmem>> -> memref<1x128x64xf32, #tpu.memory_space<vmem>>
        %dma_wait3A_286 = tpu.memref_squeeze %dma_wait3A_285 : memref<1x128x64xf32, #tpu.memory_space<vmem>> -> memref<128x64xf32, #tpu.memory_space<vmem>>
        %dma_wait3A_287 = arith.constant 0 : i32
        %dma_wait3A_288 = tpu.memref_slice %arg6[%add3A_249, %dma_wait3A_287] : memref<80x128xi32, #tpu.memory_space<vmem>> -> memref<1x128xi32, #tpu.memory_space<vmem>>
        %dma_wait3A_289 = tpu.memref_squeeze %dma_wait3A_288 : memref<1x128xi32, #tpu.memory_space<vmem>> -> memref<128xi32, #tpu.memory_space<vmem>>
        %dma_wait3A_290 = arith.constant 0 : i32
        %dma_wait3A_291 = arith.constant 0 : i32
        %dma_wait3A_292 = tpu.memref_slice %arg9[%dma_wait3A_290, %dma_wait3A_291] : memref<10240x64xf32, #tpu.memory_space<vmem_shared>> -> memref<10240x64xf32, #tpu.memory_space<vmem_shared>>
        tpu.wait_indirect_dma semaphore(%run_scoped3A_272 : memref<!tpu.dma_semaphore, #tpu.memory_space<semaphore_mem>>) src(%dma_wait3A_286 : memref<128x64xf32, #tpu.memory_space<vmem>>) dst(%dma_wait3A_292 : memref<10240x64xf32, #tpu.memory_space<vmem_shared>>)
        tpu.yield
      }) : () -> ()
    }
    %scan3A_77 = arith.constant 10 : i32
    %barrier3A_78 = arith.constant 0 : index
    tpu.barrier barrier_id(%barrier3A_78)
    "tpu.region"() ({
      %run_scoped3A_79 = tpu.sem_alloc : memref<!tpu.dma_semaphore, #tpu.memory_space<semaphore_mem>>
      %dma_start3A_80 = arith.constant 0 : i32
      %dma_start3A_81 = tpu.memref_slice %arg4[%arg0, %mul3A_8, %dma_start3A_80] : memref<2x10240x64xf32, #tpu.memory_space<hbm>> -> memref<1x640x64xf32, #tpu.memory_space<hbm>>
      %dma_start3A_82 = tpu.memref_squeeze %dma_start3A_81 : memref<1x640x64xf32, #tpu.memory_space<hbm>> -> memref<640x64xf32, #tpu.memory_space<hbm>>
      %dma_start3A_83 = arith.constant 0 : i32
      %dma_start3A_84 = tpu.memref_slice %arg9[%mul3A_8, %dma_start3A_83] : memref<10240x64xf32, #tpu.memory_space<vmem_shared>> -> memref<640x64xf32, #tpu.memory_space<vmem_shared>>
      tpu.enqueue_dma source(%dma_start3A_84 : memref<640x64xf32, #tpu.memory_space<vmem_shared>>) target(%dma_start3A_82 : memref<640x64xf32, #tpu.memory_space<hbm>>) target_semaphore(%run_scoped3A_79 : memref<!tpu.dma_semaphore, #tpu.memory_space<semaphore_mem>>)
      %dma_wait3A = arith.constant 0 : i32
      %dma_wait3A_85 = tpu.memref_slice %arg4[%arg0, %mul3A_8, %dma_wait3A] : memref<2x10240x64xf32, #tpu.memory_space<hbm>> -> memref<1x640x64xf32, #tpu.memory_space<hbm>>
      %dma_wait3A_86 = tpu.memref_squeeze %dma_wait3A_85 : memref<1x640x64xf32, #tpu.memory_space<hbm>> -> memref<640x64xf32, #tpu.memory_space<hbm>>
      %dma_wait3A_87 = arith.constant 0 : i32
      %dma_wait3A_88 = tpu.memref_slice %arg9[%mul3A_8, %dma_wait3A_87] : memref<10240x64xf32, #tpu.memory_space<vmem_shared>> -> memref<640x64xf32, #tpu.memory_space<vmem_shared>>
      tpu.wait_dma2 semaphore(%run_scoped3A_79 : memref<!tpu.dma_semaphore, #tpu.memory_space<semaphore_mem>>) src(%dma_wait3A_88 : memref<640x64xf32, #tpu.memory_space<vmem_shared>>) dst(%dma_wait3A_86 : memref<640x64xf32, #tpu.memory_space<hbm>>)
      tpu.yield
    }) : () -> ()
    return
  }
}

#map = affine_map<(d0, d1) -> (0, 0)>
#map1 = affine_map<(d0, d1) -> (0, 0, 0, 0)>
#map2 = affine_map<(d0, d1) -> (0, 0, 0)>
module attributes {stable_mosaic.version = 14 : i64} {
  func.func @kern(%arg0: i32, %arg1: i32, %arg2: memref<10240x64xf32, #tpu.memory_space<hbm>>, %arg3: memref<2x32x80x128xi32, #tpu.memory_space<hbm>>, %arg4: memref<2x10240x64xf32, #tpu.memory_space<hbm>>, %arg5: memref<80x128xi32, #tpu.memory_space<vmem>>, %arg6: memref<80x128xi32, #tpu.memory_space<vmem>>, %arg7: memref<8x128x64xf32, #tpu.memory_space<vmem>>, %arg8: memref<64x64xf32, #tpu.memory_space<vmem>>, %arg9: memref<10240x64xf32, #tpu.memory_space<vmem_shared>>, %arg10: memref<8x!tpu.dma_semaphore, #tpu.memory_space<semaphore_mem>>) attributes {dimension_semantics = [#tpu.dimension_semantics<core_parallel>, #tpu.dimension_semantics<subcore_parallel>], iteration_bounds = array<i64: 2, 16>, scalar_prefetch = 0 : i64, scratch_operands = 6 : i64, tpu.core_type = #tpu.core_type<sc_vector_subcore>, window_params = [{transform_indices = #map}, {transform_indices = #map1}, {transform_indices = #map2}]} {
    %mul3A = arith.constant 16 : i32
    %mul3A_0 = arith.muli %arg0, %mul3A : i32
    %add3A = arith.addi %mul3A_0, %arg1 : i32
    %run_scoped3A = arith.constant 0 : i32
    "tpu.region"() ({
      %run_scoped3A_79 = tpu.sem_alloc : memref<!tpu.dma_semaphore, #tpu.memory_space<semaphore_mem>>
      %dma_start3A_80 = arith.constant 0 : i32
      %dma_start3A_81 = arith.constant 0 : i32
      %dma_start3A_82 = tpu.memref_slice %arg3[%run_scoped3A, %add3A, %dma_start3A_80, %dma_start3A_81] : memref<2x32x80x128xi32, #tpu.memory_space<hbm>> -> memref<1x1x80x128xi32, #tpu.memory_space<hbm>>
      %dma_start3A_83 = tpu.memref_squeeze %dma_start3A_82 : memref<1x1x80x128xi32, #tpu.memory_space<hbm>> -> memref<80x128xi32, #tpu.memory_space<hbm>>
      %dma_start3A_84 = arith.constant 0 : i32
      %dma_start3A_85 = arith.constant 0 : i32
      %dma_start3A_86 = tpu.memref_slice %arg3[%run_scoped3A, %add3A, %dma_start3A_84, %dma_start3A_85] : memref<2x32x80x128xi32, #tpu.memory_space<hbm>> -> memref<1x1x80x128xi32, #tpu.memory_space<hbm>>
      %dma_start3A_87 = tpu.memref_squeeze %dma_start3A_86 : memref<1x1x80x128xi32, #tpu.memory_space<hbm>> -> memref<80x128xi32, #tpu.memory_space<hbm>>
      tpu.enqueue_dma source(%dma_start3A_87 : memref<80x128xi32, #tpu.memory_space<hbm>>) target(%arg5 : memref<80x128xi32, #tpu.memory_space<vmem>>) target_semaphore(%run_scoped3A_79 : memref<!tpu.dma_semaphore, #tpu.memory_space<semaphore_mem>>)
      %dma_wait3A = arith.constant 0 : i32
      %dma_wait3A_88 = arith.constant 0 : i32
      %dma_wait3A_89 = tpu.memref_slice %arg3[%run_scoped3A, %add3A, %dma_wait3A, %dma_wait3A_88] : memref<2x32x80x128xi32, #tpu.memory_space<hbm>> -> memref<1x1x80x128xi32, #tpu.memory_space<hbm>>
      %dma_wait3A_90 = tpu.memref_squeeze %dma_wait3A_89 : memref<1x1x80x128xi32, #tpu.memory_space<hbm>> -> memref<80x128xi32, #tpu.memory_space<hbm>>
      %dma_wait3A_91 = arith.constant 0 : i32
      %dma_wait3A_92 = arith.constant 0 : i32
      %dma_wait3A_93 = tpu.memref_slice %arg3[%run_scoped3A, %add3A, %dma_wait3A_91, %dma_wait3A_92] : memref<2x32x80x128xi32, #tpu.memory_space<hbm>> -> memref<1x1x80x128xi32, #tpu.memory_space<hbm>>
      %dma_wait3A_94 = tpu.memref_squeeze %dma_wait3A_93 : memref<1x1x80x128xi32, #tpu.memory_space<hbm>> -> memref<80x128xi32, #tpu.memory_space<hbm>>
      tpu.wait_dma2 semaphore(%run_scoped3A_79 : memref<!tpu.dma_semaphore, #tpu.memory_space<semaphore_mem>>) src(%dma_wait3A_94 : memref<80x128xi32, #tpu.memory_space<hbm>>) dst(%arg5 : memref<80x128xi32, #tpu.memory_space<vmem>>)
      tpu.yield
    }) : () -> ()
    %run_scoped3A_1 = arith.constant 1 : i32
    "tpu.region"() ({
      %run_scoped3A_79 = tpu.sem_alloc : memref<!tpu.dma_semaphore, #tpu.memory_space<semaphore_mem>>
      %dma_start3A_80 = arith.constant 0 : i32
      %dma_start3A_81 = arith.constant 0 : i32
      %dma_start3A_82 = tpu.memref_slice %arg3[%run_scoped3A_1, %add3A, %dma_start3A_80, %dma_start3A_81] : memref<2x32x80x128xi32, #tpu.memory_space<hbm>> -> memref<1x1x80x128xi32, #tpu.memory_space<hbm>>
      %dma_start3A_83 = tpu.memref_squeeze %dma_start3A_82 : memref<1x1x80x128xi32, #tpu.memory_space<hbm>> -> memref<80x128xi32, #tpu.memory_space<hbm>>
      %dma_start3A_84 = arith.constant 0 : i32
      %dma_start3A_85 = arith.constant 0 : i32
      %dma_start3A_86 = tpu.memref_slice %arg3[%run_scoped3A_1, %add3A, %dma_start3A_84, %dma_start3A_85] : memref<2x32x80x128xi32, #tpu.memory_space<hbm>> -> memref<1x1x80x128xi32, #tpu.memory_space<hbm>>
      %dma_start3A_87 = tpu.memref_squeeze %dma_start3A_86 : memref<1x1x80x128xi32, #tpu.memory_space<hbm>> -> memref<80x128xi32, #tpu.memory_space<hbm>>
      tpu.enqueue_dma source(%dma_start3A_87 : memref<80x128xi32, #tpu.memory_space<hbm>>) target(%arg6 : memref<80x128xi32, #tpu.memory_space<vmem>>) target_semaphore(%run_scoped3A_79 : memref<!tpu.dma_semaphore, #tpu.memory_space<semaphore_mem>>)
      %dma_wait3A = arith.constant 0 : i32
      %dma_wait3A_88 = arith.constant 0 : i32
      %dma_wait3A_89 = tpu.memref_slice %arg3[%run_scoped3A_1, %add3A, %dma_wait3A, %dma_wait3A_88] : memref<2x32x80x128xi32, #tpu.memory_space<hbm>> -> memref<1x1x80x128xi32, #tpu.memory_space<hbm>>
      %dma_wait3A_90 = tpu.memref_squeeze %dma_wait3A_89 : memref<1x1x80x128xi32, #tpu.memory_space<hbm>> -> memref<80x128xi32, #tpu.memory_space<hbm>>
      %dma_wait3A_91 = arith.constant 0 : i32
      %dma_wait3A_92 = arith.constant 0 : i32
      %dma_wait3A_93 = tpu.memref_slice %arg3[%run_scoped3A_1, %add3A, %dma_wait3A_91, %dma_wait3A_92] : memref<2x32x80x128xi32, #tpu.memory_space<hbm>> -> memref<1x1x80x128xi32, #tpu.memory_space<hbm>>
      %dma_wait3A_94 = tpu.memref_squeeze %dma_wait3A_93 : memref<1x1x80x128xi32, #tpu.memory_space<hbm>> -> memref<80x128xi32, #tpu.memory_space<hbm>>
      tpu.wait_dma2 semaphore(%run_scoped3A_79 : memref<!tpu.dma_semaphore, #tpu.memory_space<semaphore_mem>>) src(%dma_wait3A_94 : memref<80x128xi32, #tpu.memory_space<hbm>>) dst(%arg6 : memref<80x128xi32, #tpu.memory_space<vmem>>)
      tpu.yield
    }) : () -> ()
    %broadcast_in_dim3A = arith.constant 0.000000e+00 : f32
    %broadcast_in_dim3A_2 = vector.broadcast %broadcast_in_dim3A : f32 to vector<16xf32>
    %scan3A = arith.constant 0 : i32
    %scan3A_3 = arith.constant 64 : i32
    %scan3A_4 = arith.addi %scan3A, %scan3A_3 : i32
    %scan3A_5 = arith.constant 1 : i32
    scf.for %scan3A_79 = %scan3A to %scan3A_4 step %scan3A_5  : i32 {
      %mul3A_80 = arith.constant 1 : i32
      %mul3A_81 = arith.muli %scan3A_79, %mul3A_80 : i32
      %add3A_82 = arith.constant 0 : i32
      %add3A_83 = arith.addi %add3A_82, %mul3A_81 : i32
      %scan3A_84 = arith.constant 0 : i32
      %scan3A_85 = arith.constant 4 : i32
      %scan3A_86 = arith.addi %scan3A_84, %scan3A_85 : i32
      %scan3A_87 = arith.constant 1 : i32
      scf.for %scan3A_89 = %scan3A_84 to %scan3A_86 step %scan3A_87  : i32 {
        %mul3A_90 = arith.constant 16 : i32
        %mul3A_91 = arith.muli %scan3A_89, %mul3A_90 : i32
        %add3A_92 = arith.constant 0 : i32
        %add3A_93 = arith.addi %add3A_92, %mul3A_91 : i32
        %swap3A = arith.index_cast %add3A_83 : i32 to index
        %swap3A_94 = arith.index_cast %add3A_93 : i32 to index
        %swap3A_95 = tpu.vector_load %arg8[%swap3A, %swap3A_94] {strides = array<i32>} : memref<64x64xf32, #tpu.memory_space<vmem>>, vector<1x16xf32>,
        %swap3A_96 = vector.shape_cast %swap3A_95 : vector<1x16xf32> to vector<16xf32>
        %swap3A_97 = vector.shape_cast %broadcast_in_dim3A_2 : vector<16xf32> to vector<1x16xf32>
        tpu.vector_store %arg8[%swap3A, %swap3A_94], %swap3A_97 {strides = array<i32>} : memref<64x64xf32, #tpu.memory_space<vmem>>, vector<1x16xf32>,
      }
      %scan3A_88 = arith.constant 4 : i32
    }
    %scan3A_6 = arith.constant 64 : i32
    %mul3A_7 = arith.constant 640 : i32
    %mul3A_8 = arith.muli %arg1, %mul3A_7 : i32
    %scan3A_9 = arith.constant 0 : i32
    %scan3A_10 = arith.constant 10 : i32
    %scan3A_11 = arith.addi %scan3A_9, %scan3A_10 : i32
    %scan3A_12 = arith.constant 1 : i32
    scf.for %scan3A_79 = %scan3A_9 to %scan3A_11 step %scan3A_12  : i32 {
      %mul3A_80 = arith.constant 64 : i32
      %mul3A_81 = arith.muli %scan3A_79, %mul3A_80 : i32
      %add3A_82 = arith.constant 0 : i32
      %add3A_83 = arith.addi %add3A_82, %mul3A_81 : i32
      %add3A_84 = arith.addi %mul3A_8, %add3A_83 : i32
      "tpu.region"() ({
        %run_scoped3A_85 = tpu.sem_alloc : memref<!tpu.dma_semaphore, #tpu.memory_space<semaphore_mem>>
        %dma_start3A_86 = arith.constant 0 : i32
        %dma_start3A_87 = tpu.memref_slice %arg9[%add3A_84, %dma_start3A_86] : memref<10240x64xf32, #tpu.memory_space<vmem_shared>> -> memref<64x64xf32, #tpu.memory_space<vmem_shared>>
        %dma_start3A_88 = arith.constant 0 : i32
        %dma_start3A_89 = tpu.memref_slice %arg9[%add3A_84, %dma_start3A_88] : memref<10240x64xf32, #tpu.memory_space<vmem_shared>> -> memref<64x64xf32, #tpu.memory_space<vmem_shared>>
        tpu.enqueue_dma source(%arg8 : memref<64x64xf32, #tpu.memory_space<vmem>>) target(%dma_start3A_89 : memref<64x64xf32, #tpu.memory_space<vmem_shared>>) target_semaphore(%run_scoped3A_85 : memref<!tpu.dma_semaphore, #tpu.memory_space<semaphore_mem>>)
        %dma_wait3A = arith.constant 0 : i32
        %dma_wait3A_90 = tpu.memref_slice %arg9[%add3A_84, %dma_wait3A] : memref<10240x64xf32, #tpu.memory_space<vmem_shared>> -> memref<64x64xf32, #tpu.memory_space<vmem_shared>>
        %dma_wait3A_91 = arith.constant 0 : i32
        %dma_wait3A_92 = tpu.memref_slice %arg9[%add3A_84, %dma_wait3A_91] : memref<10240x64xf32, #tpu.memory_space<vmem_shared>> -> memref<64x64xf32, #tpu.memory_space<vmem_shared>>
        tpu.wait_dma2 semaphore(%run_scoped3A_85 : memref<!tpu.dma_semaphore, #tpu.memory_space<semaphore_mem>>) src(%arg8 : memref<64x64xf32, #tpu.memory_space<vmem>>) dst(%dma_wait3A_92 : memref<64x64xf32, #tpu.memory_space<vmem_shared>>)
        tpu.yield
      }) : () -> ()
    }
    %scan3A_13 = arith.constant 10 : i32
    %barrier3A = arith.constant 0 : index
    tpu.barrier barrier_id(%barrier3A)
    %dma_start3A = arith.constant 0 : i32
    %dma_start3A_14 = arith.constant 0 : i32
    %dma_start3A_15 = arith.constant 0 : i32
    %dma_start3A_16 = arith.constant 0 : i32
    %dma_start3A_17 = arith.constant 0 : i32
    %dma_start3A_18 = tpu.memref_slice %arg7[%dma_start3A_14, %dma_start3A_16, %dma_start3A_17] : memref<8x128x64xf32, #tpu.memory_space<vmem>> -> memref<1x128x64xf32, #tpu.memory_space<vmem>>
    %dma_start3A_19 = tpu.memref_squeeze %dma_start3A_18 : memref<1x128x64xf32, #tpu.memory_space<vmem>> -> memref<128x64xf32, #tpu.memory_space<vmem>>
    %dma_start3A_20 = arith.constant 0 : i32
    %dma_start3A_21 = tpu.memref_slice %arg5[%dma_start3A, %dma_start3A_20] : memref<80x128xi32, #tpu.memory_space<vmem>> -> memref<1x128xi32, #tpu.memory_space<vmem>>
    %dma_start3A_22 = tpu.memref_squeeze %dma_start3A_21 : memref<1x128xi32, #tpu.memory_space<vmem>> -> memref<128xi32, #tpu.memory_space<vmem>>
    %dma_start3A_23 = arith.constant 0 : i32
    %dma_start3A_24 = arith.constant 0 : i32
    %dma_start3A_25 = tpu.memref_slice %arg2[%dma_start3A_23, %dma_start3A_24] : memref<10240x64xf32, #tpu.memory_space<hbm>> -> memref<10240x64xf32, #tpu.memory_space<hbm>>
    %dma_start3A_26 = tpu.memref_slice %arg10[%dma_start3A_15] : memref<8x!tpu.dma_semaphore, #tpu.memory_space<semaphore_mem>> -> memref<1x!tpu.dma_semaphore, #tpu.memory_space<semaphore_mem>>
    %dma_start3A_27 = tpu.memref_squeeze %dma_start3A_26 : memref<1x!tpu.dma_semaphore, #tpu.memory_space<semaphore_mem>> -> memref<!tpu.dma_semaphore, #tpu.memory_space<semaphore_mem>>
    tpu.enqueue_indirect_dma source(%dma_start3A_25 : memref<10240x64xf32, #tpu.memory_space<hbm>>) target(%dma_start3A_19 : memref<128x64xf32, #tpu.memory_space<vmem>>) offsets(%dma_start3A_22 : memref<128xi32, #tpu.memory_space<vmem>>) semaphore(%dma_start3A_27 : memref<!tpu.dma_semaphore, #tpu.memory_space<semaphore_mem>>)
    %dma_start3A_28 = arith.constant 1 : i32
    %dma_start3A_29 = arith.constant 1 : i32
    %dma_start3A_30 = arith.constant 1 : i32
    %dma_start3A_31 = arith.constant 0 : i32
    %dma_start3A_32 = arith.constant 0 : i32
    %dma_start3A_33 = tpu.memref_slice %arg7[%dma_start3A_29, %dma_start3A_31, %dma_start3A_32] : memref<8x128x64xf32, #tpu.memory_space<vmem>> -> memref<1x128x64xf32, #tpu.memory_space<vmem>>
    %dma_start3A_34 = tpu.memref_squeeze %dma_start3A_33 : memref<1x128x64xf32, #tpu.memory_space<vmem>> -> memref<128x64xf32, #tpu.memory_space<vmem>>
    %dma_start3A_35 = arith.constant 0 : i32
    %dma_start3A_36 = tpu.memref_slice %arg5[%dma_start3A_28, %dma_start3A_35] : memref<80x128xi32, #tpu.memory_space<vmem>> -> memref<1x128xi32, #tpu.memory_space<vmem>>
    %dma_start3A_37 = tpu.memref_squeeze %dma_start3A_36 : memref<1x128xi32, #tpu.memory_space<vmem>> -> memref<128xi32, #tpu.memory_space<vmem>>
    %dma_start3A_38 = arith.constant 0 : i32
    %dma_start3A_39 = arith.constant 0 : i32
    %dma_start3A_40 = tpu.memref_slice %arg2[%dma_start3A_38, %dma_start3A_39] : memref<10240x64xf32, #tpu.memory_space<hbm>> -> memref<10240x64xf32, #tpu.memory_space<hbm>>
    %dma_start3A_41 = tpu.memref_slice %arg10[%dma_start3A_30] : memref<8x!tpu.dma_semaphore, #tpu.memory_space<semaphore_mem>> -> memref<1x!tpu.dma_semaphore, #tpu.memory_space<semaphore_mem>>
    %dma_start3A_42 = tpu.memref_squeeze %dma_start3A_41 : memref<1x!tpu.dma_semaphore, #tpu.memory_space<semaphore_mem>> -> memref<!tpu.dma_semaphore, #tpu.memory_space<semaphore_mem>>
    tpu.enqueue_indirect_dma source(%dma_start3A_40 : memref<10240x64xf32, #tpu.memory_space<hbm>>) target(%dma_start3A_34 : memref<128x64xf32, #tpu.memory_space<vmem>>) offsets(%dma_start3A_37 : memref<128xi32, #tpu.memory_space<vmem>>) semaphore(%dma_start3A_42 : memref<!tpu.dma_semaphore, #tpu.memory_space<semaphore_mem>>)
    %dma_start3A_43 = arith.constant 2 : i32
    %dma_start3A_44 = arith.constant 2 : i32
    %dma_start3A_45 = arith.constant 2 : i32
    %dma_start3A_46 = arith.constant 0 : i32
    %dma_start3A_47 = arith.constant 0 : i32
    %dma_start3A_48 = tpu.memref_slice %arg7[%dma_start3A_44, %dma_start3A_46, %dma_start3A_47] : memref<8x128x64xf32, #tpu.memory_space<vmem>> -> memref<1x128x64xf32, #tpu.memory_space<vmem>>
    %dma_start3A_49 = tpu.memref_squeeze %dma_start3A_48 : memref<1x128x64xf32, #tpu.memory_space<vmem>> -> memref<128x64xf32, #tpu.memory_space<vmem>>
    %dma_start3A_50 = arith.constant 0 : i32
    %dma_start3A_51 = tpu.memref_slice %arg5[%dma_start3A_43, %dma_start3A_50] : memref<80x128xi32, #tpu.memory_space<vmem>> -> memref<1x128xi32, #tpu.memory_space<vmem>>
    %dma_start3A_52 = tpu.memref_squeeze %dma_start3A_51 : memref<1x128xi32, #tpu.memory_space<vmem>> -> memref<128xi32, #tpu.memory_space<vmem>>
    %dma_start3A_53 = arith.constant 0 : i32
    %dma_start3A_54 = arith.constant 0 : i32
    %dma_start3A_55 = tpu.memref_slice %arg2[%dma_start3A_53, %dma_start3A_54] : memref<10240x64xf32, #tpu.memory_space<hbm>> -> memref<10240x64xf32, #tpu.memory_space<hbm>>
    %dma_start3A_56 = tpu.memref_slice %arg10[%dma_start3A_45] : memref<8x!tpu.dma_semaphore, #tpu.memory_space<semaphore_mem>> -> memref<1x!tpu.dma_semaphore, #tpu.memory_space<semaphore_mem>>
    %dma_start3A_57 = tpu.memref_squeeze %dma_start3A_56 : memref<1x!tpu.dma_semaphore, #tpu.memory_space<semaphore_mem>> -> memref<!tpu.dma_semaphore, #tpu.memory_space<semaphore_mem>>
    tpu.enqueue_indirect_dma source(%dma_start3A_55 : memref<10240x64xf32, #tpu.memory_space<hbm>>) target(%dma_start3A_49 : memref<128x64xf32, #tpu.memory_space<vmem>>) offsets(%dma_start3A_52 : memref<128xi32, #tpu.memory_space<vmem>>) semaphore(%dma_start3A_57 : memref<!tpu.dma_semaphore, #tpu.memory_space<semaphore_mem>>)
    %dma_start3A_58 = arith.constant 3 : i32
    %dma_start3A_59 = arith.constant 3 : i32
    %dma_start3A_60 = arith.constant 3 : i32
    %dma_start3A_61 = arith.constant 0 : i32
    %dma_start3A_62 = arith.constant 0 : i32
    %dma_start3A_63 = tpu.memref_slice %arg7[%dma_start3A_59, %dma_start3A_61, %dma_start3A_62] : memref<8x128x64xf32, #tpu.memory_space<vmem>> -> memref<1x128x64xf32, #tpu.memory_space<vmem>>
    %dma_start3A_64 = tpu.memref_squeeze %dma_start3A_63 : memref<1x128x64xf32, #tpu.memory_space<vmem>> -> memref<128x64xf32, #tpu.memory_space<vmem>>
    %dma_start3A_65 = arith.constant 0 : i32
    %dma_start3A_66 = tpu.memref_slice %arg5[%dma_start3A_58, %dma_start3A_65] : memref<80x128xi32, #tpu.memory_space<vmem>> -> memref<1x128xi32, #tpu.memory_space<vmem>>
    %dma_start3A_67 = tpu.memref_squeeze %dma_start3A_66 : memref<1x128xi32, #tpu.memory_space<vmem>> -> memref<128xi32, #tpu.memory_space<vmem>>
    %dma_start3A_68 = arith.constant 0 : i32
    %dma_start3A_69 = arith.constant 0 : i32
    %dma_start3A_70 = tpu.memref_slice %arg2[%dma_start3A_68, %dma_start3A_69] : memref<10240x64xf32, #tpu.memory_space<hbm>> -> memref<10240x64xf32, #tpu.memory_space<hbm>>
    %dma_start3A_71 = tpu.memref_slice %arg10[%dma_start3A_60] : memref<8x!tpu.dma_semaphore, #tpu.memory_space<semaphore_mem>> -> memref<1x!tpu.dma_semaphore, #tpu.memory_space<semaphore_mem>>
    %dma_start3A_72 = tpu.memref_squeeze %dma_start3A_71 : memref<1x!tpu.dma_semaphore, #tpu.memory_space<semaphore_mem>> -> memref<!tpu.dma_semaphore, #tpu.memory_space<semaphore_mem>>
    tpu.enqueue_indirect_dma source(%dma_start3A_70 : memref<10240x64xf32, #tpu.memory_space<hbm>>) target(%dma_start3A_64 : memref<128x64xf32, #tpu.memory_space<vmem>>) offsets(%dma_start3A_67 : memref<128xi32, #tpu.memory_space<vmem>>) semaphore(%dma_start3A_72 : memref<!tpu.dma_semaphore, #tpu.memory_space<semaphore_mem>>)
    %scan3A_73 = arith.constant 0 : i32
    %scan3A_74 = arith.constant 10 : i32
    %scan3A_75 = arith.addi %scan3A_73, %scan3A_74 : i32
    %scan3A_76 = arith.constant 1 : i32
    scf.for %scan3A_79 = %scan3A_73 to %scan3A_75 step %scan3A_76  : i32 {
      %mul3A_80 = arith.constant 8 : i32
      %mul3A_81 = arith.muli %scan3A_79, %mul3A_80 : i32
      %add3A_82 = arith.constant 0 : i32
      %add3A_83 = arith.addi %add3A_82, %mul3A_81 : i32
      %add3A_84 = arith.constant 0 : i32
      %add3A_85 = arith.addi %add3A_83, %add3A_84 : i32
      %dma_wait3A = arith.constant 0 : i32
      %dma_wait3A_86 = arith.constant 0 : i32
      %dma_wait3A_87 = arith.constant 0 : i32
      %dma_wait3A_88 = arith.constant 0 : i32
      %dma_wait3A_89 = tpu.memref_slice %arg7[%dma_wait3A, %dma_wait3A_87, %dma_wait3A_88] : memref<8x128x64xf32, #tpu.memory_space<vmem>> -> memref<1x128x64xf32, #tpu.memory_space<vmem>>
      %dma_wait3A_90 = tpu.memref_squeeze %dma_wait3A_89 : memref<1x128x64xf32, #tpu.memory_space<vmem>> -> memref<128x64xf32, #tpu.memory_space<vmem>>
      %dma_wait3A_91 = arith.constant 0 : i32
      %dma_wait3A_92 = tpu.memref_slice %arg5[%add3A_85, %dma_wait3A_91] : memref<80x128xi32, #tpu.memory_space<vmem>> -> memref<1x128xi32, #tpu.memory_space<vmem>>
      %dma_wait3A_93 = tpu.memref_squeeze %dma_wait3A_92 : memref<1x128xi32, #tpu.memory_space<vmem>> -> memref<128xi32, #tpu.memory_space<vmem>>
      %dma_wait3A_94 = arith.constant 0 : i32
      %dma_wait3A_95 = arith.constant 0 : i32
      %dma_wait3A_96 = tpu.memref_slice %arg2[%dma_wait3A_94, %dma_wait3A_95] : memref<10240x64xf32, #tpu.memory_space<hbm>> -> memref<10240x64xf32, #tpu.memory_space<hbm>>
      %dma_wait3A_97 = tpu.memref_slice %arg10[%dma_wait3A_86] : memref<8x!tpu.dma_semaphore, #tpu.memory_space<semaphore_mem>> -> memref<1x!tpu.dma_semaphore, #tpu.memory_space<semaphore_mem>>
      %dma_wait3A_98 = tpu.memref_squeeze %dma_wait3A_97 : memref<1x!tpu.dma_semaphore, #tpu.memory_space<semaphore_mem>> -> memref<!tpu.dma_semaphore, #tpu.memory_space<semaphore_mem>>
      tpu.wait_indirect_dma semaphore(%dma_wait3A_98 : memref<!tpu.dma_semaphore, #tpu.memory_space<semaphore_mem>>) src(%dma_wait3A_96 : memref<10240x64xf32, #tpu.memory_space<hbm>>) dst(%dma_wait3A_90 : memref<128x64xf32, #tpu.memory_space<vmem>>)
      %add3A_99 = arith.constant 4 : i32
      %add3A_100 = arith.addi %add3A_85, %add3A_99 : i32
      %lt3A = arith.constant 80 : i32
      %lt3A_101 = arith.cmpi slt, %add3A_100, %lt3A : i32
      %convert_element_type3A = arith.extui %lt3A_101 : i1 to i32
      %cond3A = arith.constant 0 : i32
      %cond3A_102 = arith.cmpi ne, %convert_element_type3A, %cond3A : i32
      scf.if %cond3A_102 {
        %add3A_272 = arith.constant 4 : i32
        %add3A_273 = arith.addi %add3A_85, %add3A_272 : i32
        %dma_start3A_274 = arith.constant 4 : i32
        %dma_start3A_275 = arith.constant 4 : i32
        %dma_start3A_276 = arith.constant 0 : i32
        %dma_start3A_277 = arith.constant 0 : i32
        %dma_start3A_278 = tpu.memref_slice %arg7[%dma_start3A_274, %dma_start3A_276, %dma_start3A_277] : memref<8x128x64xf32, #tpu.memory_space<vmem>> -> memref<1x128x64xf32, #tpu.memory_space<vmem>>
        %dma_start3A_279 = tpu.memref_squeeze %dma_start3A_278 : memref<1x128x64xf32, #tpu.memory_space<vmem>> -> memref<128x64xf32, #tpu.memory_space<vmem>>
        %dma_start3A_280 = arith.constant 0 : i32
        %dma_start3A_281 = tpu.memref_slice %arg5[%add3A_273, %dma_start3A_280] : memref<80x128xi32, #tpu.memory_space<vmem>> -> memref<1x128xi32, #tpu.memory_space<vmem>>
        %dma_start3A_282 = tpu.memref_squeeze %dma_start3A_281 : memref<1x128xi32, #tpu.memory_space<vmem>> -> memref<128xi32, #tpu.memory_space<vmem>>
        %dma_start3A_283 = arith.constant 0 : i32
        %dma_start3A_284 = arith.constant 0 : i32
        %dma_start3A_285 = tpu.memref_slice %arg2[%dma_start3A_283, %dma_start3A_284] : memref<10240x64xf32, #tpu.memory_space<hbm>> -> memref<10240x64xf32, #tpu.memory_space<hbm>>
        %dma_start3A_286 = tpu.memref_slice %arg10[%dma_start3A_275] : memref<8x!tpu.dma_semaphore, #tpu.memory_space<semaphore_mem>> -> memref<1x!tpu.dma_semaphore, #tpu.memory_space<semaphore_mem>>
        %dma_start3A_287 = tpu.memref_squeeze %dma_start3A_286 : memref<1x!tpu.dma_semaphore, #tpu.memory_space<semaphore_mem>> -> memref<!tpu.dma_semaphore, #tpu.memory_space<semaphore_mem>>
        tpu.enqueue_indirect_dma source(%dma_start3A_285 : memref<10240x64xf32, #tpu.memory_space<hbm>>) target(%dma_start3A_279 : memref<128x64xf32, #tpu.memory_space<vmem>>) offsets(%dma_start3A_282 : memref<128xi32, #tpu.memory_space<vmem>>) semaphore(%dma_start3A_287 : memref<!tpu.dma_semaphore, #tpu.memory_space<semaphore_mem>>)
      } else {
      }
      %run_scoped3A_103 = arith.constant 0 : i32
      "tpu.region"() ({
        %run_scoped3A_272 = tpu.sem_alloc : memref<!tpu.dma_semaphore, #tpu.memory_space<semaphore_mem>>
        %dma_start3A_273 = arith.constant 0 : i32
        %dma_start3A_274 = arith.constant 0 : i32
        %dma_start3A_275 = tpu.memref_slice %arg7[%run_scoped3A_103, %dma_start3A_273, %dma_start3A_274] : memref<8x128x64xf32, #tpu.memory_space<vmem>> -> memref<1x128x64xf32, #tpu.memory_space<vmem>>
        %dma_start3A_276 = tpu.memref_squeeze %dma_start3A_275 : memref<1x128x64xf32, #tpu.memory_space<vmem>> -> memref<128x64xf32, #tpu.memory_space<vmem>>
        %dma_start3A_277 = arith.constant 0 : i32
        %dma_start3A_278 = tpu.memref_slice %arg6[%add3A_85, %dma_start3A_277] : memref<80x128xi32, #tpu.memory_space<vmem>> -> memref<1x128xi32, #tpu.memory_space<vmem>>
        %dma_start3A_279 = tpu.memref_squeeze %dma_start3A_278 : memref<1x128xi32, #tpu.memory_space<vmem>> -> memref<128xi32, #tpu.memory_space<vmem>>
        %dma_start3A_280 = arith.constant 0 : i32
        %dma_start3A_281 = arith.constant 0 : i32
        %dma_start3A_282 = tpu.memref_slice %arg9[%dma_start3A_280, %dma_start3A_281] : memref<10240x64xf32, #tpu.memory_space<vmem_shared>> -> memref<10240x64xf32, #tpu.memory_space<vmem_shared>>
        tpu.enqueue_indirect_dma source(%dma_start3A_276 : memref<128x64xf32, #tpu.memory_space<vmem>>) target(%dma_start3A_282 : memref<10240x64xf32, #tpu.memory_space<vmem_shared>>) offsets(%dma_start3A_279 : memref<128xi32, #tpu.memory_space<vmem>>) semaphore(%run_scoped3A_272 : memref<!tpu.dma_semaphore, #tpu.memory_space<semaphore_mem>>) {add = true}
        %dma_wait3A_283 = arith.constant 0 : i32
        %dma_wait3A_284 = arith.constant 0 : i32
        %dma_wait3A_285 = tpu.memref_slice %arg7[%run_scoped3A_103, %dma_wait3A_283, %dma_wait3A_284] : memref<8x128x64xf32, #tpu.memory_space<vmem>> -> memref<1x128x64xf32, #tpu.memory_space<vmem>>
        %dma_wait3A_286 = tpu.memref_squeeze %dma_wait3A_285 : memref<1x128x64xf32, #tpu.memory_space<vmem>> -> memref<128x64xf32, #tpu.memory_space<vmem>>
        %dma_wait3A_287 = arith.constant 0 : i32
        %dma_wait3A_288 = tpu.memref_slice %arg6[%add3A_85, %dma_wait3A_287] : memref<80x128xi32, #tpu.memory_space<vmem>> -> memref<1x128xi32, #tpu.memory_space<vmem>>
        %dma_wait3A_289 = tpu.memref_squeeze %dma_wait3A_288 : memref<1x128xi32, #tpu.memory_space<vmem>> -> memref<128xi32, #tpu.memory_space<vmem>>
        %dma_wait3A_290 = arith.constant 0 : i32
        %dma_wait3A_291 = arith.constant 0 : i32
        %dma_wait3A_292 = tpu.memref_slice %arg9[%dma_wait3A_290, %dma_wait3A_291] : memref<10240x64xf32, #tpu.memory_space<vmem_shared>> -> memref<10240x64xf32, #tpu.memory_space<vmem_shared>>
        tpu.wait_indirect_dma semaphore(%run_scoped3A_272 : memref<!tpu.dma_semaphore, #tpu.memory_space<semaphore_mem>>) src(%dma_wait3A_286 : memref<128x64xf32, #tpu.memory_space<vmem>>) dst(%dma_wait3A_292 : memref<10240x64xf32, #tpu.memory_space<vmem_shared>>)
        tpu.yield
      }) : () -> ()
      %add3A_104 = arith.constant 1 : i32
      %add3A_105 = arith.addi %add3A_83, %add3A_104 : i32
      %dma_wait3A_106 = arith.constant 1 : i32
      %dma_wait3A_107 = arith.constant 1 : i32
      %dma_wait3A_108 = arith.constant 0 : i32
      %dma_wait3A_109 = arith.constant 0 : i32
      %dma_wait3A_110 = tpu.memref_slice %arg7[%dma_wait3A_106, %dma_wait3A_108, %dma_wait3A_109] : memref<8x128x64xf32, #tpu.memory_space<vmem>> -> memref<1x128x64xf32, #tpu.memory_space<vmem>>
      %dma_wait3A_111 = tpu.memref_squeeze %dma_wait3A_110 : memref<1x128x64xf32, #tpu.memory_space<vmem>> -> memref<128x64xf32, #tpu.memory_space<vmem>>
      %dma_wait3A_112 = arith.constant 0 : i32
      %dma_wait3A_113 = tpu.memref_slice %arg5[%add3A_105, %dma_wait3A_112] : memref<80x128xi32, #tpu.memory_space<vmem>> -> memref<1x128xi32, #tpu.memory_space<vmem>>
      %dma_wait3A_114 = tpu.memref_squeeze %dma_wait3A_113 : memref<1x128xi32, #tpu.memory_space<vmem>> -> memref<128xi32, #tpu.memory_space<vmem>>
      %dma_wait3A_115 = arith.constant 0 : i32
      %dma_wait3A_116 = arith.constant 0 : i32
      %dma_wait3A_117 = tpu.memref_slice %arg2[%dma_wait3A_115, %dma_wait3A_116] : memref<10240x64xf32, #tpu.memory_space<hbm>> -> memref<10240x64xf32, #tpu.memory_space<hbm>>
      %dma_wait3A_118 = tpu.memref_slice %arg10[%dma_wait3A_107] : memref<8x!tpu.dma_semaphore, #tpu.memory_space<semaphore_mem>> -> memref<1x!tpu.dma_semaphore, #tpu.memory_space<semaphore_mem>>
      %dma_wait3A_119 = tpu.memref_squeeze %dma_wait3A_118 : memref<1x!tpu.dma_semaphore, #tpu.memory_space<semaphore_mem>> -> memref<!tpu.dma_semaphore, #tpu.memory_space<semaphore_mem>>
      tpu.wait_indirect_dma semaphore(%dma_wait3A_119 : memref<!tpu.dma_semaphore, #tpu.memory_space<semaphore_mem>>) src(%dma_wait3A_117 : memref<10240x64xf32, #tpu.memory_space<hbm>>) dst(%dma_wait3A_111 : memref<128x64xf32, #tpu.memory_space<vmem>>)
      %add3A_120 = arith.constant 4 : i32
      %add3A_121 = arith.addi %add3A_105, %add3A_120 : i32
      %lt3A_122 = arith.constant 80 : i32
      %lt3A_123 = arith.cmpi slt, %add3A_121, %lt3A_122 : i32
      %convert_element_type3A_124 = arith.extui %lt3A_123 : i1 to i32
      %cond3A_125 = arith.constant 0 : i32
      %cond3A_126 = arith.cmpi ne, %convert_element_type3A_124, %cond3A_125 : i32
      scf.if %cond3A_126 {
        %add3A_272 = arith.constant 4 : i32
        %add3A_273 = arith.addi %add3A_105, %add3A_272 : i32
        %dma_start3A_274 = arith.constant 5 : i32
        %dma_start3A_275 = arith.constant 5 : i32
        %dma_start3A_276 = arith.constant 0 : i32
        %dma_start3A_277 = arith.constant 0 : i32
        %dma_start3A_278 = tpu.memref_slice %arg7[%dma_start3A_274, %dma_start3A_276, %dma_start3A_277] : memref<8x128x64xf32, #tpu.memory_space<vmem>> -> memref<1x128x64xf32, #tpu.memory_space<vmem>>
        %dma_start3A_279 = tpu.memref_squeeze %dma_start3A_278 : memref<1x128x64xf32, #tpu.memory_space<vmem>> -> memref<128x64xf32, #tpu.memory_space<vmem>>
        %dma_start3A_280 = arith.constant 0 : i32
        %dma_start3A_281 = tpu.memref_slice %arg5[%add3A_273, %dma_start3A_280] : memref<80x128xi32, #tpu.memory_space<vmem>> -> memref<1x128xi32, #tpu.memory_space<vmem>>
        %dma_start3A_282 = tpu.memref_squeeze %dma_start3A_281 : memref<1x128xi32, #tpu.memory_space<vmem>> -> memref<128xi32, #tpu.memory_space<vmem>>
        %dma_start3A_283 = arith.constant 0 : i32
        %dma_start3A_284 = arith.constant 0 : i32
        %dma_start3A_285 = tpu.memref_slice %arg2[%dma_start3A_283, %dma_start3A_284] : memref<10240x64xf32, #tpu.memory_space<hbm>> -> memref<10240x64xf32, #tpu.memory_space<hbm>>
        %dma_start3A_286 = tpu.memref_slice %arg10[%dma_start3A_275] : memref<8x!tpu.dma_semaphore, #tpu.memory_space<semaphore_mem>> -> memref<1x!tpu.dma_semaphore, #tpu.memory_space<semaphore_mem>>
        %dma_start3A_287 = tpu.memref_squeeze %dma_start3A_286 : memref<1x!tpu.dma_semaphore, #tpu.memory_space<semaphore_mem>> -> memref<!tpu.dma_semaphore, #tpu.memory_space<semaphore_mem>>
        tpu.enqueue_indirect_dma source(%dma_start3A_285 : memref<10240x64xf32, #tpu.memory_space<hbm>>) target(%dma_start3A_279 : memref<128x64xf32, #tpu.memory_space<vmem>>) offsets(%dma_start3A_282 : memref<128xi32, #tpu.memory_space<vmem>>) semaphore(%dma_start3A_287 : memref<!tpu.dma_semaphore, #tpu.memory_space<semaphore_mem>>)
      } else {
      }
      %run_scoped3A_127 = arith.constant 1 : i32
      "tpu.region"() ({
        %run_scoped3A_272 = tpu.sem_alloc : memref<!tpu.dma_semaphore, #tpu.memory_space<semaphore_mem>>
        %dma_start3A_273 = arith.constant 0 : i32
        %dma_start3A_274 = arith.constant 0 : i32
        %dma_start3A_275 = tpu.memref_slice %arg7[%run_scoped3A_127, %dma_start3A_273, %dma_start3A_274] : memref<8x128x64xf32, #tpu.memory_space<vmem>> -> memref<1x128x64xf32, #tpu.memory_space<vmem>>
        %dma_start3A_276 = tpu.memref_squeeze %dma_start3A_275 : memref<1x128x64xf32, #tpu.memory_space<vmem>> -> memref<128x64xf32, #tpu.memory_space<vmem>>
        %dma_start3A_277 = arith.constant 0 : i32
        %dma_start3A_278 = tpu.memref_slice %arg6[%add3A_105, %dma_start3A_277] : memref<80x128xi32, #tpu.memory_space<vmem>> -> memref<1x128xi32, #tpu.memory_space<vmem>>
        %dma_start3A_279 = tpu.memref_squeeze %dma_start3A_278 : memref<1x128xi32, #tpu.memory_space<vmem>> -> memref<128xi32, #tpu.memory_space<vmem>>
        %dma_start3A_280 = arith.constant 0 : i32
        %dma_start3A_281 = arith.constant 0 : i32
        %dma_start3A_282 = tpu.memref_slice %arg9[%dma_start3A_280, %dma_start3A_281] : memref<10240x64xf32, #tpu.memory_space<vmem_shared>> -> memref<10240x64xf32, #tpu.memory_space<vmem_shared>>
        tpu.enqueue_indirect_dma source(%dma_start3A_276 : memref<128x64xf32, #tpu.memory_space<vmem>>) target(%dma_start3A_282 : memref<10240x64xf32, #tpu.memory_space<vmem_shared>>) offsets(%dma_start3A_279 : memref<128xi32, #tpu.memory_space<vmem>>) semaphore(%run_scoped3A_272 : memref<!tpu.dma_semaphore, #tpu.memory_space<semaphore_mem>>) {add = true}
        %dma_wait3A_283 = arith.constant 0 : i32
        %dma_wait3A_284 = arith.constant 0 : i32
        %dma_wait3A_285 = tpu.memref_slice %arg7[%run_scoped3A_127, %dma_wait3A_283, %dma_wait3A_284] : memref<8x128x64xf32, #tpu.memory_space<vmem>> -> memref<1x128x64xf32, #tpu.memory_space<vmem>>
        %dma_wait3A_286 = tpu.memref_squeeze %dma_wait3A_285 : memref<1x128x64xf32, #tpu.memory_space<vmem>> -> memref<128x64xf32, #tpu.memory_space<vmem>>
        %dma_wait3A_287 = arith.constant 0 : i32
        %dma_wait3A_288 = tpu.memref_slice %arg6[%add3A_105, %dma_wait3A_287] : memref<80x128xi32, #tpu.memory_space<vmem>> -> memref<1x128xi32, #tpu.memory_space<vmem>>
        %dma_wait3A_289 = tpu.memref_squeeze %dma_wait3A_288 : memref<1x128xi32, #tpu.memory_space<vmem>> -> memref<128xi32, #tpu.memory_space<vmem>>
        %dma_wait3A_290 = arith.constant 0 : i32
        %dma_wait3A_291 = arith.constant 0 : i32
        %dma_wait3A_292 = tpu.memref_slice %arg9[%dma_wait3A_290, %dma_wait3A_291] : memref<10240x64xf32, #tpu.memory_space<vmem_shared>> -> memref<10240x64xf32, #tpu.memory_space<vmem_shared>>
        tpu.wait_indirect_dma semaphore(%run_scoped3A_272 : memref<!tpu.dma_semaphore, #tpu.memory_space<semaphore_mem>>) src(%dma_wait3A_286 : memref<128x64xf32, #tpu.memory_space<vmem>>) dst(%dma_wait3A_292 : memref<10240x64xf32, #tpu.memory_space<vmem_shared>>)
        tpu.yield
      }) : () -> ()
      %add3A_128 = arith.constant 2 : i32
      %add3A_129 = arith.addi %add3A_83, %add3A_128 : i32
      %dma_wait3A_130 = arith.constant 2 : i32
      %dma_wait3A_131 = arith.constant 2 : i32
      %dma_wait3A_132 = arith.constant 0 : i32
      %dma_wait3A_133 = arith.constant 0 : i32
      %dma_wait3A_134 = tpu.memref_slice %arg7[%dma_wait3A_130, %dma_wait3A_132, %dma_wait3A_133] : memref<8x128x64xf32, #tpu.memory_space<vmem>> -> memref<1x128x64xf32, #tpu.memory_space<vmem>>
      %dma_wait3A_135 = tpu.memref_squeeze %dma_wait3A_134 : memref<1x128x64xf32, #tpu.memory_space<vmem>> -> memref<128x64xf32, #tpu.memory_space<vmem>>
      %dma_wait3A_136 = arith.constant 0 : i32
      %dma_wait3A_137 = tpu.memref_slice %arg5[%add3A_129, %dma_wait3A_136] : memref<80x128xi32, #tpu.memory_space<vmem>> -> memref<1x128xi32, #tpu.memory_space<vmem>>
      %dma_wait3A_138 = tpu.memref_squeeze %dma_wait3A_137 : memref<1x128xi32, #tpu.memory_space<vmem>> -> memref<128xi32, #tpu.memory_space<vmem>>
      %dma_wait3A_139 = arith.constant 0 : i32
      %dma_wait3A_140 = arith.constant 0 : i32
      %dma_wait3A_141 = tpu.memref_slice %arg2[%dma_wait3A_139, %dma_wait3A_140] : memref<10240x64xf32, #tpu.memory_space<hbm>> -> memref<10240x64xf32, #tpu.memory_space<hbm>>
      %dma_wait3A_142 = tpu.memref_slice %arg10[%dma_wait3A_131] : memref<8x!tpu.dma_semaphore, #tpu.memory_space<semaphore_mem>> -> memref<1x!tpu.dma_semaphore, #tpu.memory_space<semaphore_mem>>
      %dma_wait3A_143 = tpu.memref_squeeze %dma_wait3A_142 : memref<1x!tpu.dma_semaphore, #tpu.memory_space<semaphore_mem>> -> memref<!tpu.dma_semaphore, #tpu.memory_space<semaphore_mem>>
      tpu.wait_indirect_dma semaphore(%dma_wait3A_143 : memref<!tpu.dma_semaphore, #tpu.memory_space<semaphore_mem>>) src(%dma_wait3A_141 : memref<10240x64xf32, #tpu.memory_space<hbm>>) dst(%dma_wait3A_135 : memref<128x64xf32, #tpu.memory_space<vmem>>)
      %add3A_144 = arith.constant 4 : i32
      %add3A_145 = arith.addi %add3A_129, %add3A_144 : i32
      %lt3A_146 = arith.constant 80 : i32
      %lt3A_147 = arith.cmpi slt, %add3A_145, %lt3A_146 : i32
      %convert_element_type3A_148 = arith.extui %lt3A_147 : i1 to i32
      %cond3A_149 = arith.constant 0 : i32
      %cond3A_150 = arith.cmpi ne, %convert_element_type3A_148, %cond3A_149 : i32
      scf.if %cond3A_150 {
        %add3A_272 = arith.constant 4 : i32
        %add3A_273 = arith.addi %add3A_129, %add3A_272 : i32
        %dma_start3A_274 = arith.constant 6 : i32
        %dma_start3A_275 = arith.constant 6 : i32
        %dma_start3A_276 = arith.constant 0 : i32
        %dma_start3A_277 = arith.constant 0 : i32
        %dma_start3A_278 = tpu.memref_slice %arg7[%dma_start3A_274, %dma_start3A_276, %dma_start3A_277] : memref<8x128x64xf32, #tpu.memory_space<vmem>> -> memref<1x128x64xf32, #tpu.memory_space<vmem>>
        %dma_start3A_279 = tpu.memref_squeeze %dma_start3A_278 : memref<1x128x64xf32, #tpu.memory_space<vmem>> -> memref<128x64xf32, #tpu.memory_space<vmem>>
        %dma_start3A_280 = arith.constant 0 : i32
        %dma_start3A_281 = tpu.memref_slice %arg5[%add3A_273, %dma_start3A_280] : memref<80x128xi32, #tpu.memory_space<vmem>> -> memref<1x128xi32, #tpu.memory_space<vmem>>
        %dma_start3A_282 = tpu.memref_squeeze %dma_start3A_281 : memref<1x128xi32, #tpu.memory_space<vmem>> -> memref<128xi32, #tpu.memory_space<vmem>>
        %dma_start3A_283 = arith.constant 0 : i32
        %dma_start3A_284 = arith.constant 0 : i32
        %dma_start3A_285 = tpu.memref_slice %arg2[%dma_start3A_283, %dma_start3A_284] : memref<10240x64xf32, #tpu.memory_space<hbm>> -> memref<10240x64xf32, #tpu.memory_space<hbm>>
        %dma_start3A_286 = tpu.memref_slice %arg10[%dma_start3A_275] : memref<8x!tpu.dma_semaphore, #tpu.memory_space<semaphore_mem>> -> memref<1x!tpu.dma_semaphore, #tpu.memory_space<semaphore_mem>>
        %dma_start3A_287 = tpu.memref_squeeze %dma_start3A_286 : memref<1x!tpu.dma_semaphore, #tpu.memory_space<semaphore_mem>> -> memref<!tpu.dma_semaphore, #tpu.memory_space<semaphore_mem>>
        tpu.enqueue_indirect_dma source(%dma_start3A_285 : memref<10240x64xf32, #tpu.memory_space<hbm>>) target(%dma_start3A_279 : memref<128x64xf32, #tpu.memory_space<vmem>>) offsets(%dma_start3A_282 : memref<128xi32, #tpu.memory_space<vmem>>) semaphore(%dma_start3A_287 : memref<!tpu.dma_semaphore, #tpu.memory_space<semaphore_mem>>)
      } else {
      }
      %run_scoped3A_151 = arith.constant 2 : i32
      "tpu.region"() ({
        %run_scoped3A_272 = tpu.sem_alloc : memref<!tpu.dma_semaphore, #tpu.memory_space<semaphore_mem>>
        %dma_start3A_273 = arith.constant 0 : i32
        %dma_start3A_274 = arith.constant 0 : i32
        %dma_start3A_275 = tpu.memref_slice %arg7[%run_scoped3A_151, %dma_start3A_273, %dma_start3A_274] : memref<8x128x64xf32, #tpu.memory_space<vmem>> -> memref<1x128x64xf32, #tpu.memory_space<vmem>>
        %dma_start3A_276 = tpu.memref_squeeze %dma_start3A_275 : memref<1x128x64xf32, #tpu.memory_space<vmem>> -> memref<128x64xf32, #tpu.memory_space<vmem>>
        %dma_start3A_277 = arith.constant 0 : i32
        %dma_start3A_278 = tpu.memref_slice %arg6[%add3A_129, %dma_start3A_277] : memref<80x128xi32, #tpu.memory_space<vmem>> -> memref<1x128xi32, #tpu.memory_space<vmem>>
        %dma_start3A_279 = tpu.memref_squeeze %dma_start3A_278 : memref<1x128xi32, #tpu.memory_space<vmem>> -> memref<128xi32, #tpu.memory_space<vmem>>
        %dma_start3A_280 = arith.constant 0 : i32
        %dma_start3A_281 = arith.constant 0 : i32
        %dma_start3A_282 = tpu.memref_slice %arg9[%dma_start3A_280, %dma_start3A_281] : memref<10240x64xf32, #tpu.memory_space<vmem_shared>> -> memref<10240x64xf32, #tpu.memory_space<vmem_shared>>
        tpu.enqueue_indirect_dma source(%dma_start3A_276 : memref<128x64xf32, #tpu.memory_space<vmem>>) target(%dma_start3A_282 : memref<10240x64xf32, #tpu.memory_space<vmem_shared>>) offsets(%dma_start3A_279 : memref<128xi32, #tpu.memory_space<vmem>>) semaphore(%run_scoped3A_272 : memref<!tpu.dma_semaphore, #tpu.memory_space<semaphore_mem>>) {add = true}
        %dma_wait3A_283 = arith.constant 0 : i32
        %dma_wait3A_284 = arith.constant 0 : i32
        %dma_wait3A_285 = tpu.memref_slice %arg7[%run_scoped3A_151, %dma_wait3A_283, %dma_wait3A_284] : memref<8x128x64xf32, #tpu.memory_space<vmem>> -> memref<1x128x64xf32, #tpu.memory_space<vmem>>
        %dma_wait3A_286 = tpu.memref_squeeze %dma_wait3A_285 : memref<1x128x64xf32, #tpu.memory_space<vmem>> -> memref<128x64xf32, #tpu.memory_space<vmem>>
        %dma_wait3A_287 = arith.constant 0 : i32
        %dma_wait3A_288 = tpu.memref_slice %arg6[%add3A_129, %dma_wait3A_287] : memref<80x128xi32, #tpu.memory_space<vmem>> -> memref<1x128xi32, #tpu.memory_space<vmem>>
        %dma_wait3A_289 = tpu.memref_squeeze %dma_wait3A_288 : memref<1x128xi32, #tpu.memory_space<vmem>> -> memref<128xi32, #tpu.memory_space<vmem>>
        %dma_wait3A_290 = arith.constant 0 : i32
        %dma_wait3A_291 = arith.constant 0 : i32
        %dma_wait3A_292 = tpu.memref_slice %arg9[%dma_wait3A_290, %dma_wait3A_291] : memref<10240x64xf32, #tpu.memory_space<vmem_shared>> -> memref<10240x64xf32, #tpu.memory_space<vmem_shared>>
        tpu.wait_indirect_dma semaphore(%run_scoped3A_272 : memref<!tpu.dma_semaphore, #tpu.memory_space<semaphore_mem>>) src(%dma_wait3A_286 : memref<128x64xf32, #tpu.memory_space<vmem>>) dst(%dma_wait3A_292 : memref<10240x64xf32, #tpu.memory_space<vmem_shared>>)
        tpu.yield
      }) : () -> ()
      %add3A_152 = arith.constant 3 : i32
      %add3A_153 = arith.addi %add3A_83, %add3A_152 : i32
      %dma_wait3A_154 = arith.constant 3 : i32
      %dma_wait3A_155 = arith.constant 3 : i32
      %dma_wait3A_156 = arith.constant 0 : i32
      %dma_wait3A_157 = arith.constant 0 : i32
      %dma_wait3A_158 = tpu.memref_slice %arg7[%dma_wait3A_154, %dma_wait3A_156, %dma_wait3A_157] : memref<8x128x64xf32, #tpu.memory_space<vmem>> -> memref<1x128x64xf32, #tpu.memory_space<vmem>>
      %dma_wait3A_159 = tpu.memref_squeeze %dma_wait3A_158 : memref<1x128x64xf32, #tpu.memory_space<vmem>> -> memref<128x64xf32, #tpu.memory_space<vmem>>
      %dma_wait3A_160 = arith.constant 0 : i32
      %dma_wait3A_161 = tpu.memref_slice %arg5[%add3A_153, %dma_wait3A_160] : memref<80x128xi32, #tpu.memory_space<vmem>> -> memref<1x128xi32, #tpu.memory_space<vmem>>
      %dma_wait3A_162 = tpu.memref_squeeze %dma_wait3A_161 : memref<1x128xi32, #tpu.memory_space<vmem>> -> memref<128xi32, #tpu.memory_space<vmem>>
      %dma_wait3A_163 = arith.constant 0 : i32
      %dma_wait3A_164 = arith.constant 0 : i32
      %dma_wait3A_165 = tpu.memref_slice %arg2[%dma_wait3A_163, %dma_wait3A_164] : memref<10240x64xf32, #tpu.memory_space<hbm>> -> memref<10240x64xf32, #tpu.memory_space<hbm>>
      %dma_wait3A_166 = tpu.memref_slice %arg10[%dma_wait3A_155] : memref<8x!tpu.dma_semaphore, #tpu.memory_space<semaphore_mem>> -> memref<1x!tpu.dma_semaphore, #tpu.memory_space<semaphore_mem>>
      %dma_wait3A_167 = tpu.memref_squeeze %dma_wait3A_166 : memref<1x!tpu.dma_semaphore, #tpu.memory_space<semaphore_mem>> -> memref<!tpu.dma_semaphore, #tpu.memory_space<semaphore_mem>>
      tpu.wait_indirect_dma semaphore(%dma_wait3A_167 : memref<!tpu.dma_semaphore, #tpu.memory_space<semaphore_mem>>) src(%dma_wait3A_165 : memref<10240x64xf32, #tpu.memory_space<hbm>>) dst(%dma_wait3A_159 : memref<128x64xf32, #tpu.memory_space<vmem>>)
      %add3A_168 = arith.constant 4 : i32
      %add3A_169 = arith.addi %add3A_153, %add3A_168 : i32
      %lt3A_170 = arith.constant 80 : i32
      %lt3A_171 = arith.cmpi slt, %add3A_169, %lt3A_170 : i32
      %convert_element_type3A_172 = arith.extui %lt3A_171 : i1 to i32
      %cond3A_173 = arith.constant 0 : i32
      %cond3A_174 = arith.cmpi ne, %convert_element_type3A_172, %cond3A_173 : i32
      scf.if %cond3A_174 {
        %add3A_272 = arith.constant 4 : i32
        %add3A_273 = arith.addi %add3A_153, %add3A_272 : i32
        %dma_start3A_274 = arith.constant 7 : i32
        %dma_start3A_275 = arith.constant 7 : i32
        %dma_start3A_276 = arith.constant 0 : i32
        %dma_start3A_277 = arith.constant 0 : i32
        %dma_start3A_278 = tpu.memref_slice %arg7[%dma_start3A_274, %dma_start3A_276, %dma_start3A_277] : memref<8x128x64xf32, #tpu.memory_space<vmem>> -> memref<1x128x64xf32, #tpu.memory_space<vmem>>
        %dma_start3A_279 = tpu.memref_squeeze %dma_start3A_278 : memref<1x128x64xf32, #tpu.memory_space<vmem>> -> memref<128x64xf32, #tpu.memory_space<vmem>>
        %dma_start3A_280 = arith.constant 0 : i32
        %dma_start3A_281 = tpu.memref_slice %arg5[%add3A_273, %dma_start3A_280] : memref<80x128xi32, #tpu.memory_space<vmem>> -> memref<1x128xi32, #tpu.memory_space<vmem>>
        %dma_start3A_282 = tpu.memref_squeeze %dma_start3A_281 : memref<1x128xi32, #tpu.memory_space<vmem>> -> memref<128xi32, #tpu.memory_space<vmem>>
        %dma_start3A_283 = arith.constant 0 : i32
        %dma_start3A_284 = arith.constant 0 : i32
        %dma_start3A_285 = tpu.memref_slice %arg2[%dma_start3A_283, %dma_start3A_284] : memref<10240x64xf32, #tpu.memory_space<hbm>> -> memref<10240x64xf32, #tpu.memory_space<hbm>>
        %dma_start3A_286 = tpu.memref_slice %arg10[%dma_start3A_275] : memref<8x!tpu.dma_semaphore, #tpu.memory_space<semaphore_mem>> -> memref<1x!tpu.dma_semaphore, #tpu.memory_space<semaphore_mem>>
        %dma_start3A_287 = tpu.memref_squeeze %dma_start3A_286 : memref<1x!tpu.dma_semaphore, #tpu.memory_space<semaphore_mem>> -> memref<!tpu.dma_semaphore, #tpu.memory_space<semaphore_mem>>
        tpu.enqueue_indirect_dma source(%dma_start3A_285 : memref<10240x64xf32, #tpu.memory_space<hbm>>) target(%dma_start3A_279 : memref<128x64xf32, #tpu.memory_space<vmem>>) offsets(%dma_start3A_282 : memref<128xi32, #tpu.memory_space<vmem>>) semaphore(%dma_start3A_287 : memref<!tpu.dma_semaphore, #tpu.memory_space<semaphore_mem>>)
      } else {
      }
      %run_scoped3A_175 = arith.constant 3 : i32
      "tpu.region"() ({
        %run_scoped3A_272 = tpu.sem_alloc : memref<!tpu.dma_semaphore, #tpu.memory_space<semaphore_mem>>
        %dma_start3A_273 = arith.constant 0 : i32
        %dma_start3A_274 = arith.constant 0 : i32
        %dma_start3A_275 = tpu.memref_slice %arg7[%run_scoped3A_175, %dma_start3A_273, %dma_start3A_274] : memref<8x128x64xf32, #tpu.memory_space<vmem>> -> memref<1x128x64xf32, #tpu.memory_space<vmem>>
        %dma_start3A_276 = tpu.memref_squeeze %dma_start3A_275 : memref<1x128x64xf32, #tpu.memory_space<vmem>> -> memref<128x64xf32, #tpu.memory_space<vmem>>
        %dma_start3A_277 = arith.constant 0 : i32
        %dma_start3A_278 = tpu.memref_slice %arg6[%add3A_153, %dma_start3A_277] : memref<80x128xi32, #tpu.memory_space<vmem>> -> memref<1x128xi32, #tpu.memory_space<vmem>>
        %dma_start3A_279 = tpu.memref_squeeze %dma_start3A_278 : memref<1x128xi32, #tpu.memory_space<vmem>> -> memref<128xi32, #tpu.memory_space<vmem>>
        %dma_start3A_280 = arith.constant 0 : i32
        %dma_start3A_281 = arith.constant 0 : i32
        %dma_start3A_282 = tpu.memref_slice %arg9[%dma_start3A_280, %dma_start3A_281] : memref<10240x64xf32, #tpu.memory_space<vmem_shared>> -> memref<10240x64xf32, #tpu.memory_space<vmem_shared>>
        tpu.enqueue_indirect_dma source(%dma_start3A_276 : memref<128x64xf32, #tpu.memory_space<vmem>>) target(%dma_start3A_282 : memref<10240x64xf32, #tpu.memory_space<vmem_shared>>) offsets(%dma_start3A_279 : memref<128xi32, #tpu.memory_space<vmem>>) semaphore(%run_scoped3A_272 : memref<!tpu.dma_semaphore, #tpu.memory_space<semaphore_mem>>) {add = true}
        %dma_wait3A_283 = arith.constant 0 : i32
        %dma_wait3A_284 = arith.constant 0 : i32
        %dma_wait3A_285 = tpu.memref_slice %arg7[%run_scoped3A_175, %dma_wait3A_283, %dma_wait3A_284] : memref<8x128x64xf32, #tpu.memory_space<vmem>> -> memref<1x128x64xf32, #tpu.memory_space<vmem>>
        %dma_wait3A_286 = tpu.memref_squeeze %dma_wait3A_285 : memref<1x128x64xf32, #tpu.memory_space<vmem>> -> memref<128x64xf32, #tpu.memory_space<vmem>>
        %dma_wait3A_287 = arith.constant 0 : i32
        %dma_wait3A_288 = tpu.memref_slice %arg6[%add3A_153, %dma_wait3A_287] : memref<80x128xi32, #tpu.memory_space<vmem>> -> memref<1x128xi32, #tpu.memory_space<vmem>>
        %dma_wait3A_289 = tpu.memref_squeeze %dma_wait3A_288 : memref<1x128xi32, #tpu.memory_space<vmem>> -> memref<128xi32, #tpu.memory_space<vmem>>
        %dma_wait3A_290 = arith.constant 0 : i32
        %dma_wait3A_291 = arith.constant 0 : i32
        %dma_wait3A_292 = tpu.memref_slice %arg9[%dma_wait3A_290, %dma_wait3A_291] : memref<10240x64xf32, #tpu.memory_space<vmem_shared>> -> memref<10240x64xf32, #tpu.memory_space<vmem_shared>>
        tpu.wait_indirect_dma semaphore(%run_scoped3A_272 : memref<!tpu.dma_semaphore, #tpu.memory_space<semaphore_mem>>) src(%dma_wait3A_286 : memref<128x64xf32, #tpu.memory_space<vmem>>) dst(%dma_wait3A_292 : memref<10240x64xf32, #tpu.memory_space<vmem_shared>>)
        tpu.yield
      }) : () -> ()
      %add3A_176 = arith.constant 4 : i32
      %add3A_177 = arith.addi %add3A_83, %add3A_176 : i32
      %dma_wait3A_178 = arith.constant 4 : i32
      %dma_wait3A_179 = arith.constant 4 : i32
      %dma_wait3A_180 = arith.constant 0 : i32
      %dma_wait3A_181 = arith.constant 0 : i32
      %dma_wait3A_182 = tpu.memref_slice %arg7[%dma_wait3A_178, %dma_wait3A_180, %dma_wait3A_181] : memref<8x128x64xf32, #tpu.memory_space<vmem>> -> memref<1x128x64xf32, #tpu.memory_space<vmem>>
      %dma_wait3A_183 = tpu.memref_squeeze %dma_wait3A_182 : memref<1x128x64xf32, #tpu.memory_space<vmem>> -> memref<128x64xf32, #tpu.memory_space<vmem>>
      %dma_wait3A_184 = arith.constant 0 : i32
      %dma_wait3A_185 = tpu.memref_slice %arg5[%add3A_177, %dma_wait3A_184] : memref<80x128xi32, #tpu.memory_space<vmem>> -> memref<1x128xi32, #tpu.memory_space<vmem>>
      %dma_wait3A_186 = tpu.memref_squeeze %dma_wait3A_185 : memref<1x128xi32, #tpu.memory_space<vmem>> -> memref<128xi32, #tpu.memory_space<vmem>>
      %dma_wait3A_187 = arith.constant 0 : i32
      %dma_wait3A_188 = arith.constant 0 : i32
      %dma_wait3A_189 = tpu.memref_slice %arg2[%dma_wait3A_187, %dma_wait3A_188] : memref<10240x64xf32, #tpu.memory_space<hbm>> -> memref<10240x64xf32, #tpu.memory_space<hbm>>
      %dma_wait3A_190 = tpu.memref_slice %arg10[%dma_wait3A_179] : memref<8x!tpu.dma_semaphore, #tpu.memory_space<semaphore_mem>> -> memref<1x!tpu.dma_semaphore, #tpu.memory_space<semaphore_mem>>
      %dma_wait3A_191 = tpu.memref_squeeze %dma_wait3A_190 : memref<1x!tpu.dma_semaphore, #tpu.memory_space<semaphore_mem>> -> memref<!tpu.dma_semaphore, #tpu.memory_space<semaphore_mem>>
      tpu.wait_indirect_dma semaphore(%dma_wait3A_191 : memref<!tpu.dma_semaphore, #tpu.memory_space<semaphore_mem>>) src(%dma_wait3A_189 : memref<10240x64xf32, #tpu.memory_space<hbm>>) dst(%dma_wait3A_183 : memref<128x64xf32, #tpu.memory_space<vmem>>)
      %add3A_192 = arith.constant 4 : i32
      %add3A_193 = arith.addi %add3A_177, %add3A_192 : i32
      %lt3A_194 = arith.constant 80 : i32
      %lt3A_195 = arith.cmpi slt, %add3A_193, %lt3A_194 : i32
      %convert_element_type3A_196 = arith.extui %lt3A_195 : i1 to i32
      %cond3A_197 = arith.constant 0 : i32
      %cond3A_198 = arith.cmpi ne, %convert_element_type3A_196, %cond3A_197 : i32
      scf.if %cond3A_198 {
        %add3A_272 = arith.constant 4 : i32
        %add3A_273 = arith.addi %add3A_177, %add3A_272 : i32
        %dma_start3A_274 = arith.constant 0 : i32
        %dma_start3A_275 = arith.constant 0 : i32
        %dma_start3A_276 = arith.constant 0 : i32
        %dma_start3A_277 = arith.constant 0 : i32
        %dma_start3A_278 = tpu.memref_slice %arg7[%dma_start3A_274, %dma_start3A_276, %dma_start3A_277] : memref<8x128x64xf32, #tpu.memory_space<vmem>> -> memref<1x128x64xf32, #tpu.memory_space<vmem>>
        %dma_start3A_279 = tpu.memref_squeeze %dma_start3A_278 : memref<1x128x64xf32, #tpu.memory_space<vmem>> -> memref<128x64xf32, #tpu.memory_space<vmem>>
        %dma_start3A_280 = arith.constant 0 : i32
        %dma_start3A_281 = tpu.memref_slice %arg5[%add3A_273, %dma_start3A_280] : memref<80x128xi32, #tpu.memory_space<vmem>> -> memref<1x128xi32, #tpu.memory_space<vmem>>
        %dma_start3A_282 = tpu.memref_squeeze %dma_start3A_281 : memref<1x128xi32, #tpu.memory_space<vmem>> -> memref<128xi32, #tpu.memory_space<vmem>>
        %dma_start3A_283 = arith.constant 0 : i32
        %dma_start3A_284 = arith.constant 0 : i32
        %dma_start3A_285 = tpu.memref_slice %arg2[%dma_start3A_283, %dma_start3A_284] : memref<10240x64xf32, #tpu.memory_space<hbm>> -> memref<10240x64xf32, #tpu.memory_space<hbm>>
        %dma_start3A_286 = tpu.memref_slice %arg10[%dma_start3A_275] : memref<8x!tpu.dma_semaphore, #tpu.memory_space<semaphore_mem>> -> memref<1x!tpu.dma_semaphore, #tpu.memory_space<semaphore_mem>>
        %dma_start3A_287 = tpu.memref_squeeze %dma_start3A_286 : memref<1x!tpu.dma_semaphore, #tpu.memory_space<semaphore_mem>> -> memref<!tpu.dma_semaphore, #tpu.memory_space<semaphore_mem>>
        tpu.enqueue_indirect_dma source(%dma_start3A_285 : memref<10240x64xf32, #tpu.memory_space<hbm>>) target(%dma_start3A_279 : memref<128x64xf32, #tpu.memory_space<vmem>>) offsets(%dma_start3A_282 : memref<128xi32, #tpu.memory_space<vmem>>) semaphore(%dma_start3A_287 : memref<!tpu.dma_semaphore, #tpu.memory_space<semaphore_mem>>)
      } else {
      }
      %run_scoped3A_199 = arith.constant 4 : i32
      "tpu.region"() ({
        %run_scoped3A_272 = tpu.sem_alloc : memref<!tpu.dma_semaphore, #tpu.memory_space<semaphore_mem>>
        %dma_start3A_273 = arith.constant 0 : i32
        %dma_start3A_274 = arith.constant 0 : i32
        %dma_start3A_275 = tpu.memref_slice %arg7[%run_scoped3A_199, %dma_start3A_273, %dma_start3A_274] : memref<8x128x64xf32, #tpu.memory_space<vmem>> -> memref<1x128x64xf32, #tpu.memory_space<vmem>>
        %dma_start3A_276 = tpu.memref_squeeze %dma_start3A_275 : memref<1x128x64xf32, #tpu.memory_space<vmem>> -> memref<128x64xf32, #tpu.memory_space<vmem>>
        %dma_start3A_277 = arith.constant 0 : i32
        %dma_start3A_278 = tpu.memref_slice %arg6[%add3A_177, %dma_start3A_277] : memref<80x128xi32, #tpu.memory_space<vmem>> -> memref<1x128xi32, #tpu.memory_space<vmem>>
        %dma_start3A_279 = tpu.memref_squeeze %dma_start3A_278 : memref<1x128xi32, #tpu.memory_space<vmem>> -> memref<128xi32, #tpu.memory_space<vmem>>
        %dma_start3A_280 = arith.constant 0 : i32
        %dma_start3A_281 = arith.constant 0 : i32
        %dma_start3A_282 = tpu.memref_slice %arg9[%dma_start3A_280, %dma_start3A_281] : memref<10240x64xf32, #tpu.memory_space<vmem_shared>> -> memref<10240x64xf32, #tpu.memory_space<vmem_shared>>
        tpu.enqueue_indirect_dma source(%dma_start3A_276 : memref<128x64xf32, #tpu.memory_space<vmem>>) target(%dma_start3A_282 : memref<10240x64xf32, #tpu.memory_space<vmem_shared>>) offsets(%dma_start3A_279 : memref<128xi32, #tpu.memory_space<vmem>>) semaphore(%run_scoped3A_272 : memref<!tpu.dma_semaphore, #tpu.memory_space<semaphore_mem>>) {add = true}
        %dma_wait3A_283 = arith.constant 0 : i32
        %dma_wait3A_284 = arith.constant 0 : i32
        %dma_wait3A_285 = tpu.memref_slice %arg7[%run_scoped3A_199, %dma_wait3A_283, %dma_wait3A_284] : memref<8x128x64xf32, #tpu.memory_space<vmem>> -> memref<1x128x64xf32, #tpu.memory_space<vmem>>
        %dma_wait3A_286 = tpu.memref_squeeze %dma_wait3A_285 : memref<1x128x64xf32, #tpu.memory_space<vmem>> -> memref<128x64xf32, #tpu.memory_space<vmem>>
        %dma_wait3A_287 = arith.constant 0 : i32
        %dma_wait3A_288 = tpu.memref_slice %arg6[%add3A_177, %dma_wait3A_287] : memref<80x128xi32, #tpu.memory_space<vmem>> -> memref<1x128xi32, #tpu.memory_space<vmem>>
        %dma_wait3A_289 = tpu.memref_squeeze %dma_wait3A_288 : memref<1x128xi32, #tpu.memory_space<vmem>> -> memref<128xi32, #tpu.memory_space<vmem>>
        %dma_wait3A_290 = arith.constant 0 : i32
        %dma_wait3A_291 = arith.constant 0 : i32
        %dma_wait3A_292 = tpu.memref_slice %arg9[%dma_wait3A_290, %dma_wait3A_291] : memref<10240x64xf32, #tpu.memory_space<vmem_shared>> -> memref<10240x64xf32, #tpu.memory_space<vmem_shared>>
        tpu.wait_indirect_dma semaphore(%run_scoped3A_272 : memref<!tpu.dma_semaphore, #tpu.memory_space<semaphore_mem>>) src(%dma_wait3A_286 : memref<128x64xf32, #tpu.memory_space<vmem>>) dst(%dma_wait3A_292 : memref<10240x64xf32, #tpu.memory_space<vmem_shared>>)
        tpu.yield
      }) : () -> ()
      %add3A_200 = arith.constant 5 : i32
      %add3A_201 = arith.addi %add3A_83, %add3A_200 : i32
      %dma_wait3A_202 = arith.constant 5 : i32
      %dma_wait3A_203 = arith.constant 5 : i32
      %dma_wait3A_204 = arith.constant 0 : i32
      %dma_wait3A_205 = arith.constant 0 : i32
      %dma_wait3A_206 = tpu.memref_slice %arg7[%dma_wait3A_202, %dma_wait3A_204, %dma_wait3A_205] : memref<8x128x64xf32, #tpu.memory_space<vmem>> -> memref<1x128x64xf32, #tpu.memory_space<vmem>>
      %dma_wait3A_207 = tpu.memref_squeeze %dma_wait3A_206 : memref<1x128x64xf32, #tpu.memory_space<vmem>> -> memref<128x64xf32, #tpu.memory_space<vmem>>
      %dma_wait3A_208 = arith.constant 0 : i32
      %dma_wait3A_209 = tpu.memref_slice %arg5[%add3A_201, %dma_wait3A_208] : memref<80x128xi32, #tpu.memory_space<vmem>> -> memref<1x128xi32, #tpu.memory_space<vmem>>
      %dma_wait3A_210 = tpu.memref_squeeze %dma_wait3A_209 : memref<1x128xi32, #tpu.memory_space<vmem>> -> memref<128xi32, #tpu.memory_space<vmem>>
      %dma_wait3A_211 = arith.constant 0 : i32
      %dma_wait3A_212 = arith.constant 0 : i32
      %dma_wait3A_213 = tpu.memref_slice %arg2[%dma_wait3A_211, %dma_wait3A_212] : memref<10240x64xf32, #tpu.memory_space<hbm>> -> memref<10240x64xf32, #tpu.memory_space<hbm>>
      %dma_wait3A_214 = tpu.memref_slice %arg10[%dma_wait3A_203] : memref<8x!tpu.dma_semaphore, #tpu.memory_space<semaphore_mem>> -> memref<1x!tpu.dma_semaphore, #tpu.memory_space<semaphore_mem>>
      %dma_wait3A_215 = tpu.memref_squeeze %dma_wait3A_214 : memref<1x!tpu.dma_semaphore, #tpu.memory_space<semaphore_mem>> -> memref<!tpu.dma_semaphore, #tpu.memory_space<semaphore_mem>>
      tpu.wait_indirect_dma semaphore(%dma_wait3A_215 : memref<!tpu.dma_semaphore, #tpu.memory_space<semaphore_mem>>) src(%dma_wait3A_213 : memref<10240x64xf32, #tpu.memory_space<hbm>>) dst(%dma_wait3A_207 : memref<128x64xf32, #tpu.memory_space<vmem>>)
      %add3A_216 = arith.constant 4 : i32
      %add3A_217 = arith.addi %add3A_201, %add3A_216 : i32
      %lt3A_218 = arith.constant 80 : i32
      %lt3A_219 = arith.cmpi slt, %add3A_217, %lt3A_218 : i32
      %convert_element_type3A_220 = arith.extui %lt3A_219 : i1 to i32
      %cond3A_221 = arith.constant 0 : i32
      %cond3A_222 = arith.cmpi ne, %convert_element_type3A_220, %cond3A_221 : i32
      scf.if %cond3A_222 {
        %add3A_272 = arith.constant 4 : i32
        %add3A_273 = arith.addi %add3A_201, %add3A_272 : i32
        %dma_start3A_274 = arith.constant 1 : i32
        %dma_start3A_275 = arith.constant 1 : i32
        %dma_start3A_276 = arith.constant 0 : i32
        %dma_start3A_277 = arith.constant 0 : i32
        %dma_start3A_278 = tpu.memref_slice %arg7[%dma_start3A_274, %dma_start3A_276, %dma_start3A_277] : memref<8x128x64xf32, #tpu.memory_space<vmem>> -> memref<1x128x64xf32, #tpu.memory_space<vmem>>
        %dma_start3A_279 = tpu.memref_squeeze %dma_start3A_278 : memref<1x128x64xf32, #tpu.memory_space<vmem>> -> memref<128x64xf32, #tpu.memory_space<vmem>>
        %dma_start3A_280 = arith.constant 0 : i32
        %dma_start3A_281 = tpu.memref_slice %arg5[%add3A_273, %dma_start3A_280] : memref<80x128xi32, #tpu.memory_space<vmem>> -> memref<1x128xi32, #tpu.memory_space<vmem>>
        %dma_start3A_282 = tpu.memref_squeeze %dma_start3A_281 : memref<1x128xi32, #tpu.memory_space<vmem>> -> memref<128xi32, #tpu.memory_space<vmem>>
        %dma_start3A_283 = arith.constant 0 : i32
        %dma_start3A_284 = arith.constant 0 : i32
        %dma_start3A_285 = tpu.memref_slice %arg2[%dma_start3A_283, %dma_start3A_284] : memref<10240x64xf32, #tpu.memory_space<hbm>> -> memref<10240x64xf32, #tpu.memory_space<hbm>>
        %dma_start3A_286 = tpu.memref_slice %arg10[%dma_start3A_275] : memref<8x!tpu.dma_semaphore, #tpu.memory_space<semaphore_mem>> -> memref<1x!tpu.dma_semaphore, #tpu.memory_space<semaphore_mem>>
        %dma_start3A_287 = tpu.memref_squeeze %dma_start3A_286 : memref<1x!tpu.dma_semaphore, #tpu.memory_space<semaphore_mem>> -> memref<!tpu.dma_semaphore, #tpu.memory_space<semaphore_mem>>
        tpu.enqueue_indirect_dma source(%dma_start3A_285 : memref<10240x64xf32, #tpu.memory_space<hbm>>) target(%dma_start3A_279 : memref<128x64xf32, #tpu.memory_space<vmem>>) offsets(%dma_start3A_282 : memref<128xi32, #tpu.memory_space<vmem>>) semaphore(%dma_start3A_287 : memref<!tpu.dma_semaphore, #tpu.memory_space<semaphore_mem>>)
      } else {
      }
      %run_scoped3A_223 = arith.constant 5 : i32
      "tpu.region"() ({
        %run_scoped3A_272 = tpu.sem_alloc : memref<!tpu.dma_semaphore, #tpu.memory_space<semaphore_mem>>
        %dma_start3A_273 = arith.constant 0 : i32
        %dma_start3A_274 = arith.constant 0 : i32
        %dma_start3A_275 = tpu.memref_slice %arg7[%run_scoped3A_223, %dma_start3A_273, %dma_start3A_274] : memref<8x128x64xf32, #tpu.memory_space<vmem>> -> memref<1x128x64xf32, #tpu.memory_space<vmem>>
        %dma_start3A_276 = tpu.memref_squeeze %dma_start3A_275 : memref<1x128x64xf32, #tpu.memory_space<vmem>> -> memref<128x64xf32, #tpu.memory_space<vmem>>
        %dma_start3A_277 = arith.constant 0 : i32
        %dma_start3A_278 = tpu.memref_slice %arg6[%add3A_201, %dma_start3A_277] : memref<80x128xi32, #tpu.memory_space<vmem>> -> memref<1x128xi32, #tpu.memory_space<vmem>>
        %dma_start3A_279 = tpu.memref_squeeze %dma_start3A_278 : memref<1x128xi32, #tpu.memory_space<vmem>> -> memref<128xi32, #tpu.memory_space<vmem>>
        %dma_start3A_280 = arith.constant 0 : i32
        %dma_start3A_281 = arith.constant 0 : i32
        %dma_start3A_282 = tpu.memref_slice %arg9[%dma_start3A_280, %dma_start3A_281] : memref<10240x64xf32, #tpu.memory_space<vmem_shared>> -> memref<10240x64xf32, #tpu.memory_space<vmem_shared>>
        tpu.enqueue_indirect_dma source(%dma_start3A_276 : memref<128x64xf32, #tpu.memory_space<vmem>>) target(%dma_start3A_282 : memref<10240x64xf32, #tpu.memory_space<vmem_shared>>) offsets(%dma_start3A_279 : memref<128xi32, #tpu.memory_space<vmem>>) semaphore(%run_scoped3A_272 : memref<!tpu.dma_semaphore, #tpu.memory_space<semaphore_mem>>) {add = true}
        %dma_wait3A_283 = arith.constant 0 : i32
        %dma_wait3A_284 = arith.constant 0 : i32
        %dma_wait3A_285 = tpu.memref_slice %arg7[%run_scoped3A_223, %dma_wait3A_283, %dma_wait3A_284] : memref<8x128x64xf32, #tpu.memory_space<vmem>> -> memref<1x128x64xf32, #tpu.memory_space<vmem>>
        %dma_wait3A_286 = tpu.memref_squeeze %dma_wait3A_285 : memref<1x128x64xf32, #tpu.memory_space<vmem>> -> memref<128x64xf32, #tpu.memory_space<vmem>>
        %dma_wait3A_287 = arith.constant 0 : i32
        %dma_wait3A_288 = tpu.memref_slice %arg6[%add3A_201, %dma_wait3A_287] : memref<80x128xi32, #tpu.memory_space<vmem>> -> memref<1x128xi32, #tpu.memory_space<vmem>>
        %dma_wait3A_289 = tpu.memref_squeeze %dma_wait3A_288 : memref<1x128xi32, #tpu.memory_space<vmem>> -> memref<128xi32, #tpu.memory_space<vmem>>
        %dma_wait3A_290 = arith.constant 0 : i32
        %dma_wait3A_291 = arith.constant 0 : i32
        %dma_wait3A_292 = tpu.memref_slice %arg9[%dma_wait3A_290, %dma_wait3A_291] : memref<10240x64xf32, #tpu.memory_space<vmem_shared>> -> memref<10240x64xf32, #tpu.memory_space<vmem_shared>>
        tpu.wait_indirect_dma semaphore(%run_scoped3A_272 : memref<!tpu.dma_semaphore, #tpu.memory_space<semaphore_mem>>) src(%dma_wait3A_286 : memref<128x64xf32, #tpu.memory_space<vmem>>) dst(%dma_wait3A_292 : memref<10240x64xf32, #tpu.memory_space<vmem_shared>>)
        tpu.yield
      }) : () -> ()
      %add3A_224 = arith.constant 6 : i32
      %add3A_225 = arith.addi %add3A_83, %add3A_224 : i32
      %dma_wait3A_226 = arith.constant 6 : i32
      %dma_wait3A_227 = arith.constant 6 : i32
      %dma_wait3A_228 = arith.constant 0 : i32
      %dma_wait3A_229 = arith.constant 0 : i32
      %dma_wait3A_230 = tpu.memref_slice %arg7[%dma_wait3A_226, %dma_wait3A_228, %dma_wait3A_229] : memref<8x128x64xf32, #tpu.memory_space<vmem>> -> memref<1x128x64xf32, #tpu.memory_space<vmem>>
      %dma_wait3A_231 = tpu.memref_squeeze %dma_wait3A_230 : memref<1x128x64xf32, #tpu.memory_space<vmem>> -> memref<128x64xf32, #tpu.memory_space<vmem>>
      %dma_wait3A_232 = arith.constant 0 : i32
      %dma_wait3A_233 = tpu.memref_slice %arg5[%add3A_225, %dma_wait3A_232] : memref<80x128xi32, #tpu.memory_space<vmem>> -> memref<1x128xi32, #tpu.memory_space<vmem>>
      %dma_wait3A_234 = tpu.memref_squeeze %dma_wait3A_233 : memref<1x128xi32, #tpu.memory_space<vmem>> -> memref<128xi32, #tpu.memory_space<vmem>>
      %dma_wait3A_235 = arith.constant 0 : i32
      %dma_wait3A_236 = arith.constant 0 : i32
      %dma_wait3A_237 = tpu.memref_slice %arg2[%dma_wait3A_235, %dma_wait3A_236] : memref<10240x64xf32, #tpu.memory_space<hbm>> -> memref<10240x64xf32, #tpu.memory_space<hbm>>
      %dma_wait3A_238 = tpu.memref_slice %arg10[%dma_wait3A_227] : memref<8x!tpu.dma_semaphore, #tpu.memory_space<semaphore_mem>> -> memref<1x!tpu.dma_semaphore, #tpu.memory_space<semaphore_mem>>
      %dma_wait3A_239 = tpu.memref_squeeze %dma_wait3A_238 : memref<1x!tpu.dma_semaphore, #tpu.memory_space<semaphore_mem>> -> memref<!tpu.dma_semaphore, #tpu.memory_space<semaphore_mem>>
      tpu.wait_indirect_dma semaphore(%dma_wait3A_239 : memref<!tpu.dma_semaphore, #tpu.memory_space<semaphore_mem>>) src(%dma_wait3A_237 : memref<10240x64xf32, #tpu.memory_space<hbm>>) dst(%dma_wait3A_231 : memref<128x64xf32, #tpu.memory_space<vmem>>)
      %add3A_240 = arith.constant 4 : i32
      %add3A_241 = arith.addi %add3A_225, %add3A_240 : i32
      %lt3A_242 = arith.constant 80 : i32
      %lt3A_243 = arith.cmpi slt, %add3A_241, %lt3A_242 : i32
      %convert_element_type3A_244 = arith.extui %lt3A_243 : i1 to i32
      %cond3A_245 = arith.constant 0 : i32
      %cond3A_246 = arith.cmpi ne, %convert_element_type3A_244, %cond3A_245 : i32
      scf.if %cond3A_246 {
        %add3A_272 = arith.constant 4 : i32
        %add3A_273 = arith.addi %add3A_225, %add3A_272 : i32
        %dma_start3A_274 = arith.constant 2 : i32
        %dma_start3A_275 = arith.constant 2 : i32
        %dma_start3A_276 = arith.constant 0 : i32
        %dma_start3A_277 = arith.constant 0 : i32
        %dma_start3A_278 = tpu.memref_slice %arg7[%dma_start3A_274, %dma_start3A_276, %dma_start3A_277] : memref<8x128x64xf32, #tpu.memory_space<vmem>> -> memref<1x128x64xf32, #tpu.memory_space<vmem>>
        %dma_start3A_279 = tpu.memref_squeeze %dma_start3A_278 : memref<1x128x64xf32, #tpu.memory_space<vmem>> -> memref<128x64xf32, #tpu.memory_space<vmem>>
        %dma_start3A_280 = arith.constant 0 : i32
        %dma_start3A_281 = tpu.memref_slice %arg5[%add3A_273, %dma_start3A_280] : memref<80x128xi32, #tpu.memory_space<vmem>> -> memref<1x128xi32, #tpu.memory_space<vmem>>
        %dma_start3A_282 = tpu.memref_squeeze %dma_start3A_281 : memref<1x128xi32, #tpu.memory_space<vmem>> -> memref<128xi32, #tpu.memory_space<vmem>>
        %dma_start3A_283 = arith.constant 0 : i32
        %dma_start3A_284 = arith.constant 0 : i32
        %dma_start3A_285 = tpu.memref_slice %arg2[%dma_start3A_283, %dma_start3A_284] : memref<10240x64xf32, #tpu.memory_space<hbm>> -> memref<10240x64xf32, #tpu.memory_space<hbm>>
        %dma_start3A_286 = tpu.memref_slice %arg10[%dma_start3A_275] : memref<8x!tpu.dma_semaphore, #tpu.memory_space<semaphore_mem>> -> memref<1x!tpu.dma_semaphore, #tpu.memory_space<semaphore_mem>>
        %dma_start3A_287 = tpu.memref_squeeze %dma_start3A_286 : memref<1x!tpu.dma_semaphore, #tpu.memory_space<semaphore_mem>> -> memref<!tpu.dma_semaphore, #tpu.memory_space<semaphore_mem>>
        tpu.enqueue_indirect_dma source(%dma_start3A_285 : memref<10240x64xf32, #tpu.memory_space<hbm>>) target(%dma_start3A_279 : memref<128x64xf32, #tpu.memory_space<vmem>>) offsets(%dma_start3A_282 : memref<128xi32, #tpu.memory_space<vmem>>) semaphore(%dma_start3A_287 : memref<!tpu.dma_semaphore, #tpu.memory_space<semaphore_mem>>)
      } else {
      }
      %run_scoped3A_247 = arith.constant 6 : i32
      "tpu.region"() ({
        %run_scoped3A_272 = tpu.sem_alloc : memref<!tpu.dma_semaphore, #tpu.memory_space<semaphore_mem>>
        %dma_start3A_273 = arith.constant 0 : i32
        %dma_start3A_274 = arith.constant 0 : i32
        %dma_start3A_275 = tpu.memref_slice %arg7[%run_scoped3A_247, %dma_start3A_273, %dma_start3A_274] : memref<8x128x64xf32, #tpu.memory_space<vmem>> -> memref<1x128x64xf32, #tpu.memory_space<vmem>>
        %dma_start3A_276 = tpu.memref_squeeze %dma_start3A_275 : memref<1x128x64xf32, #tpu.memory_space<vmem>> -> memref<128x64xf32, #tpu.memory_space<vmem>>
        %dma_start3A_277 = arith.constant 0 : i32
        %dma_start3A_278 = tpu.memref_slice %arg6[%add3A_225, %dma_start3A_277] : memref<80x128xi32, #tpu.memory_space<vmem>> -> memref<1x128xi32, #tpu.memory_space<vmem>>
        %dma_start3A_279 = tpu.memref_squeeze %dma_start3A_278 : memref<1x128xi32, #tpu.memory_space<vmem>> -> memref<128xi32, #tpu.memory_space<vmem>>
        %dma_start3A_280 = arith.constant 0 : i32
        %dma_start3A_281 = arith.constant 0 : i32
        %dma_start3A_282 = tpu.memref_slice %arg9[%dma_start3A_280, %dma_start3A_281] : memref<10240x64xf32, #tpu.memory_space<vmem_shared>> -> memref<10240x64xf32, #tpu.memory_space<vmem_shared>>
        tpu.enqueue_indirect_dma source(%dma_start3A_276 : memref<128x64xf32, #tpu.memory_space<vmem>>) target(%dma_start3A_282 : memref<10240x64xf32, #tpu.memory_space<vmem_shared>>) offsets(%dma_start3A_279 : memref<128xi32, #tpu.memory_space<vmem>>) semaphore(%run_scoped3A_272 : memref<!tpu.dma_semaphore, #tpu.memory_space<semaphore_mem>>) {add = true}
        %dma_wait3A_283 = arith.constant 0 : i32
        %dma_wait3A_284 = arith.constant 0 : i32
        %dma_wait3A_285 = tpu.memref_slice %arg7[%run_scoped3A_247, %dma_wait3A_283, %dma_wait3A_284] : memref<8x128x64xf32, #tpu.memory_space<vmem>> -> memref<1x128x64xf32, #tpu.memory_space<vmem>>
        %dma_wait3A_286 = tpu.memref_squeeze %dma_wait3A_285 : memref<1x128x64xf32, #tpu.memory_space<vmem>> -> memref<128x64xf32, #tpu.memory_space<vmem>>
        %dma_wait3A_287 = arith.constant 0 : i32
        %dma_wait3A_288 = tpu.memref_slice %arg6[%add3A_225, %dma_wait3A_287] : memref<80x128xi32, #tpu.memory_space<vmem>> -> memref<1x128xi32, #tpu.memory_space<vmem>>
        %dma_wait3A_289 = tpu.memref_squeeze %dma_wait3A_288 : memref<1x128xi32, #tpu.memory_space<vmem>> -> memref<128xi32, #tpu.memory_space<vmem>>
        %dma_wait3A_290 = arith.constant 0 : i32
        %dma_wait3A_291 = arith.constant 0 : i32
        %dma_wait3A_292 = tpu.memref_slice %arg9[%dma_wait3A_290, %dma_wait3A_291] : memref<10240x64xf32, #tpu.memory_space<vmem_shared>> -> memref<10240x64xf32, #tpu.memory_space<vmem_shared>>
        tpu.wait_indirect_dma semaphore(%run_scoped3A_272 : memref<!tpu.dma_semaphore, #tpu.memory_space<semaphore_mem>>) src(%dma_wait3A_286 : memref<128x64xf32, #tpu.memory_space<vmem>>) dst(%dma_wait3A_292 : memref<10240x64xf32, #tpu.memory_space<vmem_shared>>)
        tpu.yield
      }) : () -> ()
      %add3A_248 = arith.constant 7 : i32
      %add3A_249 = arith.addi %add3A_83, %add3A_248 : i32
      %dma_wait3A_250 = arith.constant 7 : i32
      %dma_wait3A_251 = arith.constant 7 : i32
      %dma_wait3A_252 = arith.constant 0 : i32
      %dma_wait3A_253 = arith.constant 0 : i32
      %dma_wait3A_254 = tpu.memref_slice %arg7[%dma_wait3A_250, %dma_wait3A_252, %dma_wait3A_253] : memref<8x128x64xf32, #tpu.memory_space<vmem>> -> memref<1x128x64xf32, #tpu.memory_space<vmem>>
      %dma_wait3A_255 = tpu.memref_squeeze %dma_wait3A_254 : memref<1x128x64xf32, #tpu.memory_space<vmem>> -> memref<128x64xf32, #tpu.memory_space<vmem>>
      %dma_wait3A_256 = arith.constant 0 : i32
      %dma_wait3A_257 = tpu.memref_slice %arg5[%add3A_249, %dma_wait3A_256] : memref<80x128xi32, #tpu.memory_space<vmem>> -> memref<1x128xi32, #tpu.memory_space<vmem>>
      %dma_wait3A_258 = tpu.memref_squeeze %dma_wait3A_257 : memref<1x128xi32, #tpu.memory_space<vmem>> -> memref<128xi32, #tpu.memory_space<vmem>>
      %dma_wait3A_259 = arith.constant 0 : i32
      %dma_wait3A_260 = arith.constant 0 : i32
      %dma_wait3A_261 = tpu.memref_slice %arg2[%dma_wait3A_259, %dma_wait3A_260] : memref<10240x64xf32, #tpu.memory_space<hbm>> -> memref<10240x64xf32, #tpu.memory_space<hbm>>
      %dma_wait3A_262 = tpu.memref_slice %arg10[%dma_wait3A_251] : memref<8x!tpu.dma_semaphore, #tpu.memory_space<semaphore_mem>> -> memref<1x!tpu.dma_semaphore, #tpu.memory_space<semaphore_mem>>
      %dma_wait3A_263 = tpu.memref_squeeze %dma_wait3A_262 : memref<1x!tpu.dma_semaphore, #tpu.memory_space<semaphore_mem>> -> memref<!tpu.dma_semaphore, #tpu.memory_space<semaphore_mem>>
      tpu.wait_indirect_dma semaphore(%dma_wait3A_263 : memref<!tpu.dma_semaphore, #tpu.memory_space<semaphore_mem>>) src(%dma_wait3A_261 : memref<10240x64xf32, #tpu.memory_space<hbm>>) dst(%dma_wait3A_255 : memref<128x64xf32, #tpu.memory_space<vmem>>)
      %add3A_264 = arith.constant 4 : i32
      %add3A_265 = arith.addi %add3A_249, %add3A_264 : i32
      %lt3A_266 = arith.constant 80 : i32
      %lt3A_267 = arith.cmpi slt, %add3A_265, %lt3A_266 : i32
      %convert_element_type3A_268 = arith.extui %lt3A_267 : i1 to i32
      %cond3A_269 = arith.constant 0 : i32
      %cond3A_270 = arith.cmpi ne, %convert_element_type3A_268, %cond3A_269 : i32
      scf.if %cond3A_270 {
        %add3A_272 = arith.constant 4 : i32
        %add3A_273 = arith.addi %add3A_249, %add3A_272 : i32
        %dma_start3A_274 = arith.constant 3 : i32
        %dma_start3A_275 = arith.constant 3 : i32
        %dma_start3A_276 = arith.constant 0 : i32
        %dma_start3A_277 = arith.constant 0 : i32
        %dma_start3A_278 = tpu.memref_slice %arg7[%dma_start3A_274, %dma_start3A_276, %dma_start3A_277] : memref<8x128x64xf32, #tpu.memory_space<vmem>> -> memref<1x128x64xf32, #tpu.memory_space<vmem>>
        %dma_start3A_279 = tpu.memref_squeeze %dma_start3A_278 : memref<1x128x64xf32, #tpu.memory_space<vmem>> -> memref<128x64xf32, #tpu.memory_space<vmem>>
        %dma_start3A_280 = arith.constant 0 : i32
        %dma_start3A_281 = tpu.memref_slice %arg5[%add3A_273, %dma_start3A_280] : memref<80x128xi32, #tpu.memory_space<vmem>> -> memref<1x128xi32, #tpu.memory_space<vmem>>
        %dma_start3A_282 = tpu.memref_squeeze %dma_start3A_281 : memref<1x128xi32, #tpu.memory_space<vmem>> -> memref<128xi32, #tpu.memory_space<vmem>>
        %dma_start3A_283 = arith.constant 0 : i32
        %dma_start3A_284 = arith.constant 0 : i32
        %dma_start3A_285 = tpu.memref_slice %arg2[%dma_start3A_283, %dma_start3A_284] : memref<10240x64xf32, #tpu.memory_space<hbm>> -> memref<10240x64xf32, #tpu.memory_space<hbm>>
        %dma_start3A_286 = tpu.memref_slice %arg10[%dma_start3A_275] : memref<8x!tpu.dma_semaphore, #tpu.memory_space<semaphore_mem>> -> memref<1x!tpu.dma_semaphore, #tpu.memory_space<semaphore_mem>>
        %dma_start3A_287 = tpu.memref_squeeze %dma_start3A_286 : memref<1x!tpu.dma_semaphore, #tpu.memory_space<semaphore_mem>> -> memref<!tpu.dma_semaphore, #tpu.memory_space<semaphore_mem>>
        tpu.enqueue_indirect_dma source(%dma_start3A_285 : memref<10240x64xf32, #tpu.memory_space<hbm>>) target(%dma_start3A_279 : memref<128x64xf32, #tpu.memory_space<vmem>>) offsets(%dma_start3A_282 : memref<128xi32, #tpu.memory_space<vmem>>) semaphore(%dma_start3A_287 : memref<!tpu.dma_semaphore, #tpu.memory_space<semaphore_mem>>)
      } else {
      }
      %run_scoped3A_271 = arith.constant 7 : i32
      "tpu.region"() ({
        %run_scoped3A_272 = tpu.sem_alloc : memref<!tpu.dma_semaphore, #tpu.memory_space<semaphore_mem>>
        %dma_start3A_273 = arith.constant 0 : i32
        %dma_start3A_274 = arith.constant 0 : i32
        %dma_start3A_275 = tpu.memref_slice %arg7[%run_scoped3A_271, %dma_start3A_273, %dma_start3A_274] : memref<8x128x64xf32, #tpu.memory_space<vmem>> -> memref<1x128x64xf32, #tpu.memory_space<vmem>>
        %dma_start3A_276 = tpu.memref_squeeze %dma_start3A_275 : memref<1x128x64xf32, #tpu.memory_space<vmem>> -> memref<128x64xf32, #tpu.memory_space<vmem>>
        %dma_start3A_277 = arith.constant 0 : i32
        %dma_start3A_278 = tpu.memref_slice %arg6[%add3A_249, %dma_start3A_277] : memref<80x128xi32, #tpu.memory_space<vmem>> -> memref<1x128xi32, #tpu.memory_space<vmem>>
        %dma_start3A_279 = tpu.memref_squeeze %dma_start3A_278 : memref<1x128xi32, #tpu.memory_space<vmem>> -> memref<128xi32, #tpu.memory_space<vmem>>
        %dma_start3A_280 = arith.constant 0 : i32
        %dma_start3A_281 = arith.constant 0 : i32
        %dma_start3A_282 = tpu.memref_slice %arg9[%dma_start3A_280, %dma_start3A_281] : memref<10240x64xf32, #tpu.memory_space<vmem_shared>> -> memref<10240x64xf32, #tpu.memory_space<vmem_shared>>
        tpu.enqueue_indirect_dma source(%dma_start3A_276 : memref<128x64xf32, #tpu.memory_space<vmem>>) target(%dma_start3A_282 : memref<10240x64xf32, #tpu.memory_space<vmem_shared>>) offsets(%dma_start3A_279 : memref<128xi32, #tpu.memory_space<vmem>>) semaphore(%run_scoped3A_272 : memref<!tpu.dma_semaphore, #tpu.memory_space<semaphore_mem>>) {add = true}
        %dma_wait3A_283 = arith.constant 0 : i32
        %dma_wait3A_284 = arith.constant 0 : i32
        %dma_wait3A_285 = tpu.memref_slice %arg7[%run_scoped3A_271, %dma_wait3A_283, %dma_wait3A_284] : memref<8x128x64xf32, #tpu.memory_space<vmem>> -> memref<1x128x64xf32, #tpu.memory_space<vmem>>
        %dma_wait3A_286 = tpu.memref_squeeze %dma_wait3A_285 : memref<1x128x64xf32, #tpu.memory_space<vmem>> -> memref<128x64xf32, #tpu.memory_space<vmem>>
        %dma_wait3A_287 = arith.constant 0 : i32
        %dma_wait3A_288 = tpu.memref_slice %arg6[%add3A_249, %dma_wait3A_287] : memref<80x128xi32, #tpu.memory_space<vmem>> -> memref<1x128xi32, #tpu.memory_space<vmem>>
        %dma_wait3A_289 = tpu.memref_squeeze %dma_wait3A_288 : memref<1x128xi32, #tpu.memory_space<vmem>> -> memref<128xi32, #tpu.memory_space<vmem>>
        %dma_wait3A_290 = arith.constant 0 : i32
        %dma_wait3A_291 = arith.constant 0 : i32
        %dma_wait3A_292 = tpu.memref_slice %arg9[%dma_wait3A_290, %dma_wait3A_291] : memref<10240x64xf32, #tpu.memory_space<vmem_shared>> -> memref<10240x64xf32, #tpu.memory_space<vmem_shared>>
        tpu.wait_indirect_dma semaphore(%run_scoped3A_272 : memref<!tpu.dma_semaphore, #tpu.memory_space<semaphore_mem>>) src(%dma_wait3A_286 : memref<128x64xf32, #tpu.memory_space<vmem>>) dst(%dma_wait3A_292 : memref<10240x64xf32, #tpu.memory_space<vmem_shared>>)
        tpu.yield
      }) : () -> ()
    }
    %scan3A_77 = arith.constant 10 : i32
    %barrier3A_78 = arith.constant 0 : index
    tpu.barrier barrier_id(%barrier3A_78)
    "tpu.region"() ({
      %run_scoped3A_79 = tpu.sem_alloc : memref<!tpu.dma_semaphore, #tpu.memory_space<semaphore_mem>>
      %dma_start3A_80 = arith.constant 0 : i32
      %dma_start3A_81 = tpu.memref_slice %arg4[%arg0, %mul3A_8, %dma_start3A_80] : memref<2x10240x64xf32, #tpu.memory_space<hbm>> -> memref<1x640x64xf32, #tpu.memory_space<hbm>>
      %dma_start3A_82 = tpu.memref_squeeze %dma_start3A_81 : memref<1x640x64xf32, #tpu.memory_space<hbm>> -> memref<640x64xf32, #tpu.memory_space<hbm>>
      %dma_start3A_83 = arith.constant 0 : i32
      %dma_start3A_84 = tpu.memref_slice %arg9[%mul3A_8, %dma_start3A_83] : memref<10240x64xf32, #tpu.memory_space<vmem_shared>> -> memref<640x64xf32, #tpu.memory_space<vmem_shared>>
      tpu.enqueue_dma source(%dma_start3A_84 : memref<640x64xf32, #tpu.memory_space<vmem_shared>>) target(%dma_start3A_82 : memref<640x64xf32, #tpu.memory_space<hbm>>) target_semaphore(%run_scoped3A_79 : memref<!tpu.dma_semaphore, #tpu.memory_space<semaphore_mem>>)
      %dma_wait3A = arith.constant 0 : i32
      %dma_wait3A_85 = tpu.memref_slice %arg4[%arg0, %mul3A_8, %dma_wait3A] : memref<2x10240x64xf32, #tpu.memory_space<hbm>> -> memref<1x640x64xf32, #tpu.memory_space<hbm>>
      %dma_wait3A_86 = tpu.memref_squeeze %dma_wait3A_85 : memref<1x640x64xf32, #tpu.memory_space<hbm>> -> memref<640x64xf32, #tpu.memory_space<hbm>>
      %dma_wait3A_87 = arith.constant 0 : i32
      %dma_wait3A_88 = tpu.memref_slice %arg9[%mul3A_8, %dma_wait3A_87] : memref<10240x64xf32, #tpu.memory_space<vmem_shared>> -> memref<640x64xf32, #tpu.memory_space<vmem_shared>>
      tpu.wait_dma2 semaphore(%run_scoped3A_79 : memref<!tpu.dma_semaphore, #tpu.memory_space<semaphore_mem>>) src(%dma_wait3A_88 : memref<640x64xf32, #tpu.memory_space<vmem_shared>>) dst(%dma_wait3A_86 : memref<640x64xf32, #tpu.memory_space<hbm>>)
      tpu.yield
    }) : () -> ()
    return
  }
}

#map = affine_map<(d0, d1) -> (0, 0, 0, 0)>
#map1 = affine_map<(d0, d1) -> (0, 0)>
module attributes {stable_mosaic.version = 14 : i64} {
  func.func @kern(%arg0: i32, %arg1: i32, %arg2: memref<2x32x80x128xi32, #tpu.memory_space<hbm>>, %arg3: memref<5120x128xf32, #tpu.memory_space<hbm>>, %arg4: memref<160x128xi32, #tpu.memory_space<vmem>>, %arg5: memref<128x16xf32, #tpu.memory_space<vmem>>, %arg6: memref<64x16xf32, #tpu.memory_space<vmem>>, %arg7: memref<640x16xf32, #tpu.memory_space<vmem>>, %arg8: memref<320x128xf32, #tpu.memory_space<vmem>>, %arg9: memref<10240x16xf32, #tpu.memory_space<vmem_shared>>) attributes {dimension_semantics = [#tpu.dimension_semantics<core_parallel>, #tpu.dimension_semantics<subcore_parallel>], iteration_bounds = array<i64: 2, 16>, scalar_prefetch = 0 : i64, scratch_operands = 6 : i64, tpu.core_type = #tpu.core_type<sc_vector_subcore>, window_params = [{transform_indices = #map}, {transform_indices = #map1}]} {
    %eq3A = arith.constant 0 : i32
    %eq3A_0 = arith.cmpi eq, %arg0, %eq3A : i32
    %convert_element_type3A = arith.extui %eq3A_0 : i1 to i32
    %cond3A = arith.constant 0 : i32
    %cond3A_1 = arith.cmpi ne, %convert_element_type3A, %cond3A : i32
    scf.if %cond3A_1 {
      %mul3A = arith.constant 2 : i32
      %mul3A_2 = arith.muli %mul3A, %arg1 : i32
      %run_scoped3A = arith.constant 1 : i32
      "tpu.region"() ({
        %run_scoped3A_39 = tpu.sem_alloc : memref<!tpu.dma_semaphore, #tpu.memory_space<semaphore_mem>>
        %dma_start3A = arith.constant 0 : i32
        %dma_start3A_40 = arith.constant 0 : i32
        %dma_start3A_41 = tpu.memref_slice %arg4[%dma_start3A, %dma_start3A_40] : memref<160x128xi32, #tpu.memory_space<vmem>> -> memref<80x128xi32, #tpu.memory_space<vmem>>
        %dma_start3A_42 = arith.constant 0 : i32
        %dma_start3A_43 = arith.constant 0 : i32
        %dma_start3A_44 = tpu.memref_slice %arg2[%run_scoped3A, %mul3A_2, %dma_start3A_42, %dma_start3A_43] : memref<2x32x80x128xi32, #tpu.memory_space<hbm>> -> memref<1x1x80x128xi32, #tpu.memory_space<hbm>>
        %dma_start3A_45 = tpu.memref_squeeze %dma_start3A_44 : memref<1x1x80x128xi32, #tpu.memory_space<hbm>> -> memref<80x128xi32, #tpu.memory_space<hbm>>
        %dma_start3A_46 = arith.constant 0 : i32
        %dma_start3A_47 = arith.constant 0 : i32
        %dma_start3A_48 = tpu.memref_slice %arg4[%dma_start3A_46, %dma_start3A_47] : memref<160x128xi32, #tpu.memory_space<vmem>> -> memref<80x128xi32, #tpu.memory_space<vmem>>
        %dma_start3A_49 = arith.constant 0 : i32
        %dma_start3A_50 = arith.constant 0 : i32
        %dma_start3A_51 = tpu.memref_slice %arg2[%run_scoped3A, %mul3A_2, %dma_start3A_49, %dma_start3A_50] : memref<2x32x80x128xi32, #tpu.memory_space<hbm>> -> memref<1x1x80x128xi32, #tpu.memory_space<hbm>>
        %dma_start3A_52 = tpu.memref_squeeze %dma_start3A_51 : memref<1x1x80x128xi32, #tpu.memory_space<hbm>> -> memref<80x128xi32, #tpu.memory_space<hbm>>
        tpu.enqueue_dma source(%dma_start3A_52 : memref<80x128xi32, #tpu.memory_space<hbm>>) target(%dma_start3A_48 : memref<80x128xi32, #tpu.memory_space<vmem>>) target_semaphore(%run_scoped3A_39 : memref<!tpu.dma_semaphore, #tpu.memory_space<semaphore_mem>>)
        %dma_wait3A = arith.constant 0 : i32
        %dma_wait3A_53 = arith.constant 0 : i32
        %dma_wait3A_54 = tpu.memref_slice %arg4[%dma_wait3A, %dma_wait3A_53] : memref<160x128xi32, #tpu.memory_space<vmem>> -> memref<80x128xi32, #tpu.memory_space<vmem>>
        %dma_wait3A_55 = arith.constant 0 : i32
        %dma_wait3A_56 = arith.constant 0 : i32
        %dma_wait3A_57 = tpu.memref_slice %arg2[%run_scoped3A, %mul3A_2, %dma_wait3A_55, %dma_wait3A_56] : memref<2x32x80x128xi32, #tpu.memory_space<hbm>> -> memref<1x1x80x128xi32, #tpu.memory_space<hbm>>
        %dma_wait3A_58 = tpu.memref_squeeze %dma_wait3A_57 : memref<1x1x80x128xi32, #tpu.memory_space<hbm>> -> memref<80x128xi32, #tpu.memory_space<hbm>>
        %dma_wait3A_59 = arith.constant 0 : i32
        %dma_wait3A_60 = arith.constant 0 : i32
        %dma_wait3A_61 = tpu.memref_slice %arg4[%dma_wait3A_59, %dma_wait3A_60] : memref<160x128xi32, #tpu.memory_space<vmem>> -> memref<80x128xi32, #tpu.memory_space<vmem>>
        %dma_wait3A_62 = arith.constant 0 : i32
        %dma_wait3A_63 = arith.constant 0 : i32
        %dma_wait3A_64 = tpu.memref_slice %arg2[%run_scoped3A, %mul3A_2, %dma_wait3A_62, %dma_wait3A_63] : memref<2x32x80x128xi32, #tpu.memory_space<hbm>> -> memref<1x1x80x128xi32, #tpu.memory_space<hbm>>
        %dma_wait3A_65 = tpu.memref_squeeze %dma_wait3A_64 : memref<1x1x80x128xi32, #tpu.memory_space<hbm>> -> memref<80x128xi32, #tpu.memory_space<hbm>>
        tpu.wait_dma2 semaphore(%run_scoped3A_39 : memref<!tpu.dma_semaphore, #tpu.memory_space<semaphore_mem>>) src(%dma_wait3A_65 : memref<80x128xi32, #tpu.memory_space<hbm>>) dst(%dma_wait3A_61 : memref<80x128xi32, #tpu.memory_space<vmem>>)
        tpu.yield
      }) : () -> ()
      %mul3A_3 = arith.constant 2 : i32
      %mul3A_4 = arith.muli %mul3A_3, %arg1 : i32
      %add3A = arith.constant 1 : i32
      %add3A_5 = arith.addi %mul3A_4, %add3A : i32
      %run_scoped3A_6 = arith.constant 1 : i32
      "tpu.region"() ({
        %run_scoped3A_39 = tpu.sem_alloc : memref<!tpu.dma_semaphore, #tpu.memory_space<semaphore_mem>>
        %dma_start3A = arith.constant 80 : i32
        %dma_start3A_40 = arith.constant 0 : i32
        %dma_start3A_41 = tpu.memref_slice %arg4[%dma_start3A, %dma_start3A_40] : memref<160x128xi32, #tpu.memory_space<vmem>> -> memref<80x128xi32, #tpu.memory_space<vmem>>
        %dma_start3A_42 = arith.constant 0 : i32
        %dma_start3A_43 = arith.constant 0 : i32
        %dma_start3A_44 = tpu.memref_slice %arg2[%run_scoped3A_6, %add3A_5, %dma_start3A_42, %dma_start3A_43] : memref<2x32x80x128xi32, #tpu.memory_space<hbm>> -> memref<1x1x80x128xi32, #tpu.memory_space<hbm>>
        %dma_start3A_45 = tpu.memref_squeeze %dma_start3A_44 : memref<1x1x80x128xi32, #tpu.memory_space<hbm>> -> memref<80x128xi32, #tpu.memory_space<hbm>>
        %dma_start3A_46 = arith.constant 80 : i32
        %dma_start3A_47 = arith.constant 0 : i32
        %dma_start3A_48 = tpu.memref_slice %arg4[%dma_start3A_46, %dma_start3A_47] : memref<160x128xi32, #tpu.memory_space<vmem>> -> memref<80x128xi32, #tpu.memory_space<vmem>>
        %dma_start3A_49 = arith.constant 0 : i32
        %dma_start3A_50 = arith.constant 0 : i32
        %dma_start3A_51 = tpu.memref_slice %arg2[%run_scoped3A_6, %add3A_5, %dma_start3A_49, %dma_start3A_50] : memref<2x32x80x128xi32, #tpu.memory_space<hbm>> -> memref<1x1x80x128xi32, #tpu.memory_space<hbm>>
        %dma_start3A_52 = tpu.memref_squeeze %dma_start3A_51 : memref<1x1x80x128xi32, #tpu.memory_space<hbm>> -> memref<80x128xi32, #tpu.memory_space<hbm>>
        tpu.enqueue_dma source(%dma_start3A_52 : memref<80x128xi32, #tpu.memory_space<hbm>>) target(%dma_start3A_48 : memref<80x128xi32, #tpu.memory_space<vmem>>) target_semaphore(%run_scoped3A_39 : memref<!tpu.dma_semaphore, #tpu.memory_space<semaphore_mem>>)
        %dma_wait3A = arith.constant 80 : i32
        %dma_wait3A_53 = arith.constant 0 : i32
        %dma_wait3A_54 = tpu.memref_slice %arg4[%dma_wait3A, %dma_wait3A_53] : memref<160x128xi32, #tpu.memory_space<vmem>> -> memref<80x128xi32, #tpu.memory_space<vmem>>
        %dma_wait3A_55 = arith.constant 0 : i32
        %dma_wait3A_56 = arith.constant 0 : i32
        %dma_wait3A_57 = tpu.memref_slice %arg2[%run_scoped3A_6, %add3A_5, %dma_wait3A_55, %dma_wait3A_56] : memref<2x32x80x128xi32, #tpu.memory_space<hbm>> -> memref<1x1x80x128xi32, #tpu.memory_space<hbm>>
        %dma_wait3A_58 = tpu.memref_squeeze %dma_wait3A_57 : memref<1x1x80x128xi32, #tpu.memory_space<hbm>> -> memref<80x128xi32, #tpu.memory_space<hbm>>
        %dma_wait3A_59 = arith.constant 80 : i32
        %dma_wait3A_60 = arith.constant 0 : i32
        %dma_wait3A_61 = tpu.memref_slice %arg4[%dma_wait3A_59, %dma_wait3A_60] : memref<160x128xi32, #tpu.memory_space<vmem>> -> memref<80x128xi32, #tpu.memory_space<vmem>>
        %dma_wait3A_62 = arith.constant 0 : i32
        %dma_wait3A_63 = arith.constant 0 : i32
        %dma_wait3A_64 = tpu.memref_slice %arg2[%run_scoped3A_6, %add3A_5, %dma_wait3A_62, %dma_wait3A_63] : memref<2x32x80x128xi32, #tpu.memory_space<hbm>> -> memref<1x1x80x128xi32, #tpu.memory_space<hbm>>
        %dma_wait3A_65 = tpu.memref_squeeze %dma_wait3A_64 : memref<1x1x80x128xi32, #tpu.memory_space<hbm>> -> memref<80x128xi32, #tpu.memory_space<hbm>>
        tpu.wait_dma2 semaphore(%run_scoped3A_39 : memref<!tpu.dma_semaphore, #tpu.memory_space<semaphore_mem>>) src(%dma_wait3A_65 : memref<80x128xi32, #tpu.memory_space<hbm>>) dst(%dma_wait3A_61 : memref<80x128xi32, #tpu.memory_space<vmem>>)
        tpu.yield
      }) : () -> ()
      %broadcast_in_dim3A = arith.constant 0.000000e+00 : f32
      %broadcast_in_dim3A_7 = vector.broadcast %broadcast_in_dim3A : f32 to vector<16xf32>
      %broadcast_in_dim3A_8 = arith.constant 1.000000e+00 : f32
      %broadcast_in_dim3A_9 = vector.broadcast %broadcast_in_dim3A_8 : f32 to vector<16xf32>
      %scan3A = arith.constant 0 : i32
      %scan3A_10 = arith.constant 128 : i32
      %scan3A_11 = arith.addi %scan3A, %scan3A_10 : i32
      %scan3A_12 = arith.constant 1 : i32
      scf.for %scan3A_39 = %scan3A to %scan3A_11 step %scan3A_12  : i32 {
        %mul3A_40 = arith.constant 1 : i32
        %mul3A_41 = arith.muli %scan3A_39, %mul3A_40 : i32
        %add3A_42 = arith.constant 0 : i32
        %add3A_43 = arith.addi %add3A_42, %mul3A_41 : i32
        %swap3A = arith.index_cast %add3A_43 : i32 to index
        %swap3A_44 = arith.constant 0 : index
        %swap3A_45 = tpu.vector_load %arg5[%swap3A, %swap3A_44] {strides = array<i32>} : memref<128x16xf32, #tpu.memory_space<vmem>>, vector<1x16xf32>,
        %swap3A_46 = vector.shape_cast %swap3A_45 : vector<1x16xf32> to vector<16xf32>
        %swap3A_47 = vector.shape_cast %broadcast_in_dim3A_9 : vector<16xf32> to vector<1x16xf32>
        tpu.vector_store %arg5[%swap3A, %swap3A_44], %swap3A_47 {strides = array<i32>} : memref<128x16xf32, #tpu.memory_space<vmem>>, vector<1x16xf32>,
      }
      %scan3A_13 = arith.constant 128 : i32
      %scan3A_14 = arith.constant 0 : i32
      %scan3A_15 = arith.constant 64 : i32
      %scan3A_16 = arith.addi %scan3A_14, %scan3A_15 : i32
      %scan3A_17 = arith.constant 1 : i32
      scf.for %scan3A_39 = %scan3A_14 to %scan3A_16 step %scan3A_17  : i32 {
        %mul3A_40 = arith.constant 1 : i32
        %mul3A_41 = arith.muli %scan3A_39, %mul3A_40 : i32
        %add3A_42 = arith.constant 0 : i32
        %add3A_43 = arith.addi %add3A_42, %mul3A_41 : i32
        %swap3A = arith.index_cast %add3A_43 : i32 to index
        %swap3A_44 = arith.constant 0 : index
        %swap3A_45 = tpu.vector_load %arg6[%swap3A, %swap3A_44] {strides = array<i32>} : memref<64x16xf32, #tpu.memory_space<vmem>>, vector<1x16xf32>,
        %swap3A_46 = vector.shape_cast %swap3A_45 : vector<1x16xf32> to vector<16xf32>
        %swap3A_47 = vector.shape_cast %broadcast_in_dim3A_7 : vector<16xf32> to vector<1x16xf32>
        tpu.vector_store %arg6[%swap3A, %swap3A_44], %swap3A_47 {strides = array<i32>} : memref<64x16xf32, #tpu.memory_space<vmem>>, vector<1x16xf32>,
      }
      %scan3A_18 = arith.constant 64 : i32
      %mul3A_19 = arith.constant 640 : i32
      %mul3A_20 = arith.muli %arg1, %mul3A_19 : i32
      %scan3A_21 = arith.constant 0 : i32
      %scan3A_22 = arith.constant 10 : i32
      %scan3A_23 = arith.addi %scan3A_21, %scan3A_22 : i32
      %scan3A_24 = arith.constant 1 : i32
      scf.for %scan3A_39 = %scan3A_21 to %scan3A_23 step %scan3A_24  : i32 {
        %mul3A_40 = arith.constant 64 : i32
        %mul3A_41 = arith.muli %scan3A_39, %mul3A_40 : i32
        %add3A_42 = arith.constant 0 : i32
        %add3A_43 = arith.addi %add3A_42, %mul3A_41 : i32
        %add3A_44 = arith.addi %mul3A_20, %add3A_43 : i32
        "tpu.region"() ({
          %run_scoped3A_45 = tpu.sem_alloc : memref<!tpu.dma_semaphore, #tpu.memory_space<semaphore_mem>>
          %dma_start3A = arith.constant 0 : i32
          %dma_start3A_46 = tpu.memref_slice %arg9[%add3A_44, %dma_start3A] : memref<10240x16xf32, #tpu.memory_space<vmem_shared>> -> memref<64x16xf32, #tpu.memory_space<vmem_shared>>
          %dma_start3A_47 = arith.constant 0 : i32
          %dma_start3A_48 = tpu.memref_slice %arg9[%add3A_44, %dma_start3A_47] : memref<10240x16xf32, #tpu.memory_space<vmem_shared>> -> memref<64x16xf32, #tpu.memory_space<vmem_shared>>
          tpu.enqueue_dma source(%arg6 : memref<64x16xf32, #tpu.memory_space<vmem>>) target(%dma_start3A_48 : memref<64x16xf32, #tpu.memory_space<vmem_shared>>) target_semaphore(%run_scoped3A_45 : memref<!tpu.dma_semaphore, #tpu.memory_space<semaphore_mem>>)
          %dma_wait3A = arith.constant 0 : i32
          %dma_wait3A_49 = tpu.memref_slice %arg9[%add3A_44, %dma_wait3A] : memref<10240x16xf32, #tpu.memory_space<vmem_shared>> -> memref<64x16xf32, #tpu.memory_space<vmem_shared>>
          %dma_wait3A_50 = arith.constant 0 : i32
          %dma_wait3A_51 = tpu.memref_slice %arg9[%add3A_44, %dma_wait3A_50] : memref<10240x16xf32, #tpu.memory_space<vmem_shared>> -> memref<64x16xf32, #tpu.memory_space<vmem_shared>>
          tpu.wait_dma2 semaphore(%run_scoped3A_45 : memref<!tpu.dma_semaphore, #tpu.memory_space<semaphore_mem>>) src(%arg6 : memref<64x16xf32, #tpu.memory_space<vmem>>) dst(%dma_wait3A_51 : memref<64x16xf32, #tpu.memory_space<vmem_shared>>)
          tpu.yield
        }) : () -> ()
      }
      %scan3A_25 = arith.constant 10 : i32
      %barrier3A = arith.constant 0 : index
      tpu.barrier barrier_id(%barrier3A)
      %scan3A_26 = arith.constant 0 : i32
      %scan3A_27 = arith.constant 160 : i32
      %scan3A_28 = arith.addi %scan3A_26, %scan3A_27 : i32
      %scan3A_29 = arith.constant 1 : i32
      scf.for %scan3A_39 = %scan3A_26 to %scan3A_28 step %scan3A_29  : i32 {
        %mul3A_40 = arith.constant 1 : i32
        %mul3A_41 = arith.muli %scan3A_39, %mul3A_40 : i32
        %add3A_42 = arith.constant 0 : i32
        %add3A_43 = arith.addi %add3A_42, %mul3A_41 : i32
        "tpu.region"() ({
          %run_scoped3A_44 = tpu.sem_alloc : memref<!tpu.dma_semaphore, #tpu.memory_space<semaphore_mem>>
          %dma_start3A = arith.constant 0 : i32
          %dma_start3A_45 = tpu.memref_slice %arg4[%add3A_43, %dma_start3A] : memref<160x128xi32, #tpu.memory_space<vmem>> -> memref<1x128xi32, #tpu.memory_space<vmem>>
          %dma_start3A_46 = tpu.memref_squeeze %dma_start3A_45 : memref<1x128xi32, #tpu.memory_space<vmem>> -> memref<128xi32, #tpu.memory_space<vmem>>
          %dma_start3A_47 = arith.constant 0 : i32
          %dma_start3A_48 = arith.constant 0 : i32
          %dma_start3A_49 = tpu.memref_slice %arg9[%dma_start3A_47, %dma_start3A_48] : memref<10240x16xf32, #tpu.memory_space<vmem_shared>> -> memref<10240x16xf32, #tpu.memory_space<vmem_shared>>
          tpu.enqueue_indirect_dma source(%arg5 : memref<128x16xf32, #tpu.memory_space<vmem>>) target(%dma_start3A_49 : memref<10240x16xf32, #tpu.memory_space<vmem_shared>>) offsets(%dma_start3A_46 : memref<128xi32, #tpu.memory_space<vmem>>) semaphore(%run_scoped3A_44 : memref<!tpu.dma_semaphore, #tpu.memory_space<semaphore_mem>>) {add = true}
          %dma_wait3A = arith.constant 0 : i32
          %dma_wait3A_50 = tpu.memref_slice %arg4[%add3A_43, %dma_wait3A] : memref<160x128xi32, #tpu.memory_space<vmem>> -> memref<1x128xi32, #tpu.memory_space<vmem>>
          %dma_wait3A_51 = tpu.memref_squeeze %dma_wait3A_50 : memref<1x128xi32, #tpu.memory_space<vmem>> -> memref<128xi32, #tpu.memory_space<vmem>>
          %dma_wait3A_52 = arith.constant 0 : i32
          %dma_wait3A_53 = arith.constant 0 : i32
          %dma_wait3A_54 = tpu.memref_slice %arg9[%dma_wait3A_52, %dma_wait3A_53] : memref<10240x16xf32, #tpu.memory_space<vmem_shared>> -> memref<10240x16xf32, #tpu.memory_space<vmem_shared>>
          tpu.wait_indirect_dma semaphore(%run_scoped3A_44 : memref<!tpu.dma_semaphore, #tpu.memory_space<semaphore_mem>>) src(%arg5 : memref<128x16xf32, #tpu.memory_space<vmem>>) dst(%dma_wait3A_54 : memref<10240x16xf32, #tpu.memory_space<vmem_shared>>)
          tpu.yield
        }) : () -> ()
      }
      %scan3A_30 = arith.constant 160 : i32
      %barrier3A_31 = arith.constant 0 : index
      tpu.barrier barrier_id(%barrier3A_31)
      "tpu.region"() ({
        %run_scoped3A_39 = tpu.sem_alloc : memref<!tpu.dma_semaphore, #tpu.memory_space<semaphore_mem>>
        %dma_start3A = arith.constant 0 : i32
        %dma_start3A_40 = tpu.memref_slice %arg9[%mul3A_20, %dma_start3A] : memref<10240x16xf32, #tpu.memory_space<vmem_shared>> -> memref<640x16xf32, #tpu.memory_space<vmem_shared>>
        %dma_start3A_41 = arith.constant 0 : i32
        %dma_start3A_42 = tpu.memref_slice %arg9[%mul3A_20, %dma_start3A_41] : memref<10240x16xf32, #tpu.memory_space<vmem_shared>> -> memref<640x16xf32, #tpu.memory_space<vmem_shared>>
        tpu.enqueue_dma source(%dma_start3A_42 : memref<640x16xf32, #tpu.memory_space<vmem_shared>>) target(%arg7 : memref<640x16xf32, #tpu.memory_space<vmem>>) target_semaphore(%run_scoped3A_39 : memref<!tpu.dma_semaphore, #tpu.memory_space<semaphore_mem>>)
        %dma_wait3A = arith.constant 0 : i32
        %dma_wait3A_43 = tpu.memref_slice %arg9[%mul3A_20, %dma_wait3A] : memref<10240x16xf32, #tpu.memory_space<vmem_shared>> -> memref<640x16xf32, #tpu.memory_space<vmem_shared>>
        %dma_wait3A_44 = arith.constant 0 : i32
        %dma_wait3A_45 = tpu.memref_slice %arg9[%mul3A_20, %dma_wait3A_44] : memref<10240x16xf32, #tpu.memory_space<vmem_shared>> -> memref<640x16xf32, #tpu.memory_space<vmem_shared>>
        tpu.wait_dma2 semaphore(%run_scoped3A_39 : memref<!tpu.dma_semaphore, #tpu.memory_space<semaphore_mem>>) src(%dma_wait3A_45 : memref<640x16xf32, #tpu.memory_space<vmem_shared>>) dst(%arg7 : memref<640x16xf32, #tpu.memory_space<vmem>>)
        tpu.yield
      }) : () -> ()
      %scan3A_32 = arith.constant 0 : i32
      %scan3A_33 = arith.constant 320 : i32
      %scan3A_34 = arith.addi %scan3A_32, %scan3A_33 : i32
      %scan3A_35 = arith.constant 1 : i32
      scf.for %scan3A_39 = %scan3A_32 to %scan3A_34 step %scan3A_35  : i32 {
        %mul3A_40 = arith.constant 1 : i32
        %mul3A_41 = arith.muli %scan3A_39, %mul3A_40 : i32
        %add3A_42 = arith.constant 0 : i32
        %add3A_43 = arith.addi %add3A_42, %mul3A_41 : i32
        %mul3A_44 = arith.constant 2 : i32
        %mul3A_45 = arith.muli %mul3A_44, %add3A_43 : i32
        %get3A = arith.index_cast %mul3A_45 : i32 to index
        %get3A_46 = arith.constant 0 : index
        %get3A_47 = tpu.vector_load %arg7[%get3A, %get3A_46] {strides = array<i32>} : memref<640x16xf32, #tpu.memory_space<vmem>>, vector<1x16xf32>,
        %get3A_48 = vector.shape_cast %get3A_47 : vector<1x16xf32> to vector<16xf32>
        %add3A_49 = arith.constant 1.000000e+00 : f32
        %add3A_50 = vector.broadcast %add3A_49 : f32 to vector<16xf32>
        %add3A_51 = arith.addf %get3A_48, %add3A_50 : vector<16xf32>
        %bitcast_convert_type3A = tpu.bitcast %add3A_51 : vector<16xf32> -> vector<16xi32>
        %shift_right_arithmetic3A = arith.constant 1 : i32
        %shift_right_arithmetic3A_52 = vector.broadcast %shift_right_arithmetic3A : i32 to vector<16xi32>
        %shift_right_arithmetic3A_53 = arith.shrsi %bitcast_convert_type3A, %shift_right_arithmetic3A_52 : vector<16xi32>
        %sub3A = arith.constant 1597463007 : i32
        %sub3A_54 = vector.broadcast %sub3A : i32 to vector<16xi32>
        %sub3A_55 = arith.subi %sub3A_54, %shift_right_arithmetic3A_53 : vector<16xi32>
        %bitcast_convert_type3A_56 = tpu.bitcast %sub3A_55 : vector<16xi32> -> vector<16xf32>
        %mul3A_57 = arith.constant 5.000000e-01 : f32
        %mul3A_58 = vector.broadcast %mul3A_57 : f32 to vector<16xf32>
        %mul3A_59 = arith.mulf %mul3A_58, %add3A_51 : vector<16xf32>
        %mul3A_60 = arith.mulf %mul3A_59, %bitcast_convert_type3A_56 : vector<16xf32>
        %mul3A_61 = arith.mulf %mul3A_60, %bitcast_convert_type3A_56 : vector<16xf32>
        %sub3A_62 = arith.constant 1.500000e+00 : f32
        %sub3A_63 = vector.broadcast %sub3A_62 : f32 to vector<16xf32>
        %sub3A_64 = arith.subf %sub3A_63, %mul3A_61 : vector<16xf32>
        %mul3A_65 = arith.mulf %bitcast_convert_type3A_56, %sub3A_64 : vector<16xf32>
        %mul3A_66 = arith.constant 5.000000e-01 : f32
        %mul3A_67 = vector.broadcast %mul3A_66 : f32 to vector<16xf32>
        %mul3A_68 = arith.mulf %mul3A_67, %add3A_51 : vector<16xf32>
        %mul3A_69 = arith.mulf %mul3A_68, %mul3A_65 : vector<16xf32>
        %mul3A_70 = arith.mulf %mul3A_69, %mul3A_65 : vector<16xf32>
        %sub3A_71 = arith.constant 1.500000e+00 : f32
        %sub3A_72 = vector.broadcast %sub3A_71 : f32 to vector<16xf32>
        %sub3A_73 = arith.subf %sub3A_72, %mul3A_70 : vector<16xf32>
        %mul3A_74 = arith.mulf %mul3A_65, %sub3A_73 : vector<16xf32>
        %mul3A_75 = arith.constant 5.000000e-01 : f32
        %mul3A_76 = vector.broadcast %mul3A_75 : f32 to vector<16xf32>
        %mul3A_77 = arith.mulf %mul3A_76, %add3A_51 : vector<16xf32>
        %mul3A_78 = arith.mulf %mul3A_77, %mul3A_74 : vector<16xf32>
        %mul3A_79 = arith.mulf %mul3A_78, %mul3A_74 : vector<16xf32>
        %sub3A_80 = arith.constant 1.500000e+00 : f32
        %sub3A_81 = vector.broadcast %sub3A_80 : f32 to vector<16xf32>
        %sub3A_82 = arith.subf %sub3A_81, %mul3A_79 : vector<16xf32>
        %mul3A_83 = arith.mulf %mul3A_74, %sub3A_82 : vector<16xf32>
        %mul3A_84 = arith.constant 2 : i32
        %mul3A_85 = arith.muli %mul3A_84, %add3A_43 : i32
        %add3A_86 = arith.constant 1 : i32
        %add3A_87 = arith.addi %mul3A_85, %add3A_86 : i32
        %get3A_88 = arith.index_cast %add3A_87 : i32 to index
        %get3A_89 = arith.constant 0 : index
        %get3A_90 = tpu.vector_load %arg7[%get3A_88, %get3A_89] {strides = array<i32>} : memref<640x16xf32, #tpu.memory_space<vmem>>, vector<1x16xf32>,
        %get3A_91 = vector.shape_cast %get3A_90 : vector<1x16xf32> to vector<16xf32>
        %add3A_92 = arith.constant 1.000000e+00 : f32
        %add3A_93 = vector.broadcast %add3A_92 : f32 to vector<16xf32>
        %add3A_94 = arith.addf %get3A_91, %add3A_93 : vector<16xf32>
        %bitcast_convert_type3A_95 = tpu.bitcast %add3A_94 : vector<16xf32> -> vector<16xi32>
        %shift_right_arithmetic3A_96 = arith.constant 1 : i32
        %shift_right_arithmetic3A_97 = vector.broadcast %shift_right_arithmetic3A_96 : i32 to vector<16xi32>
        %shift_right_arithmetic3A_98 = arith.shrsi %bitcast_convert_type3A_95, %shift_right_arithmetic3A_97 : vector<16xi32>
        %sub3A_99 = arith.constant 1597463007 : i32
        %sub3A_100 = vector.broadcast %sub3A_99 : i32 to vector<16xi32>
        %sub3A_101 = arith.subi %sub3A_100, %shift_right_arithmetic3A_98 : vector<16xi32>
        %bitcast_convert_type3A_102 = tpu.bitcast %sub3A_101 : vector<16xi32> -> vector<16xf32>
        %mul3A_103 = arith.constant 5.000000e-01 : f32
        %mul3A_104 = vector.broadcast %mul3A_103 : f32 to vector<16xf32>
        %mul3A_105 = arith.mulf %mul3A_104, %add3A_94 : vector<16xf32>
        %mul3A_106 = arith.mulf %mul3A_105, %bitcast_convert_type3A_102 : vector<16xf32>
        %mul3A_107 = arith.mulf %mul3A_106, %bitcast_convert_type3A_102 : vector<16xf32>
        %sub3A_108 = arith.constant 1.500000e+00 : f32
        %sub3A_109 = vector.broadcast %sub3A_108 : f32 to vector<16xf32>
        %sub3A_110 = arith.subf %sub3A_109, %mul3A_107 : vector<16xf32>
        %mul3A_111 = arith.mulf %bitcast_convert_type3A_102, %sub3A_110 : vector<16xf32>
        %mul3A_112 = arith.constant 5.000000e-01 : f32
        %mul3A_113 = vector.broadcast %mul3A_112 : f32 to vector<16xf32>
        %mul3A_114 = arith.mulf %mul3A_113, %add3A_94 : vector<16xf32>
        %mul3A_115 = arith.mulf %mul3A_114, %mul3A_111 : vector<16xf32>
        %mul3A_116 = arith.mulf %mul3A_115, %mul3A_111 : vector<16xf32>
        %sub3A_117 = arith.constant 1.500000e+00 : f32
        %sub3A_118 = vector.broadcast %sub3A_117 : f32 to vector<16xf32>
        %sub3A_119 = arith.subf %sub3A_118, %mul3A_116 : vector<16xf32>
        %mul3A_120 = arith.mulf %mul3A_111, %sub3A_119 : vector<16xf32>
        %mul3A_121 = arith.constant 5.000000e-01 : f32
        %mul3A_122 = vector.broadcast %mul3A_121 : f32 to vector<16xf32>
        %mul3A_123 = arith.mulf %mul3A_122, %add3A_94 : vector<16xf32>
        %mul3A_124 = arith.mulf %mul3A_123, %mul3A_120 : vector<16xf32>
        %mul3A_125 = arith.mulf %mul3A_124, %mul3A_120 : vector<16xf32>
        %sub3A_126 = arith.constant 1.500000e+00 : f32
        %sub3A_127 = vector.broadcast %sub3A_126 : f32 to vector<16xf32>
        %sub3A_128 = arith.subf %sub3A_127, %mul3A_125 : vector<16xf32>
        %mul3A_129 = arith.mulf %mul3A_120, %sub3A_128 : vector<16xf32>
        %swap3A = arith.index_cast %add3A_43 : i32 to index
        %swap3A_130 = arith.constant 0 : index
        %swap3A_131 = tpu.vector_load %arg8[%swap3A, %swap3A_130] {strides = array<i32>} : memref<320x128xf32, #tpu.memory_space<vmem>>, vector<1x16xf32>,
        %swap3A_132 = vector.shape_cast %swap3A_131 : vector<1x16xf32> to vector<16xf32>
        %swap3A_133 = vector.shape_cast %mul3A_83 : vector<16xf32> to vector<1x16xf32>
        tpu.vector_store %arg8[%swap3A, %swap3A_130], %swap3A_133 {strides = array<i32>} : memref<320x128xf32, #tpu.memory_space<vmem>>, vector<1x16xf32>,
        %swap3A_134 = arith.index_cast %add3A_43 : i32 to index
        %swap3A_135 = arith.constant 16 : index
        %swap3A_136 = tpu.vector_load %arg8[%swap3A_134, %swap3A_135] {strides = array<i32>} : memref<320x128xf32, #tpu.memory_space<vmem>>, vector<1x16xf32>,
        %swap3A_137 = vector.shape_cast %swap3A_136 : vector<1x16xf32> to vector<16xf32>
        %swap3A_138 = vector.shape_cast %mul3A_83 : vector<16xf32> to vector<1x16xf32>
        tpu.vector_store %arg8[%swap3A_134, %swap3A_135], %swap3A_138 {strides = array<i32>} : memref<320x128xf32, #tpu.memory_space<vmem>>, vector<1x16xf32>,
        %swap3A_139 = arith.index_cast %add3A_43 : i32 to index
        %swap3A_140 = arith.constant 32 : index
        %swap3A_141 = tpu.vector_load %arg8[%swap3A_139, %swap3A_140] {strides = array<i32>} : memref<320x128xf32, #tpu.memory_space<vmem>>, vector<1x16xf32>,
        %swap3A_142 = vector.shape_cast %swap3A_141 : vector<1x16xf32> to vector<16xf32>
        %swap3A_143 = vector.shape_cast %mul3A_83 : vector<16xf32> to vector<1x16xf32>
        tpu.vector_store %arg8[%swap3A_139, %swap3A_140], %swap3A_143 {strides = array<i32>} : memref<320x128xf32, #tpu.memory_space<vmem>>, vector<1x16xf32>,
        %swap3A_144 = arith.index_cast %add3A_43 : i32 to index
        %swap3A_145 = arith.constant 48 : index
        %swap3A_146 = tpu.vector_load %arg8[%swap3A_144, %swap3A_145] {strides = array<i32>} : memref<320x128xf32, #tpu.memory_space<vmem>>, vector<1x16xf32>,
        %swap3A_147 = vector.shape_cast %swap3A_146 : vector<1x16xf32> to vector<16xf32>
        %swap3A_148 = vector.shape_cast %mul3A_83 : vector<16xf32> to vector<1x16xf32>
        tpu.vector_store %arg8[%swap3A_144, %swap3A_145], %swap3A_148 {strides = array<i32>} : memref<320x128xf32, #tpu.memory_space<vmem>>, vector<1x16xf32>,
        %swap3A_149 = arith.index_cast %add3A_43 : i32 to index
        %swap3A_150 = arith.constant 64 : index
        %swap3A_151 = tpu.vector_load %arg8[%swap3A_149, %swap3A_150] {strides = array<i32>} : memref<320x128xf32, #tpu.memory_space<vmem>>, vector<1x16xf32>,
        %swap3A_152 = vector.shape_cast %swap3A_151 : vector<1x16xf32> to vector<16xf32>
        %swap3A_153 = vector.shape_cast %mul3A_129 : vector<16xf32> to vector<1x16xf32>
        tpu.vector_store %arg8[%swap3A_149, %swap3A_150], %swap3A_153 {strides = array<i32>} : memref<320x128xf32, #tpu.memory_space<vmem>>, vector<1x16xf32>,
        %swap3A_154 = arith.index_cast %add3A_43 : i32 to index
        %swap3A_155 = arith.constant 80 : index
        %swap3A_156 = tpu.vector_load %arg8[%swap3A_154, %swap3A_155] {strides = array<i32>} : memref<320x128xf32, #tpu.memory_space<vmem>>, vector<1x16xf32>,
        %swap3A_157 = vector.shape_cast %swap3A_156 : vector<1x16xf32> to vector<16xf32>
        %swap3A_158 = vector.shape_cast %mul3A_129 : vector<16xf32> to vector<1x16xf32>
        tpu.vector_store %arg8[%swap3A_154, %swap3A_155], %swap3A_158 {strides = array<i32>} : memref<320x128xf32, #tpu.memory_space<vmem>>, vector<1x16xf32>,
        %swap3A_159 = arith.index_cast %add3A_43 : i32 to index
        %swap3A_160 = arith.constant 96 : index
        %swap3A_161 = tpu.vector_load %arg8[%swap3A_159, %swap3A_160] {strides = array<i32>} : memref<320x128xf32, #tpu.memory_space<vmem>>, vector<1x16xf32>,
        %swap3A_162 = vector.shape_cast %swap3A_161 : vector<1x16xf32> to vector<16xf32>
        %swap3A_163 = vector.shape_cast %mul3A_129 : vector<16xf32> to vector<1x16xf32>
        tpu.vector_store %arg8[%swap3A_159, %swap3A_160], %swap3A_163 {strides = array<i32>} : memref<320x128xf32, #tpu.memory_space<vmem>>, vector<1x16xf32>,
        %swap3A_164 = arith.index_cast %add3A_43 : i32 to index
        %swap3A_165 = arith.constant 112 : index
        %swap3A_166 = tpu.vector_load %arg8[%swap3A_164, %swap3A_165] {strides = array<i32>} : memref<320x128xf32, #tpu.memory_space<vmem>>, vector<1x16xf32>,
        %swap3A_167 = vector.shape_cast %swap3A_166 : vector<1x16xf32> to vector<16xf32>
        %swap3A_168 = vector.shape_cast %mul3A_129 : vector<16xf32> to vector<1x16xf32>
        tpu.vector_store %arg8[%swap3A_164, %swap3A_165], %swap3A_168 {strides = array<i32>} : memref<320x128xf32, #tpu.memory_space<vmem>>, vector<1x16xf32>,
      }
      %scan3A_36 = arith.constant 320 : i32
      %mul3A_37 = arith.constant 320 : i32
      %mul3A_38 = arith.muli %arg1, %mul3A_37 : i32
      "tpu.region"() ({
        %run_scoped3A_39 = tpu.sem_alloc : memref<!tpu.dma_semaphore, #tpu.memory_space<semaphore_mem>>
        %dma_start3A = arith.constant 0 : i32
        %dma_start3A_40 = tpu.memref_slice %arg3[%mul3A_38, %dma_start3A] : memref<5120x128xf32, #tpu.memory_space<hbm>> -> memref<320x128xf32, #tpu.memory_space<hbm>>
        %dma_start3A_41 = arith.constant 0 : i32
        %dma_start3A_42 = tpu.memref_slice %arg3[%mul3A_38, %dma_start3A_41] : memref<5120x128xf32, #tpu.memory_space<hbm>> -> memref<320x128xf32, #tpu.memory_space<hbm>>
        tpu.enqueue_dma source(%arg8 : memref<320x128xf32, #tpu.memory_space<vmem>>) target(%dma_start3A_42 : memref<320x128xf32, #tpu.memory_space<hbm>>) target_semaphore(%run_scoped3A_39 : memref<!tpu.dma_semaphore, #tpu.memory_space<semaphore_mem>>)
        %dma_wait3A = arith.constant 0 : i32
        %dma_wait3A_43 = tpu.memref_slice %arg3[%mul3A_38, %dma_wait3A] : memref<5120x128xf32, #tpu.memory_space<hbm>> -> memref<320x128xf32, #tpu.memory_space<hbm>>
        %dma_wait3A_44 = arith.constant 0 : i32
        %dma_wait3A_45 = tpu.memref_slice %arg3[%mul3A_38, %dma_wait3A_44] : memref<5120x128xf32, #tpu.memory_space<hbm>> -> memref<320x128xf32, #tpu.memory_space<hbm>>
        tpu.wait_dma2 semaphore(%run_scoped3A_39 : memref<!tpu.dma_semaphore, #tpu.memory_space<semaphore_mem>>) src(%arg8 : memref<320x128xf32, #tpu.memory_space<vmem>>) dst(%dma_wait3A_45 : memref<320x128xf32, #tpu.memory_space<hbm>>)
        tpu.yield
      }) : () -> ()
    } else {
    }
    return
  }
}

module attributes {stable_mosaic.version = 14 : i64} {
  func.func @_h1_body(%arg0: i32, %arg1: memref<1024x256xf32, #tpu.memory_space<vmem>>, %arg2: memref<256x128xf32, #tpu.memory_space<vmem>>, %arg3: memref<1024x128xf32, #tpu.memory_space<vmem>>) attributes {dimension_semantics = [#tpu.dimension_semantics<arbitrary>], iteration_bounds = array<i64: 5>, scalar_prefetch = 0 : i64, scratch_operands = 0 : i64, tpu.core_type = #tpu.core_type<tc>, window_params = [{transform_indices = @transform_0, window_bounds = array<i64: 1024, 256>}, {pipeline_mode = #tpu.pipeline_mode<synchronous>, transform_indices = @transform_1, window_bounds = array<i64: 256, 128>}, {transform_indices = @transform_2, window_bounds = array<i64: 1024, 128>}]} {
    %get3A = arith.constant 0 : index
    %get3A_0 = arith.constant 0 : index
    %get3A_1 = vector.load %arg1[%get3A, %get3A_0] : memref<1024x256xf32, #tpu.memory_space<vmem>>, vector<1024x256xf32>
    %get3A_2 = arith.constant 0 : index
    %get3A_3 = arith.constant 0 : index
    %get3A_4 = vector.load %arg2[%get3A_2, %get3A_3] : memref<256x128xf32, #tpu.memory_space<vmem>>, vector<256x128xf32>
    %dot_general3A = arith.constant dense<0.000000e+00> : vector<1024x128xf32>
    %dot_general3A_5 = tpu.matmul %get3A_1, %get3A_4, %dot_general3A {dimension_numbers = #tpu.dot_dimension_numbers<[1], [0], [0], [1], [0, 0, 1, 1], [], []>, precision = #tpu.contract_precision<fp32>, transpose_lhs_hint = false} : vector<1024x256xf32>, vector<256x128xf32>, vector<1024x128xf32> -> vector<1024x128xf32>
    %swap3A = arith.constant 0 : index
    %swap3A_6 = arith.constant 0 : index
    %swap3A_7 = vector.load %arg3[%swap3A, %swap3A_6] : memref<1024x128xf32, #tpu.memory_space<vmem>>, vector<1024x128xf32>
    tpu.vector_store %arg3[%swap3A, %swap3A_6], %dot_general3A_5 {strides = array<i32>} : memref<1024x128xf32, #tpu.memory_space<vmem>>, vector<1024x128xf32>,
    return
  }
  func.func @transform_0(%arg0: i32) -> (i32, i32) {
    %c0_i32 = arith.constant 0 : i32
    %c0_i32_0 = arith.constant 0 : i32
    return %arg0, %c0_i32 : i32, i32
  }
  func.func @transform_1(%arg0: i32) -> (i32, i32) {
    %c0_i32 = arith.constant 0 : i32
    %c0_i32_0 = arith.constant 0 : i32
    %c0_i32_1 = arith.constant 0 : i32
    return %c0_i32, %c0_i32_0 : i32, i32
  }
  func.func @transform_2(%arg0: i32) -> (i32, i32) {
    %c0_i32 = arith.constant 0 : i32
    %c0_i32_0 = arith.constant 0 : i32
    return %arg0, %c0_i32 : i32, i32
  }
}

module attributes {stable_mosaic.version = 14 : i64} {
  func.func @_scale_body(%arg0: i32, %arg1: memref<1024x128xf32, #tpu.memory_space<vmem>>, %arg2: memref<1024x128xf32, #tpu.memory_space<vmem>>, %arg3: memref<1024x128xf32, #tpu.memory_space<vmem>>) attributes {dimension_semantics = [#tpu.dimension_semantics<arbitrary>], iteration_bounds = array<i64: 5>, scalar_prefetch = 0 : i64, scratch_operands = 0 : i64, tpu.core_type = #tpu.core_type<tc>, window_params = [{transform_indices = @transform_0, window_bounds = array<i64: 1024, 128>}, {transform_indices = @transform_1, window_bounds = array<i64: 1024, 128>}, {transform_indices = @transform_2, window_bounds = array<i64: 1024, 128>}]} {
    %get3A = arith.constant 0 : index
    %get3A_0 = arith.constant 0 : index
    %get3A_1 = vector.load %arg2[%get3A, %get3A_0] : memref<1024x128xf32, #tpu.memory_space<vmem>>, vector<1024x128xf32>
    %get3A_2 = arith.constant 0 : index
    %get3A_3 = arith.constant 0 : index
    %get3A_4 = vector.load %arg1[%get3A_2, %get3A_3] : memref<1024x128xf32, #tpu.memory_space<vmem>>, vector<1024x128xf32>
    %mul3A = arith.mulf %get3A_1, %get3A_4 : vector<1024x128xf32>
    %swap3A = arith.constant 0 : index
    %swap3A_5 = arith.constant 0 : index
    %swap3A_6 = vector.load %arg3[%swap3A, %swap3A_5] : memref<1024x128xf32, #tpu.memory_space<vmem>>, vector<1024x128xf32>
    tpu.vector_store %arg3[%swap3A, %swap3A_5], %mul3A {strides = array<i32>} : memref<1024x128xf32, #tpu.memory_space<vmem>>, vector<1024x128xf32>,
    return
  }
  func.func @transform_0(%arg0: i32) -> (i32, i32) {
    %c0_i32 = arith.constant 0 : i32
    %c0_i32_0 = arith.constant 0 : i32
    return %arg0, %c0_i32 : i32, i32
  }
  func.func @transform_1(%arg0: i32) -> (i32, i32) {
    %c0_i32 = arith.constant 0 : i32
    %c0_i32_0 = arith.constant 0 : i32
    return %arg0, %c0_i32 : i32, i32
  }
  func.func @transform_2(%arg0: i32) -> (i32, i32) {
    %c0_i32 = arith.constant 0 : i32
    %c0_i32_0 = arith.constant 0 : i32
    return %arg0, %c0_i32 : i32, i32
  }
}

module attributes {stable_mosaic.version = 14 : i64} {
  func.func @_layer_body(%arg0: i32, %arg1: memref<2x1024x128xf32, #tpu.memory_space<vmem>>, %arg2: memref<1024x128xf32, #tpu.memory_space<vmem>>, %arg3: memref<1x128xf32, #tpu.memory_space<vmem>>, %arg4: memref<128x128xf32, #tpu.memory_space<vmem>>, %arg5: memref<1024x128xf32, #tpu.memory_space<vmem>>, %arg6: memref<1024x128xf32, #tpu.memory_space<vmem>>) attributes {dimension_semantics = [#tpu.dimension_semantics<arbitrary>], iteration_bounds = array<i64: 5>, scalar_prefetch = 0 : i64, scratch_operands = 0 : i64, tpu.core_type = #tpu.core_type<tc>, window_params = [{transform_indices = @transform_0, window_bounds = array<i64: 2, 1024, 128>}, {transform_indices = @transform_1, window_bounds = array<i64: 1024, 128>}, {pipeline_mode = #tpu.pipeline_mode<synchronous>, transform_indices = @transform_2, window_bounds = array<i64: 1, 128>}, {pipeline_mode = #tpu.pipeline_mode<synchronous>, transform_indices = @transform_3, window_bounds = array<i64: 128, 128>}, {transform_indices = @transform_4, window_bounds = array<i64: 1024, 128>}, {transform_indices = @transform_5, window_bounds = array<i64: 1024, 128>}]} {
    %get3A = arith.constant 0 : index
    %get3A_0 = arith.constant 0 : index
    %get3A_1 = vector.load %arg5[%get3A, %get3A_0] : memref<1024x128xf32, #tpu.memory_space<vmem>>, vector<1024x128xf32>
    %get3A_2 = arith.constant 0 : index
    %get3A_3 = arith.constant 0 : index
    %get3A_4 = arith.constant 0 : index
    %get3A_5 = vector.load %arg1[%get3A_2, %get3A_3, %get3A_4] : memref<2x1024x128xf32, #tpu.memory_space<vmem>>, vector<1x1024x128xf32>
    %get3A_6 = vector.shape_cast %get3A_5 : vector<1x1024x128xf32> to vector<1024x128xf32>
    %get3A_7 = arith.constant 1 : index
    %get3A_8 = arith.constant 0 : index
    %get3A_9 = arith.constant 0 : index
    %get3A_10 = vector.load %arg1[%get3A_7, %get3A_8, %get3A_9] : memref<2x1024x128xf32, #tpu.memory_space<vmem>>, vector<1x1024x128xf32>
    %get3A_11 = vector.shape_cast %get3A_10 : vector<1x1024x128xf32> to vector<1024x128xf32>
    %add3A = arith.addf %get3A_6, %get3A_11 : vector<1024x128xf32>
    %get3A_12 = arith.constant 0 : index
    %get3A_13 = arith.constant 0 : index
    %get3A_14 = vector.load %arg2[%get3A_12, %get3A_13] : memref<1024x128xf32, #tpu.memory_space<vmem>>, vector<1024x128xf32>
    %add3A_15 = arith.addf %add3A, %get3A_14 : vector<1024x128xf32>
    %mul3A = arith.mulf %get3A_1, %add3A_15 : vector<1024x128xf32>
    %get3A_16 = arith.constant 0 : index
    %get3A_17 = arith.constant 0 : index
    %get3A_18 = vector.load %arg3[%get3A_16, %get3A_17] : memref<1x128xf32, #tpu.memory_space<vmem>>, vector<1x128xf32>
    %add3A_19 = vector.broadcast %get3A_18 : vector<1x128xf32> to vector<1024x128xf32>
    %add3A_20 = arith.addf %mul3A, %add3A_19 : vector<1024x128xf32>
    %max3A = arith.constant 0.000000e+00 : f32
    %max3A_21 = vector.broadcast %max3A : f32 to vector<1024x128xf32>
    %max3A_22 = arith.maximumf %add3A_20, %max3A_21 : vector<1024x128xf32>
    %get3A_23 = arith.constant 0 : index
    %get3A_24 = arith.constant 0 : index
    %get3A_25 = vector.load %arg4[%get3A_23, %get3A_24] : memref<128x128xf32, #tpu.memory_space<vmem>>, vector<128x128xf32>
    %dot_general3A = arith.constant dense<0.000000e+00> : vector<1024x128xf32>
    %dot_general3A_26 = tpu.matmul %max3A_22, %get3A_25, %dot_general3A {dimension_numbers = #tpu.dot_dimension_numbers<[1], [0], [0], [1], [0, 0, 1, 1], [], []>, precision = #tpu.contract_precision<fp32>, transpose_lhs_hint = false} : vector<1024x128xf32>, vector<128x128xf32>, vector<1024x128xf32> -> vector<1024x128xf32>
    %mul3A_27 = arith.mulf %get3A_1, %dot_general3A_26 : vector<1024x128xf32>
    %swap3A = arith.constant 0 : index
    %swap3A_28 = arith.constant 0 : index
    %swap3A_29 = vector.load %arg6[%swap3A, %swap3A_28] : memref<1024x128xf32, #tpu.memory_space<vmem>>, vector<1024x128xf32>
    tpu.vector_store %arg6[%swap3A, %swap3A_28], %mul3A_27 {strides = array<i32>} : memref<1024x128xf32, #tpu.memory_space<vmem>>, vector<1024x128xf32>,
    return
  }
  func.func @transform_0(%arg0: i32) -> (i32, i32, i32) {
    %c0_i32 = arith.constant 0 : i32
    %c0_i32_0 = arith.constant 0 : i32
    %c0_i32_1 = arith.constant 0 : i32
    return %c0_i32, %arg0, %c0_i32_0 : i32, i32, i32
  }
  func.func @transform_1(%arg0: i32) -> (i32, i32) {
    %c0_i32 = arith.constant 0 : i32
    %c0_i32_0 = arith.constant 0 : i32
    return %arg0, %c0_i32 : i32, i32
  }
  func.func @transform_2(%arg0: i32) -> (i32, i32) {
    %c0_i32 = arith.constant 0 : i32
    %c0_i32_0 = arith.constant 0 : i32
    %c0_i32_1 = arith.constant 0 : i32
    return %c0_i32, %c0_i32_0 : i32, i32
  }
  func.func @transform_3(%arg0: i32) -> (i32, i32) {
    %c0_i32 = arith.constant 0 : i32
    %c0_i32_0 = arith.constant 0 : i32
    %c0_i32_1 = arith.constant 0 : i32
    return %c0_i32, %c0_i32_0 : i32, i32
  }
  func.func @transform_4(%arg0: i32) -> (i32, i32) {
    %c0_i32 = arith.constant 0 : i32
    %c0_i32_0 = arith.constant 0 : i32
    return %arg0, %c0_i32 : i32, i32
  }
  func.func @transform_5(%arg0: i32) -> (i32, i32) {
    %c0_i32 = arith.constant 0 : i32
    %c0_i32_0 = arith.constant 0 : i32
    return %arg0, %c0_i32 : i32, i32
  }
}

module attributes {stable_mosaic.version = 14 : i64} {
  func.func @_final_body(%arg0: i32, %arg1: memref<2x1024x128xf32, #tpu.memory_space<vmem>>, %arg2: memref<1024x128xf32, #tpu.memory_space<vmem>>, %arg3: memref<1x128xf32, #tpu.memory_space<vmem>>, %arg4: memref<1024x128xf32, #tpu.memory_space<vmem>>, %arg5: memref<1024x128xf32, #tpu.memory_space<vmem>>) attributes {dimension_semantics = [#tpu.dimension_semantics<arbitrary>], iteration_bounds = array<i64: 5>, scalar_prefetch = 0 : i64, scratch_operands = 0 : i64, tpu.core_type = #tpu.core_type<tc>, window_params = [{transform_indices = @transform_0, window_bounds = array<i64: 2, 1024, 128>}, {transform_indices = @transform_1, window_bounds = array<i64: 1024, 128>}, {pipeline_mode = #tpu.pipeline_mode<synchronous>, transform_indices = @transform_2, window_bounds = array<i64: 1, 128>}, {transform_indices = @transform_3, window_bounds = array<i64: 1024, 128>}, {transform_indices = @transform_4, window_bounds = array<i64: 1024, 128>}]} {
    %get3A = arith.constant 0 : index
    %get3A_0 = arith.constant 0 : index
    %get3A_1 = vector.load %arg4[%get3A, %get3A_0] : memref<1024x128xf32, #tpu.memory_space<vmem>>, vector<1024x128xf32>
    %get3A_2 = arith.constant 0 : index
    %get3A_3 = arith.constant 0 : index
    %get3A_4 = arith.constant 0 : index
    %get3A_5 = vector.load %arg1[%get3A_2, %get3A_3, %get3A_4] : memref<2x1024x128xf32, #tpu.memory_space<vmem>>, vector<1x1024x128xf32>
    %get3A_6 = vector.shape_cast %get3A_5 : vector<1x1024x128xf32> to vector<1024x128xf32>
    %get3A_7 = arith.constant 1 : index
    %get3A_8 = arith.constant 0 : index
    %get3A_9 = arith.constant 0 : index
    %get3A_10 = vector.load %arg1[%get3A_7, %get3A_8, %get3A_9] : memref<2x1024x128xf32, #tpu.memory_space<vmem>>, vector<1x1024x128xf32>
    %get3A_11 = vector.shape_cast %get3A_10 : vector<1x1024x128xf32> to vector<1024x128xf32>
    %add3A = arith.addf %get3A_6, %get3A_11 : vector<1024x128xf32>
    %get3A_12 = arith.constant 0 : index
    %get3A_13 = arith.constant 0 : index
    %get3A_14 = vector.load %arg2[%get3A_12, %get3A_13] : memref<1024x128xf32, #tpu.memory_space<vmem>>, vector<1024x128xf32>
    %add3A_15 = arith.addf %add3A, %get3A_14 : vector<1024x128xf32>
    %mul3A = arith.mulf %get3A_1, %add3A_15 : vector<1024x128xf32>
    %get3A_16 = arith.constant 0 : index
    %get3A_17 = arith.constant 0 : index
    %get3A_18 = vector.load %arg3[%get3A_16, %get3A_17] : memref<1x128xf32, #tpu.memory_space<vmem>>, vector<1x128xf32>
    %add3A_19 = vector.broadcast %get3A_18 : vector<1x128xf32> to vector<1024x128xf32>
    %add3A_20 = arith.addf %mul3A, %add3A_19 : vector<1024x128xf32>
    %swap3A = arith.constant 0 : index
    %swap3A_21 = arith.constant 0 : index
    %swap3A_22 = vector.load %arg5[%swap3A, %swap3A_21] : memref<1024x128xf32, #tpu.memory_space<vmem>>, vector<1024x128xf32>
    tpu.vector_store %arg5[%swap3A, %swap3A_21], %add3A_20 {strides = array<i32>} : memref<1024x128xf32, #tpu.memory_space<vmem>>, vector<1024x128xf32>,
    return
  }
  func.func @transform_0(%arg0: i32) -> (i32, i32, i32) {
    %c0_i32 = arith.constant 0 : i32
    %c0_i32_0 = arith.constant 0 : i32
    %c0_i32_1 = arith.constant 0 : i32
    return %c0_i32, %arg0, %c0_i32_0 : i32, i32, i32
  }
  func.func @transform_1(%arg0: i32) -> (i32, i32) {
    %c0_i32 = arith.constant 0 : i32
    %c0_i32_0 = arith.constant 0 : i32
    return %arg0, %c0_i32 : i32, i32
  }
  func.func @transform_2(%arg0: i32) -> (i32, i32) {
    %c0_i32 = arith.constant 0 : i32
    %c0_i32_0 = arith.constant 0 : i32
    %c0_i32_1 = arith.constant 0 : i32
    return %c0_i32, %c0_i32_0 : i32, i32
  }
  func.func @transform_3(%arg0: i32) -> (i32, i32) {
    %c0_i32 = arith.constant 0 : i32
    %c0_i32_0 = arith.constant 0 : i32
    return %arg0, %c0_i32 : i32, i32
  }
  func.func @transform_4(%arg0: i32) -> (i32, i32) {
    %c0_i32 = arith.constant 0 : i32
    %c0_i32_0 = arith.constant 0 : i32
    return %arg0, %c0_i32 : i32, i32
  }
}

</mosaic_0001>

<sc_bundles>
// kernel: kernel.11.cloned.1.call-start
scs
__scs_entry_jumppad:
0x0: {  	(pc) =	sbr.rel $0x88, $3  }
0x1: {  	(tag) =	ssettag $0x0;
	lr =	simm.s32 $0x1  }
0x2: {  	[smem:$0x3F99] =	sst lr;
	_ =	strace $0xD0000000  }
0x3: {  	_ = 	snop  }
0x4: {  	_ = 	snop  }
0x5: {  	_ = 	snop  }
0x6: {  	_ = 	snop  }
0x7: {  	_ = 	snop  }
__scs_overlays_trampoline_lowered:
0x8: {  	[smem:$0x3FA8] =	sst s0  }
0x9: {  	[smem:$0x3FA9] =	sst s1  }
0xa: {  	[smem:$0x3FAA] =	sst s2  }
0xb: {  	[smem:$0x3FAB] =	sst s3  }
0xc: {  	[smem:$0x3FAC] =	sst s4  }
0xd: {  	[smem:$0x3FAD] =	sst s5  }
0xe: {  	[smem:$0x3FAE] =	sst s6  }
0xf: {  	[smem:$0x3FAF] =	sst s7  }
0x10: {  	[smem:$0x3FB0] =	sst s8  }
0x11: {  	[smem:$0x3FB1] =	sst s9;
	s0 =	simm.s32 @!p0 $0x0  }
0x12: {  	s1 =	sld [smem:$0x3F97];
	s0 =	simm.s32 @p0 $0x1  }
0x13: {  	[smem:$0x3FB2] =	sst s0;
	s0 =	simm.s32 @!p1 $0x0  }
0x14: {  	s2 =	sld [smem:$0x3F96];
	s0 =	simm.s32 @p1 $0x1  }
0x15: {  	[smem:$0x3FB3] =	sst s0;
	s0 =	simm.s32 @!p2 $0x0  }
0x16: {  	s3 =	sld [smem:$0x3FDB];
	s0 =	simm.s32 @p2 $0x1  }
0x17: {  	s4 =	simm.s32 $0x1BF5;
	[smem:$0x3FB5] =	sst s0  }
0x18: {  	s0 =	sld [smem:$0x3F98];
	_ =	swait.ge [sflag:s4], $0x0  }
0x19: {  	s7 =	sld [smem:$0x3F99]  }
0x1a: {  	s8 =	sadd.s32 $0xFFFFE003, lr  }
0x1b: {  	s9 =	sadd.s32 $0xFFFFFEF7, lr;
	s5 =	simm.s32 $0xFFFFFFFF;
	p2 =	slt.u32 s8, $0xFFFFF086  }
0x1c: {  	p1 =	slt.u32 s9, $0xF7A;
	s5 =	simm.s32 @!p2 $0x0  }
0x1d: {  	s5 =	simm.s32 @p1 $0x1;
	p0 =	seq.s32 s7, s2  }
0x1e: {  	s7 =	smul.u32 @!p0 $0xF7A, s2;
	p2 =	seq.s32 @!p0 s5, $0x0  }
0x1f: {  	s9 =	smul.u32 $0xF7A, s1;
	s8 =	simm.s32 @!p0 $0x1BF5;
	p2 =	por !p2, p0  }
0x20: {  	[sflag:s8] =	ssyncset.s32 @!p0 $0xFFFFF086;
	s6 =	sadd.s32 @!p0 s3, s7;
	s7 =	simm.s32 @!p0 $0x108  }
0x21: {  	s3 =	sadd.s32 s3, s9;
	s6 =	sadd.s32 @!p0 $0x88, s6;
	s7 =	simm.s32 @p2 $0x1082  }
0x22: {  	[simem:s7], [sflag:s8] =	dma.local @!p0 [hbm:s6], $0xF7A  }
0x23: {  	s9 =	sor.u32 $0xD0000000, s2;
	s6 =	simm.s32 $0x108;
	_ =	swait.ge @!p0 [sflag:s8], $0x0  }
0x24: {  	s3 =	sadd.s32 $0x88, s3;
	s6 =	simm.s32 @!p1 $0x1082;
	[sflag:s4] =	ssyncset.s32 $0xFFFFF086  }
0x25: {  	[simem:s6], [sflag:s4] =	dma.local [hbm:s3], $0xF7A  }
0x26: {  	[smem:$0x3F99] =	sst s1;
	(tag) =	ssettag s2;
	_ =	strace s9  }
0x27: {  	s1 =	sld [smem:$0x3FA9]  }
0x28: {  	s2 =	sld [smem:$0x3FAA]  }
0x29: {  	s4 =	sld [smem:$0x3FAC]  }
0x2a: {  	p0 =	seq.s32 s5, $0x0;
	s5 =	sld [smem:$0x3FAD]  }
0x2b: {  	s6 =	sld [smem:$0x3FAE]  }
0x2c: {  	s7 =	sld [smem:$0x3FAF]  }
0x2d: {  	s3 =	simm.s32 $0x108;
	s8 =	sld [smem:$0x3FB0]  }
0x2e: {  	s3 =	simm.s32 @!p0 $0x1082;
	s9 =	sld [smem:$0x3FB1]  }
0x2f: {  	lr =	sadd.s32 s0, s3;
	s0 =	sld [smem:$0x3FA8]  }
0x30: {  	s3 =	sld [smem:$0x3FAB]  }
0x31: {  	[smem:$0x3FB4] =	sst s10  }
0x32: {  	s10 =	sld [smem:$0x3FB2];
	_ =	sdelay $0x3  }
0x33: {  	p0 =	seq.s32 s10, $0x1;
	s10 =	sld [smem:$0x3FB4];
	_ =	sdelay $0x3  }
0x34: {  	[smem:$0x3FB4] =	sst s10  }
0x35: {  	s10 =	sld [smem:$0x3FB3];
	_ =	sdelay $0x3  }
0x36: {  	p1 =	seq.s32 s10, $0x1;
	s10 =	sld [smem:$0x3FB4];
	_ =	sdelay $0x3  }
0x37: {  	[smem:$0x3FB4] =	sst s10  }
0x38: {  	s10 =	sld [smem:$0x3FB5]  }
0x39: {  	_ = 	snop;
	(pc) =	sbr.ind lr, $3  }
0x3a: {  	_ = 	snop  }
0x3b: {  	_ = 	snop  }
0x3c: {  	p2 =	seq.s32 s10, $0x1;
	s10 =	sld [smem:$0x3FB4]  }
0x3d: {  	_ =	shalt  }
0x3e: {  	_ =	shalt  }
0x3f: {  	_ =	shalt  }
0x40: {  	_ =	shalt  }
0x41: {  	_ =	shalt  }
0x42: {  	_ =	shalt  }
0x43: {  	_ =	shalt  }
0x44: {  	_ =	shalt  }
0x45: {  	_ =	shalt  }
0x46: {  	_ =	shalt  }
0x47: {  	_ =	shalt  }
0x48: {  	_ =	shalt  }
0x49: {  	_ =	shalt  }
0x4a: {  	_ =	shalt  }
0x4b: {  	_ =	shalt  }
0x4c: {  	_ =	shalt  }
0x4d: {  	_ =	shalt  }
0x4e: {  	_ =	shalt  }
0x4f: {  	_ =	shalt  }
0x50: {  	_ =	shalt  }
0x51: {  	_ =	shalt  }
0x52: {  	_ =	shalt  }
0x53: {  	_ =	shalt  }
0x54: {  	_ =	shalt  }
0x55: {  	_ =	shalt  }
0x56: {  	_ =	shalt  }
0x57: {  	_ =	shalt  }
0x58: {  	_ =	shalt  }
0x59: {  	_ =	shalt  }
0x5a: {  	_ =	shalt  }
0x5b: {  	_ =	shalt  }
0x5c: {  	_ =	shalt  }
0x5d: {  	_ =	shalt  }
0x5e: {  	_ =	shalt  }
0x5f: {  	_ =	shalt  }
0x60: {  	_ =	shalt  }
0x61: {  	_ =	shalt  }
0x62: {  	_ =	shalt  }
0x63: {  	_ =	shalt  }
0x64: {  	_ =	shalt  }
0x65: {  	_ =	shalt  }
0x66: {  	_ =	shalt  }
0x67: {  	_ =	shalt  }
0x68: {  	_ =	shalt  }
0x69: {  	_ =	shalt  }
0x6a: {  	_ =	shalt  }
0x6b: {  	_ =	shalt  }
0x6c: {  	_ =	shalt  }
0x6d: {  	_ =	shalt  }
0x6e: {  	_ =	shalt  }
0x6f: {  	_ =	shalt  }
0x70: {  	_ =	shalt  }
0x71: {  	_ =	shalt  }
0x72: {  	_ =	shalt  }
0x73: {  	_ =	shalt  }
0x74: {  	_ =	shalt  }
0x75: {  	_ =	shalt  }
0x76: {  	_ =	shalt  }
0x77: {  	_ =	shalt  }
0x78: {  	_ =	shalt  }
0x79: {  	_ =	shalt  }
0x7a: {  	_ =	shalt  }
0x7b: {  	_ =	shalt  }
0x7c: {  	_ =	shalt  }
0x7d: {  	_ =	shalt  }
0x7e: {  	_ =	shalt  }
0x7f: {  	_ =	shalt  }
0x80: {  	_ =	shalt  }
0x81: {  	_ =	shalt  }
0x82: {  	_ =	shalt  }
0x83: {  	_ =	shalt  }
0x84: {  	_ =	shalt  }
0x85: {  	_ =	shalt  }
0x86: {  	_ =	shalt  }
0x87: {  	_ =	shalt  }
.Lfunc_end0:
.L_simem_size_0:
called_computation_lowered:
.L_overlay_start_0:
0x88: {  	s2 =	sld [smem:$0x3FD9]  }
0x89: {  	s3 =	sld [smem:$0x3FFE];
	_ =	sdelay $0x1  }
0x8a: {  	s1 =	srdreg.scid  }
0x8b: {  	s0 =	sand.u32 $0x1, s1  }
0x8c: {  	s16 =	sshll.u32 s0, $0xA;
	s2 =	sadd.s32 s3, s2  }
0x8d: {  	s2 =	sadd.s32 s2, s16  }
0x8e: {  	[smem:$0x3FC0] =	sst s2  }
0x8f: {  	_ = 	snop  }
0x90: {  	(tm) =	ssettm $0x1  }
0x91: {  	s17 =	sld [smem:$0x3FFB];
	_ =	sdelay $0x3  }
0x92: {  	_ =	strace s17  }
0x93: {  	s2 =	sld [smem:$0x3FFC];
	_ =	sdelay $0x3  }
0x94: {  	_ =	strace s2  }
0x95: {  	s2 =	sld [smem:$0x3FFD];
	_ =	sdelay $0x3  }
0x96: {  	_ =	strace s2  }
0x97: {  	_ =	strace $0x8FFFFFFF  }
0x98: {  	s18 =	sld [smem:$0x3FDB];
	_ =	sdelay $0x1  }
0x99: {  	s19 =	simm.s32 $_scs_section_size  }
0x9a: {  	s4 =	simm.s32 $_size__tile_overlayer_lowered;
	s5 =	simm.s32 $_tile_overlayer_lowered  }
0x9b: {  	s22 =	simm.s32 $0x1BFF;
	s21 =	sshll.u32 s5, $0x1;
	s2 =	sadd.s32 s19, s18  }
0x9c: {  	s6 =	simm.s32 $0x0;
	s20 =	sshll.u32 s4, $0x1;
	s4 =	sadd.s32 s21, s2  }
0x9d: {  	[timem:s6], [sflag:s22] =	dma.local [hbm:s4], s20  }
0x9e: {  	_ =	swait.ge [sflag:s22], s20  }
0x9f: {  	s3 =	ssub.s32 $0x0, s20;
	[sflag:s22] =	ssyncset.done $0x0  }
0xa0: {  	[sflag:s22] =	ssyncadd.s32 s3;
	_ =	sdelay $0x1  }
0xa1: {  	s23 =	simm.s32 $0x1B8B  }
0xa2: {  	_ =	swait.ge [sflag:s23], $0x1  }
0xa3: {  	[sflag:s23] =	ssyncset.done $0x0  }
0xa4: {  	s25 =	simm.s32 $0x1B8E;
	s24 =	sld [smem:$0x3FFE];
	[sflag:s23] =	ssyncadd.s32 $0xFFFFFFFF  }
0xa5: {  	s26 =	simm.s32 $execute0_lowered;
	[smem:$0x3FD2] =	sst s25  }
0xa6: {  	s4 =	sshll.u32 s26, $0x1;
	_ =	strace $0x80000046;
	[dreg:$0x1] =	wrdreg $0xFFFFFFFF  }
0xa7: {  	s28 =	simm.s32 $_size_execute0_lowered;
	s2 =	sadd.s32 s2, s4;
	[dreg:$0x0] =	wrdreg $0x0  }
0xa8: {  	s4 =	sshll.u32 s28, $0x1;
	[dreg:$0x2] =	wrdreg s2  }
0xa9: {  	[dreg:$0x3] =	wrdreg s4  }
0xaa: {  	[dreg:$0x4] =	wrdreg $0xC0  }
0xab: {  	_ =	task [dreg:s6], $0x5FFFF  }
0xac: {  	[dreg:$0x1] =	wrdreg $0xFFFFFFFF  }
0xad: {  	[dreg:$0x0] =	wrdreg $0x60  }
0xae: {  	[dreg:$0x2] =	wrdreg s24  }
0xaf: {  	[dreg:$0x3] =	wrdreg $0x124000  }
0xb0: {  	[dreg:$0x4] =	wrdreg $0x9  }
0xb1: {  	_ =	task.clear_ibuf [dreg:s6], $0x5FFFF;
	_ =	strace $0x90000046  }
0xb2: {  	s29 =	simm.s32 $0x9;
	_ =	strace $0x80000048  }
0xb3: {  	_ =	swait.ge [sflag:s29], $0x1  }
0xb4: {  	[sflag:s29] =	ssyncadd.s32 $0xFFFFFFFF  }
0xb5: {  	_ =	strace $0x90000048  }
0xb6: {  	_ =	sfence  }
0xb7: {  	s30 =	sld [smem:$0x0];
	_ =	sdelay $0x2  }
0xb8: {  	s31 =	sshll.u32 s1, $0xD;
	s1 =	sshrl.u32 s1, $0x2  }
0xb9: {  	s3 =	sand.u32 $0x4000, s31;
	s1 =	sadd.s32 s1, s30  }
0xba: {  	s0 =	sor.u32 s3, s0;
	s1 =	sshll.u32 s1, $0x11  }
0xbb: {  	s0 =	sor.u32 s1, s0  }
0xbc: {  	s0 =	sadd.s32 $0x8F2B, s0  }
0xbd: {  	[sflag:s0] =	ssyncadd.remote.s32 $0x1  }
0xbe: {  	_ =	sfence.sel $0xFFFF  }
0xbf: {  	[dreg:$0x0] =	wrdreg $0xFFFFFFFF;
	(pc) =	sbr.abs _section_cstart, $3  }
0xc0: {  	[dreg:$0x1] =	wrdreg $0xFFFFFFFF  }
0xc1: {  	_ =	task.clear_ibuf [dreg:s6], $0x2FFFF;
	_ =	strace $0x9FFFFFFF  }
0xc2: {  	(tm) =	ssettm $0x7FFFFFFF  }
0xc3: {  	_ =	shalt  }
tec
execute0_lowered:
.L_overlay_start_1:
0x0: {  	(tag) =	ssettag $0x1  }
0x1: {  	s1 =	srdreg.scid  }
0x2: {  	s1 =	sand.u32 $0x1, s1  }
0x3: {  	p0 =	seq.s32 s1, $0x1  }
.Ltmp0:
0x4: {  	_ = 	snop;
	(pc) =	sbr.rel @p0 .LBB2_10-.Ltmp0, $4  }
0x5: {  	s2 =	rddreg [dreg:$0x0]  }
0x6: {  	s3 =	rddreg [dreg:$0x1];
	s6 =	simm.s32 $0x0  }
0x7: {  	[smem:$0x7FF] =	sst s6  }
0x8: {  	s0 =	rddreg [dreg:$0x2];
	_ =	strace $0x80000047;
	s1 =	stileid.u32  }
0x9: {  	s4 =	smul.u32 $0x5000, s1  }
0xa: {  	s7 =	smul.u32 $0xA000, s1  }
0xb: {  	s5 =	sadd.s32 $0x3600, s2;
	s29 =	smul.u32 $0x1400, s1;
	s4 =	sshrl.u32 s4, $0x3  }
0xc: {  	s15 =	simm.s32 $0x1;
	s31 =	simm.s32 $0x2800;
	s5 =	sadd.s32 s5, s4  }
0xd: {  	s7 =	sshrl.u32 s7, $0x2;
	s30 =	sadd.s32 s29, s2;
	s8 =	sadd.s32 $0xA000, s5  }
0xe: {  	[tilespmem:s6], [sflag:$0x1] =	stream.linear.gather [hbm4b:s8+s6], $0x2800, $0x38;
	[tilespmem:$0x14C00] =	vst v63  }
0xf: {  	s4 =	sadd.s32 s7, s3;
	s2 =	sadd.s32 $0x17600, s30;
	_ =	swait.ge [sflag:s15], $0x2800  }
0x10: {  	s5 =	sadd.s32 $0xA500, s5;
	s14 =	sadd.s32 $0x400, s4;
	[sflag:s15] =	ssyncset.done $0x0  }
0x11: {  	s13 =	sadd.s32 $0x800, s4;
	s11 =	sadd.s32 $0xC00, s4;
	[sflag:s15] =	ssyncadd.s32 $0xFFFFD800  }
0x12: {  	[tilespmem:s31], [sflag:$0x1] =	stream.linear.gather [hbm4b:s5+s6], $0x2800, $0x38;
	[tilespmem:$0x14C00] =	vst v63  }
0x13: {  	s12 =	sadd.s32 $0x1000, s4;
	s10 =	sadd.s32 $0x1400, s4;
	_ =	swait.ge [sflag:s15], $0x2800  }
0x14: {  	s9 =	sadd.s32 $0x1800, s4;
	s7 =	sadd.s32 $0x2000, s4;
	[sflag:s15] =	ssyncset.done $0x0  }
0x15: {  	v0 =	vimm.f32 $1.000000000e+00;
	s8 =	sadd.s32 $0x1C00, s4;
	s5 =	sadd.s32 $0x2400, s4;
	[sflag:s15] =	ssyncadd.s32 $0xFFFFD800  }
.LBB2_2:
0x16: {  	p0 =	sne.s32 s6, $0x1FC0  }
.Ltmp1:
0x17: {  	_ = 	snop;
	(pc) =	sbr.rel @p0 .LBB2_2-.Ltmp1, $3  }
0x18: {  	_ =	sdelay $0x1  }
0x19: {  	s15 =	sshra.s32 s6, $0x2  }
0x1a: {  	s6 =	sadd.s32 $0x40, s6;
	[tilespmem:s15+$0x5000] =	vst v0  }
0x1b: {  	v0 =	vimm.f32 $0.0e+00;
	s6 =	simm.s32 $0x40;
	s15 =	simm.s32 $0x0  }
.LBB2_4:
0x1c: {  	p0 =	sne.s32 s6, $0xFC0;
	[tilespmem:s15+$0x5800] =	vst v0;
	s15 =	smov.u32 s6;
	s6 =	sadd.s32 $0x40, s6  }
.Ltmp2:
0x1d: {  	(pc) =	sbr.rel @p0 .LBB2_4-.Ltmp2, $2  }
0x1e: {  	_ =	sdelay $0x2  }
0x1f: {  	s15 =	sshra.s32 s15, $0x2  }
0x20: {  	[tilespmem:s15+$0x5800] =	vst v0;
	s30 =	simm.s32 $0x5800;
	s6 =	simm.s32 $0x1  }
0x21: {  	[spmem:s4] =	stream.linear.scatter [tilespmem:s30], [sflag:$0x1], $0x400, $0x38;
	[tilespmem:$0x14C00] =	vst v63  }
0x22: {  	_ =	swait.ge [sflag:s6], $0x400  }
0x23: {  	[sflag:s6] =	ssyncset.done $0x0  }
0x24: {  	[sflag:s6] =	ssyncadd.s32 $0xFFFFFC00  }
0x25: {  	[spmem:s14] =	stream.linear.scatter [tilespmem:s30], [sflag:$0x1], $0x400, $0x38;
	[tilespmem:$0x14C00] =	vst v63  }
0x26: {  	_ =	swait.ge [sflag:s6], $0x400  }
0x27: {  	[sflag:s6] =	ssyncset.done $0x0  }
0x28: {  	[sflag:s6] =	ssyncadd.s32 $0xFFFFFC00  }
0x29: {  	[spmem:s13] =	stream.linear.scatter [tilespmem:s30], [sflag:$0x1], $0x400, $0x38;
	[tilespmem:$0x14C00] =	vst v63  }
0x2a: {  	_ =	swait.ge [sflag:s6], $0x400  }
0x2b: {  	[sflag:s6] =	ssyncset.done $0x0  }
0x2c: {  	[sflag:s6] =	ssyncadd.s32 $0xFFFFFC00  }
0x2d: {  	[spmem:s11] =	stream.linear.scatter [tilespmem:s30], [sflag:$0x1], $0x400, $0x38;
	[tilespmem:$0x14C00] =	vst v63  }
0x2e: {  	_ =	swait.ge [sflag:s6], $0x400  }
0x2f: {  	[sflag:s6] =	ssyncset.done $0x0  }
0x30: {  	[sflag:s6] =	ssyncadd.s32 $0xFFFFFC00  }
0x31: {  	[spmem:s12] =	stream.linear.scatter [tilespmem:s30], [sflag:$0x1], $0x400, $0x38;
	[tilespmem:$0x14C00] =	vst v63  }
0x32: {  	_ =	swait.ge [sflag:s6], $0x400  }
0x33: {  	[sflag:s6] =	ssyncset.done $0x0  }
0x34: {  	[sflag:s6] =	ssyncadd.s32 $0xFFFFFC00  }
0x35: {  	[spmem:s10] =	stream.linear.scatter [tilespmem:s30], [sflag:$0x1], $0x400, $0x38;
	[tilespmem:$0x14C00] =	vst v63  }
0x36: {  	_ =	swait.ge [sflag:s6], $0x400  }
0x37: {  	[sflag:s6] =	ssyncset.done $0x0  }
0x38: {  	[sflag:s6] =	ssyncadd.s32 $0xFFFFFC00  }
0x39: {  	[spmem:s9] =	stream.linear.scatter [tilespmem:s30], [sflag:$0x1], $0x400, $0x38;
	[tilespmem:$0x14C00] =	vst v63  }
0x3a: {  	_ =	swait.ge [sflag:s6], $0x400  }
0x3b: {  	[sflag:s6] =	ssyncset.done $0x0  }
0x3c: {  	[sflag:s6] =	ssyncadd.s32 $0xFFFFFC00  }
0x3d: {  	[spmem:s8] =	stream.linear.scatter [tilespmem:s30], [sflag:$0x1], $0x400, $0x38;
	[tilespmem:$0x14C00] =	vst v63  }
0x3e: {  	_ =	swait.ge [sflag:s6], $0x400  }
0x3f: {  	[sflag:s6] =	ssyncset.done $0x0  }
0x40: {  	[sflag:s6] =	ssyncadd.s32 $0xFFFFFC00  }
0x41: {  	[spmem:s7] =	stream.linear.scatter [tilespmem:s30], [sflag:$0x1], $0x400, $0x38;
	[tilespmem:$0x14C00] =	vst v63  }
0x42: {  	_ =	swait.ge [sflag:s6], $0x400  }
0x43: {  	[sflag:s6] =	ssyncset.done $0x0  }
0x44: {  	[sflag:s6] =	ssyncadd.s32 $0xFFFFFC00  }
0x45: {  	[spmem:s5] =	stream.linear.scatter [tilespmem:s30], [sflag:$0x1], $0x400, $0x38;
	[tilespmem:$0x14C00] =	vst v63  }
0x46: {  	_ =	swait.ge [sflag:s6], $0x400  }
0x47: {  	[sflag:s6] =	ssyncset.done $0x0  }
0x48: {  	s31 =	simm.s32 $0x0;
	[sflag:s6] =	ssyncadd.s32 $0xFFFFFC00  }
0x49: {  	s7 =	simm.s32 $0x5000;
	s5 =	simm.s32 $0x80;
	[bflag:$0x0] =	sbarrier.arrive $0xFFFF  }
0x4a: {  	[spmem:s3] =	stream.indirect.scatter.add.f32 [tilespmem:s7], [sflag:$0x1], $0x10, s31, s5, $0xb8;
	[tilespmem:$0x14C00] =	vst v63  }
0x4b: {  	_ =	swait.ge [sflag:s6], $0x800  }
0x4c: {  	s8 =	simm.s32 $0x200;
	[sflag:s6] =	ssyncset.done $0x0  }
.LBB2_6:
0x4d: {  	s9 =	sshra.s32 s8, $0x2;
	[sflag:s6] =	ssyncadd.s32 $0xFFFFF800;
	p0 =	sne.s32 s8, $0x13E00  }
0x4e: {  	[spmem:s3] =	stream.indirect.scatter.add.f32 [tilespmem:s7], [sflag:$0x1], $0x10, s9, s5, $0xb8;
	[tilespmem:$0x14C00] =	vst v63  }
.Ltmp3:
0x4f: {  	_ = 	snop;
	(pc) =	sbr.rel @p0 .LBB2_6-.Ltmp3, $4  }
0x50: {  	_ = 	snop  }
0x51: {  	s8 =	sadd.s32 $0x200, s8  }
0x52: {  	_ =	swait.ge [sflag:s6], $0x800  }
0x53: {  	[sflag:s6] =	ssyncset.done $0x0  }
0x54: {  	[sflag:s6] =	ssyncadd.s32 $0xFFFFF800  }
0x55: {  	s3 =	simm.s32 $0x5C00;
	s30 =	simm.s32 $0x1;
	[bflag:$0x0] =	sbarrier.arrive $0xFFFF  }
0x56: {  	[tilespmem:s3], [sflag:$0x1] =	stream.linear.gather [spmem:s4], $0x2800, $0x38;
	[tilespmem:$0x14C00] =	vst v63  }
0x57: {  	_ =	swait.ge [sflag:s30], $0x2800  }
0x58: {  	[sflag:s30] =	ssyncset.done $0x0  }
0x59: {  	s31 =	simm.s32 $0x10;
	[sflag:s30] =	ssyncadd.s32 $0xFFFFD800  }
0x5a: {  	v0 =	vld [tilespmem:s31+$0x5BF0]  }
0x5b: {  	v1 =	vld [tilespmem:s31+$0x5C00];
	_ =	sdelay $0x3  }
0x5c: {  	v0 =	vadd.f32 $1.000000000e+00, v0  }
0x5d: {  	v1 =	vadd.f32 $1.000000000e+00, v1  }
0x5e: {  	v2 =	vshra.s32 v0, $0x1  }
0x5f: {  	v0 =	vmul.f32 $5.000000000e-01, v0;
	v3 =	vshra.s32 v1, $0x1;
	v1 =	vmul.f32 $5.000000000e-01, v1  }
0x60: {  	v2 =	vsub.s32 $0x5F3759DF, v2;
	v3 =	vsub.s32 $0x5F3759DF, v3  }
0x61: {  	v4 =	vmul.f32 v2, v0;
	v5 =	vmul.f32 v3, v1;
	_ =	sdelay $0x1  }
0x62: {  	v4 =	vmul.f32 v2, v4;
	v5 =	vmul.f32 v3, v5;
	_ =	sdelay $0x1  }
0x63: {  	v4 =	vsub.f32 $1.500000000e+00, v4;
	v5 =	vsub.f32 $1.500000000e+00, v5;
	_ =	sdelay $0x1  }
0x64: {  	v2 =	vmul.f32 v2, v4;
	v3 =	vmul.f32 v3, v5;
	_ =	sdelay $0x1  }
0x65: {  	v4 =	vmul.f32 v2, v0;
	v5 =	vmul.f32 v3, v1;
	_ =	sdelay $0x1  }
0x66: {  	v4 =	vmul.f32 v4, v2;
	v5 =	vmul.f32 v5, v3;
	_ =	sdelay $0x1  }
0x67: {  	v4 =	vsub.f32 $1.500000000e+00, v4;
	v5 =	vsub.f32 $1.500000000e+00, v5;
	_ =	sdelay $0x1  }
0x68: {  	v2 =	vmul.f32 v4, v2;
	v3 =	vmul.f32 v5, v3;
	_ =	sdelay $0x1  }
0x69: {  	v0 =	vmul.f32 v2, v0;
	v1 =	vmul.f32 v3, v1;
	_ =	sdelay $0x1  }
0x6a: {  	v0 =	vmul.f32 v0, v2;
	v1 =	vmul.f32 v1, v3;
	_ =	sdelay $0x1  }
0x6b: {  	v0 =	vsub.f32 $1.500000000e+00, v0;
	v63 =	vsub.f32 $1.500000000e+00, v1;
	_ =	sdelay $0x1  }
0x6c: {  	s5 =	simm.s32 $0x8440;
	s3 =	simm.s32 $0x8440;
	s4 =	simm.s32 $0xC0;
	v1 =	vmul.f32 v0, v2;
	v0 =	vmul.f32 v63, v3  }
.LBB2_8:
0x6d: {  	p0 =	sne.s32 s4, $0x9FC0  }
0x6e: {  	[tilespmem:s3+$0xFFFFFFC0] =	vst v1;
	s5 =	sadd.s32 $0x80, s5;
	s6 =	smov.u32 s4;
	s4 =	sadd.s32 $0x80, s4  }
0x6f: {  	[tilespmem:s3+$0xFFFFFFF0] =	vst v1  }
0x70: {  	[tilespmem:s3+$0xFFFFFFE0] =	vst v1  }
0x71: {  	[tilespmem:s3+$0xFFFFFFD0] =	vst v1  }
0x72: {  	[tilespmem:s3+$0x30] =	vst v0  }
0x73: {  	[tilespmem:s3+$0x20] =	vst v0  }
0x74: {  	[tilespmem:s3+$0x0] =	vst v0  }
0x75: {  	s6 =	sshra.s32 s6, $0x2;
	[tilespmem:s3+$0x10] =	vst v0;
	s3 =	smov.u32 s5  }
0x76: {  	v0 =	vld [tilespmem:s6+$0x5BF0]  }
0x77: {  	v1 =	vld [tilespmem:s6+$0x5C00];
	_ =	sdelay $0x3  }
0x78: {  	v0 =	vadd.f32 $1.000000000e+00, v0  }
0x79: {  	v1 =	vadd.f32 $1.000000000e+00, v1  }
0x7a: {  	v2 =	vshra.s32 v0, $0x1;
	v0 =	vmul.f32 $5.000000000e-01, v0  }
0x7b: {  	v2 =	vsub.s32 $0x5F3759DF, v2;
	v3 =	vshra.s32 v1, $0x1;
	v1 =	vmul.f32 $5.000000000e-01, v1  }
0x7c: {  	v4 =	vmul.f32 v2, v0;
	v3 =	vsub.s32 $0x5F3759DF, v3  }
0x7d: {  	v5 =	vmul.f32 v3, v1  }
0x7e: {  	v4 =	vmul.f32 v2, v4  }
0x7f: {  	v5 =	vmul.f32 v3, v5  }
0x80: {  	v4 =	vsub.f32 $1.500000000e+00, v4  }
0x81: {  	v5 =	vsub.f32 $1.500000000e+00, v5  }
0x82: {  	v2 =	vmul.f32 v2, v4  }
0x83: {  	v3 =	vmul.f32 v3, v5  }
0x84: {  	v4 =	vmul.f32 v2, v0  }
0x85: {  	v5 =	vmul.f32 v3, v1  }
0x86: {  	v4 =	vmul.f32 v4, v2  }
0x87: {  	v5 =	vmul.f32 v5, v3  }
0x88: {  	v4 =	vsub.f32 $1.500000000e+00, v4  }
0x89: {  	v5 =	vsub.f32 $1.500000000e+00, v5  }
0x8a: {  	v2 =	vmul.f32 v4, v2  }
0x8b: {  	v3 =	vmul.f32 v5, v3  }
0x8c: {  	v0 =	vmul.f32 v2, v0  }
0x8d: {  	v1 =	vmul.f32 v3, v1  }
0x8e: {  	v0 =	vmul.f32 v0, v2  }
.Ltmp4:
0x8f: {  	v1 =	vmul.f32 v1, v3;
	(pc) =	sbr.rel @p0 .LBB2_8-.Ltmp4, $4  }
0x90: {  	v0 =	vsub.f32 $1.500000000e+00, v0  }
0x91: {  	v4 =	vsub.f32 $1.500000000e+00, v1  }
0x92: {  	v1 =	vmul.f32 v0, v2  }
0x93: {  	v0 =	vmul.f32 v4, v3  }
0x94: {  	[tilespmem:s3+$0xFFFFFFC0] =	vst v1  }
0x95: {  	[tilespmem:s3+$0xFFFFFFF0] =	vst v1  }
0x96: {  	[tilespmem:s3+$0xFFFFFFE0] =	vst v1  }
0x97: {  	[tilespmem:s3+$0xFFFFFFD0] =	vst v1  }
0x98: {  	[tilespmem:s3+$0x30] =	vst v0  }
0x99: {  	[tilespmem:s3+$0x20] =	vst v0  }
0x9a: {  	[tilespmem:s3+$0x0] =	vst v0  }
0x9b: {  	s30 =	simm.s32 $0x0;
	s4 =	simm.s32 $0x8400;
	s31 =	simm.s32 $0x1;
	[tilespmem:s3+$0x10] =	vst v0  }
0x9c: {  	[hbm4b:s2+s30] =	stream.linear.scatter [tilespmem:s4], [sflag:$0x1], $0xA000, $0x38;
	[tilespmem:$0x14C00] =	vst v63  }
0x9d: {  	_ =	swait.ge [sflag:s31], $0xA000  }
0x9e: {  	[sflag:s31] =	ssyncset.done $0x0  }
0x9f: {  	[sflag:s31] =	ssyncadd.s32 $0xFFFF6000  }
.LBB2_10:
0xa0: {  	_ =	sfence.sel $0x180000  }
0xa1: {  	[bflag:$0x0] =	sbarrier.arrive $0xFFFF  }
0xa2: {  	p0 =	sne.s32 s1, $0x0;
	_ =	strace $0x90000047  }
0xa3: {  	s0 =	sadd.s32 @!p0 $0x100000, s0;
	[bflag:$0x2] =	sbarrier.arrive $0xFFFF  }
0xa4: {  	[sflag:s0] =	ssyncadd.tile.s32 @!p0 $0x1;
	_ =	shalt  }
.Lfunc_end2:
_tile_overlayer_lowered:
.L_overlay_start_2:
0xa5: {  	(tag) =	ssettag $0x2  }
0xa6: {  	s0 =	rddreg [dreg:$0x0];
	s2 =	stileid.u32  }
0xa7: {  	s1 =	rddreg [dreg:$0x1];
	p0 =	sne.s32 s2, $0x0  }
0xa8: {  	s3 =	rddreg [dreg:$0x2];
	[bflag:$0x3] =	sbarrier.arrive $0xFFFF;
	s2 =	simm.s32 @!p0 $0x1C01  }
0xa9: {  	[timem:s3], [sflag:s2] =	dma.local @!p0 [hbm:s0], s1  }
0xaa: {  	s0 =	simm.s32 @!p0 $0x1  }
0xab: {  	_ =	swait.ge @!p0 [sflag:s0], s1  }
0xac: {  	s1 =	ssub.s32 @!p0 $0x0, s1;
	[sflag:s0] =	ssyncset.done @!p0 $0x0  }
0xad: {  	[sflag:s0] =	ssyncadd.s32 @!p0 s1  }
0xae: {  	[bflag:$0x3] =	sbarrier.arrive $0xFFFF  }
0xaf: {  	_ =	shalt  }

// kernel: kernel.14.cloned.1.call-start
scs
__scs_entry_jumppad:
0x0: {  	(pc) =	sbr.rel $0x88, $3  }
0x1: {  	(tag) =	ssettag $0x0;
	lr =	simm.s32 $0x1  }
0x2: {  	[smem:$0x3F99] =	sst lr;
	_ =	strace $0xD0000000  }
0x3: {  	_ = 	snop  }
0x4: {  	_ = 	snop  }
0x5: {  	_ = 	snop  }
0x6: {  	_ = 	snop  }
0x7: {  	_ = 	snop  }
__scs_overlays_trampoline_lowered:
0x8: {  	[smem:$0x3FA8] =	sst s0  }
0x9: {  	[smem:$0x3FA9] =	sst s1  }
0xa: {  	[smem:$0x3FAA] =	sst s2  }
0xb: {  	[smem:$0x3FAB] =	sst s3  }
0xc: {  	[smem:$0x3FAC] =	sst s4  }
0xd: {  	[smem:$0x3FAD] =	sst s5  }
0xe: {  	[smem:$0x3FAE] =	sst s6  }
0xf: {  	[smem:$0x3FAF] =	sst s7  }
0x10: {  	[smem:$0x3FB0] =	sst s8  }
0x11: {  	[smem:$0x3FB1] =	sst s9;
	s0 =	simm.s32 @!p0 $0x0  }
0x12: {  	s1 =	sld [smem:$0x3F97];
	s0 =	simm.s32 @p0 $0x1  }
0x13: {  	[smem:$0x3FB2] =	sst s0;
	s0 =	simm.s32 @!p1 $0x0  }
0x14: {  	s2 =	sld [smem:$0x3F96];
	s0 =	simm.s32 @p1 $0x1  }
0x15: {  	[smem:$0x3FB3] =	sst s0;
	s0 =	simm.s32 @!p2 $0x0  }
0x16: {  	s3 =	sld [smem:$0x3FDB];
	s0 =	simm.s32 @p2 $0x1  }
0x17: {  	s4 =	simm.s32 $0x1BF5;
	[smem:$0x3FB5] =	sst s0  }
0x18: {  	s0 =	sld [smem:$0x3F98];
	_ =	swait.ge [sflag:s4], $0x0  }
0x19: {  	s7 =	sld [smem:$0x3F99]  }
0x1a: {  	s8 =	sadd.s32 $0xFFFFE003, lr  }
0x1b: {  	s9 =	sadd.s32 $0xFFFFFEF7, lr;
	s5 =	simm.s32 $0xFFFFFFFF;
	p2 =	slt.u32 s8, $0xFFFFF086  }
0x1c: {  	p1 =	slt.u32 s9, $0xF7A;
	s5 =	simm.s32 @!p2 $0x0  }
0x1d: {  	s5 =	simm.s32 @p1 $0x1;
	p0 =	seq.s32 s7, s2  }
0x1e: {  	s7 =	smul.u32 @!p0 $0xF7A, s2;
	p2 =	seq.s32 @!p0 s5, $0x0  }
0x1f: {  	s9 =	smul.u32 $0xF7A, s1;
	s8 =	simm.s32 @!p0 $0x1BF5;
	p2 =	por !p2, p0  }
0x20: {  	[sflag:s8] =	ssyncset.s32 @!p0 $0xFFFFF086;
	s6 =	sadd.s32 @!p0 s3, s7;
	s7 =	simm.s32 @!p0 $0x108  }
0x21: {  	s3 =	sadd.s32 s3, s9;
	s6 =	sadd.s32 @!p0 $0x88, s6;
	s7 =	simm.s32 @p2 $0x1082  }
0x22: {  	[simem:s7], [sflag:s8] =	dma.local @!p0 [hbm:s6], $0xF7A  }
0x23: {  	s9 =	sor.u32 $0xD0000000, s2;
	s6 =	simm.s32 $0x108;
	_ =	swait.ge @!p0 [sflag:s8], $0x0  }
0x24: {  	s3 =	sadd.s32 $0x88, s3;
	s6 =	simm.s32 @!p1 $0x1082;
	[sflag:s4] =	ssyncset.s32 $0xFFFFF086  }
0x25: {  	[simem:s6], [sflag:s4] =	dma.local [hbm:s3], $0xF7A  }
0x26: {  	[smem:$0x3F99] =	sst s1;
	(tag) =	ssettag s2;
	_ =	strace s9  }
0x27: {  	s1 =	sld [smem:$0x3FA9]  }
0x28: {  	s2 =	sld [smem:$0x3FAA]  }
0x29: {  	s4 =	sld [smem:$0x3FAC]  }
0x2a: {  	p0 =	seq.s32 s5, $0x0;
	s5 =	sld [smem:$0x3FAD]  }
0x2b: {  	s6 =	sld [smem:$0x3FAE]  }
0x2c: {  	s7 =	sld [smem:$0x3FAF]  }
0x2d: {  	s3 =	simm.s32 $0x108;
	s8 =	sld [smem:$0x3FB0]  }
0x2e: {  	s3 =	simm.s32 @!p0 $0x1082;
	s9 =	sld [smem:$0x3FB1]  }
0x2f: {  	lr =	sadd.s32 s0, s3;
	s0 =	sld [smem:$0x3FA8]  }
0x30: {  	s3 =	sld [smem:$0x3FAB]  }
0x31: {  	[smem:$0x3FB4] =	sst s10  }
0x32: {  	s10 =	sld [smem:$0x3FB2];
	_ =	sdelay $0x3  }
0x33: {  	p0 =	seq.s32 s10, $0x1;
	s10 =	sld [smem:$0x3FB4];
	_ =	sdelay $0x3  }
0x34: {  	[smem:$0x3FB4] =	sst s10  }
0x35: {  	s10 =	sld [smem:$0x3FB3];
	_ =	sdelay $0x3  }
0x36: {  	p1 =	seq.s32 s10, $0x1;
	s10 =	sld [smem:$0x3FB4];
	_ =	sdelay $0x3  }
0x37: {  	[smem:$0x3FB4] =	sst s10  }
0x38: {  	s10 =	sld [smem:$0x3FB5]  }
0x39: {  	_ = 	snop;
	(pc) =	sbr.ind lr, $3  }
0x3a: {  	_ = 	snop  }
0x3b: {  	_ = 	snop  }
0x3c: {  	p2 =	seq.s32 s10, $0x1;
	s10 =	sld [smem:$0x3FB4]  }
0x3d: {  	_ =	shalt  }
0x3e: {  	_ =	shalt  }
0x3f: {  	_ =	shalt  }
0x40: {  	_ =	shalt  }
0x41: {  	_ =	shalt  }
0x42: {  	_ =	shalt  }
0x43: {  	_ =	shalt  }
0x44: {  	_ =	shalt  }
0x45: {  	_ =	shalt  }
0x46: {  	_ =	shalt  }
0x47: {  	_ =	shalt  }
0x48: {  	_ =	shalt  }
0x49: {  	_ =	shalt  }
0x4a: {  	_ =	shalt  }
0x4b: {  	_ =	shalt  }
0x4c: {  	_ =	shalt  }
0x4d: {  	_ =	shalt  }
0x4e: {  	_ =	shalt  }
0x4f: {  	_ =	shalt  }
0x50: {  	_ =	shalt  }
0x51: {  	_ =	shalt  }
0x52: {  	_ =	shalt  }
0x53: {  	_ =	shalt  }
0x54: {  	_ =	shalt  }
0x55: {  	_ =	shalt  }
0x56: {  	_ =	shalt  }
0x57: {  	_ =	shalt  }
0x58: {  	_ =	shalt  }
0x59: {  	_ =	shalt  }
0x5a: {  	_ =	shalt  }
0x5b: {  	_ =	shalt  }
0x5c: {  	_ =	shalt  }
0x5d: {  	_ =	shalt  }
0x5e: {  	_ =	shalt  }
0x5f: {  	_ =	shalt  }
0x60: {  	_ =	shalt  }
0x61: {  	_ =	shalt  }
0x62: {  	_ =	shalt  }
0x63: {  	_ =	shalt  }
0x64: {  	_ =	shalt  }
0x65: {  	_ =	shalt  }
0x66: {  	_ =	shalt  }
0x67: {  	_ =	shalt  }
0x68: {  	_ =	shalt  }
0x69: {  	_ =	shalt  }
0x6a: {  	_ =	shalt  }
0x6b: {  	_ =	shalt  }
0x6c: {  	_ =	shalt  }
0x6d: {  	_ =	shalt  }
0x6e: {  	_ =	shalt  }
0x6f: {  	_ =	shalt  }
0x70: {  	_ =	shalt  }
0x71: {  	_ =	shalt  }
0x72: {  	_ =	shalt  }
0x73: {  	_ =	shalt  }
0x74: {  	_ =	shalt  }
0x75: {  	_ =	shalt  }
0x76: {  	_ =	shalt  }
0x77: {  	_ =	shalt  }
0x78: {  	_ =	shalt  }
0x79: {  	_ =	shalt  }
0x7a: {  	_ =	shalt  }
0x7b: {  	_ =	shalt  }
0x7c: {  	_ =	shalt  }
0x7d: {  	_ =	shalt  }
0x7e: {  	_ =	shalt  }
0x7f: {  	_ =	shalt  }
0x80: {  	_ =	shalt  }
0x81: {  	_ =	shalt  }
0x82: {  	_ =	shalt  }
0x83: {  	_ =	shalt  }
0x84: {  	_ =	shalt  }
0x85: {  	_ =	shalt  }
0x86: {  	_ =	shalt  }
0x87: {  	_ =	shalt  }
.Lfunc_end0:
.L_simem_size_0:
called_computation.1_lowered:
.L_overlay_start_0:
0x88: {  	s2 =	sld [smem:$0x3FD9]  }
0x89: {  	s3 =	sld [smem:$0x3FFE];
	_ =	sdelay $0x1  }
0x8a: {  	s1 =	srdreg.scid  }
0x8b: {  	s0 =	sand.u32 $0x1, s1  }
0x8c: {  	s16 =	sshll.u32 s0, $0xA;
	s2 =	sadd.s32 s3, s2  }
0x8d: {  	s2 =	sadd.s32 s2, s16  }
0x8e: {  	[smem:$0x3FC0] =	sst s2  }
0x8f: {  	_ = 	snop  }
0x90: {  	(tm) =	ssettm $0x1  }
0x91: {  	s17 =	sld [smem:$0x3FFB];
	_ =	sdelay $0x3  }
0x92: {  	_ =	strace s17  }
0x93: {  	s2 =	sld [smem:$0x3FFC];
	_ =	sdelay $0x3  }
0x94: {  	_ =	strace s2  }
0x95: {  	s2 =	sld [smem:$0x3FFD];
	_ =	sdelay $0x3  }
0x96: {  	_ =	strace s2  }
0x97: {  	_ =	strace $0x8FFFFFFF  }
0x98: {  	s18 =	sld [smem:$0x3FDB];
	_ =	sdelay $0x1  }
0x99: {  	s19 =	simm.s32 $_scs_section_size  }
0x9a: {  	s4 =	simm.s32 $_size__tile_overlayer_lowered;
	s5 =	simm.s32 $_tile_overlayer_lowered  }
0x9b: {  	s22 =	simm.s32 $0x1BFF;
	s21 =	sshll.u32 s5, $0x1;
	s2 =	sadd.s32 s19, s18  }
0x9c: {  	s6 =	simm.s32 $0x0;
	s20 =	sshll.u32 s4, $0x1;
	s4 =	sadd.s32 s21, s2  }
0x9d: {  	[timem:s6], [sflag:s22] =	dma.local [hbm:s4], s20  }
0x9e: {  	_ =	swait.ge [sflag:s22], s20  }
0x9f: {  	s3 =	ssub.s32 $0x0, s20;
	[sflag:s22] =	ssyncset.done $0x0  }
0xa0: {  	[sflag:s22] =	ssyncadd.s32 s3;
	_ =	sdelay $0x1  }
0xa1: {  	s23 =	simm.s32 $0x1B8B  }
0xa2: {  	_ =	swait.ge [sflag:s23], $0x1  }
0xa3: {  	[sflag:s23] =	ssyncset.done $0x0  }
0xa4: {  	s25 =	simm.s32 $0x1B8E;
	s24 =	sld [smem:$0x3FFE];
	[sflag:s23] =	ssyncadd.s32 $0xFFFFFFFF  }
0xa5: {  	s26 =	simm.s32 $execute0_lowered;
	[smem:$0x3FD2] =	sst s25  }
0xa6: {  	s4 =	sshll.u32 s26, $0x1;
	_ =	strace $0x80000049;
	[dreg:$0x1] =	wrdreg $0xFFFFFFFF  }
0xa7: {  	s28 =	simm.s32 $_size_execute0_lowered;
	s2 =	sadd.s32 s2, s4;
	[dreg:$0x0] =	wrdreg $0x0  }
0xa8: {  	s4 =	sshll.u32 s28, $0x1;
	[dreg:$0x2] =	wrdreg s2  }
0xa9: {  	[dreg:$0x3] =	wrdreg s4  }
0xaa: {  	[dreg:$0x4] =	wrdreg $0xC0  }
0xab: {  	_ =	task [dreg:s6], $0x5FFFF  }
0xac: {  	[dreg:$0x1] =	wrdreg $0xFFFFFFFF  }
0xad: {  	[dreg:$0x0] =	wrdreg $0x60  }
0xae: {  	[dreg:$0x2] =	wrdreg s24  }
0xaf: {  	[dreg:$0x3] =	wrdreg $0x160000  }
0xb0: {  	[dreg:$0x4] =	wrdreg $0x9  }
0xb1: {  	_ =	task.clear_ibuf [dreg:s6], $0x5FFFF;
	_ =	strace $0x90000049  }
0xb2: {  	s29 =	simm.s32 $0x9;
	_ =	strace $0x8000004B  }
0xb3: {  	_ =	swait.ge [sflag:s29], $0x1  }
0xb4: {  	[sflag:s29] =	ssyncadd.s32 $0xFFFFFFFF  }
0xb5: {  	_ =	strace $0x9000004B  }
0xb6: {  	_ =	sfence  }
0xb7: {  	s30 =	sld [smem:$0x0];
	_ =	sdelay $0x2  }
0xb8: {  	s31 =	sshll.u32 s1, $0xD;
	s1 =	sshrl.u32 s1, $0x2  }
0xb9: {  	s3 =	sand.u32 $0x4000, s31;
	s1 =	sadd.s32 s1, s30  }
0xba: {  	s0 =	sor.u32 s3, s0;
	s1 =	sshll.u32 s1, $0x11  }
0xbb: {  	s0 =	sor.u32 s1, s0  }
0xbc: {  	s0 =	sadd.s32 $0x8F2B, s0  }
0xbd: {  	[sflag:s0] =	ssyncadd.remote.s32 $0x1  }
0xbe: {  	_ =	sfence.sel $0xFFFF  }
0xbf: {  	[dreg:$0x0] =	wrdreg $0xFFFFFFFF;
	(pc) =	sbr.abs _section_cstart, $3  }
0xc0: {  	[dreg:$0x1] =	wrdreg $0xFFFFFFFF  }
0xc1: {  	_ =	task.clear_ibuf [dreg:s6], $0x2FFFF;
	_ =	strace $0x9FFFFFFF  }
0xc2: {  	(tm) =	ssettm $0x7FFFFFFF  }
0xc3: {  	_ =	shalt  }
tec
execute0_lowered:
.L_overlay_start_1:
0x0: {  	(tag) =	ssettag $0x1  }
0x1: {  	s0 =	srdreg.scid;
	s3 =	rddreg [dreg:$0x0]  }
0x2: {  	s7 =	stileid.u32;
	s2 =	rddreg [dreg:$0x1]  }
0x3: {  	s4 =	simm.s32 $0x0;
	s24 =	simm.s32 $0xD000;
	s25 =	simm.s32 $0x11000  }
0x4: {  	s0 =	sand.u32 $0x1, s0;
	[smem:$0x7FF] =	sst s4;
	s6 =	smul.u32 $0xA000, s7  }
0x5: {  	s4 =	sadd.s32 $0x17600, s3;
	s1 =	sshll.u32 s0, $0x4;
	s5 =	smul.u32 $0xA0000, s0  }
0x6: {  	_ =	strace $0x8000004A;
	s0 =	ssub.s32 $0x2, s0;
	[dreg:$0x3] =	wrdreg s24  }
0x7: {  	[dreg:$0x4] =	wrdreg s25;
	s1 =	sor.u32 s7, s1;
	s7 =	smul.u32 $0x28000, s7  }
0x8: {  	s8 =	sshrl.u32 s0, $0x1;
	s14 =	sadd.s32 s6, s2;
	s1 =	smul.u32 $0x2800, s1  }
0x9: {  	s5 =	sadd.s32 s6, s5;
	s0 =	ssub.s32 s0, s8;
	s26 =	sshrl.u32 s14, $0x3  }
0xa: {  	s5 =	sshrl.u32 s5, $0x3;
	s0 =	smax.u32 s0, $0x1;
	[dreg:$0x13] =	wrdreg s26  }
0xb: {  	s11 =	sshrl.u32 s7, $0x2;
	s1 =	sshrl.u32 s1, $0x3;
	[dreg:$0x9] =	wrdreg s0  }
0xc: {  	s1 =	sadd.s32 s1, s3;
	s3 =	sadd.s32 s5, s3;
	s5 =	sadd.s32 s11, s2  }
0xd: {  	s12 =	sadd.s32 $0x3600, s1;
	[dreg:$0x7] =	wrdreg s5  }
0xe: {  	s1 =	sadd.s32 $0xD600, s1;
	[dreg:$0x5] =	wrdreg s12  }
0xf: {  	s28 =	simm.s32 $0x9000;
	s13 =	sadd.s32 $0x2B600, s3;
	[dreg:$0x6] =	wrdreg s1  }
0x10: {  	s30 =	simm.s32 $0xB000;
	s15 =	sadd.s32 $0x1000, s5;
	[dreg:$0x8] =	wrdreg s13  }
0x11: {  	s31 =	simm.s32 $0x1;
	s16 =	sadd.s32 $0x2000, s5;
	[dreg:$0xa] =	wrdreg s15  }
0x12: {  	s29 =	simm.s32 $0x4;
	s17 =	sadd.s32 $0x3000, s5;
	[dreg:$0xb] =	wrdreg s16  }
0x13: {  	s24 =	simm.s32 $0x7000;
	s18 =	sadd.s32 $0x4000, s5;
	[dreg:$0xc] =	wrdreg s17  }
0x14: {  	s6 =	simm.s32 $0x0;
	s19 =	sadd.s32 $0x5000, s5;
	[dreg:$0xd] =	wrdreg s18  }
0x15: {  	s26 =	simm.s32 $0x3;
	s20 =	sadd.s32 $0x6000, s5;
	[dreg:$0xe] =	wrdreg s19  }
0x16: {  	s0 =	simm.s32 $0x13000;
	s21 =	sadd.s32 $0x7000, s5;
	[dreg:$0xf] =	wrdreg s20  }
0x17: {  	s22 =	sadd.s32 $0x8000, s5;
	s23 =	sadd.s32 $0x9000, s5;
	[dreg:$0x10] =	wrdreg s21  }
0x18: {  	s3 =	simm.s32 $0x5;
	s5 =	simm.s32 $0x7;
	[dreg:$0x11] =	wrdreg s22  }
0x19: {  	[dreg:$0x12] =	wrdreg s23;
	s19 =	simm.s32 $0x9;
	s22 =	simm.s32 $0x80  }
0x1a: {  	v0 =	vimm.f32 $0.0e+00;
	s23 =	simm.s32 $0x5000;
	s1 =	simm.s32 $0x2;
	s20 =	simm.s32 $0xF000  }
.LBB2_1:
0x1b: {  	s7 =	simm.s32 $0x0;
	s8 =	rddreg [dreg:$0x5]  }
0x1c: {  	[tilespmem:s7], [sflag:$0x9] =	stream.linear.gather [hbm4b:s8+s7], $0x2800, $0x38;
	v63 =	vld [tilespmem:$0x0]  }
0x1d: {  	_ =	swait.ge [sflag:s19], $0x2800  }
0x1e: {  	[sflag:s19] =	ssyncset.done $0x0  }
0x1f: {  	s9 =	simm.s32 $0x2800;
	s25 =	rddreg [dreg:$0x6];
	[sflag:s19] =	ssyncadd.s32 $0xFFFFD800  }
0x20: {  	[tilespmem:s9], [sflag:$0x9] =	stream.linear.gather [hbm4b:s25+s7], $0x2800, $0x38;
	v63 =	vld [tilespmem:$0x0]  }
0x21: {  	_ =	swait.ge [sflag:s19], $0x2800  }
0x22: {  	[sflag:s19] =	ssyncset.done $0x0  }
0x23: {  	s8 =	simm.s32 $0x0;
	s9 =	simm.s32 $0x100;
	[sflag:s19] =	ssyncadd.s32 $0xFFFFD800  }
.LBB2_2:
0x24: {  	p0 =	sne.s32 s9, $0x3F00;
	[tilespmem:s8+$0x15030] =	vst v0;
	s10 =	smov.u32 s9;
	s9 =	sadd.s32 $0x100, s9  }
.Ltmp0:
0x25: {  	[tilespmem:s8+$0x15020] =	vst v0;
	(pc) =	sbr.rel @p0 .LBB2_2-.Ltmp0, $3  }
0x26: {  	[tilespmem:s8+$0x15000] =	vst v0  }
0x27: {  	[tilespmem:s8+$0x15010] =	vst v0;
	_ =	sdelay $0x1  }
0x28: {  	s8 =	sshra.s32 s10, $0x2  }
0x29: {  	[tilespmem:s8+$0x15030] =	vst v0  }
0x2a: {  	[tilespmem:s8+$0x15020] =	vst v0  }
0x2b: {  	[tilespmem:s8+$0x15000] =	vst v0  }
0x2c: {  	[tilespmem:s8+$0x15010] =	vst v0;
	s7 =	rddreg [dreg:$0x7];
	s11 =	simm.s32 $0x15000  }
0x2d: {  	[spmem:s7] =	stream.linear.scatter [tilespmem:s11], [sflag:$0x9], $0x1000, $0x38;
	v63 =	vld [tilespmem:$0x0]  }
0x2e: {  	_ =	swait.ge [sflag:s19], $0x1000  }
0x2f: {  	[sflag:s19] =	ssyncset.done $0x0  }
0x30: {  	s12 =	rddreg [dreg:$0xa];
	[sflag:s19] =	ssyncadd.s32 $0xFFFFF000  }
0x31: {  	[spmem:s12] =	stream.linear.scatter [tilespmem:s11], [sflag:$0x9], $0x1000, $0x38;
	v63 =	vld [tilespmem:$0x0]  }
0x32: {  	_ =	swait.ge [sflag:s19], $0x1000  }
0x33: {  	[sflag:s19] =	ssyncset.done $0x0  }
0x34: {  	s13 =	rddreg [dreg:$0xb];
	[sflag:s19] =	ssyncadd.s32 $0xFFFFF000  }
0x35: {  	[spmem:s13] =	stream.linear.scatter [tilespmem:s11], [sflag:$0x9], $0x1000, $0x38;
	v63 =	vld [tilespmem:$0x0]  }
0x36: {  	_ =	swait.ge [sflag:s19], $0x1000  }
0x37: {  	[sflag:s19] =	ssyncset.done $0x0  }
0x38: {  	s14 =	rddreg [dreg:$0xc];
	[sflag:s19] =	ssyncadd.s32 $0xFFFFF000  }
0x39: {  	[spmem:s14] =	stream.linear.scatter [tilespmem:s11], [sflag:$0x9], $0x1000, $0x38;
	v63 =	vld [tilespmem:$0x0]  }
0x3a: {  	_ =	swait.ge [sflag:s19], $0x1000  }
0x3b: {  	[sflag:s19] =	ssyncset.done $0x0  }
0x3c: {  	s15 =	rddreg [dreg:$0xd];
	[sflag:s19] =	ssyncadd.s32 $0xFFFFF000  }
0x3d: {  	[spmem:s15] =	stream.linear.scatter [tilespmem:s11], [sflag:$0x9], $0x1000, $0x38;
	v63 =	vld [tilespmem:$0x0]  }
0x3e: {  	_ =	swait.ge [sflag:s19], $0x1000  }
0x3f: {  	[sflag:s19] =	ssyncset.done $0x0  }
0x40: {  	s16 =	rddreg [dreg:$0xe];
	[sflag:s19] =	ssyncadd.s32 $0xFFFFF000  }
0x41: {  	[spmem:s16] =	stream.linear.scatter [tilespmem:s11], [sflag:$0x9], $0x1000, $0x38;
	v63 =	vld [tilespmem:$0x0]  }
0x42: {  	_ =	swait.ge [sflag:s19], $0x1000  }
0x43: {  	[sflag:s19] =	ssyncset.done $0x0  }
0x44: {  	s17 =	rddreg [dreg:$0xf];
	[sflag:s19] =	ssyncadd.s32 $0xFFFFF000  }
0x45: {  	[spmem:s17] =	stream.linear.scatter [tilespmem:s11], [sflag:$0x9], $0x1000, $0x38;
	v63 =	vld [tilespmem:$0x0]  }
0x46: {  	_ =	swait.ge [sflag:s19], $0x1000  }
0x47: {  	[sflag:s19] =	ssyncset.done $0x0  }
0x48: {  	s18 =	rddreg [dreg:$0x10];
	[sflag:s19] =	ssyncadd.s32 $0xFFFFF000  }
0x49: {  	[spmem:s18] =	stream.linear.scatter [tilespmem:s11], [sflag:$0x9], $0x1000, $0x38;
	v63 =	vld [tilespmem:$0x0]  }
0x4a: {  	_ =	swait.ge [sflag:s19], $0x1000  }
0x4b: {  	[sflag:s19] =	ssyncset.done $0x0  }
0x4c: {  	s21 =	rddreg [dreg:$0x11];
	[sflag:s19] =	ssyncadd.s32 $0xFFFFF000  }
0x4d: {  	[spmem:s21] =	stream.linear.scatter [tilespmem:s11], [sflag:$0x9], $0x1000, $0x38;
	v63 =	vld [tilespmem:$0x0]  }
0x4e: {  	_ =	swait.ge [sflag:s19], $0x1000  }
0x4f: {  	[sflag:s19] =	ssyncset.done $0x0  }
0x50: {  	s25 =	rddreg [dreg:$0x12];
	[sflag:s19] =	ssyncadd.s32 $0xFFFFF000  }
0x51: {  	[spmem:s25] =	stream.linear.scatter [tilespmem:s11], [sflag:$0x9], $0x1000, $0x38;
	v63 =	vld [tilespmem:$0x0]  }
0x52: {  	_ =	swait.ge [sflag:s19], $0x1000  }
0x53: {  	[sflag:s19] =	ssyncset.done $0x0  }
0x54: {  	[sflag:s19] =	ssyncadd.s32 $0xFFFFF000  }
0x55: {  	s7 =	simm.s32 $0x0;
	[bflag:$0x0] =	sbarrier.arrive $0xFFFF  }
0x56: {  	[tilespmem:s23], [sflag:$0x1] =	stream.indirect.gather [hbm4b:s4+s22], $0x40, s7, s22, $0xb8;
	v63 =	vld [tilespmem:$0x0]  }
0x57: {  	_ = 	snop  }
0x58: {  	[tilespmem:s24], [sflag:$0x2] =	stream.indirect.gather [hbm4b:s4+s22], $0x40, s22, s22, $0xb8;
	v63 =	vld [tilespmem:$0x0]  }
0x59: {  	s8 =	simm.s32 $0x100  }
0x5a: {  	[tilespmem:s28], [sflag:$0x3] =	stream.indirect.gather [hbm4b:s4+s22], $0x40, s8, s22, $0xb8;
	v63 =	vld [tilespmem:$0x0]  }
0x5b: {  	s9 =	simm.s32 $0x180  }
0x5c: {  	[tilespmem:s30], [sflag:$0x4] =	stream.indirect.gather [hbm4b:s4+s22], $0x40, s9, s22, $0xb8;
	v63 =	vld [tilespmem:$0x0]  }
0x5d: {  	_ =	swait.ge [sflag:s31], $0x2000  }
0x5e: {  	[sflag:s31] =	ssyncset.done $0x0  }
0x5f: {  	s9 =	simm.s32 $0x200;
	s10 =	rddreg [dreg:$0x3];
	[sflag:s31] =	ssyncadd.s32 $0xFFFFE000  }
0x60: {  	[tilespmem:s10], [sflag:$0x5] =	stream.indirect.gather [hbm4b:s4+s22], $0x40, s9, s22, $0xb8;
	v63 =	vld [tilespmem:$0x0]  }
0x61: {  	s11 =	simm.s32 $0x2800  }
0x62: {  	[spmem:s2] =	stream.indirect.scatter.add.f32 [tilespmem:s23], [sflag:$0x9], $0x40, s11, s22, $0xb8;
	v63 =	vld [tilespmem:$0x0]  }
0x63: {  	_ =	swait.ge [sflag:s19], $0x2000  }
0x64: {  	[sflag:s19] =	ssyncset.done $0x0  }
0x65: {  	[sflag:s19] =	ssyncadd.s32 $0xFFFFE000  }
0x66: {  	_ =	swait.ge [sflag:s1], $0x2000  }
0x67: {  	[sflag:s1] =	ssyncset.done $0x0  }
0x68: {  	s12 =	simm.s32 $0x280;
	[sflag:s1] =	ssyncadd.s32 $0xFFFFE000  }
0x69: {  	[tilespmem:s20], [sflag:$0x6] =	stream.indirect.gather [hbm4b:s4+s22], $0x40, s12, s22, $0xb8;
	v63 =	vld [tilespmem:$0x0]  }
0x6a: {  	s13 =	simm.s32 $0x2880  }
0x6b: {  	[spmem:s2] =	stream.indirect.scatter.add.f32 [tilespmem:s24], [sflag:$0x9], $0x40, s13, s22, $0xb8;
	v63 =	vld [tilespmem:$0x0]  }
0x6c: {  	_ =	swait.ge [sflag:s19], $0x2000  }
0x6d: {  	[sflag:s19] =	ssyncset.done $0x0  }
0x6e: {  	[sflag:s19] =	ssyncadd.s32 $0xFFFFE000  }
0x6f: {  	_ =	swait.ge [sflag:s26], $0x2000  }
0x70: {  	[sflag:s26] =	ssyncset.done $0x0  }
0x71: {  	s15 =	simm.s32 $0x300;
	s14 =	rddreg [dreg:$0x4];
	[sflag:s26] =	ssyncadd.s32 $0xFFFFE000  }
0x72: {  	[tilespmem:s14], [sflag:$0x7] =	stream.indirect.gather [hbm4b:s4+s22], $0x40, s15, s22, $0xb8;
	v63 =	vld [tilespmem:$0x0]  }
0x73: {  	s16 =	simm.s32 $0x2900  }
0x74: {  	[spmem:s2] =	stream.indirect.scatter.add.f32 [tilespmem:s28], [sflag:$0x9], $0x40, s16, s22, $0xb8;
	v63 =	vld [tilespmem:$0x0]  }
0x75: {  	_ =	swait.ge [sflag:s19], $0x2000  }
0x76: {  	[sflag:s19] =	ssyncset.done $0x0  }
0x77: {  	[sflag:s19] =	ssyncadd.s32 $0xFFFFE000  }
0x78: {  	_ =	swait.ge [sflag:s29], $0x2000  }
0x79: {  	[sflag:s29] =	ssyncset.done $0x0  }
0x7a: {  	s17 =	simm.s32 $0x380;
	[sflag:s29] =	ssyncadd.s32 $0xFFFFE000  }
0x7b: {  	[tilespmem:s0], [sflag:$0x8] =	stream.indirect.gather [hbm4b:s4+s22], $0x40, s17, s22, $0xb8;
	v63 =	vld [tilespmem:$0x0]  }
0x7c: {  	s18 =	simm.s32 $0x2980  }
0x7d: {  	[spmem:s2] =	stream.indirect.scatter.add.f32 [tilespmem:s30], [sflag:$0x9], $0x40, s18, s22, $0xb8;
	v63 =	vld [tilespmem:$0x0]  }
0x7e: {  	_ =	swait.ge [sflag:s19], $0x2000  }
0x7f: {  	[sflag:s19] =	ssyncset.done $0x0  }
0x80: {  	[sflag:s19] =	ssyncadd.s32 $0xFFFFE000  }
0x81: {  	p0 =	por $0x0, $0x0;
	_ =	swait.ge [sflag:s3], $0x2000  }
0x82: {  	s8 =	simm.s32 @p0 $0x80;
	[sflag:s3] =	ssyncset.done $0x0  }
0x83: {  	s9 =	simm.s32 @p0 $0x2A00;
	s10 =	simm.s32 @p0 $0xD000;
	[sflag:s3] =	ssyncadd.s32 $0xFFFFE000  }
0x84: {  	[spmem:s2] =	stream.indirect.scatter.add.f32 @p0 [tilespmem:s10], [sflag:$0x9], $0x40, s9, s8, $0xb8;
	v63 =	vld [tilespmem:$0x0]  }
0x85: {  	s9 =	simm.s32 @p0 $0x9  }
0x86: {  	_ =	swait.ge @p0 [sflag:s9], $0x2000  }
0x87: {  	[sflag:s9] =	ssyncset.done @p0 $0x0  }
0x88: {  	s10 =	simm.s32 @p0 $0x6;
	[sflag:s9] =	ssyncadd.s32 @p0 $0xFFFFE000  }
0x89: {  	_ =	swait.ge @p0 [sflag:s10], $0x2000  }
0x8a: {  	s11 =	simm.s32 @!p0 $0x400;
	[sflag:s10] =	ssyncset.done @p0 $0x0  }
0x8b: {  	s12 =	simm.s32 @!p0 $0x80;
	s13 =	simm.s32 @!p0 $0x5000;
	[sflag:s10] =	ssyncadd.s32 @p0 $0xFFFFE000  }
0x8c: {  	[tilespmem:s13], [sflag:$0x1] =	stream.indirect.gather @!p0 [hbm4b:s4+s12], $0x40, s11, s12, $0xb8;
	v63 =	vld [tilespmem:$0x0]  }
0x8d: {  	s10 =	simm.s32 @!p0 $0x2A00;
	s11 =	simm.s32 @!p0 $0xD000;
	s13 =	simm.s32 @!p0 $0x9  }
0x8e: {  	[spmem:s2] =	stream.indirect.scatter.add.f32 @!p0 [tilespmem:s11], [sflag:$0x9], $0x40, s10, s12, $0xb8;
	v63 =	vld [tilespmem:$0x0]  }
0x8f: {  	_ =	swait.ge @!p0 [sflag:s13], $0x2000  }
0x90: {  	[sflag:s13] =	ssyncset.done @!p0 $0x0  }
0x91: {  	s10 =	simm.s32 @!p0 $0x6;
	[sflag:s13] =	ssyncadd.s32 @!p0 $0xFFFFE000  }
0x92: {  	_ =	swait.ge @!p0 [sflag:s10], $0x2000  }
0x93: {  	[sflag:s10] =	ssyncset.done @!p0 $0x0  }
0x94: {  	s11 =	simm.s32 @!p0 $0x480;
	[sflag:s10] =	ssyncadd.s32 @!p0 $0xFFFFE000;
	s10 =	simm.s32 @!p0 $0x7000  }
0x95: {  	[tilespmem:s10], [sflag:$0x2] =	stream.indirect.gather @!p0 [hbm4b:s4+s12], $0x40, s11, s12, $0xb8;
	v63 =	vld [tilespmem:$0x0]  }
0x96: {  	s21 =	simm.s32 $0x2A80  }
0x97: {  	[spmem:s2] =	stream.indirect.scatter.add.f32 [tilespmem:s20], [sflag:$0x9], $0x40, s21, s22, $0xb8;
	v63 =	vld [tilespmem:$0x0]  }
0x98: {  	_ =	swait.ge [sflag:s19], $0x2000  }
0x99: {  	[sflag:s19] =	ssyncset.done $0x0  }
0x9a: {  	[sflag:s19] =	ssyncadd.s32 $0xFFFFE000  }
0x9b: {  	_ =	swait.ge [sflag:s5], $0x2000  }
0x9c: {  	[sflag:s5] =	ssyncset.done $0x0  }
0x9d: {  	s10 =	simm.s32 @p0 $0x2B00;
	s11 =	simm.s32 @p0 $0x11000;
	[sflag:s5] =	ssyncadd.s32 $0xFFFFE000  }
0x9e: {  	[spmem:s2] =	stream.indirect.scatter.add.f32 @p0 [tilespmem:s11], [sflag:$0x9], $0x40, s10, s8, $0xb8;
	v63 =	vld [tilespmem:$0x0]  }
0x9f: {  	_ =	swait.ge @p0 [sflag:s9], $0x2000  }
0xa0: {  	[sflag:s9] =	ssyncset.done @p0 $0x0  }
0xa1: {  	s8 =	simm.s32 @p0 $0x8;
	[sflag:s9] =	ssyncadd.s32 @p0 $0xFFFFE000  }
0xa2: {  	_ =	swait.ge @p0 [sflag:s8], $0x2000  }
0xa3: {  	[sflag:s8] =	ssyncset.done @p0 $0x0  }
0xa4: {  	s9 =	simm.s32 @!p0 $0x500;
	[sflag:s8] =	ssyncadd.s32 @p0 $0xFFFFE000;
	s8 =	simm.s32 @!p0 $0x9000  }
0xa5: {  	[tilespmem:s8], [sflag:$0x3] =	stream.indirect.gather @!p0 [hbm4b:s4+s12], $0x40, s9, s12, $0xb8;
	v63 =	vld [tilespmem:$0x0]  }
0xa6: {  	s8 =	simm.s32 @!p0 $0x2B00;
	s9 =	simm.s32 @!p0 $0x11000  }
0xa7: {  	[spmem:s2] =	stream.indirect.scatter.add.f32 @!p0 [tilespmem:s9], [sflag:$0x9], $0x40, s8, s12, $0xb8;
	v63 =	vld [tilespmem:$0x0]  }
0xa8: {  	_ =	swait.ge @!p0 [sflag:s13], $0x2000  }
0xa9: {  	[sflag:s13] =	ssyncset.done @!p0 $0x0  }
0xaa: {  	s8 =	simm.s32 @!p0 $0x8;
	[sflag:s13] =	ssyncadd.s32 @!p0 $0xFFFFE000  }
0xab: {  	_ =	swait.ge @!p0 [sflag:s8], $0x2000  }
0xac: {  	[sflag:s8] =	ssyncset.done @!p0 $0x0  }
0xad: {  	s9 =	simm.s32 @!p0 $0x580;
	[sflag:s8] =	ssyncadd.s32 @!p0 $0xFFFFE000;
	s8 =	simm.s32 @!p0 $0xB000  }
0xae: {  	[tilespmem:s8], [sflag:$0x4] =	stream.indirect.gather @!p0 [hbm4b:s4+s12], $0x40, s9, s12, $0xb8;
	v63 =	vld [tilespmem:$0x0]  }
0xaf: {  	s25 =	simm.s32 $0x2B80  }
0xb0: {  	[spmem:s2] =	stream.indirect.scatter.add.f32 [tilespmem:s0], [sflag:$0x9], $0x40, s25, s22, $0xb8;
	v63 =	vld [tilespmem:$0x0]  }
0xb1: {  	s8 =	simm.s32 $0x1000;
	_ =	swait.ge [sflag:s19], $0x2000  }
.LBB2_4:
0xb2: {  	[sflag:s19] =	ssyncset.done $0x0  }
0xb3: {  	[sflag:s19] =	ssyncadd.s32 $0xFFFFE000  }
0xb4: {  	s10 =	smov.u32 s8;
	_ =	swait.ge [sflag:s31], $0x2000  }
0xb5: {  	s9 =	sshra.s32 s10, $0x2;
	[sflag:s31] =	ssyncset.done $0x0  }
0xb6: {  	s12 =	sadd.s32 $0x200, s9;
	s11 =	rddreg [dreg:$0x3];
	[sflag:s31] =	ssyncadd.s32 $0xFFFFE000  }
0xb7: {  	[tilespmem:s11], [sflag:$0x5] =	stream.indirect.gather [hbm4b:s4+s22], $0x40, s12, s22, $0xb8;
	v63 =	vld [tilespmem:$0x0]  }
0xb8: {  	s12 =	sadd.s32 $0x2800, s9  }
0xb9: {  	[spmem:s2] =	stream.indirect.scatter.add.f32 [tilespmem:s23], [sflag:$0x9], $0x40, s12, s22, $0xb8;
	v63 =	vld [tilespmem:$0x0]  }
0xba: {  	_ =	swait.ge [sflag:s19], $0x2000  }
0xbb: {  	[sflag:s19] =	ssyncset.done $0x0  }
0xbc: {  	[sflag:s19] =	ssyncadd.s32 $0xFFFFE000  }
0xbd: {  	_ =	swait.ge [sflag:s1], $0x2000  }
0xbe: {  	[sflag:s1] =	ssyncset.done $0x0  }
0xbf: {  	s13 =	sadd.s32 $0x280, s9;
	[sflag:s1] =	ssyncadd.s32 $0xFFFFE000  }
0xc0: {  	[tilespmem:s20], [sflag:$0x6] =	stream.indirect.gather [hbm4b:s4+s22], $0x40, s13, s22, $0xb8;
	v63 =	vld [tilespmem:$0x0]  }
0xc1: {  	s14 =	sadd.s32 $0x2880, s9  }
0xc2: {  	[spmem:s2] =	stream.indirect.scatter.add.f32 [tilespmem:s24], [sflag:$0x9], $0x40, s14, s22, $0xb8;
	v63 =	vld [tilespmem:$0x0]  }
0xc3: {  	_ =	swait.ge [sflag:s19], $0x2000  }
0xc4: {  	[sflag:s19] =	ssyncset.done $0x0  }
0xc5: {  	[sflag:s19] =	ssyncadd.s32 $0xFFFFE000  }
0xc6: {  	_ =	swait.ge [sflag:s26], $0x2000  }
0xc7: {  	[sflag:s26] =	ssyncset.done $0x0  }
0xc8: {  	s16 =	sadd.s32 $0x300, s9;
	s15 =	rddreg [dreg:$0x4];
	[sflag:s26] =	ssyncadd.s32 $0xFFFFE000  }
0xc9: {  	[tilespmem:s15], [sflag:$0x7] =	stream.indirect.gather [hbm4b:s4+s22], $0x40, s16, s22, $0xb8;
	v63 =	vld [tilespmem:$0x0]  }
0xca: {  	s17 =	sadd.s32 $0x2900, s9  }
0xcb: {  	[spmem:s2] =	stream.indirect.scatter.add.f32 [tilespmem:s28], [sflag:$0x9], $0x40, s17, s22, $0xb8;
	v63 =	vld [tilespmem:$0x0]  }
0xcc: {  	_ =	swait.ge [sflag:s19], $0x2000  }
0xcd: {  	[sflag:s19] =	ssyncset.done $0x0  }
0xce: {  	[sflag:s19] =	ssyncadd.s32 $0xFFFFE000  }
0xcf: {  	_ =	swait.ge [sflag:s29], $0x2000  }
0xd0: {  	[sflag:s29] =	ssyncset.done $0x0  }
0xd1: {  	s18 =	sadd.s32 $0x380, s9;
	[sflag:s29] =	ssyncadd.s32 $0xFFFFE000  }
0xd2: {  	[tilespmem:s0], [sflag:$0x8] =	stream.indirect.gather [hbm4b:s4+s22], $0x40, s18, s22, $0xb8;
	v63 =	vld [tilespmem:$0x0]  }
0xd3: {  	s21 =	sadd.s32 $0x2980, s9  }
0xd4: {  	[spmem:s2] =	stream.indirect.scatter.add.f32 [tilespmem:s30], [sflag:$0x9], $0x40, s21, s22, $0xb8;
	v63 =	vld [tilespmem:$0x0]  }
0xd5: {  	_ =	swait.ge [sflag:s19], $0x2000  }
0xd6: {  	[sflag:s19] =	ssyncset.done $0x0  }
0xd7: {  	[sflag:s19] =	ssyncadd.s32 $0xFFFFE000  }
0xd8: {  	p1 =	seq.s32 s10, $0x9000;
	_ =	swait.ge [sflag:s3], $0x2000  }
0xd9: {  	s11 =	sshra.s32 @p1 s10, $0x2;
	s12 =	simm.s32 @p1 $0x80;
	[sflag:s3] =	ssyncset.done $0x0  }
0xda: {  	s13 =	sadd.s32 @p1 $0x2A00, s11;
	s14 =	simm.s32 @p1 $0xD000;
	[sflag:s3] =	ssyncadd.s32 $0xFFFFE000  }
0xdb: {  	[spmem:s2] =	stream.indirect.scatter.add.f32 @p1 [tilespmem:s14], [sflag:$0x9], $0x40, s13, s12, $0xb8;
	v63 =	vld [tilespmem:$0x0]  }
0xdc: {  	s13 =	simm.s32 @p1 $0x9  }
0xdd: {  	_ =	swait.ge @p1 [sflag:s13], $0x2000  }
0xde: {  	[sflag:s13] =	ssyncset.done @p1 $0x0  }
0xdf: {  	s25 =	simm.s32 @p1 $0x6;
	[sflag:s13] =	ssyncadd.s32 @p1 $0xFFFFE000  }
0xe0: {  	s10 =	sshra.s32 @!p1 s10, $0x2;
	_ =	swait.ge @p1 [sflag:s25], $0x2000  }
0xe1: {  	s16 =	sadd.s32 @!p1 $0x400, s10;
	s17 =	sadd.s32 @p1 $0x2B00, s11;
	[sflag:s25] =	ssyncset.done @p1 $0x0  }
0xe2: {  	s11 =	simm.s32 @!p1 $0x80;
	s21 =	simm.s32 @!p1 $0x5000;
	[sflag:s25] =	ssyncadd.s32 @p1 $0xFFFFE000  }
0xe3: {  	[tilespmem:s21], [sflag:$0x1] =	stream.indirect.gather @!p1 [hbm4b:s4+s11], $0x40, s16, s11, $0xb8;
	v63 =	vld [tilespmem:$0x0]  }
0xe4: {  	s18 =	sadd.s32 @!p1 $0x2A00, s10;
	s25 =	simm.s32 @!p1 $0xD000;
	s16 =	simm.s32 @!p1 $0x9  }
0xe5: {  	[spmem:s2] =	stream.indirect.scatter.add.f32 @!p1 [tilespmem:s25], [sflag:$0x9], $0x40, s18, s11, $0xb8;
	v63 =	vld [tilespmem:$0x0]  }
0xe6: {  	_ =	swait.ge @!p1 [sflag:s16], $0x2000  }
0xe7: {  	[sflag:s16] =	ssyncset.done @!p1 $0x0  }
0xe8: {  	s18 =	simm.s32 @!p1 $0x6;
	[sflag:s16] =	ssyncadd.s32 @!p1 $0xFFFFE000  }
0xe9: {  	_ =	swait.ge @!p1 [sflag:s18], $0x2000  }
0xea: {  	[sflag:s18] =	ssyncset.done @!p1 $0x0  }
0xeb: {  	s7 =	sadd.s32 @!p1 $0x480, s10;
	s21 =	simm.s32 @!p1 $0x7000;
	[sflag:s18] =	ssyncadd.s32 @!p1 $0xFFFFE000  }
0xec: {  	[tilespmem:s21], [sflag:$0x2] =	stream.indirect.gather @!p1 [hbm4b:s4+s11], $0x40, s7, s11, $0xb8;
	v63 =	vld [tilespmem:$0x0]  }
0xed: {  	s25 =	sadd.s32 $0x2A80, s9  }
0xee: {  	[spmem:s2] =	stream.indirect.scatter.add.f32 [tilespmem:s20], [sflag:$0x9], $0x40, s25, s22, $0xb8;
	v63 =	vld [tilespmem:$0x0]  }
0xef: {  	_ =	swait.ge [sflag:s19], $0x2000  }
0xf0: {  	[sflag:s19] =	ssyncset.done $0x0  }
0xf1: {  	[sflag:s19] =	ssyncadd.s32 $0xFFFFE000  }
0xf2: {  	_ =	swait.ge [sflag:s5], $0x2000  }
0xf3: {  	[sflag:s5] =	ssyncset.done $0x0  }
0xf4: {  	s7 =	simm.s32 @p1 $0x11000;
	[sflag:s5] =	ssyncadd.s32 $0xFFFFE000  }
0xf5: {  	[spmem:s2] =	stream.indirect.scatter.add.f32 @p1 [tilespmem:s7], [sflag:$0x9], $0x40, s17, s12, $0xb8;
	v63 =	vld [tilespmem:$0x0]  }
0xf6: {  	_ =	swait.ge @p1 [sflag:s13], $0x2000  }
0xf7: {  	[sflag:s13] =	ssyncset.done @p1 $0x0  }
0xf8: {  	s7 =	simm.s32 @p1 $0x8;
	[sflag:s13] =	ssyncadd.s32 @p1 $0xFFFFE000  }
0xf9: {  	_ =	swait.ge @p1 [sflag:s7], $0x2000  }
0xfa: {  	[sflag:s7] =	ssyncset.done @p1 $0x0  }
0xfb: {  	s15 =	sadd.s32 @!p1 $0x500, s10;
	s12 =	simm.s32 @!p1 $0x9000;
	[sflag:s7] =	ssyncadd.s32 @p1 $0xFFFFE000  }
0xfc: {  	[tilespmem:s12], [sflag:$0x3] =	stream.indirect.gather @!p1 [hbm4b:s4+s11], $0x40, s15, s11, $0xb8;
	v63 =	vld [tilespmem:$0x0]  }
0xfd: {  	s14 =	sadd.s32 @!p1 $0x2B00, s10;
	s7 =	simm.s32 @!p1 $0x11000  }
0xfe: {  	[spmem:s2] =	stream.indirect.scatter.add.f32 @!p1 [tilespmem:s7], [sflag:$0x9], $0x40, s14, s11, $0xb8;
	v63 =	vld [tilespmem:$0x0]  }
0xff: {  	_ =	swait.ge @!p1 [sflag:s16], $0x2000  }
0x100: {  	[sflag:s16] =	ssyncset.done @!p1 $0x0  }
0x101: {  	s7 =	simm.s32 @!p1 $0x8;
	[sflag:s16] =	ssyncadd.s32 @!p1 $0xFFFFE000  }
0x102: {  	s8 =	sadd.s32 $0x1000, s8;
	_ =	swait.ge @!p1 [sflag:s7], $0x2000  }
0x103: {  	p0 =	sne.s32 s8, $0xA000;
	s10 =	sadd.s32 @!p1 $0x580, s10;
	[sflag:s7] =	ssyncset.done @!p1 $0x0  }
.Ltmp1:
0x104: {  	s12 =	simm.s32 @!p1 $0xB000;
	[sflag:s7] =	ssyncadd.s32 @!p1 $0xFFFFE000;
	(pc) =	sbr.rel @p0 .LBB2_4-.Ltmp1, $4  }
0x105: {  	[tilespmem:s12], [sflag:$0x4] =	stream.indirect.gather @!p1 [hbm4b:s4+s11], $0x40, s10, s11, $0xb8;
	v63 =	vld [tilespmem:$0x0]  }
0x106: {  	s25 =	sadd.s32 $0x2B80, s9  }
0x107: {  	[spmem:s2] =	stream.indirect.scatter.add.f32 [tilespmem:s0], [sflag:$0x9], $0x40, s25, s22, $0xb8;
	v63 =	vld [tilespmem:$0x0]  }
0x108: {  	_ =	swait.ge [sflag:s19], $0x2000  }
0x109: {  	[sflag:s19] =	ssyncset.done $0x0  }
0x10a: {  	[sflag:s19] =	ssyncadd.s32 $0xFFFFE000  }
0x10b: {  	s7 =	stileid.u32;
	[bflag:$0x0] =	sbarrier.arrive $0xFFFF  }
0x10c: {  	s7 =	sshll.u32 s7, $0x6;
	s8 =	rddreg [dreg:$0x8]  }
0x10d: {  	s7 =	sor.u32 $0x1C09, s7;
	s9 =	rddreg [dreg:$0x13]  }
0x10e: {  	[hbm:s8], [sflag:s7] =	dma.local [spmem:s9], $0x1400  }
0x10f: {  	_ =	swait.ge [sflag:s19], $0x1400  }
0x110: {  	s6 =	sadd.s32 $0x1, s6;
	s25 =	rddreg [dreg:$0x9]  }
0x111: {  	p0 =	sne.s32 s6, s25  }
.Ltmp2:
0x112: {  	_ = 	snop;
	(pc) =	sbr.rel @p0 .LBB2_1-.Ltmp2, $3  }
0x113: {  	_ =	sdelay $0x1  }
0x114: {  	[sflag:s19] =	ssyncset.done $0x0  }
0x115: {  	[sflag:s19] =	ssyncadd.s32 $0xFFFFEC00  }
0x116: {  	_ =	sfence.sel $0x180000  }
0x117: {  	[bflag:$0x0] =	sbarrier.arrive $0xFFFF  }
0x118: {  	_ =	strace $0x9000004A  }
0x119: {  	s0 =	stileid.u32;
	[bflag:$0x2] =	sbarrier.arrive $0xFFFF  }
0x11a: {  	p0 =	sne.s32 s0, $0x0;
	s0 =	rddreg [dreg:$0x2]  }
0x11b: {  	s0 =	sadd.s32 @!p0 $0x100000, s0  }
0x11c: {  	[sflag:s0] =	ssyncadd.tile.s32 @!p0 $0x1;
	_ =	shalt  }
.Lfunc_end2:
_tile_overlayer_lowered:
.L_overlay_start_2:
0x11d: {  	(tag) =	ssettag $0x2  }
0x11e: {  	s0 =	rddreg [dreg:$0x0];
	s2 =	stileid.u32  }
0x11f: {  	s1 =	rddreg [dreg:$0x1];
	p0 =	sne.s32 s2, $0x0  }
0x120: {  	s3 =	rddreg [dreg:$0x2];
	[bflag:$0x3] =	sbarrier.arrive $0xFFFF;
	s2 =	simm.s32 @!p0 $0x1C09  }
0x121: {  	[timem:s3], [sflag:s2] =	dma.local @!p0 [hbm:s0], s1  }
0x122: {  	s0 =	simm.s32 @!p0 $0x9  }
0x123: {  	_ =	swait.ge @!p0 [sflag:s0], s1  }
0x124: {  	s1 =	ssub.s32 @!p0 $0x0, s1;
	[sflag:s0] =	ssyncset.done @!p0 $0x0  }
0x125: {  	[sflag:s0] =	ssyncadd.s32 @!p0 s1  }
0x126: {  	[bflag:$0x3] =	sbarrier.arrive $0xFFFF  }
0x127: {  	_ =	shalt  }

// kernel: kernel.17.cloned.1.call-start
scs
__scs_entry_jumppad:
0x0: {  	(pc) =	sbr.rel $0x88, $3  }
0x1: {  	(tag) =	ssettag $0x0;
	lr =	simm.s32 $0x1  }
0x2: {  	[smem:$0x3F99] =	sst lr;
	_ =	strace $0xD0000000  }
0x3: {  	_ = 	snop  }
0x4: {  	_ = 	snop  }
0x5: {  	_ = 	snop  }
0x6: {  	_ = 	snop  }
0x7: {  	_ = 	snop  }
__scs_overlays_trampoline_lowered:
0x8: {  	[smem:$0x3FA8] =	sst s0  }
0x9: {  	[smem:$0x3FA9] =	sst s1  }
0xa: {  	[smem:$0x3FAA] =	sst s2  }
0xb: {  	[smem:$0x3FAB] =	sst s3  }
0xc: {  	[smem:$0x3FAC] =	sst s4  }
0xd: {  	[smem:$0x3FAD] =	sst s5  }
0xe: {  	[smem:$0x3FAE] =	sst s6  }
0xf: {  	[smem:$0x3FAF] =	sst s7  }
0x10: {  	[smem:$0x3FB0] =	sst s8  }
0x11: {  	[smem:$0x3FB1] =	sst s9;
	s0 =	simm.s32 @!p0 $0x0  }
0x12: {  	s1 =	sld [smem:$0x3F97];
	s0 =	simm.s32 @p0 $0x1  }
0x13: {  	[smem:$0x3FB2] =	sst s0;
	s0 =	simm.s32 @!p1 $0x0  }
0x14: {  	s2 =	sld [smem:$0x3F96];
	s0 =	simm.s32 @p1 $0x1  }
0x15: {  	[smem:$0x3FB3] =	sst s0;
	s0 =	simm.s32 @!p2 $0x0  }
0x16: {  	s3 =	sld [smem:$0x3FDB];
	s0 =	simm.s32 @p2 $0x1  }
0x17: {  	s4 =	simm.s32 $0x1BF5;
	[smem:$0x3FB5] =	sst s0  }
0x18: {  	s0 =	sld [smem:$0x3F98];
	_ =	swait.ge [sflag:s4], $0x0  }
0x19: {  	s7 =	sld [smem:$0x3F99]  }
0x1a: {  	s8 =	sadd.s32 $0xFFFFE003, lr  }
0x1b: {  	s9 =	sadd.s32 $0xFFFFFEF7, lr;
	s5 =	simm.s32 $0xFFFFFFFF;
	p2 =	slt.u32 s8, $0xFFFFF086  }
0x1c: {  	p1 =	slt.u32 s9, $0xF7A;
	s5 =	simm.s32 @!p2 $0x0  }
0x1d: {  	s5 =	simm.s32 @p1 $0x1;
	p0 =	seq.s32 s7, s2  }
0x1e: {  	s7 =	smul.u32 @!p0 $0xF7A, s2;
	p2 =	seq.s32 @!p0 s5, $0x0  }
0x1f: {  	s9 =	smul.u32 $0xF7A, s1;
	s8 =	simm.s32 @!p0 $0x1BF5;
	p2 =	por !p2, p0  }
0x20: {  	[sflag:s8] =	ssyncset.s32 @!p0 $0xFFFFF086;
	s6 =	sadd.s32 @!p0 s3, s7;
	s7 =	simm.s32 @!p0 $0x108  }
0x21: {  	s3 =	sadd.s32 s3, s9;
	s6 =	sadd.s32 @!p0 $0x88, s6;
	s7 =	simm.s32 @p2 $0x1082  }
0x22: {  	[simem:s7], [sflag:s8] =	dma.local @!p0 [hbm:s6], $0xF7A  }
0x23: {  	s9 =	sor.u32 $0xD0000000, s2;
	s6 =	simm.s32 $0x108;
	_ =	swait.ge @!p0 [sflag:s8], $0x0  }
0x24: {  	s3 =	sadd.s32 $0x88, s3;
	s6 =	simm.s32 @!p1 $0x1082;
	[sflag:s4] =	ssyncset.s32 $0xFFFFF086  }
0x25: {  	[simem:s6], [sflag:s4] =	dma.local [hbm:s3], $0xF7A  }
0x26: {  	[smem:$0x3F99] =	sst s1;
	(tag) =	ssettag s2;
	_ =	strace s9  }
0x27: {  	s1 =	sld [smem:$0x3FA9]  }
0x28: {  	s2 =	sld [smem:$0x3FAA]  }
0x29: {  	s4 =	sld [smem:$0x3FAC]  }
0x2a: {  	p0 =	seq.s32 s5, $0x0;
	s5 =	sld [smem:$0x3FAD]  }
0x2b: {  	s6 =	sld [smem:$0x3FAE]  }
0x2c: {  	s7 =	sld [smem:$0x3FAF]  }
0x2d: {  	s3 =	simm.s32 $0x108;
	s8 =	sld [smem:$0x3FB0]  }
0x2e: {  	s3 =	simm.s32 @!p0 $0x1082;
	s9 =	sld [smem:$0x3FB1]  }
0x2f: {  	lr =	sadd.s32 s0, s3;
	s0 =	sld [smem:$0x3FA8]  }
0x30: {  	s3 =	sld [smem:$0x3FAB]  }
0x31: {  	[smem:$0x3FB4] =	sst s10  }
0x32: {  	s10 =	sld [smem:$0x3FB2];
	_ =	sdelay $0x3  }
0x33: {  	p0 =	seq.s32 s10, $0x1;
	s10 =	sld [smem:$0x3FB4];
	_ =	sdelay $0x3  }
0x34: {  	[smem:$0x3FB4] =	sst s10  }
0x35: {  	s10 =	sld [smem:$0x3FB3];
	_ =	sdelay $0x3  }
0x36: {  	p1 =	seq.s32 s10, $0x1;
	s10 =	sld [smem:$0x3FB4];
	_ =	sdelay $0x3  }
0x37: {  	[smem:$0x3FB4] =	sst s10  }
0x38: {  	s10 =	sld [smem:$0x3FB5]  }
0x39: {  	_ = 	snop;
	(pc) =	sbr.ind lr, $3  }
0x3a: {  	_ = 	snop  }
0x3b: {  	_ = 	snop  }
0x3c: {  	p2 =	seq.s32 s10, $0x1;
	s10 =	sld [smem:$0x3FB4]  }
0x3d: {  	_ =	shalt  }
0x3e: {  	_ =	shalt  }
0x3f: {  	_ =	shalt  }
0x40: {  	_ =	shalt  }
0x41: {  	_ =	shalt  }
0x42: {  	_ =	shalt  }
0x43: {  	_ =	shalt  }
0x44: {  	_ =	shalt  }
0x45: {  	_ =	shalt  }
0x46: {  	_ =	shalt  }
0x47: {  	_ =	shalt  }
0x48: {  	_ =	shalt  }
0x49: {  	_ =	shalt  }
0x4a: {  	_ =	shalt  }
0x4b: {  	_ =	shalt  }
0x4c: {  	_ =	shalt  }
0x4d: {  	_ =	shalt  }
0x4e: {  	_ =	shalt  }
0x4f: {  	_ =	shalt  }
0x50: {  	_ =	shalt  }
0x51: {  	_ =	shalt  }
0x52: {  	_ =	shalt  }
0x53: {  	_ =	shalt  }
0x54: {  	_ =	shalt  }
0x55: {  	_ =	shalt  }
0x56: {  	_ =	shalt  }
0x57: {  	_ =	shalt  }
0x58: {  	_ =	shalt  }
0x59: {  	_ =	shalt  }
0x5a: {  	_ =	shalt  }
0x5b: {  	_ =	shalt  }
0x5c: {  	_ =	shalt  }
0x5d: {  	_ =	shalt  }
0x5e: {  	_ =	shalt  }
0x5f: {  	_ =	shalt  }
0x60: {  	_ =	shalt  }
0x61: {  	_ =	shalt  }
0x62: {  	_ =	shalt  }
0x63: {  	_ =	shalt  }
0x64: {  	_ =	shalt  }
0x65: {  	_ =	shalt  }
0x66: {  	_ =	shalt  }
0x67: {  	_ =	shalt  }
0x68: {  	_ =	shalt  }
0x69: {  	_ =	shalt  }
0x6a: {  	_ =	shalt  }
0x6b: {  	_ =	shalt  }
0x6c: {  	_ =	shalt  }
0x6d: {  	_ =	shalt  }
0x6e: {  	_ =	shalt  }
0x6f: {  	_ =	shalt  }
0x70: {  	_ =	shalt  }
0x71: {  	_ =	shalt  }
0x72: {  	_ =	shalt  }
0x73: {  	_ =	shalt  }
0x74: {  	_ =	shalt  }
0x75: {  	_ =	shalt  }
0x76: {  	_ =	shalt  }
0x77: {  	_ =	shalt  }
0x78: {  	_ =	shalt  }
0x79: {  	_ =	shalt  }
0x7a: {  	_ =	shalt  }
0x7b: {  	_ =	shalt  }
0x7c: {  	_ =	shalt  }
0x7d: {  	_ =	shalt  }
0x7e: {  	_ =	shalt  }
0x7f: {  	_ =	shalt  }
0x80: {  	_ =	shalt  }
0x81: {  	_ =	shalt  }
0x82: {  	_ =	shalt  }
0x83: {  	_ =	shalt  }
0x84: {  	_ =	shalt  }
0x85: {  	_ =	shalt  }
0x86: {  	_ =	shalt  }
0x87: {  	_ =	shalt  }
.Lfunc_end0:
.L_simem_size_0:
called_computation.2_lowered:
.L_overlay_start_0:
0x88: {  	s2 =	sld [smem:$0x3FD9]  }
0x89: {  	s3 =	sld [smem:$0x3FFE];
	_ =	sdelay $0x1  }
0x8a: {  	s1 =	srdreg.scid  }
0x8b: {  	s0 =	sand.u32 $0x1, s1  }
0x8c: {  	s16 =	sshll.u32 s0, $0xA;
	s2 =	sadd.s32 s3, s2  }
0x8d: {  	s2 =	sadd.s32 s2, s16  }
0x8e: {  	[smem:$0x3FC0] =	sst s2  }
0x8f: {  	_ = 	snop  }
0x90: {  	(tm) =	ssettm $0x1  }
0x91: {  	s17 =	sld [smem:$0x3FFB];
	_ =	sdelay $0x3  }
0x92: {  	_ =	strace s17  }
0x93: {  	s2 =	sld [smem:$0x3FFC];
	_ =	sdelay $0x3  }
0x94: {  	_ =	strace s2  }
0x95: {  	s2 =	sld [smem:$0x3FFD];
	_ =	sdelay $0x3  }
0x96: {  	_ =	strace s2  }
0x97: {  	_ =	strace $0x8FFFFFFF  }
0x98: {  	s18 =	sld [smem:$0x3FDB];
	_ =	sdelay $0x1  }
0x99: {  	s19 =	simm.s32 $_scs_section_size  }
0x9a: {  	s4 =	simm.s32 $_size__tile_overlayer_lowered;
	s5 =	simm.s32 $_tile_overlayer_lowered  }
0x9b: {  	s22 =	simm.s32 $0x1BFF;
	s21 =	sshll.u32 s5, $0x1;
	s2 =	sadd.s32 s19, s18  }
0x9c: {  	s6 =	simm.s32 $0x0;
	s20 =	sshll.u32 s4, $0x1;
	s4 =	sadd.s32 s21, s2  }
0x9d: {  	[timem:s6], [sflag:s22] =	dma.local [hbm:s4], s20  }
0x9e: {  	_ =	swait.ge [sflag:s22], s20  }
0x9f: {  	s3 =	ssub.s32 $0x0, s20;
	[sflag:s22] =	ssyncset.done $0x0  }
0xa0: {  	[sflag:s22] =	ssyncadd.s32 s3;
	_ =	sdelay $0x1  }
0xa1: {  	s23 =	simm.s32 $0x1B8B  }
0xa2: {  	_ =	swait.ge [sflag:s23], $0x1  }
0xa3: {  	[sflag:s23] =	ssyncset.done $0x0  }
0xa4: {  	s25 =	simm.s32 $0x1B8E;
	s24 =	sld [smem:$0x3FFE];
	[sflag:s23] =	ssyncadd.s32 $0xFFFFFFFF  }
0xa5: {  	s26 =	simm.s32 $execute0_lowered;
	[smem:$0x3FD2] =	sst s25  }
0xa6: {  	s4 =	sshll.u32 s26, $0x1;
	_ =	strace $0x8000004C;
	[dreg:$0x1] =	wrdreg $0xFFFFFFFF  }
0xa7: {  	s28 =	simm.s32 $_size_execute0_lowered;
	s2 =	sadd.s32 s2, s4;
	[dreg:$0x0] =	wrdreg $0x0  }
0xa8: {  	s4 =	sshll.u32 s28, $0x1;
	[dreg:$0x2] =	wrdreg s2  }
0xa9: {  	[dreg:$0x3] =	wrdreg s4  }
0xaa: {  	[dreg:$0x4] =	wrdreg $0xC0  }
0xab: {  	_ =	task [dreg:s6], $0x5FFFF  }
0xac: {  	[dreg:$0x1] =	wrdreg $0xFFFFFFFF  }
0xad: {  	[dreg:$0x0] =	wrdreg $0x60  }
0xae: {  	[dreg:$0x2] =	wrdreg s24  }
0xaf: {  	[dreg:$0x3] =	wrdreg $0x160000  }
0xb0: {  	[dreg:$0x4] =	wrdreg $0x9  }
0xb1: {  	_ =	task.clear_ibuf [dreg:s6], $0x5FFFF;
	_ =	strace $0x9000004C  }
0xb2: {  	s29 =	simm.s32 $0x9;
	_ =	strace $0x8000004E  }
0xb3: {  	_ =	swait.ge [sflag:s29], $0x1  }
0xb4: {  	[sflag:s29] =	ssyncadd.s32 $0xFFFFFFFF  }
0xb5: {  	_ =	strace $0x9000004E  }
0xb6: {  	_ =	sfence  }
0xb7: {  	s30 =	sld [smem:$0x0];
	_ =	sdelay $0x2  }
0xb8: {  	s31 =	sshll.u32 s1, $0xD;
	s1 =	sshrl.u32 s1, $0x2  }
0xb9: {  	s3 =	sand.u32 $0x4000, s31;
	s1 =	sadd.s32 s1, s30  }
0xba: {  	s0 =	sor.u32 s3, s0;
	s1 =	sshll.u32 s1, $0x11  }
0xbb: {  	s0 =	sor.u32 s1, s0  }
0xbc: {  	s0 =	sadd.s32 $0x8F2B, s0  }
0xbd: {  	[sflag:s0] =	ssyncadd.remote.s32 $0x1  }
0xbe: {  	_ =	sfence.sel $0xFFFF  }
0xbf: {  	[dreg:$0x0] =	wrdreg $0xFFFFFFFF;
	(pc) =	sbr.abs _section_cstart, $3  }
0xc0: {  	[dreg:$0x1] =	wrdreg $0xFFFFFFFF  }
0xc1: {  	_ =	task.clear_ibuf [dreg:s6], $0x2FFFF;
	_ =	strace $0x9FFFFFFF  }
0xc2: {  	(tm) =	ssettm $0x7FFFFFFF  }
0xc3: {  	_ =	shalt  }
tec
execute0_lowered:
.L_overlay_start_1:
0x0: {  	(tag) =	ssettag $0x1  }
0x1: {  	s0 =	srdreg.scid;
	s3 =	rddreg [dreg:$0x0]  }
0x2: {  	s7 =	stileid.u32;
	s2 =	rddreg [dreg:$0x1]  }
0x3: {  	s4 =	simm.s32 $0x0;
	s24 =	simm.s32 $0xD000;
	s25 =	simm.s32 $0x11000  }
0x4: {  	s0 =	sand.u32 $0x1, s0;
	[smem:$0x7FF] =	sst s4;
	s6 =	smul.u32 $0xA000, s7  }
0x5: {  	s4 =	sadd.s32 $0x17600, s3;
	s1 =	sshll.u32 s0, $0x4;
	s5 =	smul.u32 $0xA0000, s0  }
0x6: {  	_ =	strace $0x8000004D;
	s0 =	ssub.s32 $0x2, s0;
	[dreg:$0x3] =	wrdreg s24  }
0x7: {  	[dreg:$0x4] =	wrdreg s25;
	s1 =	sor.u32 s7, s1;
	s7 =	smul.u32 $0x28000, s7  }
0x8: {  	s8 =	sshrl.u32 s0, $0x1;
	s14 =	sadd.s32 s6, s2;
	s1 =	smul.u32 $0x2800, s1  }
0x9: {  	s5 =	sadd.s32 s6, s5;
	s0 =	ssub.s32 s0, s8;
	s26 =	sshrl.u32 s14, $0x3  }
0xa: {  	s5 =	sshrl.u32 s5, $0x3;
	s0 =	smax.u32 s0, $0x1;
	[dreg:$0x13] =	wrdreg s26  }
0xb: {  	s11 =	sshrl.u32 s7, $0x2;
	s1 =	sshrl.u32 s1, $0x3;
	[dreg:$0x9] =	wrdreg s0  }
0xc: {  	s1 =	sadd.s32 s1, s3;
	s3 =	sadd.s32 s5, s3;
	s5 =	sadd.s32 s11, s2  }
0xd: {  	s12 =	sadd.s32 $0x3600, s1;
	[dreg:$0x7] =	wrdreg s5  }
0xe: {  	s1 =	sadd.s32 $0xD600, s1;
	[dreg:$0x5] =	wrdreg s12  }
0xf: {  	s28 =	simm.s32 $0x9000;
	s13 =	sadd.s32 $0x2B600, s3;
	[dreg:$0x6] =	wrdreg s1  }
0x10: {  	s30 =	simm.s32 $0xB000;
	s15 =	sadd.s32 $0x1000, s5;
	[dreg:$0x8] =	wrdreg s13  }
0x11: {  	s31 =	simm.s32 $0x1;
	s16 =	sadd.s32 $0x2000, s5;
	[dreg:$0xa] =	wrdreg s15  }
0x12: {  	s29 =	simm.s32 $0x4;
	s17 =	sadd.s32 $0x3000, s5;
	[dreg:$0xb] =	wrdreg s16  }
0x13: {  	s24 =	simm.s32 $0x7000;
	s18 =	sadd.s32 $0x4000, s5;
	[dreg:$0xc] =	wrdreg s17  }
0x14: {  	s6 =	simm.s32 $0x0;
	s19 =	sadd.s32 $0x5000, s5;
	[dreg:$0xd] =	wrdreg s18  }
0x15: {  	s26 =	simm.s32 $0x3;
	s20 =	sadd.s32 $0x6000, s5;
	[dreg:$0xe] =	wrdreg s19  }
0x16: {  	s0 =	simm.s32 $0x13000;
	s21 =	sadd.s32 $0x7000, s5;
	[dreg:$0xf] =	wrdreg s20  }
0x17: {  	s22 =	sadd.s32 $0x8000, s5;
	s23 =	sadd.s32 $0x9000, s5;
	[dreg:$0x10] =	wrdreg s21  }
0x18: {  	s3 =	simm.s32 $0x5;
	s5 =	simm.s32 $0x7;
	[dreg:$0x11] =	wrdreg s22  }
0x19: {  	[dreg:$0x12] =	wrdreg s23;
	s19 =	simm.s32 $0x9;
	s22 =	simm.s32 $0x80  }
0x1a: {  	v0 =	vimm.f32 $0.0e+00;
	s23 =	simm.s32 $0x5000;
	s1 =	simm.s32 $0x2;
	s20 =	simm.s32 $0xF000  }
.LBB2_1:
0x1b: {  	s7 =	simm.s32 $0x0;
	s8 =	rddreg [dreg:$0x5]  }
0x1c: {  	[tilespmem:s7], [sflag:$0x9] =	stream.linear.gather [hbm4b:s8+s7], $0x2800, $0x38;
	v63 =	vld [tilespmem:$0x0]  }
0x1d: {  	_ =	swait.ge [sflag:s19], $0x2800  }
0x1e: {  	[sflag:s19] =	ssyncset.done $0x0  }
0x1f: {  	s9 =	simm.s32 $0x2800;
	s25 =	rddreg [dreg:$0x6];
	[sflag:s19] =	ssyncadd.s32 $0xFFFFD800  }
0x20: {  	[tilespmem:s9], [sflag:$0x9] =	stream.linear.gather [hbm4b:s25+s7], $0x2800, $0x38;
	v63 =	vld [tilespmem:$0x0]  }
0x21: {  	_ =	swait.ge [sflag:s19], $0x2800  }
0x22: {  	[sflag:s19] =	ssyncset.done $0x0  }
0x23: {  	s8 =	simm.s32 $0x0;
	s9 =	simm.s32 $0x100;
	[sflag:s19] =	ssyncadd.s32 $0xFFFFD800  }
.LBB2_2:
0x24: {  	p0 =	sne.s32 s9, $0x3F00;
	[tilespmem:s8+$0x15030] =	vst v0;
	s10 =	smov.u32 s9;
	s9 =	sadd.s32 $0x100, s9  }
.Ltmp0:
0x25: {  	[tilespmem:s8+$0x15020] =	vst v0;
	(pc) =	sbr.rel @p0 .LBB2_2-.Ltmp0, $3  }
0x26: {  	[tilespmem:s8+$0x15000] =	vst v0  }
0x27: {  	[tilespmem:s8+$0x15010] =	vst v0;
	_ =	sdelay $0x1  }
0x28: {  	s8 =	sshra.s32 s10, $0x2  }
0x29: {  	[tilespmem:s8+$0x15030] =	vst v0  }
0x2a: {  	[tilespmem:s8+$0x15020] =	vst v0  }
0x2b: {  	[tilespmem:s8+$0x15000] =	vst v0  }
0x2c: {  	[tilespmem:s8+$0x15010] =	vst v0;
	s7 =	rddreg [dreg:$0x7];
	s11 =	simm.s32 $0x15000  }
0x2d: {  	[spmem:s7] =	stream.linear.scatter [tilespmem:s11], [sflag:$0x9], $0x1000, $0x38;
	v63 =	vld [tilespmem:$0x0]  }
0x2e: {  	_ =	swait.ge [sflag:s19], $0x1000  }
0x2f: {  	[sflag:s19] =	ssyncset.done $0x0  }
0x30: {  	s12 =	rddreg [dreg:$0xa];
	[sflag:s19] =	ssyncadd.s32 $0xFFFFF000  }
0x31: {  	[spmem:s12] =	stream.linear.scatter [tilespmem:s11], [sflag:$0x9], $0x1000, $0x38;
	v63 =	vld [tilespmem:$0x0]  }
0x32: {  	_ =	swait.ge [sflag:s19], $0x1000  }
0x33: {  	[sflag:s19] =	ssyncset.done $0x0  }
0x34: {  	s13 =	rddreg [dreg:$0xb];
	[sflag:s19] =	ssyncadd.s32 $0xFFFFF000  }
0x35: {  	[spmem:s13] =	stream.linear.scatter [tilespmem:s11], [sflag:$0x9], $0x1000, $0x38;
	v63 =	vld [tilespmem:$0x0]  }
0x36: {  	_ =	swait.ge [sflag:s19], $0x1000  }
0x37: {  	[sflag:s19] =	ssyncset.done $0x0  }
0x38: {  	s14 =	rddreg [dreg:$0xc];
	[sflag:s19] =	ssyncadd.s32 $0xFFFFF000  }
0x39: {  	[spmem:s14] =	stream.linear.scatter [tilespmem:s11], [sflag:$0x9], $0x1000, $0x38;
	v63 =	vld [tilespmem:$0x0]  }
0x3a: {  	_ =	swait.ge [sflag:s19], $0x1000  }
0x3b: {  	[sflag:s19] =	ssyncset.done $0x0  }
0x3c: {  	s15 =	rddreg [dreg:$0xd];
	[sflag:s19] =	ssyncadd.s32 $0xFFFFF000  }
0x3d: {  	[spmem:s15] =	stream.linear.scatter [tilespmem:s11], [sflag:$0x9], $0x1000, $0x38;
	v63 =	vld [tilespmem:$0x0]  }
0x3e: {  	_ =	swait.ge [sflag:s19], $0x1000  }
0x3f: {  	[sflag:s19] =	ssyncset.done $0x0  }
0x40: {  	s16 =	rddreg [dreg:$0xe];
	[sflag:s19] =	ssyncadd.s32 $0xFFFFF000  }
0x41: {  	[spmem:s16] =	stream.linear.scatter [tilespmem:s11], [sflag:$0x9], $0x1000, $0x38;
	v63 =	vld [tilespmem:$0x0]  }
0x42: {  	_ =	swait.ge [sflag:s19], $0x1000  }
0x43: {  	[sflag:s19] =	ssyncset.done $0x0  }
0x44: {  	s17 =	rddreg [dreg:$0xf];
	[sflag:s19] =	ssyncadd.s32 $0xFFFFF000  }
0x45: {  	[spmem:s17] =	stream.linear.scatter [tilespmem:s11], [sflag:$0x9], $0x1000, $0x38;
	v63 =	vld [tilespmem:$0x0]  }
0x46: {  	_ =	swait.ge [sflag:s19], $0x1000  }
0x47: {  	[sflag:s19] =	ssyncset.done $0x0  }
0x48: {  	s18 =	rddreg [dreg:$0x10];
	[sflag:s19] =	ssyncadd.s32 $0xFFFFF000  }
0x49: {  	[spmem:s18] =	stream.linear.scatter [tilespmem:s11], [sflag:$0x9], $0x1000, $0x38;
	v63 =	vld [tilespmem:$0x0]  }
0x4a: {  	_ =	swait.ge [sflag:s19], $0x1000  }
0x4b: {  	[sflag:s19] =	ssyncset.done $0x0  }
0x4c: {  	s21 =	rddreg [dreg:$0x11];
	[sflag:s19] =	ssyncadd.s32 $0xFFFFF000  }
0x4d: {  	[spmem:s21] =	stream.linear.scatter [tilespmem:s11], [sflag:$0x9], $0x1000, $0x38;
	v63 =	vld [tilespmem:$0x0]  }
0x4e: {  	_ =	swait.ge [sflag:s19], $0x1000  }
0x4f: {  	[sflag:s19] =	ssyncset.done $0x0  }
0x50: {  	s25 =	rddreg [dreg:$0x12];
	[sflag:s19] =	ssyncadd.s32 $0xFFFFF000  }
0x51: {  	[spmem:s25] =	stream.linear.scatter [tilespmem:s11], [sflag:$0x9], $0x1000, $0x38;
	v63 =	vld [tilespmem:$0x0]  }
0x52: {  	_ =	swait.ge [sflag:s19], $0x1000  }
0x53: {  	[sflag:s19] =	ssyncset.done $0x0  }
0x54: {  	[sflag:s19] =	ssyncadd.s32 $0xFFFFF000  }
0x55: {  	s7 =	simm.s32 $0x0;
	[bflag:$0x0] =	sbarrier.arrive $0xFFFF  }
0x56: {  	[tilespmem:s23], [sflag:$0x1] =	stream.indirect.gather [hbm4b:s4+s22], $0x40, s7, s22, $0xb8;
	v63 =	vld [tilespmem:$0x0]  }
0x57: {  	_ = 	snop  }
0x58: {  	[tilespmem:s24], [sflag:$0x2] =	stream.indirect.gather [hbm4b:s4+s22], $0x40, s22, s22, $0xb8;
	v63 =	vld [tilespmem:$0x0]  }
0x59: {  	s8 =	simm.s32 $0x100  }
0x5a: {  	[tilespmem:s28], [sflag:$0x3] =	stream.indirect.gather [hbm4b:s4+s22], $0x40, s8, s22, $0xb8;
	v63 =	vld [tilespmem:$0x0]  }
0x5b: {  	s9 =	simm.s32 $0x180  }
0x5c: {  	[tilespmem:s30], [sflag:$0x4] =	stream.indirect.gather [hbm4b:s4+s22], $0x40, s9, s22, $0xb8;
	v63 =	vld [tilespmem:$0x0]  }
0x5d: {  	_ =	swait.ge [sflag:s31], $0x2000  }
0x5e: {  	[sflag:s31] =	ssyncset.done $0x0  }
0x5f: {  	s9 =	simm.s32 $0x200;
	s10 =	rddreg [dreg:$0x3];
	[sflag:s31] =	ssyncadd.s32 $0xFFFFE000  }
0x60: {  	[tilespmem:s10], [sflag:$0x5] =	stream.indirect.gather [hbm4b:s4+s22], $0x40, s9, s22, $0xb8;
	v63 =	vld [tilespmem:$0x0]  }
0x61: {  	s11 =	simm.s32 $0x2800  }
0x62: {  	[spmem:s2] =	stream.indirect.scatter.add.f32 [tilespmem:s23], [sflag:$0x9], $0x40, s11, s22, $0xb8;
	v63 =	vld [tilespmem:$0x0]  }
0x63: {  	_ =	swait.ge [sflag:s19], $0x2000  }
0x64: {  	[sflag:s19] =	ssyncset.done $0x0  }
0x65: {  	[sflag:s19] =	ssyncadd.s32 $0xFFFFE000  }
0x66: {  	_ =	swait.ge [sflag:s1], $0x2000  }
0x67: {  	[sflag:s1] =	ssyncset.done $0x0  }
0x68: {  	s12 =	simm.s32 $0x280;
	[sflag:s1] =	ssyncadd.s32 $0xFFFFE000  }
0x69: {  	[tilespmem:s20], [sflag:$0x6] =	stream.indirect.gather [hbm4b:s4+s22], $0x40, s12, s22, $0xb8;
	v63 =	vld [tilespmem:$0x0]  }
0x6a: {  	s13 =	simm.s32 $0x2880  }
0x6b: {  	[spmem:s2] =	stream.indirect.scatter.add.f32 [tilespmem:s24], [sflag:$0x9], $0x40, s13, s22, $0xb8;
	v63 =	vld [tilespmem:$0x0]  }
0x6c: {  	_ =	swait.ge [sflag:s19], $0x2000  }
0x6d: {  	[sflag:s19] =	ssyncset.done $0x0  }
0x6e: {  	[sflag:s19] =	ssyncadd.s32 $0xFFFFE000  }
0x6f: {  	_ =	swait.ge [sflag:s26], $0x2000  }
0x70: {  	[sflag:s26] =	ssyncset.done $0x0  }
0x71: {  	s15 =	simm.s32 $0x300;
	s14 =	rddreg [dreg:$0x4];
	[sflag:s26] =	ssyncadd.s32 $0xFFFFE000  }
0x72: {  	[tilespmem:s14], [sflag:$0x7] =	stream.indirect.gather [hbm4b:s4+s22], $0x40, s15, s22, $0xb8;
	v63 =	vld [tilespmem:$0x0]  }
0x73: {  	s16 =	simm.s32 $0x2900  }
0x74: {  	[spmem:s2] =	stream.indirect.scatter.add.f32 [tilespmem:s28], [sflag:$0x9], $0x40, s16, s22, $0xb8;
	v63 =	vld [tilespmem:$0x0]  }
0x75: {  	_ =	swait.ge [sflag:s19], $0x2000  }
0x76: {  	[sflag:s19] =	ssyncset.done $0x0  }
0x77: {  	[sflag:s19] =	ssyncadd.s32 $0xFFFFE000  }
0x78: {  	_ =	swait.ge [sflag:s29], $0x2000  }
0x79: {  	[sflag:s29] =	ssyncset.done $0x0  }
0x7a: {  	s17 =	simm.s32 $0x380;
	[sflag:s29] =	ssyncadd.s32 $0xFFFFE000  }
0x7b: {  	[tilespmem:s0], [sflag:$0x8] =	stream.indirect.gather [hbm4b:s4+s22], $0x40, s17, s22, $0xb8;
	v63 =	vld [tilespmem:$0x0]  }
0x7c: {  	s18 =	simm.s32 $0x2980  }
0x7d: {  	[spmem:s2] =	stream.indirect.scatter.add.f32 [tilespmem:s30], [sflag:$0x9], $0x40, s18, s22, $0xb8;
	v63 =	vld [tilespmem:$0x0]  }
0x7e: {  	_ =	swait.ge [sflag:s19], $0x2000  }
0x7f: {  	[sflag:s19] =	ssyncset.done $0x0  }
0x80: {  	[sflag:s19] =	ssyncadd.s32 $0xFFFFE000  }
0x81: {  	p0 =	por $0x0, $0x0;
	_ =	swait.ge [sflag:s3], $0x2000  }
0x82: {  	s8 =	simm.s32 @p0 $0x80;
	[sflag:s3] =	ssyncset.done $0x0  }
0x83: {  	s9 =	simm.s32 @p0 $0x2A00;
	s10 =	simm.s32 @p0 $0xD000;
	[sflag:s3] =	ssyncadd.s32 $0xFFFFE000  }
0x84: {  	[spmem:s2] =	stream.indirect.scatter.add.f32 @p0 [tilespmem:s10], [sflag:$0x9], $0x40, s9, s8, $0xb8;
	v63 =	vld [tilespmem:$0x0]  }
0x85: {  	s9 =	simm.s32 @p0 $0x9  }
0x86: {  	_ =	swait.ge @p0 [sflag:s9], $0x2000  }
0x87: {  	[sflag:s9] =	ssyncset.done @p0 $0x0  }
0x88: {  	s10 =	simm.s32 @p0 $0x6;
	[sflag:s9] =	ssyncadd.s32 @p0 $0xFFFFE000  }
0x89: {  	_ =	swait.ge @p0 [sflag:s10], $0x2000  }
0x8a: {  	s11 =	simm.s32 @!p0 $0x400;
	[sflag:s10] =	ssyncset.done @p0 $0x0  }
0x8b: {  	s12 =	simm.s32 @!p0 $0x80;
	s13 =	simm.s32 @!p0 $0x5000;
	[sflag:s10] =	ssyncadd.s32 @p0 $0xFFFFE000  }
0x8c: {  	[tilespmem:s13], [sflag:$0x1] =	stream.indirect.gather @!p0 [hbm4b:s4+s12], $0x40, s11, s12, $0xb8;
	v63 =	vld [tilespmem:$0x0]  }
0x8d: {  	s10 =	simm.s32 @!p0 $0x2A00;
	s11 =	simm.s32 @!p0 $0xD000;
	s13 =	simm.s32 @!p0 $0x9  }
0x8e: {  	[spmem:s2] =	stream.indirect.scatter.add.f32 @!p0 [tilespmem:s11], [sflag:$0x9], $0x40, s10, s12, $0xb8;
	v63 =	vld [tilespmem:$0x0]  }
0x8f: {  	_ =	swait.ge @!p0 [sflag:s13], $0x2000  }
0x90: {  	[sflag:s13] =	ssyncset.done @!p0 $0x0  }
0x91: {  	s10 =	simm.s32 @!p0 $0x6;
	[sflag:s13] =	ssyncadd.s32 @!p0 $0xFFFFE000  }
0x92: {  	_ =	swait.ge @!p0 [sflag:s10], $0x2000  }
0x93: {  	[sflag:s10] =	ssyncset.done @!p0 $0x0  }
0x94: {  	s11 =	simm.s32 @!p0 $0x480;
	[sflag:s10] =	ssyncadd.s32 @!p0 $0xFFFFE000;
	s10 =	simm.s32 @!p0 $0x7000  }
0x95: {  	[tilespmem:s10], [sflag:$0x2] =	stream.indirect.gather @!p0 [hbm4b:s4+s12], $0x40, s11, s12, $0xb8;
	v63 =	vld [tilespmem:$0x0]  }
0x96: {  	s21 =	simm.s32 $0x2A80  }
0x97: {  	[spmem:s2] =	stream.indirect.scatter.add.f32 [tilespmem:s20], [sflag:$0x9], $0x40, s21, s22, $0xb8;
	v63 =	vld [tilespmem:$0x0]  }
0x98: {  	_ =	swait.ge [sflag:s19], $0x2000  }
0x99: {  	[sflag:s19] =	ssyncset.done $0x0  }
0x9a: {  	[sflag:s19] =	ssyncadd.s32 $0xFFFFE000  }
0x9b: {  	_ =	swait.ge [sflag:s5], $0x2000  }
0x9c: {  	[sflag:s5] =	ssyncset.done $0x0  }
0x9d: {  	s10 =	simm.s32 @p0 $0x2B00;
	s11 =	simm.s32 @p0 $0x11000;
	[sflag:s5] =	ssyncadd.s32 $0xFFFFE000  }
0x9e: {  	[spmem:s2] =	stream.indirect.scatter.add.f32 @p0 [tilespmem:s11], [sflag:$0x9], $0x40, s10, s8, $0xb8;
	v63 =	vld [tilespmem:$0x0]  }
0x9f: {  	_ =	swait.ge @p0 [sflag:s9], $0x2000  }
0xa0: {  	[sflag:s9] =	ssyncset.done @p0 $0x0  }
0xa1: {  	s8 =	simm.s32 @p0 $0x8;
	[sflag:s9] =	ssyncadd.s32 @p0 $0xFFFFE000  }
0xa2: {  	_ =	swait.ge @p0 [sflag:s8], $0x2000  }
0xa3: {  	[sflag:s8] =	ssyncset.done @p0 $0x0  }
0xa4: {  	s9 =	simm.s32 @!p0 $0x500;
	[sflag:s8] =	ssyncadd.s32 @p0 $0xFFFFE000;
	s8 =	simm.s32 @!p0 $0x9000  }
0xa5: {  	[tilespmem:s8], [sflag:$0x3] =	stream.indirect.gather @!p0 [hbm4b:s4+s12], $0x40, s9, s12, $0xb8;
	v63 =	vld [tilespmem:$0x0]  }
0xa6: {  	s8 =	simm.s32 @!p0 $0x2B00;
	s9 =	simm.s32 @!p0 $0x11000  }
0xa7: {  	[spmem:s2] =	stream.indirect.scatter.add.f32 @!p0 [tilespmem:s9], [sflag:$0x9], $0x40, s8, s12, $0xb8;
	v63 =	vld [tilespmem:$0x0]  }
0xa8: {  	_ =	swait.ge @!p0 [sflag:s13], $0x2000  }
0xa9: {  	[sflag:s13] =	ssyncset.done @!p0 $0x0  }
0xaa: {  	s8 =	simm.s32 @!p0 $0x8;
	[sflag:s13] =	ssyncadd.s32 @!p0 $0xFFFFE000  }
0xab: {  	_ =	swait.ge @!p0 [sflag:s8], $0x2000  }
0xac: {  	[sflag:s8] =	ssyncset.done @!p0 $0x0  }
0xad: {  	s9 =	simm.s32 @!p0 $0x580;
	[sflag:s8] =	ssyncadd.s32 @!p0 $0xFFFFE000;
	s8 =	simm.s32 @!p0 $0xB000  }
0xae: {  	[tilespmem:s8], [sflag:$0x4] =	stream.indirect.gather @!p0 [hbm4b:s4+s12], $0x40, s9, s12, $0xb8;
	v63 =	vld [tilespmem:$0x0]  }
0xaf: {  	s25 =	simm.s32 $0x2B80  }
0xb0: {  	[spmem:s2] =	stream.indirect.scatter.add.f32 [tilespmem:s0], [sflag:$0x9], $0x40, s25, s22, $0xb8;
	v63 =	vld [tilespmem:$0x0]  }
0xb1: {  	s8 =	simm.s32 $0x1000;
	_ =	swait.ge [sflag:s19], $0x2000  }
.LBB2_4:
0xb2: {  	[sflag:s19] =	ssyncset.done $0x0  }
0xb3: {  	[sflag:s19] =	ssyncadd.s32 $0xFFFFE000  }
0xb4: {  	s10 =	smov.u32 s8;
	_ =	swait.ge [sflag:s31], $0x2000  }
0xb5: {  	s9 =	sshra.s32 s10, $0x2;
	[sflag:s31] =	ssyncset.done $0x0  }
0xb6: {  	s12 =	sadd.s32 $0x200, s9;
	s11 =	rddreg [dreg:$0x3];
	[sflag:s31] =	ssyncadd.s32 $0xFFFFE000  }
0xb7: {  	[tilespmem:s11], [sflag:$0x5] =	stream.indirect.gather [hbm4b:s4+s22], $0x40, s12, s22, $0xb8;
	v63 =	vld [tilespmem:$0x0]  }
0xb8: {  	s12 =	sadd.s32 $0x2800, s9  }
0xb9: {  	[spmem:s2] =	stream.indirect.scatter.add.f32 [tilespmem:s23], [sflag:$0x9], $0x40, s12, s22, $0xb8;
	v63 =	vld [tilespmem:$0x0]  }
0xba: {  	_ =	swait.ge [sflag:s19], $0x2000  }
0xbb: {  	[sflag:s19] =	ssyncset.done $0x0  }
0xbc: {  	[sflag:s19] =	ssyncadd.s32 $0xFFFFE000  }
0xbd: {  	_ =	swait.ge [sflag:s1], $0x2000  }
0xbe: {  	[sflag:s1] =	ssyncset.done $0x0  }
0xbf: {  	s13 =	sadd.s32 $0x280, s9;
	[sflag:s1] =	ssyncadd.s32 $0xFFFFE000  }
0xc0: {  	[tilespmem:s20], [sflag:$0x6] =	stream.indirect.gather [hbm4b:s4+s22], $0x40, s13, s22, $0xb8;
	v63 =	vld [tilespmem:$0x0]  }
0xc1: {  	s14 =	sadd.s32 $0x2880, s9  }
0xc2: {  	[spmem:s2] =	stream.indirect.scatter.add.f32 [tilespmem:s24], [sflag:$0x9], $0x40, s14, s22, $0xb8;
	v63 =	vld [tilespmem:$0x0]  }
0xc3: {  	_ =	swait.ge [sflag:s19], $0x2000  }
0xc4: {  	[sflag:s19] =	ssyncset.done $0x0  }
0xc5: {  	[sflag:s19] =	ssyncadd.s32 $0xFFFFE000  }
0xc6: {  	_ =	swait.ge [sflag:s26], $0x2000  }
0xc7: {  	[sflag:s26] =	ssyncset.done $0x0  }
0xc8: {  	s16 =	sadd.s32 $0x300, s9;
	s15 =	rddreg [dreg:$0x4];
	[sflag:s26] =	ssyncadd.s32 $0xFFFFE000  }
0xc9: {  	[tilespmem:s15], [sflag:$0x7] =	stream.indirect.gather [hbm4b:s4+s22], $0x40, s16, s22, $0xb8;
	v63 =	vld [tilespmem:$0x0]  }
0xca: {  	s17 =	sadd.s32 $0x2900, s9  }
0xcb: {  	[spmem:s2] =	stream.indirect.scatter.add.f32 [tilespmem:s28], [sflag:$0x9], $0x40, s17, s22, $0xb8;
	v63 =	vld [tilespmem:$0x0]  }
0xcc: {  	_ =	swait.ge [sflag:s19], $0x2000  }
0xcd: {  	[sflag:s19] =	ssyncset.done $0x0  }
0xce: {  	[sflag:s19] =	ssyncadd.s32 $0xFFFFE000  }
0xcf: {  	_ =	swait.ge [sflag:s29], $0x2000  }
0xd0: {  	[sflag:s29] =	ssyncset.done $0x0  }
0xd1: {  	s18 =	sadd.s32 $0x380, s9;
	[sflag:s29] =	ssyncadd.s32 $0xFFFFE000  }
0xd2: {  	[tilespmem:s0], [sflag:$0x8] =	stream.indirect.gather [hbm4b:s4+s22], $0x40, s18, s22, $0xb8;
	v63 =	vld [tilespmem:$0x0]  }
0xd3: {  	s21 =	sadd.s32 $0x2980, s9  }
0xd4: {  	[spmem:s2] =	stream.indirect.scatter.add.f32 [tilespmem:s30], [sflag:$0x9], $0x40, s21, s22, $0xb8;
	v63 =	vld [tilespmem:$0x0]  }
0xd5: {  	_ =	swait.ge [sflag:s19], $0x2000  }
0xd6: {  	[sflag:s19] =	ssyncset.done $0x0  }
0xd7: {  	[sflag:s19] =	ssyncadd.s32 $0xFFFFE000  }
0xd8: {  	p1 =	seq.s32 s10, $0x9000;
	_ =	swait.ge [sflag:s3], $0x2000  }
0xd9: {  	s11 =	sshra.s32 @p1 s10, $0x2;
	s12 =	simm.s32 @p1 $0x80;
	[sflag:s3] =	ssyncset.done $0x0  }
0xda: {  	s13 =	sadd.s32 @p1 $0x2A00, s11;
	s14 =	simm.s32 @p1 $0xD000;
	[sflag:s3] =	ssyncadd.s32 $0xFFFFE000  }
0xdb: {  	[spmem:s2] =	stream.indirect.scatter.add.f32 @p1 [tilespmem:s14], [sflag:$0x9], $0x40, s13, s12, $0xb8;
	v63 =	vld [tilespmem:$0x0]  }
0xdc: {  	s13 =	simm.s32 @p1 $0x9  }
0xdd: {  	_ =	swait.ge @p1 [sflag:s13], $0x2000  }
0xde: {  	[sflag:s13] =	ssyncset.done @p1 $0x0  }
0xdf: {  	s25 =	simm.s32 @p1 $0x6;
	[sflag:s13] =	ssyncadd.s32 @p1 $0xFFFFE000  }
0xe0: {  	s10 =	sshra.s32 @!p1 s10, $0x2;
	_ =	swait.ge @p1 [sflag:s25], $0x2000  }
0xe1: {  	s16 =	sadd.s32 @!p1 $0x400, s10;
	s17 =	sadd.s32 @p1 $0x2B00, s11;
	[sflag:s25] =	ssyncset.done @p1 $0x0  }
0xe2: {  	s11 =	simm.s32 @!p1 $0x80;
	s21 =	simm.s32 @!p1 $0x5000;
	[sflag:s25] =	ssyncadd.s32 @p1 $0xFFFFE000  }
0xe3: {  	[tilespmem:s21], [sflag:$0x1] =	stream.indirect.gather @!p1 [hbm4b:s4+s11], $0x40, s16, s11, $0xb8;
	v63 =	vld [tilespmem:$0x0]  }
0xe4: {  	s18 =	sadd.s32 @!p1 $0x2A00, s10;
	s25 =	simm.s32 @!p1 $0xD000;
	s16 =	simm.s32 @!p1 $0x9  }
0xe5: {  	[spmem:s2] =	stream.indirect.scatter.add.f32 @!p1 [tilespmem:s25], [sflag:$0x9], $0x40, s18, s11, $0xb8;
	v63 =	vld [tilespmem:$0x0]  }
0xe6: {  	_ =	swait.ge @!p1 [sflag:s16], $0x2000  }
0xe7: {  	[sflag:s16] =	ssyncset.done @!p1 $0x0  }
0xe8: {  	s18 =	simm.s32 @!p1 $0x6;
	[sflag:s16] =	ssyncadd.s32 @!p1 $0xFFFFE000  }
0xe9: {  	_ =	swait.ge @!p1 [sflag:s18], $0x2000  }
0xea: {  	[sflag:s18] =	ssyncset.done @!p1 $0x0  }
0xeb: {  	s7 =	sadd.s32 @!p1 $0x480, s10;
	s21 =	simm.s32 @!p1 $0x7000;
	[sflag:s18] =	ssyncadd.s32 @!p1 $0xFFFFE000  }
0xec: {  	[tilespmem:s21], [sflag:$0x2] =	stream.indirect.gather @!p1 [hbm4b:s4+s11], $0x40, s7, s11, $0xb8;
	v63 =	vld [tilespmem:$0x0]  }
0xed: {  	s25 =	sadd.s32 $0x2A80, s9  }
0xee: {  	[spmem:s2] =	stream.indirect.scatter.add.f32 [tilespmem:s20], [sflag:$0x9], $0x40, s25, s22, $0xb8;
	v63 =	vld [tilespmem:$0x0]  }
0xef: {  	_ =	swait.ge [sflag:s19], $0x2000  }
0xf0: {  	[sflag:s19] =	ssyncset.done $0x0  }
0xf1: {  	[sflag:s19] =	ssyncadd.s32 $0xFFFFE000  }
0xf2: {  	_ =	swait.ge [sflag:s5], $0x2000  }
0xf3: {  	[sflag:s5] =	ssyncset.done $0x0  }
0xf4: {  	s7 =	simm.s32 @p1 $0x11000;
	[sflag:s5] =	ssyncadd.s32 $0xFFFFE000  }
0xf5: {  	[spmem:s2] =	stream.indirect.scatter.add.f32 @p1 [tilespmem:s7], [sflag:$0x9], $0x40, s17, s12, $0xb8;
	v63 =	vld [tilespmem:$0x0]  }
0xf6: {  	_ =	swait.ge @p1 [sflag:s13], $0x2000  }
0xf7: {  	[sflag:s13] =	ssyncset.done @p1 $0x0  }
0xf8: {  	s7 =	simm.s32 @p1 $0x8;
	[sflag:s13] =	ssyncadd.s32 @p1 $0xFFFFE000  }
0xf9: {  	_ =	swait.ge @p1 [sflag:s7], $0x2000  }
0xfa: {  	[sflag:s7] =	ssyncset.done @p1 $0x0  }
0xfb: {  	s15 =	sadd.s32 @!p1 $0x500, s10;
	s12 =	simm.s32 @!p1 $0x9000;
	[sflag:s7] =	ssyncadd.s32 @p1 $0xFFFFE000  }
0xfc: {  	[tilespmem:s12], [sflag:$0x3] =	stream.indirect.gather @!p1 [hbm4b:s4+s11], $0x40, s15, s11, $0xb8;
	v63 =	vld [tilespmem:$0x0]  }
0xfd: {  	s14 =	sadd.s32 @!p1 $0x2B00, s10;
	s7 =	simm.s32 @!p1 $0x11000  }
0xfe: {  	[spmem:s2] =	stream.indirect.scatter.add.f32 @!p1 [tilespmem:s7], [sflag:$0x9], $0x40, s14, s11, $0xb8;
	v63 =	vld [tilespmem:$0x0]  }
0xff: {  	_ =	swait.ge @!p1 [sflag:s16], $0x2000  }
0x100: {  	[sflag:s16] =	ssyncset.done @!p1 $0x0  }
0x101: {  	s7 =	simm.s32 @!p1 $0x8;
	[sflag:s16] =	ssyncadd.s32 @!p1 $0xFFFFE000  }
0x102: {  	s8 =	sadd.s32 $0x1000, s8;
	_ =	swait.ge @!p1 [sflag:s7], $0x2000  }
0x103: {  	p0 =	sne.s32 s8, $0xA000;
	s10 =	sadd.s32 @!p1 $0x580, s10;
	[sflag:s7] =	ssyncset.done @!p1 $0x0  }
.Ltmp1:
0x104: {  	s12 =	simm.s32 @!p1 $0xB000;
	[sflag:s7] =	ssyncadd.s32 @!p1 $0xFFFFE000;
	(pc) =	sbr.rel @p0 .LBB2_4-.Ltmp1, $4  }
0x105: {  	[tilespmem:s12], [sflag:$0x4] =	stream.indirect.gather @!p1 [hbm4b:s4+s11], $0x40, s10, s11, $0xb8;
	v63 =	vld [tilespmem:$0x0]  }
0x106: {  	s25 =	sadd.s32 $0x2B80, s9  }
0x107: {  	[spmem:s2] =	stream.indirect.scatter.add.f32 [tilespmem:s0], [sflag:$0x9], $0x40, s25, s22, $0xb8;
	v63 =	vld [tilespmem:$0x0]  }
0x108: {  	_ =	swait.ge [sflag:s19], $0x2000  }
0x109: {  	[sflag:s19] =	ssyncset.done $0x0  }
0x10a: {  	[sflag:s19] =	ssyncadd.s32 $0xFFFFE000  }
0x10b: {  	s7 =	stileid.u32;
	[bflag:$0x0] =	sbarrier.arrive $0xFFFF  }
0x10c: {  	s7 =	sshll.u32 s7, $0x6;
	s8 =	rddreg [dreg:$0x8]  }
0x10d: {  	s7 =	sor.u32 $0x1C09, s7;
	s9 =	rddreg [dreg:$0x13]  }
0x10e: {  	[hbm:s8], [sflag:s7] =	dma.local [spmem:s9], $0x1400  }
0x10f: {  	_ =	swait.ge [sflag:s19], $0x1400  }
0x110: {  	s6 =	sadd.s32 $0x1, s6;
	s25 =	rddreg [dreg:$0x9]  }
0x111: {  	p0 =	sne.s32 s6, s25  }
.Ltmp2:
0x112: {  	_ = 	snop;
	(pc) =	sbr.rel @p0 .LBB2_1-.Ltmp2, $3  }
0x113: {  	_ =	sdelay $0x1  }
0x114: {  	[sflag:s19] =	ssyncset.done $0x0  }
0x115: {  	[sflag:s19] =	ssyncadd.s32 $0xFFFFEC00  }
0x116: {  	_ =	sfence.sel $0x180000  }
0x117: {  	[bflag:$0x0] =	sbarrier.arrive $0xFFFF  }
0x118: {  	_ =	strace $0x9000004D  }
0x119: {  	s0 =	stileid.u32;
	[bflag:$0x2] =	sbarrier.arrive $0xFFFF  }
0x11a: {  	p0 =	sne.s32 s0, $0x0;
	s0 =	rddreg [dreg:$0x2]  }
0x11b: {  	s0 =	sadd.s32 @!p0 $0x100000, s0  }
0x11c: {  	[sflag:s0] =	ssyncadd.tile.s32 @!p0 $0x1;
	_ =	shalt  }
.Lfunc_end2:
_tile_overlayer_lowered:
.L_overlay_start_2:
0x11d: {  	(tag) =	ssettag $0x2  }
0x11e: {  	s0 =	rddreg [dreg:$0x0];
	s2 =	stileid.u32  }
0x11f: {  	s1 =	rddreg [dreg:$0x1];
	p0 =	sne.s32 s2, $0x0  }
0x120: {  	s3 =	rddreg [dreg:$0x2];
	[bflag:$0x3] =	sbarrier.arrive $0xFFFF;
	s2 =	simm.s32 @!p0 $0x1C09  }
0x121: {  	[timem:s3], [sflag:s2] =	dma.local @!p0 [hbm:s0], s1  }
0x122: {  	s0 =	simm.s32 @!p0 $0x9  }
0x123: {  	_ =	swait.ge @!p0 [sflag:s0], s1  }
0x124: {  	s1 =	ssub.s32 @!p0 $0x0, s1;
	[sflag:s0] =	ssyncset.done @!p0 $0x0  }
0x125: {  	[sflag:s0] =	ssyncadd.s32 @!p0 s1  }
0x126: {  	[bflag:$0x3] =	sbarrier.arrive $0xFFFF  }
0x127: {  	_ =	shalt  }

// kernel: kernel.20.cloned.1.call-start
scs
__scs_entry_jumppad:
0x0: {  	(pc) =	sbr.rel $0x88, $3  }
0x1: {  	(tag) =	ssettag $0x0;
	lr =	simm.s32 $0x1  }
0x2: {  	[smem:$0x3F99] =	sst lr;
	_ =	strace $0xD0000000  }
0x3: {  	_ = 	snop  }
0x4: {  	_ = 	snop  }
0x5: {  	_ = 	snop  }
0x6: {  	_ = 	snop  }
0x7: {  	_ = 	snop  }
__scs_overlays_trampoline_lowered:
0x8: {  	[smem:$0x3FA8] =	sst s0  }
0x9: {  	[smem:$0x3FA9] =	sst s1  }
0xa: {  	[smem:$0x3FAA] =	sst s2  }
0xb: {  	[smem:$0x3FAB] =	sst s3  }
0xc: {  	[smem:$0x3FAC] =	sst s4  }
0xd: {  	[smem:$0x3FAD] =	sst s5  }
0xe: {  	[smem:$0x3FAE] =	sst s6  }
0xf: {  	[smem:$0x3FAF] =	sst s7  }
0x10: {  	[smem:$0x3FB0] =	sst s8  }
0x11: {  	[smem:$0x3FB1] =	sst s9;
	s0 =	simm.s32 @!p0 $0x0  }
0x12: {  	s1 =	sld [smem:$0x3F97];
	s0 =	simm.s32 @p0 $0x1  }
0x13: {  	[smem:$0x3FB2] =	sst s0;
	s0 =	simm.s32 @!p1 $0x0  }
0x14: {  	s2 =	sld [smem:$0x3F96];
	s0 =	simm.s32 @p1 $0x1  }
0x15: {  	[smem:$0x3FB3] =	sst s0;
	s0 =	simm.s32 @!p2 $0x0  }
0x16: {  	s3 =	sld [smem:$0x3FDB];
	s0 =	simm.s32 @p2 $0x1  }
0x17: {  	s4 =	simm.s32 $0x1BF5;
	[smem:$0x3FB5] =	sst s0  }
0x18: {  	s0 =	sld [smem:$0x3F98];
	_ =	swait.ge [sflag:s4], $0x0  }
0x19: {  	s7 =	sld [smem:$0x3F99]  }
0x1a: {  	s8 =	sadd.s32 $0xFFFFE003, lr  }
0x1b: {  	s9 =	sadd.s32 $0xFFFFFEF7, lr;
	s5 =	simm.s32 $0xFFFFFFFF;
	p2 =	slt.u32 s8, $0xFFFFF086  }
0x1c: {  	p1 =	slt.u32 s9, $0xF7A;
	s5 =	simm.s32 @!p2 $0x0  }
0x1d: {  	s5 =	simm.s32 @p1 $0x1;
	p0 =	seq.s32 s7, s2  }
0x1e: {  	s7 =	smul.u32 @!p0 $0xF7A, s2;
	p2 =	seq.s32 @!p0 s5, $0x0  }
0x1f: {  	s9 =	smul.u32 $0xF7A, s1;
	s8 =	simm.s32 @!p0 $0x1BF5;
	p2 =	por !p2, p0  }
0x20: {  	[sflag:s8] =	ssyncset.s32 @!p0 $0xFFFFF086;
	s6 =	sadd.s32 @!p0 s3, s7;
	s7 =	simm.s32 @!p0 $0x108  }
0x21: {  	s3 =	sadd.s32 s3, s9;
	s6 =	sadd.s32 @!p0 $0x88, s6;
	s7 =	simm.s32 @p2 $0x1082  }
0x22: {  	[simem:s7], [sflag:s8] =	dma.local @!p0 [hbm:s6], $0xF7A  }
0x23: {  	s9 =	sor.u32 $0xD0000000, s2;
	s6 =	simm.s32 $0x108;
	_ =	swait.ge @!p0 [sflag:s8], $0x0  }
0x24: {  	s3 =	sadd.s32 $0x88, s3;
	s6 =	simm.s32 @!p1 $0x1082;
	[sflag:s4] =	ssyncset.s32 $0xFFFFF086  }
0x25: {  	[simem:s6], [sflag:s4] =	dma.local [hbm:s3], $0xF7A  }
0x26: {  	[smem:$0x3F99] =	sst s1;
	(tag) =	ssettag s2;
	_ =	strace s9  }
0x27: {  	s1 =	sld [smem:$0x3FA9]  }
0x28: {  	s2 =	sld [smem:$0x3FAA]  }
0x29: {  	s4 =	sld [smem:$0x3FAC]  }
0x2a: {  	p0 =	seq.s32 s5, $0x0;
	s5 =	sld [smem:$0x3FAD]  }
0x2b: {  	s6 =	sld [smem:$0x3FAE]  }
0x2c: {  	s7 =	sld [smem:$0x3FAF]  }
0x2d: {  	s3 =	simm.s32 $0x108;
	s8 =	sld [smem:$0x3FB0]  }
0x2e: {  	s3 =	simm.s32 @!p0 $0x1082;
	s9 =	sld [smem:$0x3FB1]  }
0x2f: {  	lr =	sadd.s32 s0, s3;
	s0 =	sld [smem:$0x3FA8]  }
0x30: {  	s3 =	sld [smem:$0x3FAB]  }
0x31: {  	[smem:$0x3FB4] =	sst s10  }
0x32: {  	s10 =	sld [smem:$0x3FB2];
	_ =	sdelay $0x3  }
0x33: {  	p0 =	seq.s32 s10, $0x1;
	s10 =	sld [smem:$0x3FB4];
	_ =	sdelay $0x3  }
0x34: {  	[smem:$0x3FB4] =	sst s10  }
0x35: {  	s10 =	sld [smem:$0x3FB3];
	_ =	sdelay $0x3  }
0x36: {  	p1 =	seq.s32 s10, $0x1;
	s10 =	sld [smem:$0x3FB4];
	_ =	sdelay $0x3  }
0x37: {  	[smem:$0x3FB4] =	sst s10  }
0x38: {  	s10 =	sld [smem:$0x3FB5]  }
0x39: {  	_ = 	snop;
	(pc) =	sbr.ind lr, $3  }
0x3a: {  	_ = 	snop  }
0x3b: {  	_ = 	snop  }
0x3c: {  	p2 =	seq.s32 s10, $0x1;
	s10 =	sld [smem:$0x3FB4]  }
0x3d: {  	_ =	shalt  }
0x3e: {  	_ =	shalt  }
0x3f: {  	_ =	shalt  }
0x40: {  	_ =	shalt  }
0x41: {  	_ =	shalt  }
0x42: {  	_ =	shalt  }
0x43: {  	_ =	shalt  }
0x44: {  	_ =	shalt  }
0x45: {  	_ =	shalt  }
0x46: {  	_ =	shalt  }
0x47: {  	_ =	shalt  }
0x48: {  	_ =	shalt  }
0x49: {  	_ =	shalt  }
0x4a: {  	_ =	shalt  }
0x4b: {  	_ =	shalt  }
0x4c: {  	_ =	shalt  }
0x4d: {  	_ =	shalt  }
0x4e: {  	_ =	shalt  }
0x4f: {  	_ =	shalt  }
0x50: {  	_ =	shalt  }
0x51: {  	_ =	shalt  }
0x52: {  	_ =	shalt  }
0x53: {  	_ =	shalt  }
0x54: {  	_ =	shalt  }
0x55: {  	_ =	shalt  }
0x56: {  	_ =	shalt  }
0x57: {  	_ =	shalt  }
0x58: {  	_ =	shalt  }
0x59: {  	_ =	shalt  }
0x5a: {  	_ =	shalt  }
0x5b: {  	_ =	shalt  }
0x5c: {  	_ =	shalt  }
0x5d: {  	_ =	shalt  }
0x5e: {  	_ =	shalt  }
0x5f: {  	_ =	shalt  }
0x60: {  	_ =	shalt  }
0x61: {  	_ =	shalt  }
0x62: {  	_ =	shalt  }
0x63: {  	_ =	shalt  }
0x64: {  	_ =	shalt  }
0x65: {  	_ =	shalt  }
0x66: {  	_ =	shalt  }
0x67: {  	_ =	shalt  }
0x68: {  	_ =	shalt  }
0x69: {  	_ =	shalt  }
0x6a: {  	_ =	shalt  }
0x6b: {  	_ =	shalt  }
0x6c: {  	_ =	shalt  }
0x6d: {  	_ =	shalt  }
0x6e: {  	_ =	shalt  }
0x6f: {  	_ =	shalt  }
0x70: {  	_ =	shalt  }
0x71: {  	_ =	shalt  }
0x72: {  	_ =	shalt  }
0x73: {  	_ =	shalt  }
0x74: {  	_ =	shalt  }
0x75: {  	_ =	shalt  }
0x76: {  	_ =	shalt  }
0x77: {  	_ =	shalt  }
0x78: {  	_ =	shalt  }
0x79: {  	_ =	shalt  }
0x7a: {  	_ =	shalt  }
0x7b: {  	_ =	shalt  }
0x7c: {  	_ =	shalt  }
0x7d: {  	_ =	shalt  }
0x7e: {  	_ =	shalt  }
0x7f: {  	_ =	shalt  }
0x80: {  	_ =	shalt  }
0x81: {  	_ =	shalt  }
0x82: {  	_ =	shalt  }
0x83: {  	_ =	shalt  }
0x84: {  	_ =	shalt  }
0x85: {  	_ =	shalt  }
0x86: {  	_ =	shalt  }
0x87: {  	_ =	shalt  }
.Lfunc_end0:
.L_simem_size_0:
called_computation.3_lowered:
.L_overlay_start_0:
0x88: {  	s2 =	sld [smem:$0x3FD9]  }
0x89: {  	s3 =	sld [smem:$0x3FFE];
	_ =	sdelay $0x1  }
0x8a: {  	s1 =	srdreg.scid  }
0x8b: {  	s0 =	sand.u32 $0x1, s1  }
0x8c: {  	s16 =	sshll.u32 s0, $0xA;
	s2 =	sadd.s32 s3, s2  }
0x8d: {  	s2 =	sadd.s32 s2, s16  }
0x8e: {  	[smem:$0x3FC0] =	sst s2  }
0x8f: {  	_ = 	snop  }
0x90: {  	(tm) =	ssettm $0x1  }
0x91: {  	s17 =	sld [smem:$0x3FFB];
	_ =	sdelay $0x3  }
0x92: {  	_ =	strace s17  }
0x93: {  	s2 =	sld [smem:$0x3FFC];
	_ =	sdelay $0x3  }
0x94: {  	_ =	strace s2  }
0x95: {  	s2 =	sld [smem:$0x3FFD];
	_ =	sdelay $0x3  }
0x96: {  	_ =	strace s2  }
0x97: {  	_ =	strace $0x8FFFFFFF  }
0x98: {  	s18 =	sld [smem:$0x3FDB];
	_ =	sdelay $0x1  }
0x99: {  	s19 =	simm.s32 $_scs_section_size  }
0x9a: {  	s4 =	simm.s32 $_size__tile_overlayer_lowered;
	s5 =	simm.s32 $_tile_overlayer_lowered  }
0x9b: {  	s22 =	simm.s32 $0x1BFF;
	s21 =	sshll.u32 s5, $0x1;
	s2 =	sadd.s32 s19, s18  }
0x9c: {  	s6 =	simm.s32 $0x0;
	s20 =	sshll.u32 s4, $0x1;
	s4 =	sadd.s32 s21, s2  }
0x9d: {  	[timem:s6], [sflag:s22] =	dma.local [hbm:s4], s20  }
0x9e: {  	_ =	swait.ge [sflag:s22], s20  }
0x9f: {  	s3 =	ssub.s32 $0x0, s20;
	[sflag:s22] =	ssyncset.done $0x0  }
0xa0: {  	[sflag:s22] =	ssyncadd.s32 s3;
	_ =	sdelay $0x1  }
0xa1: {  	s23 =	simm.s32 $0x1B8B  }
0xa2: {  	_ =	swait.ge [sflag:s23], $0x1  }
0xa3: {  	[sflag:s23] =	ssyncset.done $0x0  }
0xa4: {  	s25 =	simm.s32 $0x1B8E;
	s24 =	sld [smem:$0x3FFE];
	[sflag:s23] =	ssyncadd.s32 $0xFFFFFFFF  }
0xa5: {  	s26 =	simm.s32 $execute0_lowered;
	[smem:$0x3FD2] =	sst s25  }
0xa6: {  	s4 =	sshll.u32 s26, $0x1;
	_ =	strace $0x8000004F;
	[dreg:$0x1] =	wrdreg $0xFFFFFFFF  }
0xa7: {  	s28 =	simm.s32 $_size_execute0_lowered;
	s2 =	sadd.s32 s2, s4;
	[dreg:$0x0] =	wrdreg $0x0  }
0xa8: {  	s4 =	sshll.u32 s28, $0x1;
	[dreg:$0x2] =	wrdreg s2  }
0xa9: {  	[dreg:$0x3] =	wrdreg s4  }
0xaa: {  	[dreg:$0x4] =	wrdreg $0xC0  }
0xab: {  	_ =	task [dreg:s6], $0x5FFFF  }
0xac: {  	[dreg:$0x1] =	wrdreg $0xFFFFFFFF  }
0xad: {  	[dreg:$0x0] =	wrdreg $0x60  }
0xae: {  	[dreg:$0x2] =	wrdreg s24  }
0xaf: {  	[dreg:$0x3] =	wrdreg $0x160000  }
0xb0: {  	[dreg:$0x4] =	wrdreg $0x9  }
0xb1: {  	_ =	task.clear_ibuf [dreg:s6], $0x5FFFF;
	_ =	strace $0x9000004F  }
0xb2: {  	s29 =	simm.s32 $0x9;
	_ =	strace $0x80000051  }
0xb3: {  	_ =	swait.ge [sflag:s29], $0x1  }
0xb4: {  	[sflag:s29] =	ssyncadd.s32 $0xFFFFFFFF  }
0xb5: {  	_ =	strace $0x90000051  }
0xb6: {  	_ =	sfence  }
0xb7: {  	s30 =	sld [smem:$0x0];
	_ =	sdelay $0x2  }
0xb8: {  	s31 =	sshll.u32 s1, $0xD;
	s1 =	sshrl.u32 s1, $0x2  }
0xb9: {  	s3 =	sand.u32 $0x4000, s31;
	s1 =	sadd.s32 s1, s30  }
0xba: {  	s0 =	sor.u32 s3, s0;
	s1 =	sshll.u32 s1, $0x11  }
0xbb: {  	s0 =	sor.u32 s1, s0  }
0xbc: {  	s0 =	sadd.s32 $0x8F2B, s0  }
0xbd: {  	[sflag:s0] =	ssyncadd.remote.s32 $0x1  }
0xbe: {  	_ =	sfence.sel $0xFFFF  }
0xbf: {  	[dreg:$0x0] =	wrdreg $0xFFFFFFFF;
	(pc) =	sbr.abs _section_cstart, $3  }
0xc0: {  	[dreg:$0x1] =	wrdreg $0xFFFFFFFF  }
0xc1: {  	_ =	task.clear_ibuf [dreg:s6], $0x2FFFF;
	_ =	strace $0x9FFFFFFF  }
0xc2: {  	(tm) =	ssettm $0x7FFFFFFF  }
0xc3: {  	_ =	shalt  }
tec
execute0_lowered:
.L_overlay_start_1:
0x0: {  	(tag) =	ssettag $0x1  }
0x1: {  	s0 =	srdreg.scid;
	s3 =	rddreg [dreg:$0x0]  }
0x2: {  	s7 =	stileid.u32;
	s2 =	rddreg [dreg:$0x1]  }
0x3: {  	s4 =	simm.s32 $0x0;
	s24 =	simm.s32 $0xD000;
	s25 =	simm.s32 $0x11000  }
0x4: {  	s0 =	sand.u32 $0x1, s0;
	[smem:$0x7FF] =	sst s4;
	s6 =	smul.u32 $0xA000, s7  }
0x5: {  	s4 =	sadd.s32 $0x17600, s3;
	s1 =	sshll.u32 s0, $0x4;
	s5 =	smul.u32 $0xA0000, s0  }
0x6: {  	_ =	strace $0x80000050;
	s0 =	ssub.s32 $0x2, s0;
	[dreg:$0x3] =	wrdreg s24  }
0x7: {  	[dreg:$0x4] =	wrdreg s25;
	s1 =	sor.u32 s7, s1;
	s7 =	smul.u32 $0x28000, s7  }
0x8: {  	s8 =	sshrl.u32 s0, $0x1;
	s14 =	sadd.s32 s6, s2;
	s1 =	smul.u32 $0x2800, s1  }
0x9: {  	s5 =	sadd.s32 s6, s5;
	s0 =	ssub.s32 s0, s8;
	s26 =	sshrl.u32 s14, $0x3  }
0xa: {  	s5 =	sshrl.u32 s5, $0x3;
	s0 =	smax.u32 s0, $0x1;
	[dreg:$0x13] =	wrdreg s26  }
0xb: {  	s11 =	sshrl.u32 s7, $0x2;
	s1 =	sshrl.u32 s1, $0x3;
	[dreg:$0x9] =	wrdreg s0  }
0xc: {  	s1 =	sadd.s32 s1, s3;
	s3 =	sadd.s32 s5, s3;
	s5 =	sadd.s32 s11, s2  }
0xd: {  	s12 =	sadd.s32 $0x3600, s1;
	[dreg:$0x7] =	wrdreg s5  }
0xe: {  	s1 =	sadd.s32 $0xD600, s1;
	[dreg:$0x5] =	wrdreg s12  }
0xf: {  	s28 =	simm.s32 $0x9000;
	s13 =	sadd.s32 $0x2B600, s3;
	[dreg:$0x6] =	wrdreg s1  }
0x10: {  	s30 =	simm.s32 $0xB000;
	s15 =	sadd.s32 $0x1000, s5;
	[dreg:$0x8] =	wrdreg s13  }
0x11: {  	s31 =	simm.s32 $0x1;
	s16 =	sadd.s32 $0x2000, s5;
	[dreg:$0xa] =	wrdreg s15  }
0x12: {  	s29 =	simm.s32 $0x4;
	s17 =	sadd.s32 $0x3000, s5;
	[dreg:$0xb] =	wrdreg s16  }
0x13: {  	s24 =	simm.s32 $0x7000;
	s18 =	sadd.s32 $0x4000, s5;
	[dreg:$0xc] =	wrdreg s17  }
0x14: {  	s6 =	simm.s32 $0x0;
	s19 =	sadd.s32 $0x5000, s5;
	[dreg:$0xd] =	wrdreg s18  }
0x15: {  	s26 =	simm.s32 $0x3;
	s20 =	sadd.s32 $0x6000, s5;
	[dreg:$0xe] =	wrdreg s19  }
0x16: {  	s0 =	simm.s32 $0x13000;
	s21 =	sadd.s32 $0x7000, s5;
	[dreg:$0xf] =	wrdreg s20  }
0x17: {  	s22 =	sadd.s32 $0x8000, s5;
	s23 =	sadd.s32 $0x9000, s5;
	[dreg:$0x10] =	wrdreg s21  }
0x18: {  	s3 =	simm.s32 $0x5;
	s5 =	simm.s32 $0x7;
	[dreg:$0x11] =	wrdreg s22  }
0x19: {  	[dreg:$0x12] =	wrdreg s23;
	s19 =	simm.s32 $0x9;
	s22 =	simm.s32 $0x80  }
0x1a: {  	v0 =	vimm.f32 $0.0e+00;
	s23 =	simm.s32 $0x5000;
	s1 =	simm.s32 $0x2;
	s20 =	simm.s32 $0xF000  }
.LBB2_1:
0x1b: {  	s7 =	simm.s32 $0x0;
	s8 =	rddreg [dreg:$0x5]  }
0x1c: {  	[tilespmem:s7], [sflag:$0x9] =	stream.linear.gather [hbm4b:s8+s7], $0x2800, $0x38;
	v63 =	vld [tilespmem:$0x0]  }
0x1d: {  	_ =	swait.ge [sflag:s19], $0x2800  }
0x1e: {  	[sflag:s19] =	ssyncset.done $0x0  }
0x1f: {  	s9 =	simm.s32 $0x2800;
	s25 =	rddreg [dreg:$0x6];
	[sflag:s19] =	ssyncadd.s32 $0xFFFFD800  }
0x20: {  	[tilespmem:s9], [sflag:$0x9] =	stream.linear.gather [hbm4b:s25+s7], $0x2800, $0x38;
	v63 =	vld [tilespmem:$0x0]  }
0x21: {  	_ =	swait.ge [sflag:s19], $0x2800  }
0x22: {  	[sflag:s19] =	ssyncset.done $0x0  }
0x23: {  	s8 =	simm.s32 $0x0;
	s9 =	simm.s32 $0x100;
	[sflag:s19] =	ssyncadd.s32 $0xFFFFD800  }
.LBB2_2:
0x24: {  	p0 =	sne.s32 s9, $0x3F00;
	[tilespmem:s8+$0x15030] =	vst v0;
	s10 =	smov.u32 s9;
	s9 =	sadd.s32 $0x100, s9  }
.Ltmp0:
0x25: {  	[tilespmem:s8+$0x15020] =	vst v0;
	(pc) =	sbr.rel @p0 .LBB2_2-.Ltmp0, $3  }
0x26: {  	[tilespmem:s8+$0x15000] =	vst v0  }
0x27: {  	[tilespmem:s8+$0x15010] =	vst v0;
	_ =	sdelay $0x1  }
0x28: {  	s8 =	sshra.s32 s10, $0x2  }
0x29: {  	[tilespmem:s8+$0x15030] =	vst v0  }
0x2a: {  	[tilespmem:s8+$0x15020] =	vst v0  }
0x2b: {  	[tilespmem:s8+$0x15000] =	vst v0  }
0x2c: {  	[tilespmem:s8+$0x15010] =	vst v0;
	s7 =	rddreg [dreg:$0x7];
	s11 =	simm.s32 $0x15000  }
0x2d: {  	[spmem:s7] =	stream.linear.scatter [tilespmem:s11], [sflag:$0x9], $0x1000, $0x38;
	v63 =	vld [tilespmem:$0x0]  }
0x2e: {  	_ =	swait.ge [sflag:s19], $0x1000  }
0x2f: {  	[sflag:s19] =	ssyncset.done $0x0  }
0x30: {  	s12 =	rddreg [dreg:$0xa];
	[sflag:s19] =	ssyncadd.s32 $0xFFFFF000  }
0x31: {  	[spmem:s12] =	stream.linear.scatter [tilespmem:s11], [sflag:$0x9], $0x1000, $0x38;
	v63 =	vld [tilespmem:$0x0]  }
0x32: {  	_ =	swait.ge [sflag:s19], $0x1000  }
0x33: {  	[sflag:s19] =	ssyncset.done $0x0  }
0x34: {  	s13 =	rddreg [dreg:$0xb];
	[sflag:s19] =	ssyncadd.s32 $0xFFFFF000  }
0x35: {  	[spmem:s13] =	stream.linear.scatter [tilespmem:s11], [sflag:$0x9], $0x1000, $0x38;
	v63 =	vld [tilespmem:$0x0]  }
0x36: {  	_ =	swait.ge [sflag:s19], $0x1000  }
0x37: {  	[sflag:s19] =	ssyncset.done $0x0  }
0x38: {  	s14 =	rddreg [dreg:$0xc];
	[sflag:s19] =	ssyncadd.s32 $0xFFFFF000  }
0x39: {  	[spmem:s14] =	stream.linear.scatter [tilespmem:s11], [sflag:$0x9], $0x1000, $0x38;
	v63 =	vld [tilespmem:$0x0]  }
0x3a: {  	_ =	swait.ge [sflag:s19], $0x1000  }
0x3b: {  	[sflag:s19] =	ssyncset.done $0x0  }
0x3c: {  	s15 =	rddreg [dreg:$0xd];
	[sflag:s19] =	ssyncadd.s32 $0xFFFFF000  }
0x3d: {  	[spmem:s15] =	stream.linear.scatter [tilespmem:s11], [sflag:$0x9], $0x1000, $0x38;
	v63 =	vld [tilespmem:$0x0]  }
0x3e: {  	_ =	swait.ge [sflag:s19], $0x1000  }
0x3f: {  	[sflag:s19] =	ssyncset.done $0x0  }
0x40: {  	s16 =	rddreg [dreg:$0xe];
	[sflag:s19] =	ssyncadd.s32 $0xFFFFF000  }
0x41: {  	[spmem:s16] =	stream.linear.scatter [tilespmem:s11], [sflag:$0x9], $0x1000, $0x38;
	v63 =	vld [tilespmem:$0x0]  }
0x42: {  	_ =	swait.ge [sflag:s19], $0x1000  }
0x43: {  	[sflag:s19] =	ssyncset.done $0x0  }
0x44: {  	s17 =	rddreg [dreg:$0xf];
	[sflag:s19] =	ssyncadd.s32 $0xFFFFF000  }
0x45: {  	[spmem:s17] =	stream.linear.scatter [tilespmem:s11], [sflag:$0x9], $0x1000, $0x38;
	v63 =	vld [tilespmem:$0x0]  }
0x46: {  	_ =	swait.ge [sflag:s19], $0x1000  }
0x47: {  	[sflag:s19] =	ssyncset.done $0x0  }
0x48: {  	s18 =	rddreg [dreg:$0x10];
	[sflag:s19] =	ssyncadd.s32 $0xFFFFF000  }
0x49: {  	[spmem:s18] =	stream.linear.scatter [tilespmem:s11], [sflag:$0x9], $0x1000, $0x38;
	v63 =	vld [tilespmem:$0x0]  }
0x4a: {  	_ =	swait.ge [sflag:s19], $0x1000  }
0x4b: {  	[sflag:s19] =	ssyncset.done $0x0  }
0x4c: {  	s21 =	rddreg [dreg:$0x11];
	[sflag:s19] =	ssyncadd.s32 $0xFFFFF000  }
0x4d: {  	[spmem:s21] =	stream.linear.scatter [tilespmem:s11], [sflag:$0x9], $0x1000, $0x38;
	v63 =	vld [tilespmem:$0x0]  }
0x4e: {  	_ =	swait.ge [sflag:s19], $0x1000  }
0x4f: {  	[sflag:s19] =	ssyncset.done $0x0  }
0x50: {  	s25 =	rddreg [dreg:$0x12];
	[sflag:s19] =	ssyncadd.s32 $0xFFFFF000  }
0x51: {  	[spmem:s25] =	stream.linear.scatter [tilespmem:s11], [sflag:$0x9], $0x1000, $0x38;
	v63 =	vld [tilespmem:$0x0]  }
0x52: {  	_ =	swait.ge [sflag:s19], $0x1000  }
0x53: {  	[sflag:s19] =	ssyncset.done $0x0  }
0x54: {  	[sflag:s19] =	ssyncadd.s32 $0xFFFFF000  }
0x55: {  	s7 =	simm.s32 $0x0;
	[bflag:$0x0] =	sbarrier.arrive $0xFFFF  }
0x56: {  	[tilespmem:s23], [sflag:$0x1] =	stream.indirect.gather [hbm4b:s4+s22], $0x40, s7, s22, $0xb8;
	v63 =	vld [tilespmem:$0x0]  }
0x57: {  	_ = 	snop  }
0x58: {  	[tilespmem:s24], [sflag:$0x2] =	stream.indirect.gather [hbm4b:s4+s22], $0x40, s22, s22, $0xb8;
	v63 =	vld [tilespmem:$0x0]  }
0x59: {  	s8 =	simm.s32 $0x100  }
0x5a: {  	[tilespmem:s28], [sflag:$0x3] =	stream.indirect.gather [hbm4b:s4+s22], $0x40, s8, s22, $0xb8;
	v63 =	vld [tilespmem:$0x0]  }
0x5b: {  	s9 =	simm.s32 $0x180  }
0x5c: {  	[tilespmem:s30], [sflag:$0x4] =	stream.indirect.gather [hbm4b:s4+s22], $0x40, s9, s22, $0xb8;
	v63 =	vld [tilespmem:$0x0]  }
0x5d: {  	_ =	swait.ge [sflag:s31], $0x2000  }
0x5e: {  	[sflag:s31] =	ssyncset.done $0x0  }
0x5f: {  	s9 =	simm.s32 $0x200;
	s10 =	rddreg [dreg:$0x3];
	[sflag:s31] =	ssyncadd.s32 $0xFFFFE000  }
0x60: {  	[tilespmem:s10], [sflag:$0x5] =	stream.indirect.gather [hbm4b:s4+s22], $0x40, s9, s22, $0xb8;
	v63 =	vld [tilespmem:$0x0]  }
0x61: {  	s11 =	simm.s32 $0x2800  }
0x62: {  	[spmem:s2] =	stream.indirect.scatter.add.f32 [tilespmem:s23], [sflag:$0x9], $0x40, s11, s22, $0xb8;
	v63 =	vld [tilespmem:$0x0]  }
0x63: {  	_ =	swait.ge [sflag:s19], $0x2000  }
0x64: {  	[sflag:s19] =	ssyncset.done $0x0  }
0x65: {  	[sflag:s19] =	ssyncadd.s32 $0xFFFFE000  }
0x66: {  	_ =	swait.ge [sflag:s1], $0x2000  }
0x67: {  	[sflag:s1] =	ssyncset.done $0x0  }
0x68: {  	s12 =	simm.s32 $0x280;
	[sflag:s1] =	ssyncadd.s32 $0xFFFFE000  }
0x69: {  	[tilespmem:s20], [sflag:$0x6] =	stream.indirect.gather [hbm4b:s4+s22], $0x40, s12, s22, $0xb8;
	v63 =	vld [tilespmem:$0x0]  }
0x6a: {  	s13 =	simm.s32 $0x2880  }
0x6b: {  	[spmem:s2] =	stream.indirect.scatter.add.f32 [tilespmem:s24], [sflag:$0x9], $0x40, s13, s22, $0xb8;
	v63 =	vld [tilespmem:$0x0]  }
0x6c: {  	_ =	swait.ge [sflag:s19], $0x2000  }
0x6d: {  	[sflag:s19] =	ssyncset.done $0x0  }
0x6e: {  	[sflag:s19] =	ssyncadd.s32 $0xFFFFE000  }
0x6f: {  	_ =	swait.ge [sflag:s26], $0x2000  }
0x70: {  	[sflag:s26] =	ssyncset.done $0x0  }
0x71: {  	s15 =	simm.s32 $0x300;
	s14 =	rddreg [dreg:$0x4];
	[sflag:s26] =	ssyncadd.s32 $0xFFFFE000  }
0x72: {  	[tilespmem:s14], [sflag:$0x7] =	stream.indirect.gather [hbm4b:s4+s22], $0x40, s15, s22, $0xb8;
	v63 =	vld [tilespmem:$0x0]  }
0x73: {  	s16 =	simm.s32 $0x2900  }
0x74: {  	[spmem:s2] =	stream.indirect.scatter.add.f32 [tilespmem:s28], [sflag:$0x9], $0x40, s16, s22, $0xb8;
	v63 =	vld [tilespmem:$0x0]  }
0x75: {  	_ =	swait.ge [sflag:s19], $0x2000  }
0x76: {  	[sflag:s19] =	ssyncset.done $0x0  }
0x77: {  	[sflag:s19] =	ssyncadd.s32 $0xFFFFE000  }
0x78: {  	_ =	swait.ge [sflag:s29], $0x2000  }
0x79: {  	[sflag:s29] =	ssyncset.done $0x0  }
0x7a: {  	s17 =	simm.s32 $0x380;
	[sflag:s29] =	ssyncadd.s32 $0xFFFFE000  }
0x7b: {  	[tilespmem:s0], [sflag:$0x8] =	stream.indirect.gather [hbm4b:s4+s22], $0x40, s17, s22, $0xb8;
	v63 =	vld [tilespmem:$0x0]  }
0x7c: {  	s18 =	simm.s32 $0x2980  }
0x7d: {  	[spmem:s2] =	stream.indirect.scatter.add.f32 [tilespmem:s30], [sflag:$0x9], $0x40, s18, s22, $0xb8;
	v63 =	vld [tilespmem:$0x0]  }
0x7e: {  	_ =	swait.ge [sflag:s19], $0x2000  }
0x7f: {  	[sflag:s19] =	ssyncset.done $0x0  }
0x80: {  	[sflag:s19] =	ssyncadd.s32 $0xFFFFE000  }
0x81: {  	p0 =	por $0x0, $0x0;
	_ =	swait.ge [sflag:s3], $0x2000  }
0x82: {  	s8 =	simm.s32 @p0 $0x80;
	[sflag:s3] =	ssyncset.done $0x0  }
0x83: {  	s9 =	simm.s32 @p0 $0x2A00;
	s10 =	simm.s32 @p0 $0xD000;
	[sflag:s3] =	ssyncadd.s32 $0xFFFFE000  }
0x84: {  	[spmem:s2] =	stream.indirect.scatter.add.f32 @p0 [tilespmem:s10], [sflag:$0x9], $0x40, s9, s8, $0xb8;
	v63 =	vld [tilespmem:$0x0]  }
0x85: {  	s9 =	simm.s32 @p0 $0x9  }
0x86: {  	_ =	swait.ge @p0 [sflag:s9], $0x2000  }
0x87: {  	[sflag:s9] =	ssyncset.done @p0 $0x0  }
0x88: {  	s10 =	simm.s32 @p0 $0x6;
	[sflag:s9] =	ssyncadd.s32 @p0 $0xFFFFE000  }
0x89: {  	_ =	swait.ge @p0 [sflag:s10], $0x2000  }
0x8a: {  	s11 =	simm.s32 @!p0 $0x400;
	[sflag:s10] =	ssyncset.done @p0 $0x0  }
0x8b: {  	s12 =	simm.s32 @!p0 $0x80;
	s13 =	simm.s32 @!p0 $0x5000;
	[sflag:s10] =	ssyncadd.s32 @p0 $0xFFFFE000  }
0x8c: {  	[tilespmem:s13], [sflag:$0x1] =	stream.indirect.gather @!p0 [hbm4b:s4+s12], $0x40, s11, s12, $0xb8;
	v63 =	vld [tilespmem:$0x0]  }
0x8d: {  	s10 =	simm.s32 @!p0 $0x2A00;
	s11 =	simm.s32 @!p0 $0xD000;
	s13 =	simm.s32 @!p0 $0x9  }
0x8e: {  	[spmem:s2] =	stream.indirect.scatter.add.f32 @!p0 [tilespmem:s11], [sflag:$0x9], $0x40, s10, s12, $0xb8;
	v63 =	vld [tilespmem:$0x0]  }
0x8f: {  	_ =	swait.ge @!p0 [sflag:s13], $0x2000  }
0x90: {  	[sflag:s13] =	ssyncset.done @!p0 $0x0  }
0x91: {  	s10 =	simm.s32 @!p0 $0x6;
	[sflag:s13] =	ssyncadd.s32 @!p0 $0xFFFFE000  }
0x92: {  	_ =	swait.ge @!p0 [sflag:s10], $0x2000  }
0x93: {  	[sflag:s10] =	ssyncset.done @!p0 $0x0  }
0x94: {  	s11 =	simm.s32 @!p0 $0x480;
	[sflag:s10] =	ssyncadd.s32 @!p0 $0xFFFFE000;
	s10 =	simm.s32 @!p0 $0x7000  }
0x95: {  	[tilespmem:s10], [sflag:$0x2] =	stream.indirect.gather @!p0 [hbm4b:s4+s12], $0x40, s11, s12, $0xb8;
	v63 =	vld [tilespmem:$0x0]  }
0x96: {  	s21 =	simm.s32 $0x2A80  }
0x97: {  	[spmem:s2] =	stream.indirect.scatter.add.f32 [tilespmem:s20], [sflag:$0x9], $0x40, s21, s22, $0xb8;
	v63 =	vld [tilespmem:$0x0]  }
0x98: {  	_ =	swait.ge [sflag:s19], $0x2000  }
0x99: {  	[sflag:s19] =	ssyncset.done $0x0  }
0x9a: {  	[sflag:s19] =	ssyncadd.s32 $0xFFFFE000  }
0x9b: {  	_ =	swait.ge [sflag:s5], $0x2000  }
0x9c: {  	[sflag:s5] =	ssyncset.done $0x0  }
0x9d: {  	s10 =	simm.s32 @p0 $0x2B00;
	s11 =	simm.s32 @p0 $0x11000;
	[sflag:s5] =	ssyncadd.s32 $0xFFFFE000  }
0x9e: {  	[spmem:s2] =	stream.indirect.scatter.add.f32 @p0 [tilespmem:s11], [sflag:$0x9], $0x40, s10, s8, $0xb8;
	v63 =	vld [tilespmem:$0x0]  }
0x9f: {  	_ =	swait.ge @p0 [sflag:s9], $0x2000  }
0xa0: {  	[sflag:s9] =	ssyncset.done @p0 $0x0  }
0xa1: {  	s8 =	simm.s32 @p0 $0x8;
	[sflag:s9] =	ssyncadd.s32 @p0 $0xFFFFE000  }
0xa2: {  	_ =	swait.ge @p0 [sflag:s8], $0x2000  }
0xa3: {  	[sflag:s8] =	ssyncset.done @p0 $0x0  }
0xa4: {  	s9 =	simm.s32 @!p0 $0x500;
	[sflag:s8] =	ssyncadd.s32 @p0 $0xFFFFE000;
	s8 =	simm.s32 @!p0 $0x9000  }
0xa5: {  	[tilespmem:s8], [sflag:$0x3] =	stream.indirect.gather @!p0 [hbm4b:s4+s12], $0x40, s9, s12, $0xb8;
	v63 =	vld [tilespmem:$0x0]  }
0xa6: {  	s8 =	simm.s32 @!p0 $0x2B00;
	s9 =	simm.s32 @!p0 $0x11000  }
0xa7: {  	[spmem:s2] =	stream.indirect.scatter.add.f32 @!p0 [tilespmem:s9], [sflag:$0x9], $0x40, s8, s12, $0xb8;
	v63 =	vld [tilespmem:$0x0]  }
0xa8: {  	_ =	swait.ge @!p0 [sflag:s13], $0x2000  }
0xa9: {  	[sflag:s13] =	ssyncset.done @!p0 $0x0  }
0xaa: {  	s8 =	simm.s32 @!p0 $0x8;
	[sflag:s13] =	ssyncadd.s32 @!p0 $0xFFFFE000  }
0xab: {  	_ =	swait.ge @!p0 [sflag:s8], $0x2000  }
0xac: {  	[sflag:s8] =	ssyncset.done @!p0 $0x0  }
0xad: {  	s9 =	simm.s32 @!p0 $0x580;
	[sflag:s8] =	ssyncadd.s32 @!p0 $0xFFFFE000;
	s8 =	simm.s32 @!p0 $0xB000  }
0xae: {  	[tilespmem:s8], [sflag:$0x4] =	stream.indirect.gather @!p0 [hbm4b:s4+s12], $0x40, s9, s12, $0xb8;
	v63 =	vld [tilespmem:$0x0]  }
0xaf: {  	s25 =	simm.s32 $0x2B80  }
0xb0: {  	[spmem:s2] =	stream.indirect.scatter.add.f32 [tilespmem:s0], [sflag:$0x9], $0x40, s25, s22, $0xb8;
	v63 =	vld [tilespmem:$0x0]  }
0xb1: {  	s8 =	simm.s32 $0x1000;
	_ =	swait.ge [sflag:s19], $0x2000  }
.LBB2_4:
0xb2: {  	[sflag:s19] =	ssyncset.done $0x0  }
0xb3: {  	[sflag:s19] =	ssyncadd.s32 $0xFFFFE000  }
0xb4: {  	s10 =	smov.u32 s8;
	_ =	swait.ge [sflag:s31], $0x2000  }
0xb5: {  	s9 =	sshra.s32 s10, $0x2;
	[sflag:s31] =	ssyncset.done $0x0  }
0xb6: {  	s12 =	sadd.s32 $0x200, s9;
	s11 =	rddreg [dreg:$0x3];
	[sflag:s31] =	ssyncadd.s32 $0xFFFFE000  }
0xb7: {  	[tilespmem:s11], [sflag:$0x5] =	stream.indirect.gather [hbm4b:s4+s22], $0x40, s12, s22, $0xb8;
	v63 =	vld [tilespmem:$0x0]  }
0xb8: {  	s12 =	sadd.s32 $0x2800, s9  }
0xb9: {  	[spmem:s2] =	stream.indirect.scatter.add.f32 [tilespmem:s23], [sflag:$0x9], $0x40, s12, s22, $0xb8;
	v63 =	vld [tilespmem:$0x0]  }
0xba: {  	_ =	swait.ge [sflag:s19], $0x2000  }
0xbb: {  	[sflag:s19] =	ssyncset.done $0x0  }
0xbc: {  	[sflag:s19] =	ssyncadd.s32 $0xFFFFE000  }
0xbd: {  	_ =	swait.ge [sflag:s1], $0x2000  }
0xbe: {  	[sflag:s1] =	ssyncset.done $0x0  }
0xbf: {  	s13 =	sadd.s32 $0x280, s9;
	[sflag:s1] =	ssyncadd.s32 $0xFFFFE000  }
0xc0: {  	[tilespmem:s20], [sflag:$0x6] =	stream.indirect.gather [hbm4b:s4+s22], $0x40, s13, s22, $0xb8;
	v63 =	vld [tilespmem:$0x0]  }
0xc1: {  	s14 =	sadd.s32 $0x2880, s9  }
0xc2: {  	[spmem:s2] =	stream.indirect.scatter.add.f32 [tilespmem:s24], [sflag:$0x9], $0x40, s14, s22, $0xb8;
	v63 =	vld [tilespmem:$0x0]  }
0xc3: {  	_ =	swait.ge [sflag:s19], $0x2000  }
0xc4: {  	[sflag:s19] =	ssyncset.done $0x0  }
0xc5: {  	[sflag:s19] =	ssyncadd.s32 $0xFFFFE000  }
0xc6: {  	_ =	swait.ge [sflag:s26], $0x2000  }
0xc7: {  	[sflag:s26] =	ssyncset.done $0x0  }
0xc8: {  	s16 =	sadd.s32 $0x300, s9;
	s15 =	rddreg [dreg:$0x4];
	[sflag:s26] =	ssyncadd.s32 $0xFFFFE000  }
0xc9: {  	[tilespmem:s15], [sflag:$0x7] =	stream.indirect.gather [hbm4b:s4+s22], $0x40, s16, s22, $0xb8;
	v63 =	vld [tilespmem:$0x0]  }
0xca: {  	s17 =	sadd.s32 $0x2900, s9  }
0xcb: {  	[spmem:s2] =	stream.indirect.scatter.add.f32 [tilespmem:s28], [sflag:$0x9], $0x40, s17, s22, $0xb8;
	v63 =	vld [tilespmem:$0x0]  }
0xcc: {  	_ =	swait.ge [sflag:s19], $0x2000  }
0xcd: {  	[sflag:s19] =	ssyncset.done $0x0  }
0xce: {  	[sflag:s19] =	ssyncadd.s32 $0xFFFFE000  }
0xcf: {  	_ =	swait.ge [sflag:s29], $0x2000  }
0xd0: {  	[sflag:s29] =	ssyncset.done $0x0  }
0xd1: {  	s18 =	sadd.s32 $0x380, s9;
	[sflag:s29] =	ssyncadd.s32 $0xFFFFE000  }
0xd2: {  	[tilespmem:s0], [sflag:$0x8] =	stream.indirect.gather [hbm4b:s4+s22], $0x40, s18, s22, $0xb8;
	v63 =	vld [tilespmem:$0x0]  }
0xd3: {  	s21 =	sadd.s32 $0x2980, s9  }
0xd4: {  	[spmem:s2] =	stream.indirect.scatter.add.f32 [tilespmem:s30], [sflag:$0x9], $0x40, s21, s22, $0xb8;
	v63 =	vld [tilespmem:$0x0]  }
0xd5: {  	_ =	swait.ge [sflag:s19], $0x2000  }
0xd6: {  	[sflag:s19] =	ssyncset.done $0x0  }
0xd7: {  	[sflag:s19] =	ssyncadd.s32 $0xFFFFE000  }
0xd8: {  	p1 =	seq.s32 s10, $0x9000;
	_ =	swait.ge [sflag:s3], $0x2000  }
0xd9: {  	s11 =	sshra.s32 @p1 s10, $0x2;
	s12 =	simm.s32 @p1 $0x80;
	[sflag:s3] =	ssyncset.done $0x0  }
0xda: {  	s13 =	sadd.s32 @p1 $0x2A00, s11;
	s14 =	simm.s32 @p1 $0xD000;
	[sflag:s3] =	ssyncadd.s32 $0xFFFFE000  }
0xdb: {  	[spmem:s2] =	stream.indirect.scatter.add.f32 @p1 [tilespmem:s14], [sflag:$0x9], $0x40, s13, s12, $0xb8;
	v63 =	vld [tilespmem:$0x0]  }
0xdc: {  	s13 =	simm.s32 @p1 $0x9  }
0xdd: {  	_ =	swait.ge @p1 [sflag:s13], $0x2000  }
0xde: {  	[sflag:s13] =	ssyncset.done @p1 $0x0  }
0xdf: {  	s25 =	simm.s32 @p1 $0x6;
	[sflag:s13] =	ssyncadd.s32 @p1 $0xFFFFE000  }
0xe0: {  	s10 =	sshra.s32 @!p1 s10, $0x2;
	_ =	swait.ge @p1 [sflag:s25], $0x2000  }
0xe1: {  	s16 =	sadd.s32 @!p1 $0x400, s10;
	s17 =	sadd.s32 @p1 $0x2B00, s11;
	[sflag:s25] =	ssyncset.done @p1 $0x0  }
0xe2: {  	s11 =	simm.s32 @!p1 $0x80;
	s21 =	simm.s32 @!p1 $0x5000;
	[sflag:s25] =	ssyncadd.s32 @p1 $0xFFFFE000  }
0xe3: {  	[tilespmem:s21], [sflag:$0x1] =	stream.indirect.gather @!p1 [hbm4b:s4+s11], $0x40, s16, s11, $0xb8;
	v63 =	vld [tilespmem:$0x0]  }
0xe4: {  	s18 =	sadd.s32 @!p1 $0x2A00, s10;
	s25 =	simm.s32 @!p1 $0xD000;
	s16 =	simm.s32 @!p1 $0x9  }
0xe5: {  	[spmem:s2] =	stream.indirect.scatter.add.f32 @!p1 [tilespmem:s25], [sflag:$0x9], $0x40, s18, s11, $0xb8;
	v63 =	vld [tilespmem:$0x0]  }
0xe6: {  	_ =	swait.ge @!p1 [sflag:s16], $0x2000  }
0xe7: {  	[sflag:s16] =	ssyncset.done @!p1 $0x0  }
0xe8: {  	s18 =	simm.s32 @!p1 $0x6;
	[sflag:s16] =	ssyncadd.s32 @!p1 $0xFFFFE000  }
0xe9: {  	_ =	swait.ge @!p1 [sflag:s18], $0x2000  }
0xea: {  	[sflag:s18] =	ssyncset.done @!p1 $0x0  }
0xeb: {  	s7 =	sadd.s32 @!p1 $0x480, s10;
	s21 =	simm.s32 @!p1 $0x7000;
	[sflag:s18] =	ssyncadd.s32 @!p1 $0xFFFFE000  }
0xec: {  	[tilespmem:s21], [sflag:$0x2] =	stream.indirect.gather @!p1 [hbm4b:s4+s11], $0x40, s7, s11, $0xb8;
	v63 =	vld [tilespmem:$0x0]  }
0xed: {  	s25 =	sadd.s32 $0x2A80, s9  }
0xee: {  	[spmem:s2] =	stream.indirect.scatter.add.f32 [tilespmem:s20], [sflag:$0x9], $0x40, s25, s22, $0xb8;
	v63 =	vld [tilespmem:$0x0]  }
0xef: {  	_ =	swait.ge [sflag:s19], $0x2000  }
0xf0: {  	[sflag:s19] =	ssyncset.done $0x0  }
0xf1: {  	[sflag:s19] =	ssyncadd.s32 $0xFFFFE000  }
0xf2: {  	_ =	swait.ge [sflag:s5], $0x2000  }
0xf3: {  	[sflag:s5] =	ssyncset.done $0x0  }
0xf4: {  	s7 =	simm.s32 @p1 $0x11000;
	[sflag:s5] =	ssyncadd.s32 $0xFFFFE000  }
0xf5: {  	[spmem:s2] =	stream.indirect.scatter.add.f32 @p1 [tilespmem:s7], [sflag:$0x9], $0x40, s17, s12, $0xb8;
	v63 =	vld [tilespmem:$0x0]  }
0xf6: {  	_ =	swait.ge @p1 [sflag:s13], $0x2000  }
0xf7: {  	[sflag:s13] =	ssyncset.done @p1 $0x0  }
0xf8: {  	s7 =	simm.s32 @p1 $0x8;
	[sflag:s13] =	ssyncadd.s32 @p1 $0xFFFFE000  }
0xf9: {  	_ =	swait.ge @p1 [sflag:s7], $0x2000  }
0xfa: {  	[sflag:s7] =	ssyncset.done @p1 $0x0  }
0xfb: {  	s15 =	sadd.s32 @!p1 $0x500, s10;
	s12 =	simm.s32 @!p1 $0x9000;
	[sflag:s7] =	ssyncadd.s32 @p1 $0xFFFFE000  }
0xfc: {  	[tilespmem:s12], [sflag:$0x3] =	stream.indirect.gather @!p1 [hbm4b:s4+s11], $0x40, s15, s11, $0xb8;
	v63 =	vld [tilespmem:$0x0]  }
0xfd: {  	s14 =	sadd.s32 @!p1 $0x2B00, s10;
	s7 =	simm.s32 @!p1 $0x11000  }
0xfe: {  	[spmem:s2] =	stream.indirect.scatter.add.f32 @!p1 [tilespmem:s7], [sflag:$0x9], $0x40, s14, s11, $0xb8;
	v63 =	vld [tilespmem:$0x0]  }
0xff: {  	_ =	swait.ge @!p1 [sflag:s16], $0x2000  }
0x100: {  	[sflag:s16] =	ssyncset.done @!p1 $0x0  }
0x101: {  	s7 =	simm.s32 @!p1 $0x8;
	[sflag:s16] =	ssyncadd.s32 @!p1 $0xFFFFE000  }
0x102: {  	s8 =	sadd.s32 $0x1000, s8;
	_ =	swait.ge @!p1 [sflag:s7], $0x2000  }
0x103: {  	p0 =	sne.s32 s8, $0xA000;
	s10 =	sadd.s32 @!p1 $0x580, s10;
	[sflag:s7] =	ssyncset.done @!p1 $0x0  }
.Ltmp1:
0x104: {  	s12 =	simm.s32 @!p1 $0xB000;
	[sflag:s7] =	ssyncadd.s32 @!p1 $0xFFFFE000;
	(pc) =	sbr.rel @p0 .LBB2_4-.Ltmp1, $4  }
0x105: {  	[tilespmem:s12], [sflag:$0x4] =	stream.indirect.gather @!p1 [hbm4b:s4+s11], $0x40, s10, s11, $0xb8;
	v63 =	vld [tilespmem:$0x0]  }
0x106: {  	s25 =	sadd.s32 $0x2B80, s9  }
0x107: {  	[spmem:s2] =	stream.indirect.scatter.add.f32 [tilespmem:s0], [sflag:$0x9], $0x40, s25, s22, $0xb8;
	v63 =	vld [tilespmem:$0x0]  }
0x108: {  	_ =	swait.ge [sflag:s19], $0x2000  }
0x109: {  	[sflag:s19] =	ssyncset.done $0x0  }
0x10a: {  	[sflag:s19] =	ssyncadd.s32 $0xFFFFE000  }
0x10b: {  	s7 =	stileid.u32;
	[bflag:$0x0] =	sbarrier.arrive $0xFFFF  }
0x10c: {  	s7 =	sshll.u32 s7, $0x6;
	s8 =	rddreg [dreg:$0x8]  }
0x10d: {  	s7 =	sor.u32 $0x1C09, s7;
	s9 =	rddreg [dreg:$0x13]  }
0x10e: {  	[hbm:s8], [sflag:s7] =	dma.local [spmem:s9], $0x1400  }
0x10f: {  	_ =	swait.ge [sflag:s19], $0x1400  }
0x110: {  	s6 =	sadd.s32 $0x1, s6;
	s25 =	rddreg [dreg:$0x9]  }
0x111: {  	p0 =	sne.s32 s6, s25  }
.Ltmp2:
0x112: {  	_ = 	snop;
	(pc) =	sbr.rel @p0 .LBB2_1-.Ltmp2, $3  }
0x113: {  	_ =	sdelay $0x1  }
0x114: {  	[sflag:s19] =	ssyncset.done $0x0  }
0x115: {  	[sflag:s19] =	ssyncadd.s32 $0xFFFFEC00  }
0x116: {  	_ =	sfence.sel $0x180000  }
0x117: {  	[bflag:$0x0] =	sbarrier.arrive $0xFFFF  }
0x118: {  	_ =	strace $0x90000050  }
0x119: {  	s0 =	stileid.u32;
	[bflag:$0x2] =	sbarrier.arrive $0xFFFF  }
0x11a: {  	p0 =	sne.s32 s0, $0x0;
	s0 =	rddreg [dreg:$0x2]  }
0x11b: {  	s0 =	sadd.s32 @!p0 $0x100000, s0  }
0x11c: {  	[sflag:s0] =	ssyncadd.tile.s32 @!p0 $0x1;
	_ =	shalt  }
.Lfunc_end2:
_tile_overlayer_lowered:
.L_overlay_start_2:
0x11d: {  	(tag) =	ssettag $0x2  }
0x11e: {  	s0 =	rddreg [dreg:$0x0];
	s2 =	stileid.u32  }
0x11f: {  	s1 =	rddreg [dreg:$0x1];
	p0 =	sne.s32 s2, $0x0  }
0x120: {  	s3 =	rddreg [dreg:$0x2];
	[bflag:$0x3] =	sbarrier.arrive $0xFFFF;
	s2 =	simm.s32 @!p0 $0x1C09  }
0x121: {  	[timem:s3], [sflag:s2] =	dma.local @!p0 [hbm:s0], s1  }
0x122: {  	s0 =	simm.s32 @!p0 $0x9  }
0x123: {  	_ =	swait.ge @!p0 [sflag:s0], s1  }
0x124: {  	s1 =	ssub.s32 @!p0 $0x0, s1;
	[sflag:s0] =	ssyncset.done @!p0 $0x0  }
0x125: {  	[sflag:s0] =	ssyncadd.s32 @!p0 s1  }
0x126: {  	[bflag:$0x3] =	sbarrier.arrive $0xFFFF  }
0x127: {  	_ =	shalt  }

</sc_bundles>
